<compile_context>
chip_gen: v7x
topology: tpu7x:2x2x1
jax: 0.10.2.dev20260603
libtpu: 0.0.44.dev20260713+nightly
codegen_flags: <defaults>
</compile_context>

<pallas_src>
import functools

import jax
import jax.numpy as jnp
from jax import lax
from jax.experimental import pallas as pl
from jax.experimental.pallas import tpu as pltpu
from jax.experimental.pallas import tpu_sc as plsc

N_NODES = 10000
N_PAD = 10240
N_FEATS = 16
F_PAD = 128
LANES = 16
CHUNK = 128
NW = 32


def _sc_segment_sum(h, src3d, dst3d, wrep, zeros, chunks_per_tile):
    mesh = plsc.VectorSubcoreMesh(core_axis_name="c", subcore_axis_name="s")
    cpt = chunks_per_tile

    @functools.partial(
        pl.kernel,
        mesh=mesh,
        out_type=jax.ShapeDtypeStruct((2, N_PAD, F_PAD), jnp.float32),
        scratch_types=[
            pltpu.VMEM((CHUNK,), jnp.int32),
            pltpu.VMEM((cpt, CHUNK), jnp.int32),
            pltpu.VMEM((CHUNK, LANES), jnp.float32),
            pltpu.VMEM((CHUNK, F_PAD), jnp.float32),
            pltpu.VMEM_SHARED((N_PAD, F_PAD), jnp.float32),
            pltpu.SemaphoreType.DMA,
        ],
    )
    def seg_sum(h_hbm, src_hbm, dst_hbm, w_hbm, z_hbm, out_hbm,
                src_c, dst_t, w_c, rows_v, acc, sem):
        cid = lax.axis_index("c")
        sid = lax.axis_index("s")
        wid = sid * 2 + cid
        base = wid * cpt

        @pl.when(sid == 0)
        def _zero_acc():
            pltpu.sync_copy(z_hbm, acc)

        pltpu.sync_copy(dst_hbm.at[wid], dst_t)
        plsc.subcore_barrier()

        def chunk_body(i, carry):
            eb = pl.ds((base + i) * CHUNK, CHUNK)
            pltpu.sync_copy(src_hbm.at[wid, i], src_c)
            pltpu.sync_copy(w_hbm.at[eb], w_c)
            pltpu.async_copy(h_hbm.at[src_c], rows_v, sem).wait()
            for e in range(CHUNK):
                rows_v[e, pl.ds(0, LANES)] = (
                    rows_v[e, pl.ds(0, LANES)] * w_c[e, pl.ds(0, LANES)])
            pltpu.sync_copy(rows_v, acc.at[dst_t.at[i]], add=True)
            return carry

        lax.fori_loop(0, cpt, chunk_body, 0)
        plsc.subcore_barrier()

        @pl.when(sid == 0)
        def _dump():
            pltpu.sync_copy(acc, out_hbm.at[cid])

    return seg_sum(h, src3d, dst3d, wrep, zeros)


def _tc_matmul1(x, W1p):
    def body(x_ref, w_ref, o_ref):
        o_ref[...] = jnp.dot(x_ref[...], w_ref[...],
                             preferred_element_type=jnp.float32,
                             precision=lax.Precision.HIGHEST)

    return pl.pallas_call(
        body,
        grid=(10,),
        in_specs=[
            pl.BlockSpec((N_PAD // 10, 128), lambda i: (i, 0)),
            pl.BlockSpec((128, F_PAD), lambda i: (0, 0)),
        ],
        out_specs=pl.BlockSpec((N_PAD // 10, F_PAD), lambda i: (i, 0)),
        out_shape=jax.ShapeDtypeStruct((N_PAD, F_PAD), jnp.float32),
    )(x, W1p)


def _tc_mid(p0, p1, b1p, W2p):
    def body(p0_ref, p1_ref, b_ref, w_ref, o_ref):
        hidden = jnp.maximum(p0_ref[...] + p1_ref[...] + b_ref[...], 0.0)
        o_ref[...] = jnp.dot(hidden, w_ref[...],
                             preferred_element_type=jnp.float32,
                             precision=lax.Precision.HIGHEST)

    return pl.pallas_call(
        body,
        grid=(10,),
        in_specs=[
            pl.BlockSpec((N_PAD // 10, F_PAD), lambda i: (i, 0)),
            pl.BlockSpec((N_PAD // 10, F_PAD), lambda i: (i, 0)),
            pl.BlockSpec((1, F_PAD), lambda i: (0, 0)),
            pl.BlockSpec((F_PAD, F_PAD), lambda i: (0, 0)),
        ],
        out_specs=pl.BlockSpec((N_PAD // 10, F_PAD), lambda i: (i, 0)),
        out_shape=jax.ShapeDtypeStruct((N_PAD, F_PAD), jnp.float32),
    )(p0, p1, b1p, W2p)


def _tc_final(p0, p1, b2):
    def body(p0_ref, p1_ref, b_ref, o_ref):
        z = p0_ref[...] + p1_ref[...] + b_ref[...]
        m = jnp.max(z, axis=1, keepdims=True)
        lse = jnp.log(jnp.sum(jnp.exp(z - m), axis=1, keepdims=True))
        o_ref[...] = z - m - lse

    return pl.pallas_call(
        body,
        grid=(10,),
        in_specs=[
            pl.BlockSpec((N_NODES // 10, N_FEATS), lambda i: (i, 0)),
            pl.BlockSpec((N_NODES // 10, N_FEATS), lambda i: (i, 0)),
            pl.BlockSpec((1, N_FEATS), lambda i: (0, 0)),
        ],
        out_specs=pl.BlockSpec((N_NODES // 10, N_FEATS), lambda i: (i, 0)),
        out_shape=jax.ShapeDtypeStruct((N_NODES, N_FEATS), jnp.float32),
    )(p0, p1, b2)


def kernel(x, edge_index, edge_weight, W1, b1, W2, b2):
    E = edge_index.shape[1]
    n_chunks = -(-E // CHUNK)
    chunks_per_tile = -(-n_chunks // NW)
    EP = NW * chunks_per_tile * CHUNK

    src = edge_index[0].astype(jnp.int32)
    dst = edge_index[1].astype(jnp.int32)
    w = edge_weight.astype(jnp.float32)
    pad = EP - E
    src3d = jnp.concatenate([src, jnp.zeros((pad,), jnp.int32)]).reshape(
        NW, chunks_per_tile, CHUNK)
    dst3d = jnp.concatenate([dst, jnp.zeros((pad,), jnp.int32)]).reshape(
        NW, chunks_per_tile, CHUNK)
    w1d = jnp.concatenate([w, jnp.zeros((pad,), jnp.float32)])
    wrep = jnp.broadcast_to(w1d[:, None], (EP, LANES))
    zeros = jnp.zeros((N_PAD, F_PAD), jnp.float32)

    x_pad = jnp.pad(x, ((0, N_PAD - N_NODES), (0, 0)))
    W1p = jnp.pad(W1, ((0, 0), (0, F_PAD - N_FEATS)))
    W2p = jnp.pad(W2, ((0, F_PAD - N_FEATS), (0, F_PAD - N_FEATS)))
    b1p = jnp.pad(b1, (0, F_PAD - N_FEATS)).reshape(1, F_PAD)

    h1 = _tc_matmul1(x_pad, W1p)
    p1 = _sc_segment_sum(h1, src3d, dst3d, wrep, zeros, chunks_per_tile)
    h2 = _tc_mid(p1[0], p1[1], b1p, W2p)
    p2 = _sc_segment_sum(h2, src3d, dst3d, wrep, zeros, chunks_per_tile)
    return _tc_final(p2[0, :N_NODES, :N_FEATS], p2[1, :N_NODES, :N_FEATS],
                     b2.reshape(1, N_FEATS))

# --- scband reference (transcript-rebuilt; emitter-appended) ---
"""Pipeline reference for scband-gcn-90288802497036 (READ-ONLY COPY).

The authoritative reference and input builder live on the scoring server;
editing this copy changes nothing except your own understanding.
"""

import jax, jax.numpy as jnp
import numpy as np

N_NODES = 10000
N_EDGES = 320000


def _gcn_conv(x, edge_index, edge_weight, W, b, apply_relu):
    # Linear transform first (d_out < d_in keeps message tensor small)
    h = x @ W
    src = edge_index[0]
    dst = edge_index[1]
    # gather source features, weight by edge_weight (sparse adj @ h)
    msgs = h[src] * edge_weight[:, None]
    out = jax.ops.segment_sum(msgs, dst, num_segments=N_NODES)
    out = out + b
    if apply_relu:
        out = jax.nn.relu(out)
    return out


def setup_inputs(seed: int = 0) -> dict:
    key = jax.random.key(seed)
    ks = jax.random.split(key, 8)
    x = jax.random.normal(ks[0], (N_NODES, 128), dtype=jnp.float32)
    edge_index = jax.random.randint(ks[1], (2, N_EDGES), 0, N_NODES, dtype=jnp.int64)
    edge_weight = jax.random.uniform(ks[2], (N_EDGES,), dtype=jnp.float32)
    # learned parameters: conv1 (128 -> 16), conv2 (16 -> 16)
    W1 = jax.random.normal(ks[3], (128, 16), dtype=jnp.float32) * (1.0 / np.sqrt(128.0))
    b1 = jnp.zeros((16,), dtype=jnp.float32)
    W2 = jax.random.normal(ks[4], (16, 16), dtype=jnp.float32) * (1.0 / np.sqrt(16.0))
    b2 = jnp.zeros((16,), dtype=jnp.float32)
    return {"x": x, "edge_index": edge_index, "edge_weight": edge_weight,
            "W1": W1, "b1": b1, "W2": W2, "b2": b2}


def reference(x, edge_index, edge_weight, W1, b1, W2, b2):
    h = _gcn_conv(x, edge_index, edge_weight, W1, b1, apply_relu=True)
    h = _gcn_conv(h, edge_index, edge_weight, W2, b2, apply_relu=False)
    return jax.nn.log_softmax(h, axis=1)

if __name__ == "__main__":
    import jax
    _d = setup_inputs()
    print(jax.jit(kernel)(*tuple(_d.values())))

</pallas_src>

<mosaic_0001>
#map = affine_map<(d0, d1) -> (0, 0)>
#map1 = affine_map<(d0, d1) -> (0, 0, 0)>
module attributes {stable_mosaic.version = 14 : i64} {
  func.func @seg_sum(%arg0: i32, %arg1: i32, %arg2: memref<10240x128xf32, #tpu.memory_space<hbm>>, %arg3: memref<32x79x128xi32, #tpu.memory_space<hbm>>, %arg4: memref<32x79x128xi32, #tpu.memory_space<hbm>>, %arg5: memref<323584x16xf32, #tpu.memory_space<hbm>>, %arg6: memref<10240x128xf32, #tpu.memory_space<hbm>>, %arg7: memref<2x10240x128xf32, #tpu.memory_space<hbm>>, %arg8: memref<128xi32, #tpu.memory_space<vmem>>, %arg9: memref<79x128xi32, #tpu.memory_space<vmem>>, %arg10: memref<128x16xf32, #tpu.memory_space<vmem>>, %arg11: memref<128x128xf32, #tpu.memory_space<vmem>>, %arg12: memref<10240x128xf32, #tpu.memory_space<vmem_shared>>, %arg13: memref<!tpu.dma_semaphore, #tpu.memory_space<semaphore_mem>>) attributes {dimension_semantics = [#tpu.dimension_semantics<core_parallel>, #tpu.dimension_semantics<subcore_parallel>], iteration_bounds = array<i64: 2, 16>, scalar_prefetch = 0 : i64, scratch_operands = 6 : i64, tpu.core_type = #tpu.core_type<sc_vector_subcore>, window_params = [{transform_indices = #map}, {transform_indices = #map1}, {transform_indices = #map1}, {transform_indices = #map}, {transform_indices = #map}, {transform_indices = #map1}]} {
    %mul3A = arith.constant 2 : i32
    %mul3A_0 = arith.muli %arg1, %mul3A : i32
    %add3A = arith.addi %mul3A_0, %arg0 : i32
    %mul3A_1 = arith.constant 79 : i32
    %mul3A_2 = arith.muli %add3A, %mul3A_1 : i32
    %eq3A = arith.constant 0 : i32
    %eq3A_3 = arith.cmpi eq, %arg1, %eq3A : i32
    %convert_element_type3A = arith.extui %eq3A_3 : i1 to i32
    %cond3A = arith.constant 0 : i32
    %cond3A_4 = arith.cmpi ne, %convert_element_type3A, %cond3A : i32
    scf.if %cond3A_4 {
      "tpu.region"() ({
        %run_scoped3A = tpu.sem_alloc : memref<!tpu.dma_semaphore, #tpu.memory_space<semaphore_mem>>
        tpu.enqueue_dma source(%arg6 : memref<10240x128xf32, #tpu.memory_space<hbm>>) target(%arg12 : memref<10240x128xf32, #tpu.memory_space<vmem_shared>>) target_semaphore(%run_scoped3A : memref<!tpu.dma_semaphore, #tpu.memory_space<semaphore_mem>>)
        tpu.wait_dma2 semaphore(%run_scoped3A : memref<!tpu.dma_semaphore, #tpu.memory_space<semaphore_mem>>) src(%arg6 : memref<10240x128xf32, #tpu.memory_space<hbm>>) dst(%arg12 : memref<10240x128xf32, #tpu.memory_space<vmem_shared>>)
        tpu.yield
      }) : () -> ()
    } else {
    }
    "tpu.region"() ({
      %run_scoped3A = tpu.sem_alloc : memref<!tpu.dma_semaphore, #tpu.memory_space<semaphore_mem>>
      %dma_start3A = arith.constant 0 : i32
      %dma_start3A_16 = arith.constant 0 : i32
      %dma_start3A_17 = tpu.memref_slice %arg4[%add3A, %dma_start3A, %dma_start3A_16] : memref<32x79x128xi32, #tpu.memory_space<hbm>> -> memref<1x79x128xi32, #tpu.memory_space<hbm>>
      %dma_start3A_18 = tpu.memref_squeeze %dma_start3A_17 : memref<1x79x128xi32, #tpu.memory_space<hbm>> -> memref<79x128xi32, #tpu.memory_space<hbm>>
      %dma_start3A_19 = arith.constant 0 : i32
      %dma_start3A_20 = arith.constant 0 : i32
      %dma_start3A_21 = tpu.memref_slice %arg4[%add3A, %dma_start3A_19, %dma_start3A_20] : memref<32x79x128xi32, #tpu.memory_space<hbm>> -> memref<1x79x128xi32, #tpu.memory_space<hbm>>
      %dma_start3A_22 = tpu.memref_squeeze %dma_start3A_21 : memref<1x79x128xi32, #tpu.memory_space<hbm>> -> memref<79x128xi32, #tpu.memory_space<hbm>>
      tpu.enqueue_dma source(%dma_start3A_22 : memref<79x128xi32, #tpu.memory_space<hbm>>) target(%arg9 : memref<79x128xi32, #tpu.memory_space<vmem>>) target_semaphore(%run_scoped3A : memref<!tpu.dma_semaphore, #tpu.memory_space<semaphore_mem>>)
      %dma_wait3A = arith.constant 0 : i32
      %dma_wait3A_23 = arith.constant 0 : i32
      %dma_wait3A_24 = tpu.memref_slice %arg4[%add3A, %dma_wait3A, %dma_wait3A_23] : memref<32x79x128xi32, #tpu.memory_space<hbm>> -> memref<1x79x128xi32, #tpu.memory_space<hbm>>
      %dma_wait3A_25 = tpu.memref_squeeze %dma_wait3A_24 : memref<1x79x128xi32, #tpu.memory_space<hbm>> -> memref<79x128xi32, #tpu.memory_space<hbm>>
      %dma_wait3A_26 = arith.constant 0 : i32
      %dma_wait3A_27 = arith.constant 0 : i32
      %dma_wait3A_28 = tpu.memref_slice %arg4[%add3A, %dma_wait3A_26, %dma_wait3A_27] : memref<32x79x128xi32, #tpu.memory_space<hbm>> -> memref<1x79x128xi32, #tpu.memory_space<hbm>>
      %dma_wait3A_29 = tpu.memref_squeeze %dma_wait3A_28 : memref<1x79x128xi32, #tpu.memory_space<hbm>> -> memref<79x128xi32, #tpu.memory_space<hbm>>
      tpu.wait_dma2 semaphore(%run_scoped3A : memref<!tpu.dma_semaphore, #tpu.memory_space<semaphore_mem>>) src(%dma_wait3A_29 : memref<79x128xi32, #tpu.memory_space<hbm>>) dst(%arg9 : memref<79x128xi32, #tpu.memory_space<vmem>>)
      tpu.yield
    }) : () -> ()
    %barrier3A = arith.constant 0 : index
    tpu.barrier barrier_id(%barrier3A)
    %scan3A = arith.constant 0 : i32
    %scan3A_5 = arith.constant 0 : i32
    %scan3A_6 = arith.constant 79 : i32
    %scan3A_7 = arith.addi %scan3A_5, %scan3A_6 : i32
    %scan3A_8 = arith.constant 1 : i32
    scf.for %scan3A_16 = %scan3A_5 to %scan3A_7 step %scan3A_8  : i32 {
      %add3A_17 = arith.addi %mul3A_2, %scan3A_16 : i32
      %mul3A_18 = arith.constant 128 : i32
      %mul3A_19 = arith.muli %add3A_17, %mul3A_18 : i32
      "tpu.region"() ({
        %run_scoped3A = tpu.sem_alloc : memref<!tpu.dma_semaphore, #tpu.memory_space<semaphore_mem>>
        %dma_start3A_2198 = arith.constant 0 : i32
        %dma_start3A_2199 = tpu.memref_slice %arg3[%add3A, %scan3A_16, %dma_start3A_2198] : memref<32x79x128xi32, #tpu.memory_space<hbm>> -> memref<1x1x128xi32, #tpu.memory_space<hbm>>
        %dma_start3A_2200 = tpu.memref_squeeze %dma_start3A_2199 : memref<1x1x128xi32, #tpu.memory_space<hbm>> -> memref<128xi32, #tpu.memory_space<hbm>>
        %dma_start3A_2201 = arith.constant 0 : i32
        %dma_start3A_2202 = tpu.memref_slice %arg3[%add3A, %scan3A_16, %dma_start3A_2201] : memref<32x79x128xi32, #tpu.memory_space<hbm>> -> memref<1x1x128xi32, #tpu.memory_space<hbm>>
        %dma_start3A_2203 = tpu.memref_squeeze %dma_start3A_2202 : memref<1x1x128xi32, #tpu.memory_space<hbm>> -> memref<128xi32, #tpu.memory_space<hbm>>
        tpu.enqueue_dma source(%dma_start3A_2203 : memref<128xi32, #tpu.memory_space<hbm>>) target(%arg8 : memref<128xi32, #tpu.memory_space<vmem>>) target_semaphore(%run_scoped3A : memref<!tpu.dma_semaphore, #tpu.memory_space<semaphore_mem>>)
        %dma_wait3A_2204 = arith.constant 0 : i32
        %dma_wait3A_2205 = tpu.memref_slice %arg3[%add3A, %scan3A_16, %dma_wait3A_2204] : memref<32x79x128xi32, #tpu.memory_space<hbm>> -> memref<1x1x128xi32, #tpu.memory_space<hbm>>
        %dma_wait3A_2206 = tpu.memref_squeeze %dma_wait3A_2205 : memref<1x1x128xi32, #tpu.memory_space<hbm>> -> memref<128xi32, #tpu.memory_space<hbm>>
        %dma_wait3A_2207 = arith.constant 0 : i32
        %dma_wait3A_2208 = tpu.memref_slice %arg3[%add3A, %scan3A_16, %dma_wait3A_2207] : memref<32x79x128xi32, #tpu.memory_space<hbm>> -> memref<1x1x128xi32, #tpu.memory_space<hbm>>
        %dma_wait3A_2209 = tpu.memref_squeeze %dma_wait3A_2208 : memref<1x1x128xi32, #tpu.memory_space<hbm>> -> memref<128xi32, #tpu.memory_space<hbm>>
        tpu.wait_dma2 semaphore(%run_scoped3A : memref<!tpu.dma_semaphore, #tpu.memory_space<semaphore_mem>>) src(%dma_wait3A_2209 : memref<128xi32, #tpu.memory_space<hbm>>) dst(%arg8 : memref<128xi32, #tpu.memory_space<vmem>>)
        tpu.yield
      }) : () -> ()
      "tpu.region"() ({
        %run_scoped3A = tpu.sem_alloc : memref<!tpu.dma_semaphore, #tpu.memory_space<semaphore_mem>>
        %dma_start3A_2198 = arith.constant 0 : i32
        %dma_start3A_2199 = tpu.memref_slice %arg5[%mul3A_19, %dma_start3A_2198] : memref<323584x16xf32, #tpu.memory_space<hbm>> -> memref<128x16xf32, #tpu.memory_space<hbm>>
        %dma_start3A_2200 = arith.constant 0 : i32
        %dma_start3A_2201 = tpu.memref_slice %arg5[%mul3A_19, %dma_start3A_2200] : memref<323584x16xf32, #tpu.memory_space<hbm>> -> memref<128x16xf32, #tpu.memory_space<hbm>>
        tpu.enqueue_dma source(%dma_start3A_2201 : memref<128x16xf32, #tpu.memory_space<hbm>>) target(%arg10 : memref<128x16xf32, #tpu.memory_space<vmem>>) target_semaphore(%run_scoped3A : memref<!tpu.dma_semaphore, #tpu.memory_space<semaphore_mem>>)
        %dma_wait3A_2202 = arith.constant 0 : i32
        %dma_wait3A_2203 = tpu.memref_slice %arg5[%mul3A_19, %dma_wait3A_2202] : memref<323584x16xf32, #tpu.memory_space<hbm>> -> memref<128x16xf32, #tpu.memory_space<hbm>>
        %dma_wait3A_2204 = arith.constant 0 : i32
        %dma_wait3A_2205 = tpu.memref_slice %arg5[%mul3A_19, %dma_wait3A_2204] : memref<323584x16xf32, #tpu.memory_space<hbm>> -> memref<128x16xf32, #tpu.memory_space<hbm>>
        tpu.wait_dma2 semaphore(%run_scoped3A : memref<!tpu.dma_semaphore, #tpu.memory_space<semaphore_mem>>) src(%dma_wait3A_2205 : memref<128x16xf32, #tpu.memory_space<hbm>>) dst(%arg10 : memref<128x16xf32, #tpu.memory_space<vmem>>)
        tpu.yield
      }) : () -> ()
      %dma_start3A = arith.constant 0 : i32
      %dma_start3A_20 = arith.constant 0 : i32
      %dma_start3A_21 = tpu.memref_slice %arg2[%dma_start3A, %dma_start3A_20] : memref<10240x128xf32, #tpu.memory_space<hbm>> -> memref<10240x128xf32, #tpu.memory_space<hbm>>
      tpu.enqueue_indirect_dma source(%dma_start3A_21 : memref<10240x128xf32, #tpu.memory_space<hbm>>) target(%arg11 : memref<128x128xf32, #tpu.memory_space<vmem>>) offsets(%arg8 : memref<128xi32, #tpu.memory_space<vmem>>) semaphore(%arg13 : memref<!tpu.dma_semaphore, #tpu.memory_space<semaphore_mem>>)
      %dma_wait3A = arith.constant 0 : i32
      %dma_wait3A_22 = arith.constant 0 : i32
      %dma_wait3A_23 = tpu.memref_slice %arg2[%dma_wait3A, %dma_wait3A_22] : memref<10240x128xf32, #tpu.memory_space<hbm>> -> memref<10240x128xf32, #tpu.memory_space<hbm>>
      tpu.wait_indirect_dma semaphore(%arg13 : memref<!tpu.dma_semaphore, #tpu.memory_space<semaphore_mem>>) src(%dma_wait3A_23 : memref<10240x128xf32, #tpu.memory_space<hbm>>) dst(%arg11 : memref<128x128xf32, #tpu.memory_space<vmem>>)
      %get3A = arith.constant 0 : i32
      %get3A_24 = arith.index_cast %get3A : i32 to index
      %get3A_25 = arith.constant 0 : index
      %get3A_26 = tpu.vector_load %arg11[%get3A_24, %get3A_25] {strides = array<i32>} : memref<128x128xf32, #tpu.memory_space<vmem>>, vector<1x16xf32>,
      %get3A_27 = vector.shape_cast %get3A_26 : vector<1x16xf32> to vector<16xf32>
      %get3A_28 = arith.constant 0 : i32
      %get3A_29 = arith.index_cast %get3A_28 : i32 to index
      %get3A_30 = arith.constant 0 : index
      %get3A_31 = tpu.vector_load %arg10[%get3A_29, %get3A_30] {strides = array<i32>} : memref<128x16xf32, #tpu.memory_space<vmem>>, vector<1x16xf32>,
      %get3A_32 = vector.shape_cast %get3A_31 : vector<1x16xf32> to vector<16xf32>
      %mul3A_33 = arith.mulf %get3A_27, %get3A_32 : vector<16xf32>
      %swap3A = arith.constant 0 : i32
      %swap3A_34 = arith.index_cast %swap3A : i32 to index
      %swap3A_35 = arith.constant 0 : index
      %swap3A_36 = tpu.vector_load %arg11[%swap3A_34, %swap3A_35] {strides = array<i32>} : memref<128x128xf32, #tpu.memory_space<vmem>>, vector<1x16xf32>,
      %swap3A_37 = vector.shape_cast %swap3A_36 : vector<1x16xf32> to vector<16xf32>
      %swap3A_38 = vector.shape_cast %mul3A_33 : vector<16xf32> to vector<1x16xf32>
      tpu.vector_store %arg11[%swap3A_34, %swap3A_35], %swap3A_38 {strides = array<i32>} : memref<128x128xf32, #tpu.memory_space<vmem>>, vector<1x16xf32>,
      %get3A_39 = arith.constant 1 : i32
      %get3A_40 = arith.index_cast %get3A_39 : i32 to index
      %get3A_41 = arith.constant 0 : index
      %get3A_42 = tpu.vector_load %arg11[%get3A_40, %get3A_41] {strides = array<i32>} : memref<128x128xf32, #tpu.memory_space<vmem>>, vector<1x16xf32>,
      %get3A_43 = vector.shape_cast %get3A_42 : vector<1x16xf32> to vector<16xf32>
      %get3A_44 = arith.constant 1 : i32
      %get3A_45 = arith.index_cast %get3A_44 : i32 to index
      %get3A_46 = arith.constant 0 : index
      %get3A_47 = tpu.vector_load %arg10[%get3A_45, %get3A_46] {strides = array<i32>} : memref<128x16xf32, #tpu.memory_space<vmem>>, vector<1x16xf32>,
      %get3A_48 = vector.shape_cast %get3A_47 : vector<1x16xf32> to vector<16xf32>
      %mul3A_49 = arith.mulf %get3A_43, %get3A_48 : vector<16xf32>
      %swap3A_50 = arith.constant 1 : i32
      %swap3A_51 = arith.index_cast %swap3A_50 : i32 to index
      %swap3A_52 = arith.constant 0 : index
      %swap3A_53 = tpu.vector_load %arg11[%swap3A_51, %swap3A_52] {strides = array<i32>} : memref<128x128xf32, #tpu.memory_space<vmem>>, vector<1x16xf32>,
      %swap3A_54 = vector.shape_cast %swap3A_53 : vector<1x16xf32> to vector<16xf32>
      %swap3A_55 = vector.shape_cast %mul3A_49 : vector<16xf32> to vector<1x16xf32>
      tpu.vector_store %arg11[%swap3A_51, %swap3A_52], %swap3A_55 {strides = array<i32>} : memref<128x128xf32, #tpu.memory_space<vmem>>, vector<1x16xf32>,
      %get3A_56 = arith.constant 2 : i32
      %get3A_57 = arith.index_cast %get3A_56 : i32 to index
      %get3A_58 = arith.constant 0 : index
      %get3A_59 = tpu.vector_load %arg11[%get3A_57, %get3A_58] {strides = array<i32>} : memref<128x128xf32, #tpu.memory_space<vmem>>, vector<1x16xf32>,
      %get3A_60 = vector.shape_cast %get3A_59 : vector<1x16xf32> to vector<16xf32>
      %get3A_61 = arith.constant 2 : i32
      %get3A_62 = arith.index_cast %get3A_61 : i32 to index
      %get3A_63 = arith.constant 0 : index
      %get3A_64 = tpu.vector_load %arg10[%get3A_62, %get3A_63] {strides = array<i32>} : memref<128x16xf32, #tpu.memory_space<vmem>>, vector<1x16xf32>,
      %get3A_65 = vector.shape_cast %get3A_64 : vector<1x16xf32> to vector<16xf32>
      %mul3A_66 = arith.mulf %get3A_60, %get3A_65 : vector<16xf32>
      %swap3A_67 = arith.constant 2 : i32
      %swap3A_68 = arith.index_cast %swap3A_67 : i32 to index
      %swap3A_69 = arith.constant 0 : index
      %swap3A_70 = tpu.vector_load %arg11[%swap3A_68, %swap3A_69] {strides = array<i32>} : memref<128x128xf32, #tpu.memory_space<vmem>>, vector<1x16xf32>,
      %swap3A_71 = vector.shape_cast %swap3A_70 : vector<1x16xf32> to vector<16xf32>
      %swap3A_72 = vector.shape_cast %mul3A_66 : vector<16xf32> to vector<1x16xf32>
      tpu.vector_store %arg11[%swap3A_68, %swap3A_69], %swap3A_72 {strides = array<i32>} : memref<128x128xf32, #tpu.memory_space<vmem>>, vector<1x16xf32>,
      %get3A_73 = arith.constant 3 : i32
      %get3A_74 = arith.index_cast %get3A_73 : i32 to index
      %get3A_75 = arith.constant 0 : index
      %get3A_76 = tpu.vector_load %arg11[%get3A_74, %get3A_75] {strides = array<i32>} : memref<128x128xf32, #tpu.memory_space<vmem>>, vector<1x16xf32>,
      %get3A_77 = vector.shape_cast %get3A_76 : vector<1x16xf32> to vector<16xf32>
      %get3A_78 = arith.constant 3 : i32
      %get3A_79 = arith.index_cast %get3A_78 : i32 to index
      %get3A_80 = arith.constant 0 : index
      %get3A_81 = tpu.vector_load %arg10[%get3A_79, %get3A_80] {strides = array<i32>} : memref<128x16xf32, #tpu.memory_space<vmem>>, vector<1x16xf32>,
      %get3A_82 = vector.shape_cast %get3A_81 : vector<1x16xf32> to vector<16xf32>
      %mul3A_83 = arith.mulf %get3A_77, %get3A_82 : vector<16xf32>
      %swap3A_84 = arith.constant 3 : i32
      %swap3A_85 = arith.index_cast %swap3A_84 : i32 to index
      %swap3A_86 = arith.constant 0 : index
      %swap3A_87 = tpu.vector_load %arg11[%swap3A_85, %swap3A_86] {strides = array<i32>} : memref<128x128xf32, #tpu.memory_space<vmem>>, vector<1x16xf32>,
      %swap3A_88 = vector.shape_cast %swap3A_87 : vector<1x16xf32> to vector<16xf32>
      %swap3A_89 = vector.shape_cast %mul3A_83 : vector<16xf32> to vector<1x16xf32>
      tpu.vector_store %arg11[%swap3A_85, %swap3A_86], %swap3A_89 {strides = array<i32>} : memref<128x128xf32, #tpu.memory_space<vmem>>, vector<1x16xf32>,
      %get3A_90 = arith.constant 4 : i32
      %get3A_91 = arith.index_cast %get3A_90 : i32 to index
      %get3A_92 = arith.constant 0 : index
      %get3A_93 = tpu.vector_load %arg11[%get3A_91, %get3A_92] {strides = array<i32>} : memref<128x128xf32, #tpu.memory_space<vmem>>, vector<1x16xf32>,
      %get3A_94 = vector.shape_cast %get3A_93 : vector<1x16xf32> to vector<16xf32>
      %get3A_95 = arith.constant 4 : i32
      %get3A_96 = arith.index_cast %get3A_95 : i32 to index
      %get3A_97 = arith.constant 0 : index
      %get3A_98 = tpu.vector_load %arg10[%get3A_96, %get3A_97] {strides = array<i32>} : memref<128x16xf32, #tpu.memory_space<vmem>>, vector<1x16xf32>,
      %get3A_99 = vector.shape_cast %get3A_98 : vector<1x16xf32> to vector<16xf32>
      %mul3A_100 = arith.mulf %get3A_94, %get3A_99 : vector<16xf32>
      %swap3A_101 = arith.constant 4 : i32
      %swap3A_102 = arith.index_cast %swap3A_101 : i32 to index
      %swap3A_103 = arith.constant 0 : index
      %swap3A_104 = tpu.vector_load %arg11[%swap3A_102, %swap3A_103] {strides = array<i32>} : memref<128x128xf32, #tpu.memory_space<vmem>>, vector<1x16xf32>,
      %swap3A_105 = vector.shape_cast %swap3A_104 : vector<1x16xf32> to vector<16xf32>
      %swap3A_106 = vector.shape_cast %mul3A_100 : vector<16xf32> to vector<1x16xf32>
      tpu.vector_store %arg11[%swap3A_102, %swap3A_103], %swap3A_106 {strides = array<i32>} : memref<128x128xf32, #tpu.memory_space<vmem>>, vector<1x16xf32>,
      %get3A_107 = arith.constant 5 : i32
      %get3A_108 = arith.index_cast %get3A_107 : i32 to index
      %get3A_109 = arith.constant 0 : index
      %get3A_110 = tpu.vector_load %arg11[%get3A_108, %get3A_109] {strides = array<i32>} : memref<128x128xf32, #tpu.memory_space<vmem>>, vector<1x16xf32>,
      %get3A_111 = vector.shape_cast %get3A_110 : vector<1x16xf32> to vector<16xf32>
      %get3A_112 = arith.constant 5 : i32
      %get3A_113 = arith.index_cast %get3A_112 : i32 to index
      %get3A_114 = arith.constant 0 : index
      %get3A_115 = tpu.vector_load %arg10[%get3A_113, %get3A_114] {strides = array<i32>} : memref<128x16xf32, #tpu.memory_space<vmem>>, vector<1x16xf32>,
      %get3A_116 = vector.shape_cast %get3A_115 : vector<1x16xf32> to vector<16xf32>
      %mul3A_117 = arith.mulf %get3A_111, %get3A_116 : vector<16xf32>
      %swap3A_118 = arith.constant 5 : i32
      %swap3A_119 = arith.index_cast %swap3A_118 : i32 to index
      %swap3A_120 = arith.constant 0 : index
      %swap3A_121 = tpu.vector_load %arg11[%swap3A_119, %swap3A_120] {strides = array<i32>} : memref<128x128xf32, #tpu.memory_space<vmem>>, vector<1x16xf32>,
      %swap3A_122 = vector.shape_cast %swap3A_121 : vector<1x16xf32> to vector<16xf32>
      %swap3A_123 = vector.shape_cast %mul3A_117 : vector<16xf32> to vector<1x16xf32>
      tpu.vector_store %arg11[%swap3A_119, %swap3A_120], %swap3A_123 {strides = array<i32>} : memref<128x128xf32, #tpu.memory_space<vmem>>, vector<1x16xf32>,
      %get3A_124 = arith.constant 6 : i32
      %get3A_125 = arith.index_cast %get3A_124 : i32 to index
      %get3A_126 = arith.constant 0 : index
      %get3A_127 = tpu.vector_load %arg11[%get3A_125, %get3A_126] {strides = array<i32>} : memref<128x128xf32, #tpu.memory_space<vmem>>, vector<1x16xf32>,
      %get3A_128 = vector.shape_cast %get3A_127 : vector<1x16xf32> to vector<16xf32>
      %get3A_129 = arith.constant 6 : i32
      %get3A_130 = arith.index_cast %get3A_129 : i32 to index
      %get3A_131 = arith.constant 0 : index
      %get3A_132 = tpu.vector_load %arg10[%get3A_130, %get3A_131] {strides = array<i32>} : memref<128x16xf32, #tpu.memory_space<vmem>>, vector<1x16xf32>,
      %get3A_133 = vector.shape_cast %get3A_132 : vector<1x16xf32> to vector<16xf32>
      %mul3A_134 = arith.mulf %get3A_128, %get3A_133 : vector<16xf32>
      %swap3A_135 = arith.constant 6 : i32
      %swap3A_136 = arith.index_cast %swap3A_135 : i32 to index
      %swap3A_137 = arith.constant 0 : index
      %swap3A_138 = tpu.vector_load %arg11[%swap3A_136, %swap3A_137] {strides = array<i32>} : memref<128x128xf32, #tpu.memory_space<vmem>>, vector<1x16xf32>,
      %swap3A_139 = vector.shape_cast %swap3A_138 : vector<1x16xf32> to vector<16xf32>
      %swap3A_140 = vector.shape_cast %mul3A_134 : vector<16xf32> to vector<1x16xf32>
      tpu.vector_store %arg11[%swap3A_136, %swap3A_137], %swap3A_140 {strides = array<i32>} : memref<128x128xf32, #tpu.memory_space<vmem>>, vector<1x16xf32>,
      %get3A_141 = arith.constant 7 : i32
      %get3A_142 = arith.index_cast %get3A_141 : i32 to index
      %get3A_143 = arith.constant 0 : index
      %get3A_144 = tpu.vector_load %arg11[%get3A_142, %get3A_143] {strides = array<i32>} : memref<128x128xf32, #tpu.memory_space<vmem>>, vector<1x16xf32>,
      %get3A_145 = vector.shape_cast %get3A_144 : vector<1x16xf32> to vector<16xf32>
      %get3A_146 = arith.constant 7 : i32
      %get3A_147 = arith.index_cast %get3A_146 : i32 to index
      %get3A_148 = arith.constant 0 : index
      %get3A_149 = tpu.vector_load %arg10[%get3A_147, %get3A_148] {strides = array<i32>} : memref<128x16xf32, #tpu.memory_space<vmem>>, vector<1x16xf32>,
      %get3A_150 = vector.shape_cast %get3A_149 : vector<1x16xf32> to vector<16xf32>
      %mul3A_151 = arith.mulf %get3A_145, %get3A_150 : vector<16xf32>
      %swap3A_152 = arith.constant 7 : i32
      %swap3A_153 = arith.index_cast %swap3A_152 : i32 to index
      %swap3A_154 = arith.constant 0 : index
      %swap3A_155 = tpu.vector_load %arg11[%swap3A_153, %swap3A_154] {strides = array<i32>} : memref<128x128xf32, #tpu.memory_space<vmem>>, vector<1x16xf32>,
      %swap3A_156 = vector.shape_cast %swap3A_155 : vector<1x16xf32> to vector<16xf32>
      %swap3A_157 = vector.shape_cast %mul3A_151 : vector<16xf32> to vector<1x16xf32>
      tpu.vector_store %arg11[%swap3A_153, %swap3A_154], %swap3A_157 {strides = array<i32>} : memref<128x128xf32, #tpu.memory_space<vmem>>, vector<1x16xf32>,
      %get3A_158 = arith.constant 8 : i32
      %get3A_159 = arith.index_cast %get3A_158 : i32 to index
      %get3A_160 = arith.constant 0 : index
      %get3A_161 = tpu.vector_load %arg11[%get3A_159, %get3A_160] {strides = array<i32>} : memref<128x128xf32, #tpu.memory_space<vmem>>, vector<1x16xf32>,
      %get3A_162 = vector.shape_cast %get3A_161 : vector<1x16xf32> to vector<16xf32>
      %get3A_163 = arith.constant 8 : i32
      %get3A_164 = arith.index_cast %get3A_163 : i32 to index
      %get3A_165 = arith.constant 0 : index
      %get3A_166 = tpu.vector_load %arg10[%get3A_164, %get3A_165] {strides = array<i32>} : memref<128x16xf32, #tpu.memory_space<vmem>>, vector<1x16xf32>,
      %get3A_167 = vector.shape_cast %get3A_166 : vector<1x16xf32> to vector<16xf32>
      %mul3A_168 = arith.mulf %get3A_162, %get3A_167 : vector<16xf32>
      %swap3A_169 = arith.constant 8 : i32
      %swap3A_170 = arith.index_cast %swap3A_169 : i32 to index
      %swap3A_171 = arith.constant 0 : index
      %swap3A_172 = tpu.vector_load %arg11[%swap3A_170, %swap3A_171] {strides = array<i32>} : memref<128x128xf32, #tpu.memory_space<vmem>>, vector<1x16xf32>,
      %swap3A_173 = vector.shape_cast %swap3A_172 : vector<1x16xf32> to vector<16xf32>
      %swap3A_174 = vector.shape_cast %mul3A_168 : vector<16xf32> to vector<1x16xf32>
      tpu.vector_store %arg11[%swap3A_170, %swap3A_171], %swap3A_174 {strides = array<i32>} : memref<128x128xf32, #tpu.memory_space<vmem>>, vector<1x16xf32>,
      %get3A_175 = arith.constant 9 : i32
      %get3A_176 = arith.index_cast %get3A_175 : i32 to index
      %get3A_177 = arith.constant 0 : index
      %get3A_178 = tpu.vector_load %arg11[%get3A_176, %get3A_177] {strides = array<i32>} : memref<128x128xf32, #tpu.memory_space<vmem>>, vector<1x16xf32>,
      %get3A_179 = vector.shape_cast %get3A_178 : vector<1x16xf32> to vector<16xf32>
      %get3A_180 = arith.constant 9 : i32
      %get3A_181 = arith.index_cast %get3A_180 : i32 to index
      %get3A_182 = arith.constant 0 : index
      %get3A_183 = tpu.vector_load %arg10[%get3A_181, %get3A_182] {strides = array<i32>} : memref<128x16xf32, #tpu.memory_space<vmem>>, vector<1x16xf32>,
      %get3A_184 = vector.shape_cast %get3A_183 : vector<1x16xf32> to vector<16xf32>
      %mul3A_185 = arith.mulf %get3A_179, %get3A_184 : vector<16xf32>
      %swap3A_186 = arith.constant 9 : i32
      %swap3A_187 = arith.index_cast %swap3A_186 : i32 to index
      %swap3A_188 = arith.constant 0 : index
      %swap3A_189 = tpu.vector_load %arg11[%swap3A_187, %swap3A_188] {strides = array<i32>} : memref<128x128xf32, #tpu.memory_space<vmem>>, vector<1x16xf32>,
      %swap3A_190 = vector.shape_cast %swap3A_189 : vector<1x16xf32> to vector<16xf32>
      %swap3A_191 = vector.shape_cast %mul3A_185 : vector<16xf32> to vector<1x16xf32>
      tpu.vector_store %arg11[%swap3A_187, %swap3A_188], %swap3A_191 {strides = array<i32>} : memref<128x128xf32, #tpu.memory_space<vmem>>, vector<1x16xf32>,
      %get3A_192 = arith.constant 10 : i32
      %get3A_193 = arith.index_cast %get3A_192 : i32 to index
      %get3A_194 = arith.constant 0 : index
      %get3A_195 = tpu.vector_load %arg11[%get3A_193, %get3A_194] {strides = array<i32>} : memref<128x128xf32, #tpu.memory_space<vmem>>, vector<1x16xf32>,
      %get3A_196 = vector.shape_cast %get3A_195 : vector<1x16xf32> to vector<16xf32>
      %get3A_197 = arith.constant 10 : i32
      %get3A_198 = arith.index_cast %get3A_197 : i32 to index
      %get3A_199 = arith.constant 0 : index
      %get3A_200 = tpu.vector_load %arg10[%get3A_198, %get3A_199] {strides = array<i32>} : memref<128x16xf32, #tpu.memory_space<vmem>>, vector<1x16xf32>,
      %get3A_201 = vector.shape_cast %get3A_200 : vector<1x16xf32> to vector<16xf32>
      %mul3A_202 = arith.mulf %get3A_196, %get3A_201 : vector<16xf32>
      %swap3A_203 = arith.constant 10 : i32
      %swap3A_204 = arith.index_cast %swap3A_203 : i32 to index
      %swap3A_205 = arith.constant 0 : index
      %swap3A_206 = tpu.vector_load %arg11[%swap3A_204, %swap3A_205] {strides = array<i32>} : memref<128x128xf32, #tpu.memory_space<vmem>>, vector<1x16xf32>,
      %swap3A_207 = vector.shape_cast %swap3A_206 : vector<1x16xf32> to vector<16xf32>
      %swap3A_208 = vector.shape_cast %mul3A_202 : vector<16xf32> to vector<1x16xf32>
      tpu.vector_store %arg11[%swap3A_204, %swap3A_205], %swap3A_208 {strides = array<i32>} : memref<128x128xf32, #tpu.memory_space<vmem>>, vector<1x16xf32>,
      %get3A_209 = arith.constant 11 : i32
      %get3A_210 = arith.index_cast %get3A_209 : i32 to index
      %get3A_211 = arith.constant 0 : index
      %get3A_212 = tpu.vector_load %arg11[%get3A_210, %get3A_211] {strides = array<i32>} : memref<128x128xf32, #tpu.memory_space<vmem>>, vector<1x16xf32>,
      %get3A_213 = vector.shape_cast %get3A_212 : vector<1x16xf32> to vector<16xf32>
      %get3A_214 = arith.constant 11 : i32
      %get3A_215 = arith.index_cast %get3A_214 : i32 to index
      %get3A_216 = arith.constant 0 : index
      %get3A_217 = tpu.vector_load %arg10[%get3A_215, %get3A_216] {strides = array<i32>} : memref<128x16xf32, #tpu.memory_space<vmem>>, vector<1x16xf32>,
      %get3A_218 = vector.shape_cast %get3A_217 : vector<1x16xf32> to vector<16xf32>
      %mul3A_219 = arith.mulf %get3A_213, %get3A_218 : vector<16xf32>
      %swap3A_220 = arith.constant 11 : i32
      %swap3A_221 = arith.index_cast %swap3A_220 : i32 to index
      %swap3A_222 = arith.constant 0 : index
      %swap3A_223 = tpu.vector_load %arg11[%swap3A_221, %swap3A_222] {strides = array<i32>} : memref<128x128xf32, #tpu.memory_space<vmem>>, vector<1x16xf32>,
      %swap3A_224 = vector.shape_cast %swap3A_223 : vector<1x16xf32> to vector<16xf32>
      %swap3A_225 = vector.shape_cast %mul3A_219 : vector<16xf32> to vector<1x16xf32>
      tpu.vector_store %arg11[%swap3A_221, %swap3A_222], %swap3A_225 {strides = array<i32>} : memref<128x128xf32, #tpu.memory_space<vmem>>, vector<1x16xf32>,
      %get3A_226 = arith.constant 12 : i32
      %get3A_227 = arith.index_cast %get3A_226 : i32 to index
      %get3A_228 = arith.constant 0 : index
      %get3A_229 = tpu.vector_load %arg11[%get3A_227, %get3A_228] {strides = array<i32>} : memref<128x128xf32, #tpu.memory_space<vmem>>, vector<1x16xf32>,
      %get3A_230 = vector.shape_cast %get3A_229 : vector<1x16xf32> to vector<16xf32>
      %get3A_231 = arith.constant 12 : i32
      %get3A_232 = arith.index_cast %get3A_231 : i32 to index
      %get3A_233 = arith.constant 0 : index
      %get3A_234 = tpu.vector_load %arg10[%get3A_232, %get3A_233] {strides = array<i32>} : memref<128x16xf32, #tpu.memory_space<vmem>>, vector<1x16xf32>,
      %get3A_235 = vector.shape_cast %get3A_234 : vector<1x16xf32> to vector<16xf32>
      %mul3A_236 = arith.mulf %get3A_230, %get3A_235 : vector<16xf32>
      %swap3A_237 = arith.constant 12 : i32
      %swap3A_238 = arith.index_cast %swap3A_237 : i32 to index
      %swap3A_239 = arith.constant 0 : index
      %swap3A_240 = tpu.vector_load %arg11[%swap3A_238, %swap3A_239] {strides = array<i32>} : memref<128x128xf32, #tpu.memory_space<vmem>>, vector<1x16xf32>,
      %swap3A_241 = vector.shape_cast %swap3A_240 : vector<1x16xf32> to vector<16xf32>
      %swap3A_242 = vector.shape_cast %mul3A_236 : vector<16xf32> to vector<1x16xf32>
      tpu.vector_store %arg11[%swap3A_238, %swap3A_239], %swap3A_242 {strides = array<i32>} : memref<128x128xf32, #tpu.memory_space<vmem>>, vector<1x16xf32>,
      %get3A_243 = arith.constant 13 : i32
      %get3A_244 = arith.index_cast %get3A_243 : i32 to index
      %get3A_245 = arith.constant 0 : index
      %get3A_246 = tpu.vector_load %arg11[%get3A_244, %get3A_245] {strides = array<i32>} : memref<128x128xf32, #tpu.memory_space<vmem>>, vector<1x16xf32>,
      %get3A_247 = vector.shape_cast %get3A_246 : vector<1x16xf32> to vector<16xf32>
      %get3A_248 = arith.constant 13 : i32
      %get3A_249 = arith.index_cast %get3A_248 : i32 to index
      %get3A_250 = arith.constant 0 : index
      %get3A_251 = tpu.vector_load %arg10[%get3A_249, %get3A_250] {strides = array<i32>} : memref<128x16xf32, #tpu.memory_space<vmem>>, vector<1x16xf32>,
      %get3A_252 = vector.shape_cast %get3A_251 : vector<1x16xf32> to vector<16xf32>
      %mul3A_253 = arith.mulf %get3A_247, %get3A_252 : vector<16xf32>
      %swap3A_254 = arith.constant 13 : i32
      %swap3A_255 = arith.index_cast %swap3A_254 : i32 to index
      %swap3A_256 = arith.constant 0 : index
      %swap3A_257 = tpu.vector_load %arg11[%swap3A_255, %swap3A_256] {strides = array<i32>} : memref<128x128xf32, #tpu.memory_space<vmem>>, vector<1x16xf32>,
      %swap3A_258 = vector.shape_cast %swap3A_257 : vector<1x16xf32> to vector<16xf32>
      %swap3A_259 = vector.shape_cast %mul3A_253 : vector<16xf32> to vector<1x16xf32>
      tpu.vector_store %arg11[%swap3A_255, %swap3A_256], %swap3A_259 {strides = array<i32>} : memref<128x128xf32, #tpu.memory_space<vmem>>, vector<1x16xf32>,
      %get3A_260 = arith.constant 14 : i32
      %get3A_261 = arith.index_cast %get3A_260 : i32 to index
      %get3A_262 = arith.constant 0 : index
      %get3A_263 = tpu.vector_load %arg11[%get3A_261, %get3A_262] {strides = array<i32>} : memref<128x128xf32, #tpu.memory_space<vmem>>, vector<1x16xf32>,
      %get3A_264 = vector.shape_cast %get3A_263 : vector<1x16xf32> to vector<16xf32>
      %get3A_265 = arith.constant 14 : i32
      %get3A_266 = arith.index_cast %get3A_265 : i32 to index
      %get3A_267 = arith.constant 0 : index
      %get3A_268 = tpu.vector_load %arg10[%get3A_266, %get3A_267] {strides = array<i32>} : memref<128x16xf32, #tpu.memory_space<vmem>>, vector<1x16xf32>,
      %get3A_269 = vector.shape_cast %get3A_268 : vector<1x16xf32> to vector<16xf32>
      %mul3A_270 = arith.mulf %get3A_264, %get3A_269 : vector<16xf32>
      %swap3A_271 = arith.constant 14 : i32
      %swap3A_272 = arith.index_cast %swap3A_271 : i32 to index
      %swap3A_273 = arith.constant 0 : index
      %swap3A_274 = tpu.vector_load %arg11[%swap3A_272, %swap3A_273] {strides = array<i32>} : memref<128x128xf32, #tpu.memory_space<vmem>>, vector<1x16xf32>,
      %swap3A_275 = vector.shape_cast %swap3A_274 : vector<1x16xf32> to vector<16xf32>
      %swap3A_276 = vector.shape_cast %mul3A_270 : vector<16xf32> to vector<1x16xf32>
      tpu.vector_store %arg11[%swap3A_272, %swap3A_273], %swap3A_276 {strides = array<i32>} : memref<128x128xf32, #tpu.memory_space<vmem>>, vector<1x16xf32>,
      %get3A_277 = arith.constant 15 : i32
      %get3A_278 = arith.index_cast %get3A_277 : i32 to index
      %get3A_279 = arith.constant 0 : index
      %get3A_280 = tpu.vector_load %arg11[%get3A_278, %get3A_279] {strides = array<i32>} : memref<128x128xf32, #tpu.memory_space<vmem>>, vector<1x16xf32>,
      %get3A_281 = vector.shape_cast %get3A_280 : vector<1x16xf32> to vector<16xf32>
      %get3A_282 = arith.constant 15 : i32
      %get3A_283 = arith.index_cast %get3A_282 : i32 to index
      %get3A_284 = arith.constant 0 : index
      %get3A_285 = tpu.vector_load %arg10[%get3A_283, %get3A_284] {strides = array<i32>} : memref<128x16xf32, #tpu.memory_space<vmem>>, vector<1x16xf32>,
      %get3A_286 = vector.shape_cast %get3A_285 : vector<1x16xf32> to vector<16xf32>
      %mul3A_287 = arith.mulf %get3A_281, %get3A_286 : vector<16xf32>
      %swap3A_288 = arith.constant 15 : i32
      %swap3A_289 = arith.index_cast %swap3A_288 : i32 to index
      %swap3A_290 = arith.constant 0 : index
      %swap3A_291 = tpu.vector_load %arg11[%swap3A_289, %swap3A_290] {strides = array<i32>} : memref<128x128xf32, #tpu.memory_space<vmem>>, vector<1x16xf32>,
      %swap3A_292 = vector.shape_cast %swap3A_291 : vector<1x16xf32> to vector<16xf32>
      %swap3A_293 = vector.shape_cast %mul3A_287 : vector<16xf32> to vector<1x16xf32>
      tpu.vector_store %arg11[%swap3A_289, %swap3A_290], %swap3A_293 {strides = array<i32>} : memref<128x128xf32, #tpu.memory_space<vmem>>, vector<1x16xf32>,
      %get3A_294 = arith.constant 16 : i32
      %get3A_295 = arith.index_cast %get3A_294 : i32 to index
      %get3A_296 = arith.constant 0 : index
      %get3A_297 = tpu.vector_load %arg11[%get3A_295, %get3A_296] {strides = array<i32>} : memref<128x128xf32, #tpu.memory_space<vmem>>, vector<1x16xf32>,
      %get3A_298 = vector.shape_cast %get3A_297 : vector<1x16xf32> to vector<16xf32>
      %get3A_299 = arith.constant 16 : i32
      %get3A_300 = arith.index_cast %get3A_299 : i32 to index
      %get3A_301 = arith.constant 0 : index
      %get3A_302 = tpu.vector_load %arg10[%get3A_300, %get3A_301] {strides = array<i32>} : memref<128x16xf32, #tpu.memory_space<vmem>>, vector<1x16xf32>,
      %get3A_303 = vector.shape_cast %get3A_302 : vector<1x16xf32> to vector<16xf32>
      %mul3A_304 = arith.mulf %get3A_298, %get3A_303 : vector<16xf32>
      %swap3A_305 = arith.constant 16 : i32
      %swap3A_306 = arith.index_cast %swap3A_305 : i32 to index
      %swap3A_307 = arith.constant 0 : index
      %swap3A_308 = tpu.vector_load %arg11[%swap3A_306, %swap3A_307] {strides = array<i32>} : memref<128x128xf32, #tpu.memory_space<vmem>>, vector<1x16xf32>,
      %swap3A_309 = vector.shape_cast %swap3A_308 : vector<1x16xf32> to vector<16xf32>
      %swap3A_310 = vector.shape_cast %mul3A_304 : vector<16xf32> to vector<1x16xf32>
      tpu.vector_store %arg11[%swap3A_306, %swap3A_307], %swap3A_310 {strides = array<i32>} : memref<128x128xf32, #tpu.memory_space<vmem>>, vector<1x16xf32>,
      %get3A_311 = arith.constant 17 : i32
      %get3A_312 = arith.index_cast %get3A_311 : i32 to index
      %get3A_313 = arith.constant 0 : index
      %get3A_314 = tpu.vector_load %arg11[%get3A_312, %get3A_313] {strides = array<i32>} : memref<128x128xf32, #tpu.memory_space<vmem>>, vector<1x16xf32>,
      %get3A_315 = vector.shape_cast %get3A_314 : vector<1x16xf32> to vector<16xf32>
      %get3A_316 = arith.constant 17 : i32
      %get3A_317 = arith.index_cast %get3A_316 : i32 to index
      %get3A_318 = arith.constant 0 : index
      %get3A_319 = tpu.vector_load %arg10[%get3A_317, %get3A_318] {strides = array<i32>} : memref<128x16xf32, #tpu.memory_space<vmem>>, vector<1x16xf32>,
      %get3A_320 = vector.shape_cast %get3A_319 : vector<1x16xf32> to vector<16xf32>
      %mul3A_321 = arith.mulf %get3A_315, %get3A_320 : vector<16xf32>
      %swap3A_322 = arith.constant 17 : i32
      %swap3A_323 = arith.index_cast %swap3A_322 : i32 to index
      %swap3A_324 = arith.constant 0 : index
      %swap3A_325 = tpu.vector_load %arg11[%swap3A_323, %swap3A_324] {strides = array<i32>} : memref<128x128xf32, #tpu.memory_space<vmem>>, vector<1x16xf32>,
      %swap3A_326 = vector.shape_cast %swap3A_325 : vector<1x16xf32> to vector<16xf32>
      %swap3A_327 = vector.shape_cast %mul3A_321 : vector<16xf32> to vector<1x16xf32>
      tpu.vector_store %arg11[%swap3A_323, %swap3A_324], %swap3A_327 {strides = array<i32>} : memref<128x128xf32, #tpu.memory_space<vmem>>, vector<1x16xf32>,
      %get3A_328 = arith.constant 18 : i32
      %get3A_329 = arith.index_cast %get3A_328 : i32 to index
      %get3A_330 = arith.constant 0 : index
      %get3A_331 = tpu.vector_load %arg11[%get3A_329, %get3A_330] {strides = array<i32>} : memref<128x128xf32, #tpu.memory_space<vmem>>, vector<1x16xf32>,
      %get3A_332 = vector.shape_cast %get3A_331 : vector<1x16xf32> to vector<16xf32>
      %get3A_333 = arith.constant 18 : i32
      %get3A_334 = arith.index_cast %get3A_333 : i32 to index
      %get3A_335 = arith.constant 0 : index
      %get3A_336 = tpu.vector_load %arg10[%get3A_334, %get3A_335] {strides = array<i32>} : memref<128x16xf32, #tpu.memory_space<vmem>>, vector<1x16xf32>,
      %get3A_337 = vector.shape_cast %get3A_336 : vector<1x16xf32> to vector<16xf32>
      %mul3A_338 = arith.mulf %get3A_332, %get3A_337 : vector<16xf32>
      %swap3A_339 = arith.constant 18 : i32
      %swap3A_340 = arith.index_cast %swap3A_339 : i32 to index
      %swap3A_341 = arith.constant 0 : index
      %swap3A_342 = tpu.vector_load %arg11[%swap3A_340, %swap3A_341] {strides = array<i32>} : memref<128x128xf32, #tpu.memory_space<vmem>>, vector<1x16xf32>,
      %swap3A_343 = vector.shape_cast %swap3A_342 : vector<1x16xf32> to vector<16xf32>
      %swap3A_344 = vector.shape_cast %mul3A_338 : vector<16xf32> to vector<1x16xf32>
      tpu.vector_store %arg11[%swap3A_340, %swap3A_341], %swap3A_344 {strides = array<i32>} : memref<128x128xf32, #tpu.memory_space<vmem>>, vector<1x16xf32>,
      %get3A_345 = arith.constant 19 : i32
      %get3A_346 = arith.index_cast %get3A_345 : i32 to index
      %get3A_347 = arith.constant 0 : index
      %get3A_348 = tpu.vector_load %arg11[%get3A_346, %get3A_347] {strides = array<i32>} : memref<128x128xf32, #tpu.memory_space<vmem>>, vector<1x16xf32>,
      %get3A_349 = vector.shape_cast %get3A_348 : vector<1x16xf32> to vector<16xf32>
      %get3A_350 = arith.constant 19 : i32
      %get3A_351 = arith.index_cast %get3A_350 : i32 to index
      %get3A_352 = arith.constant 0 : index
      %get3A_353 = tpu.vector_load %arg10[%get3A_351, %get3A_352] {strides = array<i32>} : memref<128x16xf32, #tpu.memory_space<vmem>>, vector<1x16xf32>,
      %get3A_354 = vector.shape_cast %get3A_353 : vector<1x16xf32> to vector<16xf32>
      %mul3A_355 = arith.mulf %get3A_349, %get3A_354 : vector<16xf32>
      %swap3A_356 = arith.constant 19 : i32
      %swap3A_357 = arith.index_cast %swap3A_356 : i32 to index
      %swap3A_358 = arith.constant 0 : index
      %swap3A_359 = tpu.vector_load %arg11[%swap3A_357, %swap3A_358] {strides = array<i32>} : memref<128x128xf32, #tpu.memory_space<vmem>>, vector<1x16xf32>,
      %swap3A_360 = vector.shape_cast %swap3A_359 : vector<1x16xf32> to vector<16xf32>
      %swap3A_361 = vector.shape_cast %mul3A_355 : vector<16xf32> to vector<1x16xf32>
      tpu.vector_store %arg11[%swap3A_357, %swap3A_358], %swap3A_361 {strides = array<i32>} : memref<128x128xf32, #tpu.memory_space<vmem>>, vector<1x16xf32>,
      %get3A_362 = arith.constant 20 : i32
      %get3A_363 = arith.index_cast %get3A_362 : i32 to index
      %get3A_364 = arith.constant 0 : index
      %get3A_365 = tpu.vector_load %arg11[%get3A_363, %get3A_364] {strides = array<i32>} : memref<128x128xf32, #tpu.memory_space<vmem>>, vector<1x16xf32>,
      %get3A_366 = vector.shape_cast %get3A_365 : vector<1x16xf32> to vector<16xf32>
      %get3A_367 = arith.constant 20 : i32
      %get3A_368 = arith.index_cast %get3A_367 : i32 to index
      %get3A_369 = arith.constant 0 : index
      %get3A_370 = tpu.vector_load %arg10[%get3A_368, %get3A_369] {strides = array<i32>} : memref<128x16xf32, #tpu.memory_space<vmem>>, vector<1x16xf32>,
      %get3A_371 = vector.shape_cast %get3A_370 : vector<1x16xf32> to vector<16xf32>
      %mul3A_372 = arith.mulf %get3A_366, %get3A_371 : vector<16xf32>
      %swap3A_373 = arith.constant 20 : i32
      %swap3A_374 = arith.index_cast %swap3A_373 : i32 to index
      %swap3A_375 = arith.constant 0 : index
      %swap3A_376 = tpu.vector_load %arg11[%swap3A_374, %swap3A_375] {strides = array<i32>} : memref<128x128xf32, #tpu.memory_space<vmem>>, vector<1x16xf32>,
      %swap3A_377 = vector.shape_cast %swap3A_376 : vector<1x16xf32> to vector<16xf32>
      %swap3A_378 = vector.shape_cast %mul3A_372 : vector<16xf32> to vector<1x16xf32>
      tpu.vector_store %arg11[%swap3A_374, %swap3A_375], %swap3A_378 {strides = array<i32>} : memref<128x128xf32, #tpu.memory_space<vmem>>, vector<1x16xf32>,
      %get3A_379 = arith.constant 21 : i32
      %get3A_380 = arith.index_cast %get3A_379 : i32 to index
      %get3A_381 = arith.constant 0 : index
      %get3A_382 = tpu.vector_load %arg11[%get3A_380, %get3A_381] {strides = array<i32>} : memref<128x128xf32, #tpu.memory_space<vmem>>, vector<1x16xf32>,
      %get3A_383 = vector.shape_cast %get3A_382 : vector<1x16xf32> to vector<16xf32>
      %get3A_384 = arith.constant 21 : i32
      %get3A_385 = arith.index_cast %get3A_384 : i32 to index
      %get3A_386 = arith.constant 0 : index
      %get3A_387 = tpu.vector_load %arg10[%get3A_385, %get3A_386] {strides = array<i32>} : memref<128x16xf32, #tpu.memory_space<vmem>>, vector<1x16xf32>,
      %get3A_388 = vector.shape_cast %get3A_387 : vector<1x16xf32> to vector<16xf32>
      %mul3A_389 = arith.mulf %get3A_383, %get3A_388 : vector<16xf32>
      %swap3A_390 = arith.constant 21 : i32
      %swap3A_391 = arith.index_cast %swap3A_390 : i32 to index
      %swap3A_392 = arith.constant 0 : index
      %swap3A_393 = tpu.vector_load %arg11[%swap3A_391, %swap3A_392] {strides = array<i32>} : memref<128x128xf32, #tpu.memory_space<vmem>>, vector<1x16xf32>,
      %swap3A_394 = vector.shape_cast %swap3A_393 : vector<1x16xf32> to vector<16xf32>
      %swap3A_395 = vector.shape_cast %mul3A_389 : vector<16xf32> to vector<1x16xf32>
      tpu.vector_store %arg11[%swap3A_391, %swap3A_392], %swap3A_395 {strides = array<i32>} : memref<128x128xf32, #tpu.memory_space<vmem>>, vector<1x16xf32>,
      %get3A_396 = arith.constant 22 : i32
      %get3A_397 = arith.index_cast %get3A_396 : i32 to index
      %get3A_398 = arith.constant 0 : index
      %get3A_399 = tpu.vector_load %arg11[%get3A_397, %get3A_398] {strides = array<i32>} : memref<128x128xf32, #tpu.memory_space<vmem>>, vector<1x16xf32>,
      %get3A_400 = vector.shape_cast %get3A_399 : vector<1x16xf32> to vector<16xf32>
      %get3A_401 = arith.constant 22 : i32
      %get3A_402 = arith.index_cast %get3A_401 : i32 to index
      %get3A_403 = arith.constant 0 : index
      %get3A_404 = tpu.vector_load %arg10[%get3A_402, %get3A_403] {strides = array<i32>} : memref<128x16xf32, #tpu.memory_space<vmem>>, vector<1x16xf32>,
      %get3A_405 = vector.shape_cast %get3A_404 : vector<1x16xf32> to vector<16xf32>
      %mul3A_406 = arith.mulf %get3A_400, %get3A_405 : vector<16xf32>
      %swap3A_407 = arith.constant 22 : i32
      %swap3A_408 = arith.index_cast %swap3A_407 : i32 to index
      %swap3A_409 = arith.constant 0 : index
      %swap3A_410 = tpu.vector_load %arg11[%swap3A_408, %swap3A_409] {strides = array<i32>} : memref<128x128xf32, #tpu.memory_space<vmem>>, vector<1x16xf32>,
      %swap3A_411 = vector.shape_cast %swap3A_410 : vector<1x16xf32> to vector<16xf32>
      %swap3A_412 = vector.shape_cast %mul3A_406 : vector<16xf32> to vector<1x16xf32>
      tpu.vector_store %arg11[%swap3A_408, %swap3A_409], %swap3A_412 {strides = array<i32>} : memref<128x128xf32, #tpu.memory_space<vmem>>, vector<1x16xf32>,
      %get3A_413 = arith.constant 23 : i32
      %get3A_414 = arith.index_cast %get3A_413 : i32 to index
      %get3A_415 = arith.constant 0 : index
      %get3A_416 = tpu.vector_load %arg11[%get3A_414, %get3A_415] {strides = array<i32>} : memref<128x128xf32, #tpu.memory_space<vmem>>, vector<1x16xf32>,
      %get3A_417 = vector.shape_cast %get3A_416 : vector<1x16xf32> to vector<16xf32>
      %get3A_418 = arith.constant 23 : i32
      %get3A_419 = arith.index_cast %get3A_418 : i32 to index
      %get3A_420 = arith.constant 0 : index
      %get3A_421 = tpu.vector_load %arg10[%get3A_419, %get3A_420] {strides = array<i32>} : memref<128x16xf32, #tpu.memory_space<vmem>>, vector<1x16xf32>,
      %get3A_422 = vector.shape_cast %get3A_421 : vector<1x16xf32> to vector<16xf32>
      %mul3A_423 = arith.mulf %get3A_417, %get3A_422 : vector<16xf32>
      %swap3A_424 = arith.constant 23 : i32
      %swap3A_425 = arith.index_cast %swap3A_424 : i32 to index
      %swap3A_426 = arith.constant 0 : index
      %swap3A_427 = tpu.vector_load %arg11[%swap3A_425, %swap3A_426] {strides = array<i32>} : memref<128x128xf32, #tpu.memory_space<vmem>>, vector<1x16xf32>,
      %swap3A_428 = vector.shape_cast %swap3A_427 : vector<1x16xf32> to vector<16xf32>
      %swap3A_429 = vector.shape_cast %mul3A_423 : vector<16xf32> to vector<1x16xf32>
      tpu.vector_store %arg11[%swap3A_425, %swap3A_426], %swap3A_429 {strides = array<i32>} : memref<128x128xf32, #tpu.memory_space<vmem>>, vector<1x16xf32>,
      %get3A_430 = arith.constant 24 : i32
      %get3A_431 = arith.index_cast %get3A_430 : i32 to index
      %get3A_432 = arith.constant 0 : index
      %get3A_433 = tpu.vector_load %arg11[%get3A_431, %get3A_432] {strides = array<i32>} : memref<128x128xf32, #tpu.memory_space<vmem>>, vector<1x16xf32>,
      %get3A_434 = vector.shape_cast %get3A_433 : vector<1x16xf32> to vector<16xf32>
      %get3A_435 = arith.constant 24 : i32
      %get3A_436 = arith.index_cast %get3A_435 : i32 to index
      %get3A_437 = arith.constant 0 : index
      %get3A_438 = tpu.vector_load %arg10[%get3A_436, %get3A_437] {strides = array<i32>} : memref<128x16xf32, #tpu.memory_space<vmem>>, vector<1x16xf32>,
      %get3A_439 = vector.shape_cast %get3A_438 : vector<1x16xf32> to vector<16xf32>
      %mul3A_440 = arith.mulf %get3A_434, %get3A_439 : vector<16xf32>
      %swap3A_441 = arith.constant 24 : i32
      %swap3A_442 = arith.index_cast %swap3A_441 : i32 to index
      %swap3A_443 = arith.constant 0 : index
      %swap3A_444 = tpu.vector_load %arg11[%swap3A_442, %swap3A_443] {strides = array<i32>} : memref<128x128xf32, #tpu.memory_space<vmem>>, vector<1x16xf32>,
      %swap3A_445 = vector.shape_cast %swap3A_444 : vector<1x16xf32> to vector<16xf32>
      %swap3A_446 = vector.shape_cast %mul3A_440 : vector<16xf32> to vector<1x16xf32>
      tpu.vector_store %arg11[%swap3A_442, %swap3A_443], %swap3A_446 {strides = array<i32>} : memref<128x128xf32, #tpu.memory_space<vmem>>, vector<1x16xf32>,
      %get3A_447 = arith.constant 25 : i32
      %get3A_448 = arith.index_cast %get3A_447 : i32 to index
      %get3A_449 = arith.constant 0 : index
      %get3A_450 = tpu.vector_load %arg11[%get3A_448, %get3A_449] {strides = array<i32>} : memref<128x128xf32, #tpu.memory_space<vmem>>, vector<1x16xf32>,
      %get3A_451 = vector.shape_cast %get3A_450 : vector<1x16xf32> to vector<16xf32>
      %get3A_452 = arith.constant 25 : i32
      %get3A_453 = arith.index_cast %get3A_452 : i32 to index
      %get3A_454 = arith.constant 0 : index
      %get3A_455 = tpu.vector_load %arg10[%get3A_453, %get3A_454] {strides = array<i32>} : memref<128x16xf32, #tpu.memory_space<vmem>>, vector<1x16xf32>,
      %get3A_456 = vector.shape_cast %get3A_455 : vector<1x16xf32> to vector<16xf32>
      %mul3A_457 = arith.mulf %get3A_451, %get3A_456 : vector<16xf32>
      %swap3A_458 = arith.constant 25 : i32
      %swap3A_459 = arith.index_cast %swap3A_458 : i32 to index
      %swap3A_460 = arith.constant 0 : index
      %swap3A_461 = tpu.vector_load %arg11[%swap3A_459, %swap3A_460] {strides = array<i32>} : memref<128x128xf32, #tpu.memory_space<vmem>>, vector<1x16xf32>,
      %swap3A_462 = vector.shape_cast %swap3A_461 : vector<1x16xf32> to vector<16xf32>
      %swap3A_463 = vector.shape_cast %mul3A_457 : vector<16xf32> to vector<1x16xf32>
      tpu.vector_store %arg11[%swap3A_459, %swap3A_460], %swap3A_463 {strides = array<i32>} : memref<128x128xf32, #tpu.memory_space<vmem>>, vector<1x16xf32>,
      %get3A_464 = arith.constant 26 : i32
      %get3A_465 = arith.index_cast %get3A_464 : i32 to index
      %get3A_466 = arith.constant 0 : index
      %get3A_467 = tpu.vector_load %arg11[%get3A_465, %get3A_466] {strides = array<i32>} : memref<128x128xf32, #tpu.memory_space<vmem>>, vector<1x16xf32>,
      %get3A_468 = vector.shape_cast %get3A_467 : vector<1x16xf32> to vector<16xf32>
      %get3A_469 = arith.constant 26 : i32
      %get3A_470 = arith.index_cast %get3A_469 : i32 to index
      %get3A_471 = arith.constant 0 : index
      %get3A_472 = tpu.vector_load %arg10[%get3A_470, %get3A_471] {strides = array<i32>} : memref<128x16xf32, #tpu.memory_space<vmem>>, vector<1x16xf32>,
      %get3A_473 = vector.shape_cast %get3A_472 : vector<1x16xf32> to vector<16xf32>
      %mul3A_474 = arith.mulf %get3A_468, %get3A_473 : vector<16xf32>
      %swap3A_475 = arith.constant 26 : i32
      %swap3A_476 = arith.index_cast %swap3A_475 : i32 to index
      %swap3A_477 = arith.constant 0 : index
      %swap3A_478 = tpu.vector_load %arg11[%swap3A_476, %swap3A_477] {strides = array<i32>} : memref<128x128xf32, #tpu.memory_space<vmem>>, vector<1x16xf32>,
      %swap3A_479 = vector.shape_cast %swap3A_478 : vector<1x16xf32> to vector<16xf32>
      %swap3A_480 = vector.shape_cast %mul3A_474 : vector<16xf32> to vector<1x16xf32>
      tpu.vector_store %arg11[%swap3A_476, %swap3A_477], %swap3A_480 {strides = array<i32>} : memref<128x128xf32, #tpu.memory_space<vmem>>, vector<1x16xf32>,
      %get3A_481 = arith.constant 27 : i32
      %get3A_482 = arith.index_cast %get3A_481 : i32 to index
      %get3A_483 = arith.constant 0 : index
      %get3A_484 = tpu.vector_load %arg11[%get3A_482, %get3A_483] {strides = array<i32>} : memref<128x128xf32, #tpu.memory_space<vmem>>, vector<1x16xf32>,
      %get3A_485 = vector.shape_cast %get3A_484 : vector<1x16xf32> to vector<16xf32>
      %get3A_486 = arith.constant 27 : i32
      %get3A_487 = arith.index_cast %get3A_486 : i32 to index
      %get3A_488 = arith.constant 0 : index
      %get3A_489 = tpu.vector_load %arg10[%get3A_487, %get3A_488] {strides = array<i32>} : memref<128x16xf32, #tpu.memory_space<vmem>>, vector<1x16xf32>,
      %get3A_490 = vector.shape_cast %get3A_489 : vector<1x16xf32> to vector<16xf32>
      %mul3A_491 = arith.mulf %get3A_485, %get3A_490 : vector<16xf32>
      %swap3A_492 = arith.constant 27 : i32
      %swap3A_493 = arith.index_cast %swap3A_492 : i32 to index
      %swap3A_494 = arith.constant 0 : index
      %swap3A_495 = tpu.vector_load %arg11[%swap3A_493, %swap3A_494] {strides = array<i32>} : memref<128x128xf32, #tpu.memory_space<vmem>>, vector<1x16xf32>,
      %swap3A_496 = vector.shape_cast %swap3A_495 : vector<1x16xf32> to vector<16xf32>
      %swap3A_497 = vector.shape_cast %mul3A_491 : vector<16xf32> to vector<1x16xf32>
      tpu.vector_store %arg11[%swap3A_493, %swap3A_494], %swap3A_497 {strides = array<i32>} : memref<128x128xf32, #tpu.memory_space<vmem>>, vector<1x16xf32>,
      %get3A_498 = arith.constant 28 : i32
      %get3A_499 = arith.index_cast %get3A_498 : i32 to index
      %get3A_500 = arith.constant 0 : index
      %get3A_501 = tpu.vector_load %arg11[%get3A_499, %get3A_500] {strides = array<i32>} : memref<128x128xf32, #tpu.memory_space<vmem>>, vector<1x16xf32>,
      %get3A_502 = vector.shape_cast %get3A_501 : vector<1x16xf32> to vector<16xf32>
      %get3A_503 = arith.constant 28 : i32
      %get3A_504 = arith.index_cast %get3A_503 : i32 to index
      %get3A_505 = arith.constant 0 : index
      %get3A_506 = tpu.vector_load %arg10[%get3A_504, %get3A_505] {strides = array<i32>} : memref<128x16xf32, #tpu.memory_space<vmem>>, vector<1x16xf32>,
      %get3A_507 = vector.shape_cast %get3A_506 : vector<1x16xf32> to vector<16xf32>
      %mul3A_508 = arith.mulf %get3A_502, %get3A_507 : vector<16xf32>
      %swap3A_509 = arith.constant 28 : i32
      %swap3A_510 = arith.index_cast %swap3A_509 : i32 to index
      %swap3A_511 = arith.constant 0 : index
      %swap3A_512 = tpu.vector_load %arg11[%swap3A_510, %swap3A_511] {strides = array<i32>} : memref<128x128xf32, #tpu.memory_space<vmem>>, vector<1x16xf32>,
      %swap3A_513 = vector.shape_cast %swap3A_512 : vector<1x16xf32> to vector<16xf32>
      %swap3A_514 = vector.shape_cast %mul3A_508 : vector<16xf32> to vector<1x16xf32>
      tpu.vector_store %arg11[%swap3A_510, %swap3A_511], %swap3A_514 {strides = array<i32>} : memref<128x128xf32, #tpu.memory_space<vmem>>, vector<1x16xf32>,
      %get3A_515 = arith.constant 29 : i32
      %get3A_516 = arith.index_cast %get3A_515 : i32 to index
      %get3A_517 = arith.constant 0 : index
      %get3A_518 = tpu.vector_load %arg11[%get3A_516, %get3A_517] {strides = array<i32>} : memref<128x128xf32, #tpu.memory_space<vmem>>, vector<1x16xf32>,
      %get3A_519 = vector.shape_cast %get3A_518 : vector<1x16xf32> to vector<16xf32>
      %get3A_520 = arith.constant 29 : i32
      %get3A_521 = arith.index_cast %get3A_520 : i32 to index
      %get3A_522 = arith.constant 0 : index
      %get3A_523 = tpu.vector_load %arg10[%get3A_521, %get3A_522] {strides = array<i32>} : memref<128x16xf32, #tpu.memory_space<vmem>>, vector<1x16xf32>,
      %get3A_524 = vector.shape_cast %get3A_523 : vector<1x16xf32> to vector<16xf32>
      %mul3A_525 = arith.mulf %get3A_519, %get3A_524 : vector<16xf32>
      %swap3A_526 = arith.constant 29 : i32
      %swap3A_527 = arith.index_cast %swap3A_526 : i32 to index
      %swap3A_528 = arith.constant 0 : index
      %swap3A_529 = tpu.vector_load %arg11[%swap3A_527, %swap3A_528] {strides = array<i32>} : memref<128x128xf32, #tpu.memory_space<vmem>>, vector<1x16xf32>,
      %swap3A_530 = vector.shape_cast %swap3A_529 : vector<1x16xf32> to vector<16xf32>
      %swap3A_531 = vector.shape_cast %mul3A_525 : vector<16xf32> to vector<1x16xf32>
      tpu.vector_store %arg11[%swap3A_527, %swap3A_528], %swap3A_531 {strides = array<i32>} : memref<128x128xf32, #tpu.memory_space<vmem>>, vector<1x16xf32>,
      %get3A_532 = arith.constant 30 : i32
      %get3A_533 = arith.index_cast %get3A_532 : i32 to index
      %get3A_534 = arith.constant 0 : index
      %get3A_535 = tpu.vector_load %arg11[%get3A_533, %get3A_534] {strides = array<i32>} : memref<128x128xf32, #tpu.memory_space<vmem>>, vector<1x16xf32>,
      %get3A_536 = vector.shape_cast %get3A_535 : vector<1x16xf32> to vector<16xf32>
      %get3A_537 = arith.constant 30 : i32
      %get3A_538 = arith.index_cast %get3A_537 : i32 to index
      %get3A_539 = arith.constant 0 : index
      %get3A_540 = tpu.vector_load %arg10[%get3A_538, %get3A_539] {strides = array<i32>} : memref<128x16xf32, #tpu.memory_space<vmem>>, vector<1x16xf32>,
      %get3A_541 = vector.shape_cast %get3A_540 : vector<1x16xf32> to vector<16xf32>
      %mul3A_542 = arith.mulf %get3A_536, %get3A_541 : vector<16xf32>
      %swap3A_543 = arith.constant 30 : i32
      %swap3A_544 = arith.index_cast %swap3A_543 : i32 to index
      %swap3A_545 = arith.constant 0 : index
      %swap3A_546 = tpu.vector_load %arg11[%swap3A_544, %swap3A_545] {strides = array<i32>} : memref<128x128xf32, #tpu.memory_space<vmem>>, vector<1x16xf32>,
      %swap3A_547 = vector.shape_cast %swap3A_546 : vector<1x16xf32> to vector<16xf32>
      %swap3A_548 = vector.shape_cast %mul3A_542 : vector<16xf32> to vector<1x16xf32>
      tpu.vector_store %arg11[%swap3A_544, %swap3A_545], %swap3A_548 {strides = array<i32>} : memref<128x128xf32, #tpu.memory_space<vmem>>, vector<1x16xf32>,
      %get3A_549 = arith.constant 31 : i32
      %get3A_550 = arith.index_cast %get3A_549 : i32 to index
      %get3A_551 = arith.constant 0 : index
      %get3A_552 = tpu.vector_load %arg11[%get3A_550, %get3A_551] {strides = array<i32>} : memref<128x128xf32, #tpu.memory_space<vmem>>, vector<1x16xf32>,
      %get3A_553 = vector.shape_cast %get3A_552 : vector<1x16xf32> to vector<16xf32>
      %get3A_554 = arith.constant 31 : i32
      %get3A_555 = arith.index_cast %get3A_554 : i32 to index
      %get3A_556 = arith.constant 0 : index
      %get3A_557 = tpu.vector_load %arg10[%get3A_555, %get3A_556] {strides = array<i32>} : memref<128x16xf32, #tpu.memory_space<vmem>>, vector<1x16xf32>,
      %get3A_558 = vector.shape_cast %get3A_557 : vector<1x16xf32> to vector<16xf32>
      %mul3A_559 = arith.mulf %get3A_553, %get3A_558 : vector<16xf32>
      %swap3A_560 = arith.constant 31 : i32
      %swap3A_561 = arith.index_cast %swap3A_560 : i32 to index
      %swap3A_562 = arith.constant 0 : index
      %swap3A_563 = tpu.vector_load %arg11[%swap3A_561, %swap3A_562] {strides = array<i32>} : memref<128x128xf32, #tpu.memory_space<vmem>>, vector<1x16xf32>,
      %swap3A_564 = vector.shape_cast %swap3A_563 : vector<1x16xf32> to vector<16xf32>
      %swap3A_565 = vector.shape_cast %mul3A_559 : vector<16xf32> to vector<1x16xf32>
      tpu.vector_store %arg11[%swap3A_561, %swap3A_562], %swap3A_565 {strides = array<i32>} : memref<128x128xf32, #tpu.memory_space<vmem>>, vector<1x16xf32>,
      %get3A_566 = arith.constant 32 : i32
      %get3A_567 = arith.index_cast %get3A_566 : i32 to index
      %get3A_568 = arith.constant 0 : index
      %get3A_569 = tpu.vector_load %arg11[%get3A_567, %get3A_568] {strides = array<i32>} : memref<128x128xf32, #tpu.memory_space<vmem>>, vector<1x16xf32>,
      %get3A_570 = vector.shape_cast %get3A_569 : vector<1x16xf32> to vector<16xf32>
      %get3A_571 = arith.constant 32 : i32
      %get3A_572 = arith.index_cast %get3A_571 : i32 to index
      %get3A_573 = arith.constant 0 : index
      %get3A_574 = tpu.vector_load %arg10[%get3A_572, %get3A_573] {strides = array<i32>} : memref<128x16xf32, #tpu.memory_space<vmem>>, vector<1x16xf32>,
      %get3A_575 = vector.shape_cast %get3A_574 : vector<1x16xf32> to vector<16xf32>
      %mul3A_576 = arith.mulf %get3A_570, %get3A_575 : vector<16xf32>
      %swap3A_577 = arith.constant 32 : i32
      %swap3A_578 = arith.index_cast %swap3A_577 : i32 to index
      %swap3A_579 = arith.constant 0 : index
      %swap3A_580 = tpu.vector_load %arg11[%swap3A_578, %swap3A_579] {strides = array<i32>} : memref<128x128xf32, #tpu.memory_space<vmem>>, vector<1x16xf32>,
      %swap3A_581 = vector.shape_cast %swap3A_580 : vector<1x16xf32> to vector<16xf32>
      %swap3A_582 = vector.shape_cast %mul3A_576 : vector<16xf32> to vector<1x16xf32>
      tpu.vector_store %arg11[%swap3A_578, %swap3A_579], %swap3A_582 {strides = array<i32>} : memref<128x128xf32, #tpu.memory_space<vmem>>, vector<1x16xf32>,
      %get3A_583 = arith.constant 33 : i32
      %get3A_584 = arith.index_cast %get3A_583 : i32 to index
      %get3A_585 = arith.constant 0 : index
      %get3A_586 = tpu.vector_load %arg11[%get3A_584, %get3A_585] {strides = array<i32>} : memref<128x128xf32, #tpu.memory_space<vmem>>, vector<1x16xf32>,
      %get3A_587 = vector.shape_cast %get3A_586 : vector<1x16xf32> to vector<16xf32>
      %get3A_588 = arith.constant 33 : i32
      %get3A_589 = arith.index_cast %get3A_588 : i32 to index
      %get3A_590 = arith.constant 0 : index
      %get3A_591 = tpu.vector_load %arg10[%get3A_589, %get3A_590] {strides = array<i32>} : memref<128x16xf32, #tpu.memory_space<vmem>>, vector<1x16xf32>,
      %get3A_592 = vector.shape_cast %get3A_591 : vector<1x16xf32> to vector<16xf32>
      %mul3A_593 = arith.mulf %get3A_587, %get3A_592 : vector<16xf32>
      %swap3A_594 = arith.constant 33 : i32
      %swap3A_595 = arith.index_cast %swap3A_594 : i32 to index
      %swap3A_596 = arith.constant 0 : index
      %swap3A_597 = tpu.vector_load %arg11[%swap3A_595, %swap3A_596] {strides = array<i32>} : memref<128x128xf32, #tpu.memory_space<vmem>>, vector<1x16xf32>,
      %swap3A_598 = vector.shape_cast %swap3A_597 : vector<1x16xf32> to vector<16xf32>
      %swap3A_599 = vector.shape_cast %mul3A_593 : vector<16xf32> to vector<1x16xf32>
      tpu.vector_store %arg11[%swap3A_595, %swap3A_596], %swap3A_599 {strides = array<i32>} : memref<128x128xf32, #tpu.memory_space<vmem>>, vector<1x16xf32>,
      %get3A_600 = arith.constant 34 : i32
      %get3A_601 = arith.index_cast %get3A_600 : i32 to index
      %get3A_602 = arith.constant 0 : index
      %get3A_603 = tpu.vector_load %arg11[%get3A_601, %get3A_602] {strides = array<i32>} : memref<128x128xf32, #tpu.memory_space<vmem>>, vector<1x16xf32>,
      %get3A_604 = vector.shape_cast %get3A_603 : vector<1x16xf32> to vector<16xf32>
      %get3A_605 = arith.constant 34 : i32
      %get3A_606 = arith.index_cast %get3A_605 : i32 to index
      %get3A_607 = arith.constant 0 : index
      %get3A_608 = tpu.vector_load %arg10[%get3A_606, %get3A_607] {strides = array<i32>} : memref<128x16xf32, #tpu.memory_space<vmem>>, vector<1x16xf32>,
      %get3A_609 = vector.shape_cast %get3A_608 : vector<1x16xf32> to vector<16xf32>
      %mul3A_610 = arith.mulf %get3A_604, %get3A_609 : vector<16xf32>
      %swap3A_611 = arith.constant 34 : i32
      %swap3A_612 = arith.index_cast %swap3A_611 : i32 to index
      %swap3A_613 = arith.constant 0 : index
      %swap3A_614 = tpu.vector_load %arg11[%swap3A_612, %swap3A_613] {strides = array<i32>} : memref<128x128xf32, #tpu.memory_space<vmem>>, vector<1x16xf32>,
      %swap3A_615 = vector.shape_cast %swap3A_614 : vector<1x16xf32> to vector<16xf32>
      %swap3A_616 = vector.shape_cast %mul3A_610 : vector<16xf32> to vector<1x16xf32>
      tpu.vector_store %arg11[%swap3A_612, %swap3A_613], %swap3A_616 {strides = array<i32>} : memref<128x128xf32, #tpu.memory_space<vmem>>, vector<1x16xf32>,
      %get3A_617 = arith.constant 35 : i32
      %get3A_618 = arith.index_cast %get3A_617 : i32 to index
      %get3A_619 = arith.constant 0 : index
      %get3A_620 = tpu.vector_load %arg11[%get3A_618, %get3A_619] {strides = array<i32>} : memref<128x128xf32, #tpu.memory_space<vmem>>, vector<1x16xf32>,
      %get3A_621 = vector.shape_cast %get3A_620 : vector<1x16xf32> to vector<16xf32>
      %get3A_622 = arith.constant 35 : i32
      %get3A_623 = arith.index_cast %get3A_622 : i32 to index
      %get3A_624 = arith.constant 0 : index
      %get3A_625 = tpu.vector_load %arg10[%get3A_623, %get3A_624] {strides = array<i32>} : memref<128x16xf32, #tpu.memory_space<vmem>>, vector<1x16xf32>,
      %get3A_626 = vector.shape_cast %get3A_625 : vector<1x16xf32> to vector<16xf32>
      %mul3A_627 = arith.mulf %get3A_621, %get3A_626 : vector<16xf32>
      %swap3A_628 = arith.constant 35 : i32
      %swap3A_629 = arith.index_cast %swap3A_628 : i32 to index
      %swap3A_630 = arith.constant 0 : index
      %swap3A_631 = tpu.vector_load %arg11[%swap3A_629, %swap3A_630] {strides = array<i32>} : memref<128x128xf32, #tpu.memory_space<vmem>>, vector<1x16xf32>,
      %swap3A_632 = vector.shape_cast %swap3A_631 : vector<1x16xf32> to vector<16xf32>
      %swap3A_633 = vector.shape_cast %mul3A_627 : vector<16xf32> to vector<1x16xf32>
      tpu.vector_store %arg11[%swap3A_629, %swap3A_630], %swap3A_633 {strides = array<i32>} : memref<128x128xf32, #tpu.memory_space<vmem>>, vector<1x16xf32>,
      %get3A_634 = arith.constant 36 : i32
      %get3A_635 = arith.index_cast %get3A_634 : i32 to index
      %get3A_636 = arith.constant 0 : index
      %get3A_637 = tpu.vector_load %arg11[%get3A_635, %get3A_636] {strides = array<i32>} : memref<128x128xf32, #tpu.memory_space<vmem>>, vector<1x16xf32>,
      %get3A_638 = vector.shape_cast %get3A_637 : vector<1x16xf32> to vector<16xf32>
      %get3A_639 = arith.constant 36 : i32
      %get3A_640 = arith.index_cast %get3A_639 : i32 to index
      %get3A_641 = arith.constant 0 : index
      %get3A_642 = tpu.vector_load %arg10[%get3A_640, %get3A_641] {strides = array<i32>} : memref<128x16xf32, #tpu.memory_space<vmem>>, vector<1x16xf32>,
      %get3A_643 = vector.shape_cast %get3A_642 : vector<1x16xf32> to vector<16xf32>
      %mul3A_644 = arith.mulf %get3A_638, %get3A_643 : vector<16xf32>
      %swap3A_645 = arith.constant 36 : i32
      %swap3A_646 = arith.index_cast %swap3A_645 : i32 to index
      %swap3A_647 = arith.constant 0 : index
      %swap3A_648 = tpu.vector_load %arg11[%swap3A_646, %swap3A_647] {strides = array<i32>} : memref<128x128xf32, #tpu.memory_space<vmem>>, vector<1x16xf32>,
      %swap3A_649 = vector.shape_cast %swap3A_648 : vector<1x16xf32> to vector<16xf32>
      %swap3A_650 = vector.shape_cast %mul3A_644 : vector<16xf32> to vector<1x16xf32>
      tpu.vector_store %arg11[%swap3A_646, %swap3A_647], %swap3A_650 {strides = array<i32>} : memref<128x128xf32, #tpu.memory_space<vmem>>, vector<1x16xf32>,
      %get3A_651 = arith.constant 37 : i32
      %get3A_652 = arith.index_cast %get3A_651 : i32 to index
      %get3A_653 = arith.constant 0 : index
      %get3A_654 = tpu.vector_load %arg11[%get3A_652, %get3A_653] {strides = array<i32>} : memref<128x128xf32, #tpu.memory_space<vmem>>, vector<1x16xf32>,
      %get3A_655 = vector.shape_cast %get3A_654 : vector<1x16xf32> to vector<16xf32>
      %get3A_656 = arith.constant 37 : i32
      %get3A_657 = arith.index_cast %get3A_656 : i32 to index
      %get3A_658 = arith.constant 0 : index
      %get3A_659 = tpu.vector_load %arg10[%get3A_657, %get3A_658] {strides = array<i32>} : memref<128x16xf32, #tpu.memory_space<vmem>>, vector<1x16xf32>,
      %get3A_660 = vector.shape_cast %get3A_659 : vector<1x16xf32> to vector<16xf32>
      %mul3A_661 = arith.mulf %get3A_655, %get3A_660 : vector<16xf32>
      %swap3A_662 = arith.constant 37 : i32
      %swap3A_663 = arith.index_cast %swap3A_662 : i32 to index
      %swap3A_664 = arith.constant 0 : index
      %swap3A_665 = tpu.vector_load %arg11[%swap3A_663, %swap3A_664] {strides = array<i32>} : memref<128x128xf32, #tpu.memory_space<vmem>>, vector<1x16xf32>,
      %swap3A_666 = vector.shape_cast %swap3A_665 : vector<1x16xf32> to vector<16xf32>
      %swap3A_667 = vector.shape_cast %mul3A_661 : vector<16xf32> to vector<1x16xf32>
      tpu.vector_store %arg11[%swap3A_663, %swap3A_664], %swap3A_667 {strides = array<i32>} : memref<128x128xf32, #tpu.memory_space<vmem>>, vector<1x16xf32>,
      %get3A_668 = arith.constant 38 : i32
      %get3A_669 = arith.index_cast %get3A_668 : i32 to index
      %get3A_670 = arith.constant 0 : index
      %get3A_671 = tpu.vector_load %arg11[%get3A_669, %get3A_670] {strides = array<i32>} : memref<128x128xf32, #tpu.memory_space<vmem>>, vector<1x16xf32>,
      %get3A_672 = vector.shape_cast %get3A_671 : vector<1x16xf32> to vector<16xf32>
      %get3A_673 = arith.constant 38 : i32
      %get3A_674 = arith.index_cast %get3A_673 : i32 to index
      %get3A_675 = arith.constant 0 : index
      %get3A_676 = tpu.vector_load %arg10[%get3A_674, %get3A_675] {strides = array<i32>} : memref<128x16xf32, #tpu.memory_space<vmem>>, vector<1x16xf32>,
      %get3A_677 = vector.shape_cast %get3A_676 : vector<1x16xf32> to vector<16xf32>
      %mul3A_678 = arith.mulf %get3A_672, %get3A_677 : vector<16xf32>
      %swap3A_679 = arith.constant 38 : i32
      %swap3A_680 = arith.index_cast %swap3A_679 : i32 to index
      %swap3A_681 = arith.constant 0 : index
      %swap3A_682 = tpu.vector_load %arg11[%swap3A_680, %swap3A_681] {strides = array<i32>} : memref<128x128xf32, #tpu.memory_space<vmem>>, vector<1x16xf32>,
      %swap3A_683 = vector.shape_cast %swap3A_682 : vector<1x16xf32> to vector<16xf32>
      %swap3A_684 = vector.shape_cast %mul3A_678 : vector<16xf32> to vector<1x16xf32>
      tpu.vector_store %arg11[%swap3A_680, %swap3A_681], %swap3A_684 {strides = array<i32>} : memref<128x128xf32, #tpu.memory_space<vmem>>, vector<1x16xf32>,
      %get3A_685 = arith.constant 39 : i32
      %get3A_686 = arith.index_cast %get3A_685 : i32 to index
      %get3A_687 = arith.constant 0 : index
      %get3A_688 = tpu.vector_load %arg11[%get3A_686, %get3A_687] {strides = array<i32>} : memref<128x128xf32, #tpu.memory_space<vmem>>, vector<1x16xf32>,
      %get3A_689 = vector.shape_cast %get3A_688 : vector<1x16xf32> to vector<16xf32>
      %get3A_690 = arith.constant 39 : i32
      %get3A_691 = arith.index_cast %get3A_690 : i32 to index
      %get3A_692 = arith.constant 0 : index
      %get3A_693 = tpu.vector_load %arg10[%get3A_691, %get3A_692] {strides = array<i32>} : memref<128x16xf32, #tpu.memory_space<vmem>>, vector<1x16xf32>,
      %get3A_694 = vector.shape_cast %get3A_693 : vector<1x16xf32> to vector<16xf32>
      %mul3A_695 = arith.mulf %get3A_689, %get3A_694 : vector<16xf32>
      %swap3A_696 = arith.constant 39 : i32
      %swap3A_697 = arith.index_cast %swap3A_696 : i32 to index
      %swap3A_698 = arith.constant 0 : index
      %swap3A_699 = tpu.vector_load %arg11[%swap3A_697, %swap3A_698] {strides = array<i32>} : memref<128x128xf32, #tpu.memory_space<vmem>>, vector<1x16xf32>,
      %swap3A_700 = vector.shape_cast %swap3A_699 : vector<1x16xf32> to vector<16xf32>
      %swap3A_701 = vector.shape_cast %mul3A_695 : vector<16xf32> to vector<1x16xf32>
      tpu.vector_store %arg11[%swap3A_697, %swap3A_698], %swap3A_701 {strides = array<i32>} : memref<128x128xf32, #tpu.memory_space<vmem>>, vector<1x16xf32>,
      %get3A_702 = arith.constant 40 : i32
      %get3A_703 = arith.index_cast %get3A_702 : i32 to index
      %get3A_704 = arith.constant 0 : index
      %get3A_705 = tpu.vector_load %arg11[%get3A_703, %get3A_704] {strides = array<i32>} : memref<128x128xf32, #tpu.memory_space<vmem>>, vector<1x16xf32>,
      %get3A_706 = vector.shape_cast %get3A_705 : vector<1x16xf32> to vector<16xf32>
      %get3A_707 = arith.constant 40 : i32
      %get3A_708 = arith.index_cast %get3A_707 : i32 to index
      %get3A_709 = arith.constant 0 : index
      %get3A_710 = tpu.vector_load %arg10[%get3A_708, %get3A_709] {strides = array<i32>} : memref<128x16xf32, #tpu.memory_space<vmem>>, vector<1x16xf32>,
      %get3A_711 = vector.shape_cast %get3A_710 : vector<1x16xf32> to vector<16xf32>
      %mul3A_712 = arith.mulf %get3A_706, %get3A_711 : vector<16xf32>
      %swap3A_713 = arith.constant 40 : i32
      %swap3A_714 = arith.index_cast %swap3A_713 : i32 to index
      %swap3A_715 = arith.constant 0 : index
      %swap3A_716 = tpu.vector_load %arg11[%swap3A_714, %swap3A_715] {strides = array<i32>} : memref<128x128xf32, #tpu.memory_space<vmem>>, vector<1x16xf32>,
      %swap3A_717 = vector.shape_cast %swap3A_716 : vector<1x16xf32> to vector<16xf32>
      %swap3A_718 = vector.shape_cast %mul3A_712 : vector<16xf32> to vector<1x16xf32>
      tpu.vector_store %arg11[%swap3A_714, %swap3A_715], %swap3A_718 {strides = array<i32>} : memref<128x128xf32, #tpu.memory_space<vmem>>, vector<1x16xf32>,
      %get3A_719 = arith.constant 41 : i32
      %get3A_720 = arith.index_cast %get3A_719 : i32 to index
      %get3A_721 = arith.constant 0 : index
      %get3A_722 = tpu.vector_load %arg11[%get3A_720, %get3A_721] {strides = array<i32>} : memref<128x128xf32, #tpu.memory_space<vmem>>, vector<1x16xf32>,
      %get3A_723 = vector.shape_cast %get3A_722 : vector<1x16xf32> to vector<16xf32>
      %get3A_724 = arith.constant 41 : i32
      %get3A_725 = arith.index_cast %get3A_724 : i32 to index
      %get3A_726 = arith.constant 0 : index
      %get3A_727 = tpu.vector_load %arg10[%get3A_725, %get3A_726] {strides = array<i32>} : memref<128x16xf32, #tpu.memory_space<vmem>>, vector<1x16xf32>,
      %get3A_728 = vector.shape_cast %get3A_727 : vector<1x16xf32> to vector<16xf32>
      %mul3A_729 = arith.mulf %get3A_723, %get3A_728 : vector<16xf32>
      %swap3A_730 = arith.constant 41 : i32
      %swap3A_731 = arith.index_cast %swap3A_730 : i32 to index
      %swap3A_732 = arith.constant 0 : index
      %swap3A_733 = tpu.vector_load %arg11[%swap3A_731, %swap3A_732] {strides = array<i32>} : memref<128x128xf32, #tpu.memory_space<vmem>>, vector<1x16xf32>,
      %swap3A_734 = vector.shape_cast %swap3A_733 : vector<1x16xf32> to vector<16xf32>
      %swap3A_735 = vector.shape_cast %mul3A_729 : vector<16xf32> to vector<1x16xf32>
      tpu.vector_store %arg11[%swap3A_731, %swap3A_732], %swap3A_735 {strides = array<i32>} : memref<128x128xf32, #tpu.memory_space<vmem>>, vector<1x16xf32>,
      %get3A_736 = arith.constant 42 : i32
      %get3A_737 = arith.index_cast %get3A_736 : i32 to index
      %get3A_738 = arith.constant 0 : index
      %get3A_739 = tpu.vector_load %arg11[%get3A_737, %get3A_738] {strides = array<i32>} : memref<128x128xf32, #tpu.memory_space<vmem>>, vector<1x16xf32>,
      %get3A_740 = vector.shape_cast %get3A_739 : vector<1x16xf32> to vector<16xf32>
      %get3A_741 = arith.constant 42 : i32
      %get3A_742 = arith.index_cast %get3A_741 : i32 to index
      %get3A_743 = arith.constant 0 : index
      %get3A_744 = tpu.vector_load %arg10[%get3A_742, %get3A_743] {strides = array<i32>} : memref<128x16xf32, #tpu.memory_space<vmem>>, vector<1x16xf32>,
      %get3A_745 = vector.shape_cast %get3A_744 : vector<1x16xf32> to vector<16xf32>
      %mul3A_746 = arith.mulf %get3A_740, %get3A_745 : vector<16xf32>
      %swap3A_747 = arith.constant 42 : i32
      %swap3A_748 = arith.index_cast %swap3A_747 : i32 to index
      %swap3A_749 = arith.constant 0 : index
      %swap3A_750 = tpu.vector_load %arg11[%swap3A_748, %swap3A_749] {strides = array<i32>} : memref<128x128xf32, #tpu.memory_space<vmem>>, vector<1x16xf32>,
      %swap3A_751 = vector.shape_cast %swap3A_750 : vector<1x16xf32> to vector<16xf32>
      %swap3A_752 = vector.shape_cast %mul3A_746 : vector<16xf32> to vector<1x16xf32>
      tpu.vector_store %arg11[%swap3A_748, %swap3A_749], %swap3A_752 {strides = array<i32>} : memref<128x128xf32, #tpu.memory_space<vmem>>, vector<1x16xf32>,
      %get3A_753 = arith.constant 43 : i32
      %get3A_754 = arith.index_cast %get3A_753 : i32 to index
      %get3A_755 = arith.constant 0 : index
      %get3A_756 = tpu.vector_load %arg11[%get3A_754, %get3A_755] {strides = array<i32>} : memref<128x128xf32, #tpu.memory_space<vmem>>, vector<1x16xf32>,
      %get3A_757 = vector.shape_cast %get3A_756 : vector<1x16xf32> to vector<16xf32>
      %get3A_758 = arith.constant 43 : i32
      %get3A_759 = arith.index_cast %get3A_758 : i32 to index
      %get3A_760 = arith.constant 0 : index
      %get3A_761 = tpu.vector_load %arg10[%get3A_759, %get3A_760] {strides = array<i32>} : memref<128x16xf32, #tpu.memory_space<vmem>>, vector<1x16xf32>,
      %get3A_762 = vector.shape_cast %get3A_761 : vector<1x16xf32> to vector<16xf32>
      %mul3A_763 = arith.mulf %get3A_757, %get3A_762 : vector<16xf32>
      %swap3A_764 = arith.constant 43 : i32
      %swap3A_765 = arith.index_cast %swap3A_764 : i32 to index
      %swap3A_766 = arith.constant 0 : index
      %swap3A_767 = tpu.vector_load %arg11[%swap3A_765, %swap3A_766] {strides = array<i32>} : memref<128x128xf32, #tpu.memory_space<vmem>>, vector<1x16xf32>,
      %swap3A_768 = vector.shape_cast %swap3A_767 : vector<1x16xf32> to vector<16xf32>
      %swap3A_769 = vector.shape_cast %mul3A_763 : vector<16xf32> to vector<1x16xf32>
      tpu.vector_store %arg11[%swap3A_765, %swap3A_766], %swap3A_769 {strides = array<i32>} : memref<128x128xf32, #tpu.memory_space<vmem>>, vector<1x16xf32>,
      %get3A_770 = arith.constant 44 : i32
      %get3A_771 = arith.index_cast %get3A_770 : i32 to index
      %get3A_772 = arith.constant 0 : index
      %get3A_773 = tpu.vector_load %arg11[%get3A_771, %get3A_772] {strides = array<i32>} : memref<128x128xf32, #tpu.memory_space<vmem>>, vector<1x16xf32>,
      %get3A_774 = vector.shape_cast %get3A_773 : vector<1x16xf32> to vector<16xf32>
      %get3A_775 = arith.constant 44 : i32
      %get3A_776 = arith.index_cast %get3A_775 : i32 to index
      %get3A_777 = arith.constant 0 : index
      %get3A_778 = tpu.vector_load %arg10[%get3A_776, %get3A_777] {strides = array<i32>} : memref<128x16xf32, #tpu.memory_space<vmem>>, vector<1x16xf32>,
      %get3A_779 = vector.shape_cast %get3A_778 : vector<1x16xf32> to vector<16xf32>
      %mul3A_780 = arith.mulf %get3A_774, %get3A_779 : vector<16xf32>
      %swap3A_781 = arith.constant 44 : i32
      %swap3A_782 = arith.index_cast %swap3A_781 : i32 to index
      %swap3A_783 = arith.constant 0 : index
      %swap3A_784 = tpu.vector_load %arg11[%swap3A_782, %swap3A_783] {strides = array<i32>} : memref<128x128xf32, #tpu.memory_space<vmem>>, vector<1x16xf32>,
      %swap3A_785 = vector.shape_cast %swap3A_784 : vector<1x16xf32> to vector<16xf32>
      %swap3A_786 = vector.shape_cast %mul3A_780 : vector<16xf32> to vector<1x16xf32>
      tpu.vector_store %arg11[%swap3A_782, %swap3A_783], %swap3A_786 {strides = array<i32>} : memref<128x128xf32, #tpu.memory_space<vmem>>, vector<1x16xf32>,
      %get3A_787 = arith.constant 45 : i32
      %get3A_788 = arith.index_cast %get3A_787 : i32 to index
      %get3A_789 = arith.constant 0 : index
      %get3A_790 = tpu.vector_load %arg11[%get3A_788, %get3A_789] {strides = array<i32>} : memref<128x128xf32, #tpu.memory_space<vmem>>, vector<1x16xf32>,
      %get3A_791 = vector.shape_cast %get3A_790 : vector<1x16xf32> to vector<16xf32>
      %get3A_792 = arith.constant 45 : i32
      %get3A_793 = arith.index_cast %get3A_792 : i32 to index
      %get3A_794 = arith.constant 0 : index
      %get3A_795 = tpu.vector_load %arg10[%get3A_793, %get3A_794] {strides = array<i32>} : memref<128x16xf32, #tpu.memory_space<vmem>>, vector<1x16xf32>,
      %get3A_796 = vector.shape_cast %get3A_795 : vector<1x16xf32> to vector<16xf32>
      %mul3A_797 = arith.mulf %get3A_791, %get3A_796 : vector<16xf32>
      %swap3A_798 = arith.constant 45 : i32
      %swap3A_799 = arith.index_cast %swap3A_798 : i32 to index
      %swap3A_800 = arith.constant 0 : index
      %swap3A_801 = tpu.vector_load %arg11[%swap3A_799, %swap3A_800] {strides = array<i32>} : memref<128x128xf32, #tpu.memory_space<vmem>>, vector<1x16xf32>,
      %swap3A_802 = vector.shape_cast %swap3A_801 : vector<1x16xf32> to vector<16xf32>
      %swap3A_803 = vector.shape_cast %mul3A_797 : vector<16xf32> to vector<1x16xf32>
      tpu.vector_store %arg11[%swap3A_799, %swap3A_800], %swap3A_803 {strides = array<i32>} : memref<128x128xf32, #tpu.memory_space<vmem>>, vector<1x16xf32>,
      %get3A_804 = arith.constant 46 : i32
      %get3A_805 = arith.index_cast %get3A_804 : i32 to index
      %get3A_806 = arith.constant 0 : index
      %get3A_807 = tpu.vector_load %arg11[%get3A_805, %get3A_806] {strides = array<i32>} : memref<128x128xf32, #tpu.memory_space<vmem>>, vector<1x16xf32>,
      %get3A_808 = vector.shape_cast %get3A_807 : vector<1x16xf32> to vector<16xf32>
      %get3A_809 = arith.constant 46 : i32
      %get3A_810 = arith.index_cast %get3A_809 : i32 to index
      %get3A_811 = arith.constant 0 : index
      %get3A_812 = tpu.vector_load %arg10[%get3A_810, %get3A_811] {strides = array<i32>} : memref<128x16xf32, #tpu.memory_space<vmem>>, vector<1x16xf32>,
      %get3A_813 = vector.shape_cast %get3A_812 : vector<1x16xf32> to vector<16xf32>
      %mul3A_814 = arith.mulf %get3A_808, %get3A_813 : vector<16xf32>
      %swap3A_815 = arith.constant 46 : i32
      %swap3A_816 = arith.index_cast %swap3A_815 : i32 to index
      %swap3A_817 = arith.constant 0 : index
      %swap3A_818 = tpu.vector_load %arg11[%swap3A_816, %swap3A_817] {strides = array<i32>} : memref<128x128xf32, #tpu.memory_space<vmem>>, vector<1x16xf32>,
      %swap3A_819 = vector.shape_cast %swap3A_818 : vector<1x16xf32> to vector<16xf32>
      %swap3A_820 = vector.shape_cast %mul3A_814 : vector<16xf32> to vector<1x16xf32>
      tpu.vector_store %arg11[%swap3A_816, %swap3A_817], %swap3A_820 {strides = array<i32>} : memref<128x128xf32, #tpu.memory_space<vmem>>, vector<1x16xf32>,
      %get3A_821 = arith.constant 47 : i32
      %get3A_822 = arith.index_cast %get3A_821 : i32 to index
      %get3A_823 = arith.constant 0 : index
      %get3A_824 = tpu.vector_load %arg11[%get3A_822, %get3A_823] {strides = array<i32>} : memref<128x128xf32, #tpu.memory_space<vmem>>, vector<1x16xf32>,
      %get3A_825 = vector.shape_cast %get3A_824 : vector<1x16xf32> to vector<16xf32>
      %get3A_826 = arith.constant 47 : i32
      %get3A_827 = arith.index_cast %get3A_826 : i32 to index
      %get3A_828 = arith.constant 0 : index
      %get3A_829 = tpu.vector_load %arg10[%get3A_827, %get3A_828] {strides = array<i32>} : memref<128x16xf32, #tpu.memory_space<vmem>>, vector<1x16xf32>,
      %get3A_830 = vector.shape_cast %get3A_829 : vector<1x16xf32> to vector<16xf32>
      %mul3A_831 = arith.mulf %get3A_825, %get3A_830 : vector<16xf32>
      %swap3A_832 = arith.constant 47 : i32
      %swap3A_833 = arith.index_cast %swap3A_832 : i32 to index
      %swap3A_834 = arith.constant 0 : index
      %swap3A_835 = tpu.vector_load %arg11[%swap3A_833, %swap3A_834] {strides = array<i32>} : memref<128x128xf32, #tpu.memory_space<vmem>>, vector<1x16xf32>,
      %swap3A_836 = vector.shape_cast %swap3A_835 : vector<1x16xf32> to vector<16xf32>
      %swap3A_837 = vector.shape_cast %mul3A_831 : vector<16xf32> to vector<1x16xf32>
      tpu.vector_store %arg11[%swap3A_833, %swap3A_834], %swap3A_837 {strides = array<i32>} : memref<128x128xf32, #tpu.memory_space<vmem>>, vector<1x16xf32>,
      %get3A_838 = arith.constant 48 : i32
      %get3A_839 = arith.index_cast %get3A_838 : i32 to index
      %get3A_840 = arith.constant 0 : index
      %get3A_841 = tpu.vector_load %arg11[%get3A_839, %get3A_840] {strides = array<i32>} : memref<128x128xf32, #tpu.memory_space<vmem>>, vector<1x16xf32>,
      %get3A_842 = vector.shape_cast %get3A_841 : vector<1x16xf32> to vector<16xf32>
      %get3A_843 = arith.constant 48 : i32
      %get3A_844 = arith.index_cast %get3A_843 : i32 to index
      %get3A_845 = arith.constant 0 : index
      %get3A_846 = tpu.vector_load %arg10[%get3A_844, %get3A_845] {strides = array<i32>} : memref<128x16xf32, #tpu.memory_space<vmem>>, vector<1x16xf32>,
      %get3A_847 = vector.shape_cast %get3A_846 : vector<1x16xf32> to vector<16xf32>
      %mul3A_848 = arith.mulf %get3A_842, %get3A_847 : vector<16xf32>
      %swap3A_849 = arith.constant 48 : i32
      %swap3A_850 = arith.index_cast %swap3A_849 : i32 to index
      %swap3A_851 = arith.constant 0 : index
      %swap3A_852 = tpu.vector_load %arg11[%swap3A_850, %swap3A_851] {strides = array<i32>} : memref<128x128xf32, #tpu.memory_space<vmem>>, vector<1x16xf32>,
      %swap3A_853 = vector.shape_cast %swap3A_852 : vector<1x16xf32> to vector<16xf32>
      %swap3A_854 = vector.shape_cast %mul3A_848 : vector<16xf32> to vector<1x16xf32>
      tpu.vector_store %arg11[%swap3A_850, %swap3A_851], %swap3A_854 {strides = array<i32>} : memref<128x128xf32, #tpu.memory_space<vmem>>, vector<1x16xf32>,
      %get3A_855 = arith.constant 49 : i32
      %get3A_856 = arith.index_cast %get3A_855 : i32 to index
      %get3A_857 = arith.constant 0 : index
      %get3A_858 = tpu.vector_load %arg11[%get3A_856, %get3A_857] {strides = array<i32>} : memref<128x128xf32, #tpu.memory_space<vmem>>, vector<1x16xf32>,
      %get3A_859 = vector.shape_cast %get3A_858 : vector<1x16xf32> to vector<16xf32>
      %get3A_860 = arith.constant 49 : i32
      %get3A_861 = arith.index_cast %get3A_860 : i32 to index
      %get3A_862 = arith.constant 0 : index
      %get3A_863 = tpu.vector_load %arg10[%get3A_861, %get3A_862] {strides = array<i32>} : memref<128x16xf32, #tpu.memory_space<vmem>>, vector<1x16xf32>,
      %get3A_864 = vector.shape_cast %get3A_863 : vector<1x16xf32> to vector<16xf32>
      %mul3A_865 = arith.mulf %get3A_859, %get3A_864 : vector<16xf32>
      %swap3A_866 = arith.constant 49 : i32
      %swap3A_867 = arith.index_cast %swap3A_866 : i32 to index
      %swap3A_868 = arith.constant 0 : index
      %swap3A_869 = tpu.vector_load %arg11[%swap3A_867, %swap3A_868] {strides = array<i32>} : memref<128x128xf32, #tpu.memory_space<vmem>>, vector<1x16xf32>,
      %swap3A_870 = vector.shape_cast %swap3A_869 : vector<1x16xf32> to vector<16xf32>
      %swap3A_871 = vector.shape_cast %mul3A_865 : vector<16xf32> to vector<1x16xf32>
      tpu.vector_store %arg11[%swap3A_867, %swap3A_868], %swap3A_871 {strides = array<i32>} : memref<128x128xf32, #tpu.memory_space<vmem>>, vector<1x16xf32>,
      %get3A_872 = arith.constant 50 : i32
      %get3A_873 = arith.index_cast %get3A_872 : i32 to index
      %get3A_874 = arith.constant 0 : index
      %get3A_875 = tpu.vector_load %arg11[%get3A_873, %get3A_874] {strides = array<i32>} : memref<128x128xf32, #tpu.memory_space<vmem>>, vector<1x16xf32>,
      %get3A_876 = vector.shape_cast %get3A_875 : vector<1x16xf32> to vector<16xf32>
      %get3A_877 = arith.constant 50 : i32
      %get3A_878 = arith.index_cast %get3A_877 : i32 to index
      %get3A_879 = arith.constant 0 : index
      %get3A_880 = tpu.vector_load %arg10[%get3A_878, %get3A_879] {strides = array<i32>} : memref<128x16xf32, #tpu.memory_space<vmem>>, vector<1x16xf32>,
      %get3A_881 = vector.shape_cast %get3A_880 : vector<1x16xf32> to vector<16xf32>
      %mul3A_882 = arith.mulf %get3A_876, %get3A_881 : vector<16xf32>
      %swap3A_883 = arith.constant 50 : i32
      %swap3A_884 = arith.index_cast %swap3A_883 : i32 to index
      %swap3A_885 = arith.constant 0 : index
      %swap3A_886 = tpu.vector_load %arg11[%swap3A_884, %swap3A_885] {strides = array<i32>} : memref<128x128xf32, #tpu.memory_space<vmem>>, vector<1x16xf32>,
      %swap3A_887 = vector.shape_cast %swap3A_886 : vector<1x16xf32> to vector<16xf32>
      %swap3A_888 = vector.shape_cast %mul3A_882 : vector<16xf32> to vector<1x16xf32>
      tpu.vector_store %arg11[%swap3A_884, %swap3A_885], %swap3A_888 {strides = array<i32>} : memref<128x128xf32, #tpu.memory_space<vmem>>, vector<1x16xf32>,
      %get3A_889 = arith.constant 51 : i32
      %get3A_890 = arith.index_cast %get3A_889 : i32 to index
      %get3A_891 = arith.constant 0 : index
      %get3A_892 = tpu.vector_load %arg11[%get3A_890, %get3A_891] {strides = array<i32>} : memref<128x128xf32, #tpu.memory_space<vmem>>, vector<1x16xf32>,
      %get3A_893 = vector.shape_cast %get3A_892 : vector<1x16xf32> to vector<16xf32>
      %get3A_894 = arith.constant 51 : i32
      %get3A_895 = arith.index_cast %get3A_894 : i32 to index
      %get3A_896 = arith.constant 0 : index
      %get3A_897 = tpu.vector_load %arg10[%get3A_895, %get3A_896] {strides = array<i32>} : memref<128x16xf32, #tpu.memory_space<vmem>>, vector<1x16xf32>,
      %get3A_898 = vector.shape_cast %get3A_897 : vector<1x16xf32> to vector<16xf32>
      %mul3A_899 = arith.mulf %get3A_893, %get3A_898 : vector<16xf32>
      %swap3A_900 = arith.constant 51 : i32
      %swap3A_901 = arith.index_cast %swap3A_900 : i32 to index
      %swap3A_902 = arith.constant 0 : index
      %swap3A_903 = tpu.vector_load %arg11[%swap3A_901, %swap3A_902] {strides = array<i32>} : memref<128x128xf32, #tpu.memory_space<vmem>>, vector<1x16xf32>,
      %swap3A_904 = vector.shape_cast %swap3A_903 : vector<1x16xf32> to vector<16xf32>
      %swap3A_905 = vector.shape_cast %mul3A_899 : vector<16xf32> to vector<1x16xf32>
      tpu.vector_store %arg11[%swap3A_901, %swap3A_902], %swap3A_905 {strides = array<i32>} : memref<128x128xf32, #tpu.memory_space<vmem>>, vector<1x16xf32>,
      %get3A_906 = arith.constant 52 : i32
      %get3A_907 = arith.index_cast %get3A_906 : i32 to index
      %get3A_908 = arith.constant 0 : index
      %get3A_909 = tpu.vector_load %arg11[%get3A_907, %get3A_908] {strides = array<i32>} : memref<128x128xf32, #tpu.memory_space<vmem>>, vector<1x16xf32>,
      %get3A_910 = vector.shape_cast %get3A_909 : vector<1x16xf32> to vector<16xf32>
      %get3A_911 = arith.constant 52 : i32
      %get3A_912 = arith.index_cast %get3A_911 : i32 to index
      %get3A_913 = arith.constant 0 : index
      %get3A_914 = tpu.vector_load %arg10[%get3A_912, %get3A_913] {strides = array<i32>} : memref<128x16xf32, #tpu.memory_space<vmem>>, vector<1x16xf32>,
      %get3A_915 = vector.shape_cast %get3A_914 : vector<1x16xf32> to vector<16xf32>
      %mul3A_916 = arith.mulf %get3A_910, %get3A_915 : vector<16xf32>
      %swap3A_917 = arith.constant 52 : i32
      %swap3A_918 = arith.index_cast %swap3A_917 : i32 to index
      %swap3A_919 = arith.constant 0 : index
      %swap3A_920 = tpu.vector_load %arg11[%swap3A_918, %swap3A_919] {strides = array<i32>} : memref<128x128xf32, #tpu.memory_space<vmem>>, vector<1x16xf32>,
      %swap3A_921 = vector.shape_cast %swap3A_920 : vector<1x16xf32> to vector<16xf32>
      %swap3A_922 = vector.shape_cast %mul3A_916 : vector<16xf32> to vector<1x16xf32>
      tpu.vector_store %arg11[%swap3A_918, %swap3A_919], %swap3A_922 {strides = array<i32>} : memref<128x128xf32, #tpu.memory_space<vmem>>, vector<1x16xf32>,
      %get3A_923 = arith.constant 53 : i32
      %get3A_924 = arith.index_cast %get3A_923 : i32 to index
      %get3A_925 = arith.constant 0 : index
      %get3A_926 = tpu.vector_load %arg11[%get3A_924, %get3A_925] {strides = array<i32>} : memref<128x128xf32, #tpu.memory_space<vmem>>, vector<1x16xf32>,
      %get3A_927 = vector.shape_cast %get3A_926 : vector<1x16xf32> to vector<16xf32>
      %get3A_928 = arith.constant 53 : i32
      %get3A_929 = arith.index_cast %get3A_928 : i32 to index
      %get3A_930 = arith.constant 0 : index
      %get3A_931 = tpu.vector_load %arg10[%get3A_929, %get3A_930] {strides = array<i32>} : memref<128x16xf32, #tpu.memory_space<vmem>>, vector<1x16xf32>,
      %get3A_932 = vector.shape_cast %get3A_931 : vector<1x16xf32> to vector<16xf32>
      %mul3A_933 = arith.mulf %get3A_927, %get3A_932 : vector<16xf32>
      %swap3A_934 = arith.constant 53 : i32
      %swap3A_935 = arith.index_cast %swap3A_934 : i32 to index
      %swap3A_936 = arith.constant 0 : index
      %swap3A_937 = tpu.vector_load %arg11[%swap3A_935, %swap3A_936] {strides = array<i32>} : memref<128x128xf32, #tpu.memory_space<vmem>>, vector<1x16xf32>,
      %swap3A_938 = vector.shape_cast %swap3A_937 : vector<1x16xf32> to vector<16xf32>
      %swap3A_939 = vector.shape_cast %mul3A_933 : vector<16xf32> to vector<1x16xf32>
      tpu.vector_store %arg11[%swap3A_935, %swap3A_936], %swap3A_939 {strides = array<i32>} : memref<128x128xf32, #tpu.memory_space<vmem>>, vector<1x16xf32>,
      %get3A_940 = arith.constant 54 : i32
      %get3A_941 = arith.index_cast %get3A_940 : i32 to index
      %get3A_942 = arith.constant 0 : index
      %get3A_943 = tpu.vector_load %arg11[%get3A_941, %get3A_942] {strides = array<i32>} : memref<128x128xf32, #tpu.memory_space<vmem>>, vector<1x16xf32>,
      %get3A_944 = vector.shape_cast %get3A_943 : vector<1x16xf32> to vector<16xf32>
      %get3A_945 = arith.constant 54 : i32
      %get3A_946 = arith.index_cast %get3A_945 : i32 to index
      %get3A_947 = arith.constant 0 : index
      %get3A_948 = tpu.vector_load %arg10[%get3A_946, %get3A_947] {strides = array<i32>} : memref<128x16xf32, #tpu.memory_space<vmem>>, vector<1x16xf32>,
      %get3A_949 = vector.shape_cast %get3A_948 : vector<1x16xf32> to vector<16xf32>
      %mul3A_950 = arith.mulf %get3A_944, %get3A_949 : vector<16xf32>
      %swap3A_951 = arith.constant 54 : i32
      %swap3A_952 = arith.index_cast %swap3A_951 : i32 to index
      %swap3A_953 = arith.constant 0 : index
      %swap3A_954 = tpu.vector_load %arg11[%swap3A_952, %swap3A_953] {strides = array<i32>} : memref<128x128xf32, #tpu.memory_space<vmem>>, vector<1x16xf32>,
      %swap3A_955 = vector.shape_cast %swap3A_954 : vector<1x16xf32> to vector<16xf32>
      %swap3A_956 = vector.shape_cast %mul3A_950 : vector<16xf32> to vector<1x16xf32>
      tpu.vector_store %arg11[%swap3A_952, %swap3A_953], %swap3A_956 {strides = array<i32>} : memref<128x128xf32, #tpu.memory_space<vmem>>, vector<1x16xf32>,
      %get3A_957 = arith.constant 55 : i32
      %get3A_958 = arith.index_cast %get3A_957 : i32 to index
      %get3A_959 = arith.constant 0 : index
      %get3A_960 = tpu.vector_load %arg11[%get3A_958, %get3A_959] {strides = array<i32>} : memref<128x128xf32, #tpu.memory_space<vmem>>, vector<1x16xf32>,
      %get3A_961 = vector.shape_cast %get3A_960 : vector<1x16xf32> to vector<16xf32>
      %get3A_962 = arith.constant 55 : i32
      %get3A_963 = arith.index_cast %get3A_962 : i32 to index
      %get3A_964 = arith.constant 0 : index
      %get3A_965 = tpu.vector_load %arg10[%get3A_963, %get3A_964] {strides = array<i32>} : memref<128x16xf32, #tpu.memory_space<vmem>>, vector<1x16xf32>,
      %get3A_966 = vector.shape_cast %get3A_965 : vector<1x16xf32> to vector<16xf32>
      %mul3A_967 = arith.mulf %get3A_961, %get3A_966 : vector<16xf32>
      %swap3A_968 = arith.constant 55 : i32
      %swap3A_969 = arith.index_cast %swap3A_968 : i32 to index
      %swap3A_970 = arith.constant 0 : index
      %swap3A_971 = tpu.vector_load %arg11[%swap3A_969, %swap3A_970] {strides = array<i32>} : memref<128x128xf32, #tpu.memory_space<vmem>>, vector<1x16xf32>,
      %swap3A_972 = vector.shape_cast %swap3A_971 : vector<1x16xf32> to vector<16xf32>
      %swap3A_973 = vector.shape_cast %mul3A_967 : vector<16xf32> to vector<1x16xf32>
      tpu.vector_store %arg11[%swap3A_969, %swap3A_970], %swap3A_973 {strides = array<i32>} : memref<128x128xf32, #tpu.memory_space<vmem>>, vector<1x16xf32>,
      %get3A_974 = arith.constant 56 : i32
      %get3A_975 = arith.index_cast %get3A_974 : i32 to index
      %get3A_976 = arith.constant 0 : index
      %get3A_977 = tpu.vector_load %arg11[%get3A_975, %get3A_976] {strides = array<i32>} : memref<128x128xf32, #tpu.memory_space<vmem>>, vector<1x16xf32>,
      %get3A_978 = vector.shape_cast %get3A_977 : vector<1x16xf32> to vector<16xf32>
      %get3A_979 = arith.constant 56 : i32
      %get3A_980 = arith.index_cast %get3A_979 : i32 to index
      %get3A_981 = arith.constant 0 : index
      %get3A_982 = tpu.vector_load %arg10[%get3A_980, %get3A_981] {strides = array<i32>} : memref<128x16xf32, #tpu.memory_space<vmem>>, vector<1x16xf32>,
      %get3A_983 = vector.shape_cast %get3A_982 : vector<1x16xf32> to vector<16xf32>
      %mul3A_984 = arith.mulf %get3A_978, %get3A_983 : vector<16xf32>
      %swap3A_985 = arith.constant 56 : i32
      %swap3A_986 = arith.index_cast %swap3A_985 : i32 to index
      %swap3A_987 = arith.constant 0 : index
      %swap3A_988 = tpu.vector_load %arg11[%swap3A_986, %swap3A_987] {strides = array<i32>} : memref<128x128xf32, #tpu.memory_space<vmem>>, vector<1x16xf32>,
      %swap3A_989 = vector.shape_cast %swap3A_988 : vector<1x16xf32> to vector<16xf32>
      %swap3A_990 = vector.shape_cast %mul3A_984 : vector<16xf32> to vector<1x16xf32>
      tpu.vector_store %arg11[%swap3A_986, %swap3A_987], %swap3A_990 {strides = array<i32>} : memref<128x128xf32, #tpu.memory_space<vmem>>, vector<1x16xf32>,
      %get3A_991 = arith.constant 57 : i32
      %get3A_992 = arith.index_cast %get3A_991 : i32 to index
      %get3A_993 = arith.constant 0 : index
      %get3A_994 = tpu.vector_load %arg11[%get3A_992, %get3A_993] {strides = array<i32>} : memref<128x128xf32, #tpu.memory_space<vmem>>, vector<1x16xf32>,
      %get3A_995 = vector.shape_cast %get3A_994 : vector<1x16xf32> to vector<16xf32>
      %get3A_996 = arith.constant 57 : i32
      %get3A_997 = arith.index_cast %get3A_996 : i32 to index
      %get3A_998 = arith.constant 0 : index
      %get3A_999 = tpu.vector_load %arg10[%get3A_997, %get3A_998] {strides = array<i32>} : memref<128x16xf32, #tpu.memory_space<vmem>>, vector<1x16xf32>,
      %get3A_1000 = vector.shape_cast %get3A_999 : vector<1x16xf32> to vector<16xf32>
      %mul3A_1001 = arith.mulf %get3A_995, %get3A_1000 : vector<16xf32>
      %swap3A_1002 = arith.constant 57 : i32
      %swap3A_1003 = arith.index_cast %swap3A_1002 : i32 to index
      %swap3A_1004 = arith.constant 0 : index
      %swap3A_1005 = tpu.vector_load %arg11[%swap3A_1003, %swap3A_1004] {strides = array<i32>} : memref<128x128xf32, #tpu.memory_space<vmem>>, vector<1x16xf32>,
      %swap3A_1006 = vector.shape_cast %swap3A_1005 : vector<1x16xf32> to vector<16xf32>
      %swap3A_1007 = vector.shape_cast %mul3A_1001 : vector<16xf32> to vector<1x16xf32>
      tpu.vector_store %arg11[%swap3A_1003, %swap3A_1004], %swap3A_1007 {strides = array<i32>} : memref<128x128xf32, #tpu.memory_space<vmem>>, vector<1x16xf32>,
      %get3A_1008 = arith.constant 58 : i32
      %get3A_1009 = arith.index_cast %get3A_1008 : i32 to index
      %get3A_1010 = arith.constant 0 : index
      %get3A_1011 = tpu.vector_load %arg11[%get3A_1009, %get3A_1010] {strides = array<i32>} : memref<128x128xf32, #tpu.memory_space<vmem>>, vector<1x16xf32>,
      %get3A_1012 = vector.shape_cast %get3A_1011 : vector<1x16xf32> to vector<16xf32>
      %get3A_1013 = arith.constant 58 : i32
      %get3A_1014 = arith.index_cast %get3A_1013 : i32 to index
      %get3A_1015 = arith.constant 0 : index
      %get3A_1016 = tpu.vector_load %arg10[%get3A_1014, %get3A_1015] {strides = array<i32>} : memref<128x16xf32, #tpu.memory_space<vmem>>, vector<1x16xf32>,
      %get3A_1017 = vector.shape_cast %get3A_1016 : vector<1x16xf32> to vector<16xf32>
      %mul3A_1018 = arith.mulf %get3A_1012, %get3A_1017 : vector<16xf32>
      %swap3A_1019 = arith.constant 58 : i32
      %swap3A_1020 = arith.index_cast %swap3A_1019 : i32 to index
      %swap3A_1021 = arith.constant 0 : index
      %swap3A_1022 = tpu.vector_load %arg11[%swap3A_1020, %swap3A_1021] {strides = array<i32>} : memref<128x128xf32, #tpu.memory_space<vmem>>, vector<1x16xf32>,
      %swap3A_1023 = vector.shape_cast %swap3A_1022 : vector<1x16xf32> to vector<16xf32>
      %swap3A_1024 = vector.shape_cast %mul3A_1018 : vector<16xf32> to vector<1x16xf32>
      tpu.vector_store %arg11[%swap3A_1020, %swap3A_1021], %swap3A_1024 {strides = array<i32>} : memref<128x128xf32, #tpu.memory_space<vmem>>, vector<1x16xf32>,
      %get3A_1025 = arith.constant 59 : i32
      %get3A_1026 = arith.index_cast %get3A_1025 : i32 to index
      %get3A_1027 = arith.constant 0 : index
      %get3A_1028 = tpu.vector_load %arg11[%get3A_1026, %get3A_1027] {strides = array<i32>} : memref<128x128xf32, #tpu.memory_space<vmem>>, vector<1x16xf32>,
      %get3A_1029 = vector.shape_cast %get3A_1028 : vector<1x16xf32> to vector<16xf32>
      %get3A_1030 = arith.constant 59 : i32
      %get3A_1031 = arith.index_cast %get3A_1030 : i32 to index
      %get3A_1032 = arith.constant 0 : index
      %get3A_1033 = tpu.vector_load %arg10[%get3A_1031, %get3A_1032] {strides = array<i32>} : memref<128x16xf32, #tpu.memory_space<vmem>>, vector<1x16xf32>,
      %get3A_1034 = vector.shape_cast %get3A_1033 : vector<1x16xf32> to vector<16xf32>
      %mul3A_1035 = arith.mulf %get3A_1029, %get3A_1034 : vector<16xf32>
      %swap3A_1036 = arith.constant 59 : i32
      %swap3A_1037 = arith.index_cast %swap3A_1036 : i32 to index
      %swap3A_1038 = arith.constant 0 : index
      %swap3A_1039 = tpu.vector_load %arg11[%swap3A_1037, %swap3A_1038] {strides = array<i32>} : memref<128x128xf32, #tpu.memory_space<vmem>>, vector<1x16xf32>,
      %swap3A_1040 = vector.shape_cast %swap3A_1039 : vector<1x16xf32> to vector<16xf32>
      %swap3A_1041 = vector.shape_cast %mul3A_1035 : vector<16xf32> to vector<1x16xf32>
      tpu.vector_store %arg11[%swap3A_1037, %swap3A_1038], %swap3A_1041 {strides = array<i32>} : memref<128x128xf32, #tpu.memory_space<vmem>>, vector<1x16xf32>,
      %get3A_1042 = arith.constant 60 : i32
      %get3A_1043 = arith.index_cast %get3A_1042 : i32 to index
      %get3A_1044 = arith.constant 0 : index
      %get3A_1045 = tpu.vector_load %arg11[%get3A_1043, %get3A_1044] {strides = array<i32>} : memref<128x128xf32, #tpu.memory_space<vmem>>, vector<1x16xf32>,
      %get3A_1046 = vector.shape_cast %get3A_1045 : vector<1x16xf32> to vector<16xf32>
      %get3A_1047 = arith.constant 60 : i32
      %get3A_1048 = arith.index_cast %get3A_1047 : i32 to index
      %get3A_1049 = arith.constant 0 : index
      %get3A_1050 = tpu.vector_load %arg10[%get3A_1048, %get3A_1049] {strides = array<i32>} : memref<128x16xf32, #tpu.memory_space<vmem>>, vector<1x16xf32>,
      %get3A_1051 = vector.shape_cast %get3A_1050 : vector<1x16xf32> to vector<16xf32>
      %mul3A_1052 = arith.mulf %get3A_1046, %get3A_1051 : vector<16xf32>
      %swap3A_1053 = arith.constant 60 : i32
      %swap3A_1054 = arith.index_cast %swap3A_1053 : i32 to index
      %swap3A_1055 = arith.constant 0 : index
      %swap3A_1056 = tpu.vector_load %arg11[%swap3A_1054, %swap3A_1055] {strides = array<i32>} : memref<128x128xf32, #tpu.memory_space<vmem>>, vector<1x16xf32>,
      %swap3A_1057 = vector.shape_cast %swap3A_1056 : vector<1x16xf32> to vector<16xf32>
      %swap3A_1058 = vector.shape_cast %mul3A_1052 : vector<16xf32> to vector<1x16xf32>
      tpu.vector_store %arg11[%swap3A_1054, %swap3A_1055], %swap3A_1058 {strides = array<i32>} : memref<128x128xf32, #tpu.memory_space<vmem>>, vector<1x16xf32>,
      %get3A_1059 = arith.constant 61 : i32
      %get3A_1060 = arith.index_cast %get3A_1059 : i32 to index
      %get3A_1061 = arith.constant 0 : index
      %get3A_1062 = tpu.vector_load %arg11[%get3A_1060, %get3A_1061] {strides = array<i32>} : memref<128x128xf32, #tpu.memory_space<vmem>>, vector<1x16xf32>,
      %get3A_1063 = vector.shape_cast %get3A_1062 : vector<1x16xf32> to vector<16xf32>
      %get3A_1064 = arith.constant 61 : i32
      %get3A_1065 = arith.index_cast %get3A_1064 : i32 to index
      %get3A_1066 = arith.constant 0 : index
      %get3A_1067 = tpu.vector_load %arg10[%get3A_1065, %get3A_1066] {strides = array<i32>} : memref<128x16xf32, #tpu.memory_space<vmem>>, vector<1x16xf32>,
      %get3A_1068 = vector.shape_cast %get3A_1067 : vector<1x16xf32> to vector<16xf32>
      %mul3A_1069 = arith.mulf %get3A_1063, %get3A_1068 : vector<16xf32>
      %swap3A_1070 = arith.constant 61 : i32
      %swap3A_1071 = arith.index_cast %swap3A_1070 : i32 to index
      %swap3A_1072 = arith.constant 0 : index
      %swap3A_1073 = tpu.vector_load %arg11[%swap3A_1071, %swap3A_1072] {strides = array<i32>} : memref<128x128xf32, #tpu.memory_space<vmem>>, vector<1x16xf32>,
      %swap3A_1074 = vector.shape_cast %swap3A_1073 : vector<1x16xf32> to vector<16xf32>
      %swap3A_1075 = vector.shape_cast %mul3A_1069 : vector<16xf32> to vector<1x16xf32>
      tpu.vector_store %arg11[%swap3A_1071, %swap3A_1072], %swap3A_1075 {strides = array<i32>} : memref<128x128xf32, #tpu.memory_space<vmem>>, vector<1x16xf32>,
      %get3A_1076 = arith.constant 62 : i32
      %get3A_1077 = arith.index_cast %get3A_1076 : i32 to index
      %get3A_1078 = arith.constant 0 : index
      %get3A_1079 = tpu.vector_load %arg11[%get3A_1077, %get3A_1078] {strides = array<i32>} : memref<128x128xf32, #tpu.memory_space<vmem>>, vector<1x16xf32>,
      %get3A_1080 = vector.shape_cast %get3A_1079 : vector<1x16xf32> to vector<16xf32>
      %get3A_1081 = arith.constant 62 : i32
      %get3A_1082 = arith.index_cast %get3A_1081 : i32 to index
      %get3A_1083 = arith.constant 0 : index
      %get3A_1084 = tpu.vector_load %arg10[%get3A_1082, %get3A_1083] {strides = array<i32>} : memref<128x16xf32, #tpu.memory_space<vmem>>, vector<1x16xf32>,
      %get3A_1085 = vector.shape_cast %get3A_1084 : vector<1x16xf32> to vector<16xf32>
      %mul3A_1086 = arith.mulf %get3A_1080, %get3A_1085 : vector<16xf32>
      %swap3A_1087 = arith.constant 62 : i32
      %swap3A_1088 = arith.index_cast %swap3A_1087 : i32 to index
      %swap3A_1089 = arith.constant 0 : index
      %swap3A_1090 = tpu.vector_load %arg11[%swap3A_1088, %swap3A_1089] {strides = array<i32>} : memref<128x128xf32, #tpu.memory_space<vmem>>, vector<1x16xf32>,
      %swap3A_1091 = vector.shape_cast %swap3A_1090 : vector<1x16xf32> to vector<16xf32>
      %swap3A_1092 = vector.shape_cast %mul3A_1086 : vector<16xf32> to vector<1x16xf32>
      tpu.vector_store %arg11[%swap3A_1088, %swap3A_1089], %swap3A_1092 {strides = array<i32>} : memref<128x128xf32, #tpu.memory_space<vmem>>, vector<1x16xf32>,
      %get3A_1093 = arith.constant 63 : i32
      %get3A_1094 = arith.index_cast %get3A_1093 : i32 to index
      %get3A_1095 = arith.constant 0 : index
      %get3A_1096 = tpu.vector_load %arg11[%get3A_1094, %get3A_1095] {strides = array<i32>} : memref<128x128xf32, #tpu.memory_space<vmem>>, vector<1x16xf32>,
      %get3A_1097 = vector.shape_cast %get3A_1096 : vector<1x16xf32> to vector<16xf32>
      %get3A_1098 = arith.constant 63 : i32
      %get3A_1099 = arith.index_cast %get3A_1098 : i32 to index
      %get3A_1100 = arith.constant 0 : index
      %get3A_1101 = tpu.vector_load %arg10[%get3A_1099, %get3A_1100] {strides = array<i32>} : memref<128x16xf32, #tpu.memory_space<vmem>>, vector<1x16xf32>,
      %get3A_1102 = vector.shape_cast %get3A_1101 : vector<1x16xf32> to vector<16xf32>
      %mul3A_1103 = arith.mulf %get3A_1097, %get3A_1102 : vector<16xf32>
      %swap3A_1104 = arith.constant 63 : i32
      %swap3A_1105 = arith.index_cast %swap3A_1104 : i32 to index
      %swap3A_1106 = arith.constant 0 : index
      %swap3A_1107 = tpu.vector_load %arg11[%swap3A_1105, %swap3A_1106] {strides = array<i32>} : memref<128x128xf32, #tpu.memory_space<vmem>>, vector<1x16xf32>,
      %swap3A_1108 = vector.shape_cast %swap3A_1107 : vector<1x16xf32> to vector<16xf32>
      %swap3A_1109 = vector.shape_cast %mul3A_1103 : vector<16xf32> to vector<1x16xf32>
      tpu.vector_store %arg11[%swap3A_1105, %swap3A_1106], %swap3A_1109 {strides = array<i32>} : memref<128x128xf32, #tpu.memory_space<vmem>>, vector<1x16xf32>,
      %get3A_1110 = arith.constant 64 : i32
      %get3A_1111 = arith.index_cast %get3A_1110 : i32 to index
      %get3A_1112 = arith.constant 0 : index
      %get3A_1113 = tpu.vector_load %arg11[%get3A_1111, %get3A_1112] {strides = array<i32>} : memref<128x128xf32, #tpu.memory_space<vmem>>, vector<1x16xf32>,
      %get3A_1114 = vector.shape_cast %get3A_1113 : vector<1x16xf32> to vector<16xf32>
      %get3A_1115 = arith.constant 64 : i32
      %get3A_1116 = arith.index_cast %get3A_1115 : i32 to index
      %get3A_1117 = arith.constant 0 : index
      %get3A_1118 = tpu.vector_load %arg10[%get3A_1116, %get3A_1117] {strides = array<i32>} : memref<128x16xf32, #tpu.memory_space<vmem>>, vector<1x16xf32>,
      %get3A_1119 = vector.shape_cast %get3A_1118 : vector<1x16xf32> to vector<16xf32>
      %mul3A_1120 = arith.mulf %get3A_1114, %get3A_1119 : vector<16xf32>
      %swap3A_1121 = arith.constant 64 : i32
      %swap3A_1122 = arith.index_cast %swap3A_1121 : i32 to index
      %swap3A_1123 = arith.constant 0 : index
      %swap3A_1124 = tpu.vector_load %arg11[%swap3A_1122, %swap3A_1123] {strides = array<i32>} : memref<128x128xf32, #tpu.memory_space<vmem>>, vector<1x16xf32>,
      %swap3A_1125 = vector.shape_cast %swap3A_1124 : vector<1x16xf32> to vector<16xf32>
      %swap3A_1126 = vector.shape_cast %mul3A_1120 : vector<16xf32> to vector<1x16xf32>
      tpu.vector_store %arg11[%swap3A_1122, %swap3A_1123], %swap3A_1126 {strides = array<i32>} : memref<128x128xf32, #tpu.memory_space<vmem>>, vector<1x16xf32>,
      %get3A_1127 = arith.constant 65 : i32
      %get3A_1128 = arith.index_cast %get3A_1127 : i32 to index
      %get3A_1129 = arith.constant 0 : index
      %get3A_1130 = tpu.vector_load %arg11[%get3A_1128, %get3A_1129] {strides = array<i32>} : memref<128x128xf32, #tpu.memory_space<vmem>>, vector<1x16xf32>,
      %get3A_1131 = vector.shape_cast %get3A_1130 : vector<1x16xf32> to vector<16xf32>
      %get3A_1132 = arith.constant 65 : i32
      %get3A_1133 = arith.index_cast %get3A_1132 : i32 to index
      %get3A_1134 = arith.constant 0 : index
      %get3A_1135 = tpu.vector_load %arg10[%get3A_1133, %get3A_1134] {strides = array<i32>} : memref<128x16xf32, #tpu.memory_space<vmem>>, vector<1x16xf32>,
      %get3A_1136 = vector.shape_cast %get3A_1135 : vector<1x16xf32> to vector<16xf32>
      %mul3A_1137 = arith.mulf %get3A_1131, %get3A_1136 : vector<16xf32>
      %swap3A_1138 = arith.constant 65 : i32
      %swap3A_1139 = arith.index_cast %swap3A_1138 : i32 to index
      %swap3A_1140 = arith.constant 0 : index
      %swap3A_1141 = tpu.vector_load %arg11[%swap3A_1139, %swap3A_1140] {strides = array<i32>} : memref<128x128xf32, #tpu.memory_space<vmem>>, vector<1x16xf32>,
      %swap3A_1142 = vector.shape_cast %swap3A_1141 : vector<1x16xf32> to vector<16xf32>
      %swap3A_1143 = vector.shape_cast %mul3A_1137 : vector<16xf32> to vector<1x16xf32>
      tpu.vector_store %arg11[%swap3A_1139, %swap3A_1140], %swap3A_1143 {strides = array<i32>} : memref<128x128xf32, #tpu.memory_space<vmem>>, vector<1x16xf32>,
      %get3A_1144 = arith.constant 66 : i32
      %get3A_1145 = arith.index_cast %get3A_1144 : i32 to index
      %get3A_1146 = arith.constant 0 : index
      %get3A_1147 = tpu.vector_load %arg11[%get3A_1145, %get3A_1146] {strides = array<i32>} : memref<128x128xf32, #tpu.memory_space<vmem>>, vector<1x16xf32>,
      %get3A_1148 = vector.shape_cast %get3A_1147 : vector<1x16xf32> to vector<16xf32>
      %get3A_1149 = arith.constant 66 : i32
      %get3A_1150 = arith.index_cast %get3A_1149 : i32 to index
      %get3A_1151 = arith.constant 0 : index
      %get3A_1152 = tpu.vector_load %arg10[%get3A_1150, %get3A_1151] {strides = array<i32>} : memref<128x16xf32, #tpu.memory_space<vmem>>, vector<1x16xf32>,
      %get3A_1153 = vector.shape_cast %get3A_1152 : vector<1x16xf32> to vector<16xf32>
      %mul3A_1154 = arith.mulf %get3A_1148, %get3A_1153 : vector<16xf32>
      %swap3A_1155 = arith.constant 66 : i32
      %swap3A_1156 = arith.index_cast %swap3A_1155 : i32 to index
      %swap3A_1157 = arith.constant 0 : index
      %swap3A_1158 = tpu.vector_load %arg11[%swap3A_1156, %swap3A_1157] {strides = array<i32>} : memref<128x128xf32, #tpu.memory_space<vmem>>, vector<1x16xf32>,
      %swap3A_1159 = vector.shape_cast %swap3A_1158 : vector<1x16xf32> to vector<16xf32>
      %swap3A_1160 = vector.shape_cast %mul3A_1154 : vector<16xf32> to vector<1x16xf32>
      tpu.vector_store %arg11[%swap3A_1156, %swap3A_1157], %swap3A_1160 {strides = array<i32>} : memref<128x128xf32, #tpu.memory_space<vmem>>, vector<1x16xf32>,
      %get3A_1161 = arith.constant 67 : i32
      %get3A_1162 = arith.index_cast %get3A_1161 : i32 to index
      %get3A_1163 = arith.constant 0 : index
      %get3A_1164 = tpu.vector_load %arg11[%get3A_1162, %get3A_1163] {strides = array<i32>} : memref<128x128xf32, #tpu.memory_space<vmem>>, vector<1x16xf32>,
      %get3A_1165 = vector.shape_cast %get3A_1164 : vector<1x16xf32> to vector<16xf32>
      %get3A_1166 = arith.constant 67 : i32
      %get3A_1167 = arith.index_cast %get3A_1166 : i32 to index
      %get3A_1168 = arith.constant 0 : index
      %get3A_1169 = tpu.vector_load %arg10[%get3A_1167, %get3A_1168] {strides = array<i32>} : memref<128x16xf32, #tpu.memory_space<vmem>>, vector<1x16xf32>,
      %get3A_1170 = vector.shape_cast %get3A_1169 : vector<1x16xf32> to vector<16xf32>
      %mul3A_1171 = arith.mulf %get3A_1165, %get3A_1170 : vector<16xf32>
      %swap3A_1172 = arith.constant 67 : i32
      %swap3A_1173 = arith.index_cast %swap3A_1172 : i32 to index
      %swap3A_1174 = arith.constant 0 : index
      %swap3A_1175 = tpu.vector_load %arg11[%swap3A_1173, %swap3A_1174] {strides = array<i32>} : memref<128x128xf32, #tpu.memory_space<vmem>>, vector<1x16xf32>,
      %swap3A_1176 = vector.shape_cast %swap3A_1175 : vector<1x16xf32> to vector<16xf32>
      %swap3A_1177 = vector.shape_cast %mul3A_1171 : vector<16xf32> to vector<1x16xf32>
      tpu.vector_store %arg11[%swap3A_1173, %swap3A_1174], %swap3A_1177 {strides = array<i32>} : memref<128x128xf32, #tpu.memory_space<vmem>>, vector<1x16xf32>,
      %get3A_1178 = arith.constant 68 : i32
      %get3A_1179 = arith.index_cast %get3A_1178 : i32 to index
      %get3A_1180 = arith.constant 0 : index
      %get3A_1181 = tpu.vector_load %arg11[%get3A_1179, %get3A_1180] {strides = array<i32>} : memref<128x128xf32, #tpu.memory_space<vmem>>, vector<1x16xf32>,
      %get3A_1182 = vector.shape_cast %get3A_1181 : vector<1x16xf32> to vector<16xf32>
      %get3A_1183 = arith.constant 68 : i32
      %get3A_1184 = arith.index_cast %get3A_1183 : i32 to index
      %get3A_1185 = arith.constant 0 : index
      %get3A_1186 = tpu.vector_load %arg10[%get3A_1184, %get3A_1185] {strides = array<i32>} : memref<128x16xf32, #tpu.memory_space<vmem>>, vector<1x16xf32>,
      %get3A_1187 = vector.shape_cast %get3A_1186 : vector<1x16xf32> to vector<16xf32>
      %mul3A_1188 = arith.mulf %get3A_1182, %get3A_1187 : vector<16xf32>
      %swap3A_1189 = arith.constant 68 : i32
      %swap3A_1190 = arith.index_cast %swap3A_1189 : i32 to index
      %swap3A_1191 = arith.constant 0 : index
      %swap3A_1192 = tpu.vector_load %arg11[%swap3A_1190, %swap3A_1191] {strides = array<i32>} : memref<128x128xf32, #tpu.memory_space<vmem>>, vector<1x16xf32>,
      %swap3A_1193 = vector.shape_cast %swap3A_1192 : vector<1x16xf32> to vector<16xf32>
      %swap3A_1194 = vector.shape_cast %mul3A_1188 : vector<16xf32> to vector<1x16xf32>
      tpu.vector_store %arg11[%swap3A_1190, %swap3A_1191], %swap3A_1194 {strides = array<i32>} : memref<128x128xf32, #tpu.memory_space<vmem>>, vector<1x16xf32>,
      %get3A_1195 = arith.constant 69 : i32
      %get3A_1196 = arith.index_cast %get3A_1195 : i32 to index
      %get3A_1197 = arith.constant 0 : index
      %get3A_1198 = tpu.vector_load %arg11[%get3A_1196, %get3A_1197] {strides = array<i32>} : memref<128x128xf32, #tpu.memory_space<vmem>>, vector<1x16xf32>,
      %get3A_1199 = vector.shape_cast %get3A_1198 : vector<1x16xf32> to vector<16xf32>
      %get3A_1200 = arith.constant 69 : i32
      %get3A_1201 = arith.index_cast %get3A_1200 : i32 to index
      %get3A_1202 = arith.constant 0 : index
      %get3A_1203 = tpu.vector_load %arg10[%get3A_1201, %get3A_1202] {strides = array<i32>} : memref<128x16xf32, #tpu.memory_space<vmem>>, vector<1x16xf32>,
      %get3A_1204 = vector.shape_cast %get3A_1203 : vector<1x16xf32> to vector<16xf32>
      %mul3A_1205 = arith.mulf %get3A_1199, %get3A_1204 : vector<16xf32>
      %swap3A_1206 = arith.constant 69 : i32
      %swap3A_1207 = arith.index_cast %swap3A_1206 : i32 to index
      %swap3A_1208 = arith.constant 0 : index
      %swap3A_1209 = tpu.vector_load %arg11[%swap3A_1207, %swap3A_1208] {strides = array<i32>} : memref<128x128xf32, #tpu.memory_space<vmem>>, vector<1x16xf32>,
      %swap3A_1210 = vector.shape_cast %swap3A_1209 : vector<1x16xf32> to vector<16xf32>
      %swap3A_1211 = vector.shape_cast %mul3A_1205 : vector<16xf32> to vector<1x16xf32>
      tpu.vector_store %arg11[%swap3A_1207, %swap3A_1208], %swap3A_1211 {strides = array<i32>} : memref<128x128xf32, #tpu.memory_space<vmem>>, vector<1x16xf32>,
      %get3A_1212 = arith.constant 70 : i32
      %get3A_1213 = arith.index_cast %get3A_1212 : i32 to index
      %get3A_1214 = arith.constant 0 : index
      %get3A_1215 = tpu.vector_load %arg11[%get3A_1213, %get3A_1214] {strides = array<i32>} : memref<128x128xf32, #tpu.memory_space<vmem>>, vector<1x16xf32>,
      %get3A_1216 = vector.shape_cast %get3A_1215 : vector<1x16xf32> to vector<16xf32>
      %get3A_1217 = arith.constant 70 : i32
      %get3A_1218 = arith.index_cast %get3A_1217 : i32 to index
      %get3A_1219 = arith.constant 0 : index
      %get3A_1220 = tpu.vector_load %arg10[%get3A_1218, %get3A_1219] {strides = array<i32>} : memref<128x16xf32, #tpu.memory_space<vmem>>, vector<1x16xf32>,
      %get3A_1221 = vector.shape_cast %get3A_1220 : vector<1x16xf32> to vector<16xf32>
      %mul3A_1222 = arith.mulf %get3A_1216, %get3A_1221 : vector<16xf32>
      %swap3A_1223 = arith.constant 70 : i32
      %swap3A_1224 = arith.index_cast %swap3A_1223 : i32 to index
      %swap3A_1225 = arith.constant 0 : index
      %swap3A_1226 = tpu.vector_load %arg11[%swap3A_1224, %swap3A_1225] {strides = array<i32>} : memref<128x128xf32, #tpu.memory_space<vmem>>, vector<1x16xf32>,
      %swap3A_1227 = vector.shape_cast %swap3A_1226 : vector<1x16xf32> to vector<16xf32>
      %swap3A_1228 = vector.shape_cast %mul3A_1222 : vector<16xf32> to vector<1x16xf32>
      tpu.vector_store %arg11[%swap3A_1224, %swap3A_1225], %swap3A_1228 {strides = array<i32>} : memref<128x128xf32, #tpu.memory_space<vmem>>, vector<1x16xf32>,
      %get3A_1229 = arith.constant 71 : i32
      %get3A_1230 = arith.index_cast %get3A_1229 : i32 to index
      %get3A_1231 = arith.constant 0 : index
      %get3A_1232 = tpu.vector_load %arg11[%get3A_1230, %get3A_1231] {strides = array<i32>} : memref<128x128xf32, #tpu.memory_space<vmem>>, vector<1x16xf32>,
      %get3A_1233 = vector.shape_cast %get3A_1232 : vector<1x16xf32> to vector<16xf32>
      %get3A_1234 = arith.constant 71 : i32
      %get3A_1235 = arith.index_cast %get3A_1234 : i32 to index
      %get3A_1236 = arith.constant 0 : index
      %get3A_1237 = tpu.vector_load %arg10[%get3A_1235, %get3A_1236] {strides = array<i32>} : memref<128x16xf32, #tpu.memory_space<vmem>>, vector<1x16xf32>,
      %get3A_1238 = vector.shape_cast %get3A_1237 : vector<1x16xf32> to vector<16xf32>
      %mul3A_1239 = arith.mulf %get3A_1233, %get3A_1238 : vector<16xf32>
      %swap3A_1240 = arith.constant 71 : i32
      %swap3A_1241 = arith.index_cast %swap3A_1240 : i32 to index
      %swap3A_1242 = arith.constant 0 : index
      %swap3A_1243 = tpu.vector_load %arg11[%swap3A_1241, %swap3A_1242] {strides = array<i32>} : memref<128x128xf32, #tpu.memory_space<vmem>>, vector<1x16xf32>,
      %swap3A_1244 = vector.shape_cast %swap3A_1243 : vector<1x16xf32> to vector<16xf32>
      %swap3A_1245 = vector.shape_cast %mul3A_1239 : vector<16xf32> to vector<1x16xf32>
      tpu.vector_store %arg11[%swap3A_1241, %swap3A_1242], %swap3A_1245 {strides = array<i32>} : memref<128x128xf32, #tpu.memory_space<vmem>>, vector<1x16xf32>,
      %get3A_1246 = arith.constant 72 : i32
      %get3A_1247 = arith.index_cast %get3A_1246 : i32 to index
      %get3A_1248 = arith.constant 0 : index
      %get3A_1249 = tpu.vector_load %arg11[%get3A_1247, %get3A_1248] {strides = array<i32>} : memref<128x128xf32, #tpu.memory_space<vmem>>, vector<1x16xf32>,
      %get3A_1250 = vector.shape_cast %get3A_1249 : vector<1x16xf32> to vector<16xf32>
      %get3A_1251 = arith.constant 72 : i32
      %get3A_1252 = arith.index_cast %get3A_1251 : i32 to index
      %get3A_1253 = arith.constant 0 : index
      %get3A_1254 = tpu.vector_load %arg10[%get3A_1252, %get3A_1253] {strides = array<i32>} : memref<128x16xf32, #tpu.memory_space<vmem>>, vector<1x16xf32>,
      %get3A_1255 = vector.shape_cast %get3A_1254 : vector<1x16xf32> to vector<16xf32>
      %mul3A_1256 = arith.mulf %get3A_1250, %get3A_1255 : vector<16xf32>
      %swap3A_1257 = arith.constant 72 : i32
      %swap3A_1258 = arith.index_cast %swap3A_1257 : i32 to index
      %swap3A_1259 = arith.constant 0 : index
      %swap3A_1260 = tpu.vector_load %arg11[%swap3A_1258, %swap3A_1259] {strides = array<i32>} : memref<128x128xf32, #tpu.memory_space<vmem>>, vector<1x16xf32>,
      %swap3A_1261 = vector.shape_cast %swap3A_1260 : vector<1x16xf32> to vector<16xf32>
      %swap3A_1262 = vector.shape_cast %mul3A_1256 : vector<16xf32> to vector<1x16xf32>
      tpu.vector_store %arg11[%swap3A_1258, %swap3A_1259], %swap3A_1262 {strides = array<i32>} : memref<128x128xf32, #tpu.memory_space<vmem>>, vector<1x16xf32>,
      %get3A_1263 = arith.constant 73 : i32
      %get3A_1264 = arith.index_cast %get3A_1263 : i32 to index
      %get3A_1265 = arith.constant 0 : index
      %get3A_1266 = tpu.vector_load %arg11[%get3A_1264, %get3A_1265] {strides = array<i32>} : memref<128x128xf32, #tpu.memory_space<vmem>>, vector<1x16xf32>,
      %get3A_1267 = vector.shape_cast %get3A_1266 : vector<1x16xf32> to vector<16xf32>
      %get3A_1268 = arith.constant 73 : i32
      %get3A_1269 = arith.index_cast %get3A_1268 : i32 to index
      %get3A_1270 = arith.constant 0 : index
      %get3A_1271 = tpu.vector_load %arg10[%get3A_1269, %get3A_1270] {strides = array<i32>} : memref<128x16xf32, #tpu.memory_space<vmem>>, vector<1x16xf32>,
      %get3A_1272 = vector.shape_cast %get3A_1271 : vector<1x16xf32> to vector<16xf32>
      %mul3A_1273 = arith.mulf %get3A_1267, %get3A_1272 : vector<16xf32>
      %swap3A_1274 = arith.constant 73 : i32
      %swap3A_1275 = arith.index_cast %swap3A_1274 : i32 to index
      %swap3A_1276 = arith.constant 0 : index
      %swap3A_1277 = tpu.vector_load %arg11[%swap3A_1275, %swap3A_1276] {strides = array<i32>} : memref<128x128xf32, #tpu.memory_space<vmem>>, vector<1x16xf32>,
      %swap3A_1278 = vector.shape_cast %swap3A_1277 : vector<1x16xf32> to vector<16xf32>
      %swap3A_1279 = vector.shape_cast %mul3A_1273 : vector<16xf32> to vector<1x16xf32>
      tpu.vector_store %arg11[%swap3A_1275, %swap3A_1276], %swap3A_1279 {strides = array<i32>} : memref<128x128xf32, #tpu.memory_space<vmem>>, vector<1x16xf32>,
      %get3A_1280 = arith.constant 74 : i32
      %get3A_1281 = arith.index_cast %get3A_1280 : i32 to index
      %get3A_1282 = arith.constant 0 : index
      %get3A_1283 = tpu.vector_load %arg11[%get3A_1281, %get3A_1282] {strides = array<i32>} : memref<128x128xf32, #tpu.memory_space<vmem>>, vector<1x16xf32>,
      %get3A_1284 = vector.shape_cast %get3A_1283 : vector<1x16xf32> to vector<16xf32>
      %get3A_1285 = arith.constant 74 : i32
      %get3A_1286 = arith.index_cast %get3A_1285 : i32 to index
      %get3A_1287 = arith.constant 0 : index
      %get3A_1288 = tpu.vector_load %arg10[%get3A_1286, %get3A_1287] {strides = array<i32>} : memref<128x16xf32, #tpu.memory_space<vmem>>, vector<1x16xf32>,
      %get3A_1289 = vector.shape_cast %get3A_1288 : vector<1x16xf32> to vector<16xf32>
      %mul3A_1290 = arith.mulf %get3A_1284, %get3A_1289 : vector<16xf32>
      %swap3A_1291 = arith.constant 74 : i32
      %swap3A_1292 = arith.index_cast %swap3A_1291 : i32 to index
      %swap3A_1293 = arith.constant 0 : index
      %swap3A_1294 = tpu.vector_load %arg11[%swap3A_1292, %swap3A_1293] {strides = array<i32>} : memref<128x128xf32, #tpu.memory_space<vmem>>, vector<1x16xf32>,
      %swap3A_1295 = vector.shape_cast %swap3A_1294 : vector<1x16xf32> to vector<16xf32>
      %swap3A_1296 = vector.shape_cast %mul3A_1290 : vector<16xf32> to vector<1x16xf32>
      tpu.vector_store %arg11[%swap3A_1292, %swap3A_1293], %swap3A_1296 {strides = array<i32>} : memref<128x128xf32, #tpu.memory_space<vmem>>, vector<1x16xf32>,
      %get3A_1297 = arith.constant 75 : i32
      %get3A_1298 = arith.index_cast %get3A_1297 : i32 to index
      %get3A_1299 = arith.constant 0 : index
      %get3A_1300 = tpu.vector_load %arg11[%get3A_1298, %get3A_1299] {strides = array<i32>} : memref<128x128xf32, #tpu.memory_space<vmem>>, vector<1x16xf32>,
      %get3A_1301 = vector.shape_cast %get3A_1300 : vector<1x16xf32> to vector<16xf32>
      %get3A_1302 = arith.constant 75 : i32
      %get3A_1303 = arith.index_cast %get3A_1302 : i32 to index
      %get3A_1304 = arith.constant 0 : index
      %get3A_1305 = tpu.vector_load %arg10[%get3A_1303, %get3A_1304] {strides = array<i32>} : memref<128x16xf32, #tpu.memory_space<vmem>>, vector<1x16xf32>,
      %get3A_1306 = vector.shape_cast %get3A_1305 : vector<1x16xf32> to vector<16xf32>
      %mul3A_1307 = arith.mulf %get3A_1301, %get3A_1306 : vector<16xf32>
      %swap3A_1308 = arith.constant 75 : i32
      %swap3A_1309 = arith.index_cast %swap3A_1308 : i32 to index
      %swap3A_1310 = arith.constant 0 : index
      %swap3A_1311 = tpu.vector_load %arg11[%swap3A_1309, %swap3A_1310] {strides = array<i32>} : memref<128x128xf32, #tpu.memory_space<vmem>>, vector<1x16xf32>,
      %swap3A_1312 = vector.shape_cast %swap3A_1311 : vector<1x16xf32> to vector<16xf32>
      %swap3A_1313 = vector.shape_cast %mul3A_1307 : vector<16xf32> to vector<1x16xf32>
      tpu.vector_store %arg11[%swap3A_1309, %swap3A_1310], %swap3A_1313 {strides = array<i32>} : memref<128x128xf32, #tpu.memory_space<vmem>>, vector<1x16xf32>,
      %get3A_1314 = arith.constant 76 : i32
      %get3A_1315 = arith.index_cast %get3A_1314 : i32 to index
      %get3A_1316 = arith.constant 0 : index
      %get3A_1317 = tpu.vector_load %arg11[%get3A_1315, %get3A_1316] {strides = array<i32>} : memref<128x128xf32, #tpu.memory_space<vmem>>, vector<1x16xf32>,
      %get3A_1318 = vector.shape_cast %get3A_1317 : vector<1x16xf32> to vector<16xf32>
      %get3A_1319 = arith.constant 76 : i32
      %get3A_1320 = arith.index_cast %get3A_1319 : i32 to index
      %get3A_1321 = arith.constant 0 : index
      %get3A_1322 = tpu.vector_load %arg10[%get3A_1320, %get3A_1321] {strides = array<i32>} : memref<128x16xf32, #tpu.memory_space<vmem>>, vector<1x16xf32>,
      %get3A_1323 = vector.shape_cast %get3A_1322 : vector<1x16xf32> to vector<16xf32>
      %mul3A_1324 = arith.mulf %get3A_1318, %get3A_1323 : vector<16xf32>
      %swap3A_1325 = arith.constant 76 : i32
      %swap3A_1326 = arith.index_cast %swap3A_1325 : i32 to index
      %swap3A_1327 = arith.constant 0 : index
      %swap3A_1328 = tpu.vector_load %arg11[%swap3A_1326, %swap3A_1327] {strides = array<i32>} : memref<128x128xf32, #tpu.memory_space<vmem>>, vector<1x16xf32>,
      %swap3A_1329 = vector.shape_cast %swap3A_1328 : vector<1x16xf32> to vector<16xf32>
      %swap3A_1330 = vector.shape_cast %mul3A_1324 : vector<16xf32> to vector<1x16xf32>
      tpu.vector_store %arg11[%swap3A_1326, %swap3A_1327], %swap3A_1330 {strides = array<i32>} : memref<128x128xf32, #tpu.memory_space<vmem>>, vector<1x16xf32>,
      %get3A_1331 = arith.constant 77 : i32
      %get3A_1332 = arith.index_cast %get3A_1331 : i32 to index
      %get3A_1333 = arith.constant 0 : index
      %get3A_1334 = tpu.vector_load %arg11[%get3A_1332, %get3A_1333] {strides = array<i32>} : memref<128x128xf32, #tpu.memory_space<vmem>>, vector<1x16xf32>,
      %get3A_1335 = vector.shape_cast %get3A_1334 : vector<1x16xf32> to vector<16xf32>
      %get3A_1336 = arith.constant 77 : i32
      %get3A_1337 = arith.index_cast %get3A_1336 : i32 to index
      %get3A_1338 = arith.constant 0 : index
      %get3A_1339 = tpu.vector_load %arg10[%get3A_1337, %get3A_1338] {strides = array<i32>} : memref<128x16xf32, #tpu.memory_space<vmem>>, vector<1x16xf32>,
      %get3A_1340 = vector.shape_cast %get3A_1339 : vector<1x16xf32> to vector<16xf32>
      %mul3A_1341 = arith.mulf %get3A_1335, %get3A_1340 : vector<16xf32>
      %swap3A_1342 = arith.constant 77 : i32
      %swap3A_1343 = arith.index_cast %swap3A_1342 : i32 to index
      %swap3A_1344 = arith.constant 0 : index
      %swap3A_1345 = tpu.vector_load %arg11[%swap3A_1343, %swap3A_1344] {strides = array<i32>} : memref<128x128xf32, #tpu.memory_space<vmem>>, vector<1x16xf32>,
      %swap3A_1346 = vector.shape_cast %swap3A_1345 : vector<1x16xf32> to vector<16xf32>
      %swap3A_1347 = vector.shape_cast %mul3A_1341 : vector<16xf32> to vector<1x16xf32>
      tpu.vector_store %arg11[%swap3A_1343, %swap3A_1344], %swap3A_1347 {strides = array<i32>} : memref<128x128xf32, #tpu.memory_space<vmem>>, vector<1x16xf32>,
      %get3A_1348 = arith.constant 78 : i32
      %get3A_1349 = arith.index_cast %get3A_1348 : i32 to index
      %get3A_1350 = arith.constant 0 : index
      %get3A_1351 = tpu.vector_load %arg11[%get3A_1349, %get3A_1350] {strides = array<i32>} : memref<128x128xf32, #tpu.memory_space<vmem>>, vector<1x16xf32>,
      %get3A_1352 = vector.shape_cast %get3A_1351 : vector<1x16xf32> to vector<16xf32>
      %get3A_1353 = arith.constant 78 : i32
      %get3A_1354 = arith.index_cast %get3A_1353 : i32 to index
      %get3A_1355 = arith.constant 0 : index
      %get3A_1356 = tpu.vector_load %arg10[%get3A_1354, %get3A_1355] {strides = array<i32>} : memref<128x16xf32, #tpu.memory_space<vmem>>, vector<1x16xf32>,
      %get3A_1357 = vector.shape_cast %get3A_1356 : vector<1x16xf32> to vector<16xf32>
      %mul3A_1358 = arith.mulf %get3A_1352, %get3A_1357 : vector<16xf32>
      %swap3A_1359 = arith.constant 78 : i32
      %swap3A_1360 = arith.index_cast %swap3A_1359 : i32 to index
      %swap3A_1361 = arith.constant 0 : index
      %swap3A_1362 = tpu.vector_load %arg11[%swap3A_1360, %swap3A_1361] {strides = array<i32>} : memref<128x128xf32, #tpu.memory_space<vmem>>, vector<1x16xf32>,
      %swap3A_1363 = vector.shape_cast %swap3A_1362 : vector<1x16xf32> to vector<16xf32>
      %swap3A_1364 = vector.shape_cast %mul3A_1358 : vector<16xf32> to vector<1x16xf32>
      tpu.vector_store %arg11[%swap3A_1360, %swap3A_1361], %swap3A_1364 {strides = array<i32>} : memref<128x128xf32, #tpu.memory_space<vmem>>, vector<1x16xf32>,
      %get3A_1365 = arith.constant 79 : i32
      %get3A_1366 = arith.index_cast %get3A_1365 : i32 to index
      %get3A_1367 = arith.constant 0 : index
      %get3A_1368 = tpu.vector_load %arg11[%get3A_1366, %get3A_1367] {strides = array<i32>} : memref<128x128xf32, #tpu.memory_space<vmem>>, vector<1x16xf32>,
      %get3A_1369 = vector.shape_cast %get3A_1368 : vector<1x16xf32> to vector<16xf32>
      %get3A_1370 = arith.constant 79 : i32
      %get3A_1371 = arith.index_cast %get3A_1370 : i32 to index
      %get3A_1372 = arith.constant 0 : index
      %get3A_1373 = tpu.vector_load %arg10[%get3A_1371, %get3A_1372] {strides = array<i32>} : memref<128x16xf32, #tpu.memory_space<vmem>>, vector<1x16xf32>,
      %get3A_1374 = vector.shape_cast %get3A_1373 : vector<1x16xf32> to vector<16xf32>
      %mul3A_1375 = arith.mulf %get3A_1369, %get3A_1374 : vector<16xf32>
      %swap3A_1376 = arith.constant 79 : i32
      %swap3A_1377 = arith.index_cast %swap3A_1376 : i32 to index
      %swap3A_1378 = arith.constant 0 : index
      %swap3A_1379 = tpu.vector_load %arg11[%swap3A_1377, %swap3A_1378] {strides = array<i32>} : memref<128x128xf32, #tpu.memory_space<vmem>>, vector<1x16xf32>,
      %swap3A_1380 = vector.shape_cast %swap3A_1379 : vector<1x16xf32> to vector<16xf32>
      %swap3A_1381 = vector.shape_cast %mul3A_1375 : vector<16xf32> to vector<1x16xf32>
      tpu.vector_store %arg11[%swap3A_1377, %swap3A_1378], %swap3A_1381 {strides = array<i32>} : memref<128x128xf32, #tpu.memory_space<vmem>>, vector<1x16xf32>,
      %get3A_1382 = arith.constant 80 : i32
      %get3A_1383 = arith.index_cast %get3A_1382 : i32 to index
      %get3A_1384 = arith.constant 0 : index
      %get3A_1385 = tpu.vector_load %arg11[%get3A_1383, %get3A_1384] {strides = array<i32>} : memref<128x128xf32, #tpu.memory_space<vmem>>, vector<1x16xf32>,
      %get3A_1386 = vector.shape_cast %get3A_1385 : vector<1x16xf32> to vector<16xf32>
      %get3A_1387 = arith.constant 80 : i32
      %get3A_1388 = arith.index_cast %get3A_1387 : i32 to index
      %get3A_1389 = arith.constant 0 : index
      %get3A_1390 = tpu.vector_load %arg10[%get3A_1388, %get3A_1389] {strides = array<i32>} : memref<128x16xf32, #tpu.memory_space<vmem>>, vector<1x16xf32>,
      %get3A_1391 = vector.shape_cast %get3A_1390 : vector<1x16xf32> to vector<16xf32>
      %mul3A_1392 = arith.mulf %get3A_1386, %get3A_1391 : vector<16xf32>
      %swap3A_1393 = arith.constant 80 : i32
      %swap3A_1394 = arith.index_cast %swap3A_1393 : i32 to index
      %swap3A_1395 = arith.constant 0 : index
      %swap3A_1396 = tpu.vector_load %arg11[%swap3A_1394, %swap3A_1395] {strides = array<i32>} : memref<128x128xf32, #tpu.memory_space<vmem>>, vector<1x16xf32>,
      %swap3A_1397 = vector.shape_cast %swap3A_1396 : vector<1x16xf32> to vector<16xf32>
      %swap3A_1398 = vector.shape_cast %mul3A_1392 : vector<16xf32> to vector<1x16xf32>
      tpu.vector_store %arg11[%swap3A_1394, %swap3A_1395], %swap3A_1398 {strides = array<i32>} : memref<128x128xf32, #tpu.memory_space<vmem>>, vector<1x16xf32>,
      %get3A_1399 = arith.constant 81 : i32
      %get3A_1400 = arith.index_cast %get3A_1399 : i32 to index
      %get3A_1401 = arith.constant 0 : index
      %get3A_1402 = tpu.vector_load %arg11[%get3A_1400, %get3A_1401] {strides = array<i32>} : memref<128x128xf32, #tpu.memory_space<vmem>>, vector<1x16xf32>,
      %get3A_1403 = vector.shape_cast %get3A_1402 : vector<1x16xf32> to vector<16xf32>
      %get3A_1404 = arith.constant 81 : i32
      %get3A_1405 = arith.index_cast %get3A_1404 : i32 to index
      %get3A_1406 = arith.constant 0 : index
      %get3A_1407 = tpu.vector_load %arg10[%get3A_1405, %get3A_1406] {strides = array<i32>} : memref<128x16xf32, #tpu.memory_space<vmem>>, vector<1x16xf32>,
      %get3A_1408 = vector.shape_cast %get3A_1407 : vector<1x16xf32> to vector<16xf32>
      %mul3A_1409 = arith.mulf %get3A_1403, %get3A_1408 : vector<16xf32>
      %swap3A_1410 = arith.constant 81 : i32
      %swap3A_1411 = arith.index_cast %swap3A_1410 : i32 to index
      %swap3A_1412 = arith.constant 0 : index
      %swap3A_1413 = tpu.vector_load %arg11[%swap3A_1411, %swap3A_1412] {strides = array<i32>} : memref<128x128xf32, #tpu.memory_space<vmem>>, vector<1x16xf32>,
      %swap3A_1414 = vector.shape_cast %swap3A_1413 : vector<1x16xf32> to vector<16xf32>
      %swap3A_1415 = vector.shape_cast %mul3A_1409 : vector<16xf32> to vector<1x16xf32>
      tpu.vector_store %arg11[%swap3A_1411, %swap3A_1412], %swap3A_1415 {strides = array<i32>} : memref<128x128xf32, #tpu.memory_space<vmem>>, vector<1x16xf32>,
      %get3A_1416 = arith.constant 82 : i32
      %get3A_1417 = arith.index_cast %get3A_1416 : i32 to index
      %get3A_1418 = arith.constant 0 : index
      %get3A_1419 = tpu.vector_load %arg11[%get3A_1417, %get3A_1418] {strides = array<i32>} : memref<128x128xf32, #tpu.memory_space<vmem>>, vector<1x16xf32>,
      %get3A_1420 = vector.shape_cast %get3A_1419 : vector<1x16xf32> to vector<16xf32>
      %get3A_1421 = arith.constant 82 : i32
      %get3A_1422 = arith.index_cast %get3A_1421 : i32 to index
      %get3A_1423 = arith.constant 0 : index
      %get3A_1424 = tpu.vector_load %arg10[%get3A_1422, %get3A_1423] {strides = array<i32>} : memref<128x16xf32, #tpu.memory_space<vmem>>, vector<1x16xf32>,
      %get3A_1425 = vector.shape_cast %get3A_1424 : vector<1x16xf32> to vector<16xf32>
      %mul3A_1426 = arith.mulf %get3A_1420, %get3A_1425 : vector<16xf32>
      %swap3A_1427 = arith.constant 82 : i32
      %swap3A_1428 = arith.index_cast %swap3A_1427 : i32 to index
      %swap3A_1429 = arith.constant 0 : index
      %swap3A_1430 = tpu.vector_load %arg11[%swap3A_1428, %swap3A_1429] {strides = array<i32>} : memref<128x128xf32, #tpu.memory_space<vmem>>, vector<1x16xf32>,
      %swap3A_1431 = vector.shape_cast %swap3A_1430 : vector<1x16xf32> to vector<16xf32>
      %swap3A_1432 = vector.shape_cast %mul3A_1426 : vector<16xf32> to vector<1x16xf32>
      tpu.vector_store %arg11[%swap3A_1428, %swap3A_1429], %swap3A_1432 {strides = array<i32>} : memref<128x128xf32, #tpu.memory_space<vmem>>, vector<1x16xf32>,
      %get3A_1433 = arith.constant 83 : i32
      %get3A_1434 = arith.index_cast %get3A_1433 : i32 to index
      %get3A_1435 = arith.constant 0 : index
      %get3A_1436 = tpu.vector_load %arg11[%get3A_1434, %get3A_1435] {strides = array<i32>} : memref<128x128xf32, #tpu.memory_space<vmem>>, vector<1x16xf32>,
      %get3A_1437 = vector.shape_cast %get3A_1436 : vector<1x16xf32> to vector<16xf32>
      %get3A_1438 = arith.constant 83 : i32
      %get3A_1439 = arith.index_cast %get3A_1438 : i32 to index
      %get3A_1440 = arith.constant 0 : index
      %get3A_1441 = tpu.vector_load %arg10[%get3A_1439, %get3A_1440] {strides = array<i32>} : memref<128x16xf32, #tpu.memory_space<vmem>>, vector<1x16xf32>,
      %get3A_1442 = vector.shape_cast %get3A_1441 : vector<1x16xf32> to vector<16xf32>
      %mul3A_1443 = arith.mulf %get3A_1437, %get3A_1442 : vector<16xf32>
      %swap3A_1444 = arith.constant 83 : i32
      %swap3A_1445 = arith.index_cast %swap3A_1444 : i32 to index
      %swap3A_1446 = arith.constant 0 : index
      %swap3A_1447 = tpu.vector_load %arg11[%swap3A_1445, %swap3A_1446] {strides = array<i32>} : memref<128x128xf32, #tpu.memory_space<vmem>>, vector<1x16xf32>,
      %swap3A_1448 = vector.shape_cast %swap3A_1447 : vector<1x16xf32> to vector<16xf32>
      %swap3A_1449 = vector.shape_cast %mul3A_1443 : vector<16xf32> to vector<1x16xf32>
      tpu.vector_store %arg11[%swap3A_1445, %swap3A_1446], %swap3A_1449 {strides = array<i32>} : memref<128x128xf32, #tpu.memory_space<vmem>>, vector<1x16xf32>,
      %get3A_1450 = arith.constant 84 : i32
      %get3A_1451 = arith.index_cast %get3A_1450 : i32 to index
      %get3A_1452 = arith.constant 0 : index
      %get3A_1453 = tpu.vector_load %arg11[%get3A_1451, %get3A_1452] {strides = array<i32>} : memref<128x128xf32, #tpu.memory_space<vmem>>, vector<1x16xf32>,
      %get3A_1454 = vector.shape_cast %get3A_1453 : vector<1x16xf32> to vector<16xf32>
      %get3A_1455 = arith.constant 84 : i32
      %get3A_1456 = arith.index_cast %get3A_1455 : i32 to index
      %get3A_1457 = arith.constant 0 : index
      %get3A_1458 = tpu.vector_load %arg10[%get3A_1456, %get3A_1457] {strides = array<i32>} : memref<128x16xf32, #tpu.memory_space<vmem>>, vector<1x16xf32>,
      %get3A_1459 = vector.shape_cast %get3A_1458 : vector<1x16xf32> to vector<16xf32>
      %mul3A_1460 = arith.mulf %get3A_1454, %get3A_1459 : vector<16xf32>
      %swap3A_1461 = arith.constant 84 : i32
      %swap3A_1462 = arith.index_cast %swap3A_1461 : i32 to index
      %swap3A_1463 = arith.constant 0 : index
      %swap3A_1464 = tpu.vector_load %arg11[%swap3A_1462, %swap3A_1463] {strides = array<i32>} : memref<128x128xf32, #tpu.memory_space<vmem>>, vector<1x16xf32>,
      %swap3A_1465 = vector.shape_cast %swap3A_1464 : vector<1x16xf32> to vector<16xf32>
      %swap3A_1466 = vector.shape_cast %mul3A_1460 : vector<16xf32> to vector<1x16xf32>
      tpu.vector_store %arg11[%swap3A_1462, %swap3A_1463], %swap3A_1466 {strides = array<i32>} : memref<128x128xf32, #tpu.memory_space<vmem>>, vector<1x16xf32>,
      %get3A_1467 = arith.constant 85 : i32
      %get3A_1468 = arith.index_cast %get3A_1467 : i32 to index
      %get3A_1469 = arith.constant 0 : index
      %get3A_1470 = tpu.vector_load %arg11[%get3A_1468, %get3A_1469] {strides = array<i32>} : memref<128x128xf32, #tpu.memory_space<vmem>>, vector<1x16xf32>,
      %get3A_1471 = vector.shape_cast %get3A_1470 : vector<1x16xf32> to vector<16xf32>
      %get3A_1472 = arith.constant 85 : i32
      %get3A_1473 = arith.index_cast %get3A_1472 : i32 to index
      %get3A_1474 = arith.constant 0 : index
      %get3A_1475 = tpu.vector_load %arg10[%get3A_1473, %get3A_1474] {strides = array<i32>} : memref<128x16xf32, #tpu.memory_space<vmem>>, vector<1x16xf32>,
      %get3A_1476 = vector.shape_cast %get3A_1475 : vector<1x16xf32> to vector<16xf32>
      %mul3A_1477 = arith.mulf %get3A_1471, %get3A_1476 : vector<16xf32>
      %swap3A_1478 = arith.constant 85 : i32
      %swap3A_1479 = arith.index_cast %swap3A_1478 : i32 to index
      %swap3A_1480 = arith.constant 0 : index
      %swap3A_1481 = tpu.vector_load %arg11[%swap3A_1479, %swap3A_1480] {strides = array<i32>} : memref<128x128xf32, #tpu.memory_space<vmem>>, vector<1x16xf32>,
      %swap3A_1482 = vector.shape_cast %swap3A_1481 : vector<1x16xf32> to vector<16xf32>
      %swap3A_1483 = vector.shape_cast %mul3A_1477 : vector<16xf32> to vector<1x16xf32>
      tpu.vector_store %arg11[%swap3A_1479, %swap3A_1480], %swap3A_1483 {strides = array<i32>} : memref<128x128xf32, #tpu.memory_space<vmem>>, vector<1x16xf32>,
      %get3A_1484 = arith.constant 86 : i32
      %get3A_1485 = arith.index_cast %get3A_1484 : i32 to index
      %get3A_1486 = arith.constant 0 : index
      %get3A_1487 = tpu.vector_load %arg11[%get3A_1485, %get3A_1486] {strides = array<i32>} : memref<128x128xf32, #tpu.memory_space<vmem>>, vector<1x16xf32>,
      %get3A_1488 = vector.shape_cast %get3A_1487 : vector<1x16xf32> to vector<16xf32>
      %get3A_1489 = arith.constant 86 : i32
      %get3A_1490 = arith.index_cast %get3A_1489 : i32 to index
      %get3A_1491 = arith.constant 0 : index
      %get3A_1492 = tpu.vector_load %arg10[%get3A_1490, %get3A_1491] {strides = array<i32>} : memref<128x16xf32, #tpu.memory_space<vmem>>, vector<1x16xf32>,
      %get3A_1493 = vector.shape_cast %get3A_1492 : vector<1x16xf32> to vector<16xf32>
      %mul3A_1494 = arith.mulf %get3A_1488, %get3A_1493 : vector<16xf32>
      %swap3A_1495 = arith.constant 86 : i32
      %swap3A_1496 = arith.index_cast %swap3A_1495 : i32 to index
      %swap3A_1497 = arith.constant 0 : index
      %swap3A_1498 = tpu.vector_load %arg11[%swap3A_1496, %swap3A_1497] {strides = array<i32>} : memref<128x128xf32, #tpu.memory_space<vmem>>, vector<1x16xf32>,
      %swap3A_1499 = vector.shape_cast %swap3A_1498 : vector<1x16xf32> to vector<16xf32>
      %swap3A_1500 = vector.shape_cast %mul3A_1494 : vector<16xf32> to vector<1x16xf32>
      tpu.vector_store %arg11[%swap3A_1496, %swap3A_1497], %swap3A_1500 {strides = array<i32>} : memref<128x128xf32, #tpu.memory_space<vmem>>, vector<1x16xf32>,
      %get3A_1501 = arith.constant 87 : i32
      %get3A_1502 = arith.index_cast %get3A_1501 : i32 to index
      %get3A_1503 = arith.constant 0 : index
      %get3A_1504 = tpu.vector_load %arg11[%get3A_1502, %get3A_1503] {strides = array<i32>} : memref<128x128xf32, #tpu.memory_space<vmem>>, vector<1x16xf32>,
      %get3A_1505 = vector.shape_cast %get3A_1504 : vector<1x16xf32> to vector<16xf32>
      %get3A_1506 = arith.constant 87 : i32
      %get3A_1507 = arith.index_cast %get3A_1506 : i32 to index
      %get3A_1508 = arith.constant 0 : index
      %get3A_1509 = tpu.vector_load %arg10[%get3A_1507, %get3A_1508] {strides = array<i32>} : memref<128x16xf32, #tpu.memory_space<vmem>>, vector<1x16xf32>,
      %get3A_1510 = vector.shape_cast %get3A_1509 : vector<1x16xf32> to vector<16xf32>
      %mul3A_1511 = arith.mulf %get3A_1505, %get3A_1510 : vector<16xf32>
      %swap3A_1512 = arith.constant 87 : i32
      %swap3A_1513 = arith.index_cast %swap3A_1512 : i32 to index
      %swap3A_1514 = arith.constant 0 : index
      %swap3A_1515 = tpu.vector_load %arg11[%swap3A_1513, %swap3A_1514] {strides = array<i32>} : memref<128x128xf32, #tpu.memory_space<vmem>>, vector<1x16xf32>,
      %swap3A_1516 = vector.shape_cast %swap3A_1515 : vector<1x16xf32> to vector<16xf32>
      %swap3A_1517 = vector.shape_cast %mul3A_1511 : vector<16xf32> to vector<1x16xf32>
      tpu.vector_store %arg11[%swap3A_1513, %swap3A_1514], %swap3A_1517 {strides = array<i32>} : memref<128x128xf32, #tpu.memory_space<vmem>>, vector<1x16xf32>,
      %get3A_1518 = arith.constant 88 : i32
      %get3A_1519 = arith.index_cast %get3A_1518 : i32 to index
      %get3A_1520 = arith.constant 0 : index
      %get3A_1521 = tpu.vector_load %arg11[%get3A_1519, %get3A_1520] {strides = array<i32>} : memref<128x128xf32, #tpu.memory_space<vmem>>, vector<1x16xf32>,
      %get3A_1522 = vector.shape_cast %get3A_1521 : vector<1x16xf32> to vector<16xf32>
      %get3A_1523 = arith.constant 88 : i32
      %get3A_1524 = arith.index_cast %get3A_1523 : i32 to index
      %get3A_1525 = arith.constant 0 : index
      %get3A_1526 = tpu.vector_load %arg10[%get3A_1524, %get3A_1525] {strides = array<i32>} : memref<128x16xf32, #tpu.memory_space<vmem>>, vector<1x16xf32>,
      %get3A_1527 = vector.shape_cast %get3A_1526 : vector<1x16xf32> to vector<16xf32>
      %mul3A_1528 = arith.mulf %get3A_1522, %get3A_1527 : vector<16xf32>
      %swap3A_1529 = arith.constant 88 : i32
      %swap3A_1530 = arith.index_cast %swap3A_1529 : i32 to index
      %swap3A_1531 = arith.constant 0 : index
      %swap3A_1532 = tpu.vector_load %arg11[%swap3A_1530, %swap3A_1531] {strides = array<i32>} : memref<128x128xf32, #tpu.memory_space<vmem>>, vector<1x16xf32>,
      %swap3A_1533 = vector.shape_cast %swap3A_1532 : vector<1x16xf32> to vector<16xf32>
      %swap3A_1534 = vector.shape_cast %mul3A_1528 : vector<16xf32> to vector<1x16xf32>
      tpu.vector_store %arg11[%swap3A_1530, %swap3A_1531], %swap3A_1534 {strides = array<i32>} : memref<128x128xf32, #tpu.memory_space<vmem>>, vector<1x16xf32>,
      %get3A_1535 = arith.constant 89 : i32
      %get3A_1536 = arith.index_cast %get3A_1535 : i32 to index
      %get3A_1537 = arith.constant 0 : index
      %get3A_1538 = tpu.vector_load %arg11[%get3A_1536, %get3A_1537] {strides = array<i32>} : memref<128x128xf32, #tpu.memory_space<vmem>>, vector<1x16xf32>,
      %get3A_1539 = vector.shape_cast %get3A_1538 : vector<1x16xf32> to vector<16xf32>
      %get3A_1540 = arith.constant 89 : i32
      %get3A_1541 = arith.index_cast %get3A_1540 : i32 to index
      %get3A_1542 = arith.constant 0 : index
      %get3A_1543 = tpu.vector_load %arg10[%get3A_1541, %get3A_1542] {strides = array<i32>} : memref<128x16xf32, #tpu.memory_space<vmem>>, vector<1x16xf32>,
      %get3A_1544 = vector.shape_cast %get3A_1543 : vector<1x16xf32> to vector<16xf32>
      %mul3A_1545 = arith.mulf %get3A_1539, %get3A_1544 : vector<16xf32>
      %swap3A_1546 = arith.constant 89 : i32
      %swap3A_1547 = arith.index_cast %swap3A_1546 : i32 to index
      %swap3A_1548 = arith.constant 0 : index
      %swap3A_1549 = tpu.vector_load %arg11[%swap3A_1547, %swap3A_1548] {strides = array<i32>} : memref<128x128xf32, #tpu.memory_space<vmem>>, vector<1x16xf32>,
      %swap3A_1550 = vector.shape_cast %swap3A_1549 : vector<1x16xf32> to vector<16xf32>
      %swap3A_1551 = vector.shape_cast %mul3A_1545 : vector<16xf32> to vector<1x16xf32>
      tpu.vector_store %arg11[%swap3A_1547, %swap3A_1548], %swap3A_1551 {strides = array<i32>} : memref<128x128xf32, #tpu.memory_space<vmem>>, vector<1x16xf32>,
      %get3A_1552 = arith.constant 90 : i32
      %get3A_1553 = arith.index_cast %get3A_1552 : i32 to index
      %get3A_1554 = arith.constant 0 : index
      %get3A_1555 = tpu.vector_load %arg11[%get3A_1553, %get3A_1554] {strides = array<i32>} : memref<128x128xf32, #tpu.memory_space<vmem>>, vector<1x16xf32>,
      %get3A_1556 = vector.shape_cast %get3A_1555 : vector<1x16xf32> to vector<16xf32>
      %get3A_1557 = arith.constant 90 : i32
      %get3A_1558 = arith.index_cast %get3A_1557 : i32 to index
      %get3A_1559 = arith.constant 0 : index
      %get3A_1560 = tpu.vector_load %arg10[%get3A_1558, %get3A_1559] {strides = array<i32>} : memref<128x16xf32, #tpu.memory_space<vmem>>, vector<1x16xf32>,
      %get3A_1561 = vector.shape_cast %get3A_1560 : vector<1x16xf32> to vector<16xf32>
      %mul3A_1562 = arith.mulf %get3A_1556, %get3A_1561 : vector<16xf32>
      %swap3A_1563 = arith.constant 90 : i32
      %swap3A_1564 = arith.index_cast %swap3A_1563 : i32 to index
      %swap3A_1565 = arith.constant 0 : index
      %swap3A_1566 = tpu.vector_load %arg11[%swap3A_1564, %swap3A_1565] {strides = array<i32>} : memref<128x128xf32, #tpu.memory_space<vmem>>, vector<1x16xf32>,
      %swap3A_1567 = vector.shape_cast %swap3A_1566 : vector<1x16xf32> to vector<16xf32>
      %swap3A_1568 = vector.shape_cast %mul3A_1562 : vector<16xf32> to vector<1x16xf32>
      tpu.vector_store %arg11[%swap3A_1564, %swap3A_1565], %swap3A_1568 {strides = array<i32>} : memref<128x128xf32, #tpu.memory_space<vmem>>, vector<1x16xf32>,
      %get3A_1569 = arith.constant 91 : i32
      %get3A_1570 = arith.index_cast %get3A_1569 : i32 to index
      %get3A_1571 = arith.constant 0 : index
      %get3A_1572 = tpu.vector_load %arg11[%get3A_1570, %get3A_1571] {strides = array<i32>} : memref<128x128xf32, #tpu.memory_space<vmem>>, vector<1x16xf32>,
      %get3A_1573 = vector.shape_cast %get3A_1572 : vector<1x16xf32> to vector<16xf32>
      %get3A_1574 = arith.constant 91 : i32
      %get3A_1575 = arith.index_cast %get3A_1574 : i32 to index
      %get3A_1576 = arith.constant 0 : index
      %get3A_1577 = tpu.vector_load %arg10[%get3A_1575, %get3A_1576] {strides = array<i32>} : memref<128x16xf32, #tpu.memory_space<vmem>>, vector<1x16xf32>,
      %get3A_1578 = vector.shape_cast %get3A_1577 : vector<1x16xf32> to vector<16xf32>
      %mul3A_1579 = arith.mulf %get3A_1573, %get3A_1578 : vector<16xf32>
      %swap3A_1580 = arith.constant 91 : i32
      %swap3A_1581 = arith.index_cast %swap3A_1580 : i32 to index
      %swap3A_1582 = arith.constant 0 : index
      %swap3A_1583 = tpu.vector_load %arg11[%swap3A_1581, %swap3A_1582] {strides = array<i32>} : memref<128x128xf32, #tpu.memory_space<vmem>>, vector<1x16xf32>,
      %swap3A_1584 = vector.shape_cast %swap3A_1583 : vector<1x16xf32> to vector<16xf32>
      %swap3A_1585 = vector.shape_cast %mul3A_1579 : vector<16xf32> to vector<1x16xf32>
      tpu.vector_store %arg11[%swap3A_1581, %swap3A_1582], %swap3A_1585 {strides = array<i32>} : memref<128x128xf32, #tpu.memory_space<vmem>>, vector<1x16xf32>,
      %get3A_1586 = arith.constant 92 : i32
      %get3A_1587 = arith.index_cast %get3A_1586 : i32 to index
      %get3A_1588 = arith.constant 0 : index
      %get3A_1589 = tpu.vector_load %arg11[%get3A_1587, %get3A_1588] {strides = array<i32>} : memref<128x128xf32, #tpu.memory_space<vmem>>, vector<1x16xf32>,
      %get3A_1590 = vector.shape_cast %get3A_1589 : vector<1x16xf32> to vector<16xf32>
      %get3A_1591 = arith.constant 92 : i32
      %get3A_1592 = arith.index_cast %get3A_1591 : i32 to index
      %get3A_1593 = arith.constant 0 : index
      %get3A_1594 = tpu.vector_load %arg10[%get3A_1592, %get3A_1593] {strides = array<i32>} : memref<128x16xf32, #tpu.memory_space<vmem>>, vector<1x16xf32>,
      %get3A_1595 = vector.shape_cast %get3A_1594 : vector<1x16xf32> to vector<16xf32>
      %mul3A_1596 = arith.mulf %get3A_1590, %get3A_1595 : vector<16xf32>
      %swap3A_1597 = arith.constant 92 : i32
      %swap3A_1598 = arith.index_cast %swap3A_1597 : i32 to index
      %swap3A_1599 = arith.constant 0 : index
      %swap3A_1600 = tpu.vector_load %arg11[%swap3A_1598, %swap3A_1599] {strides = array<i32>} : memref<128x128xf32, #tpu.memory_space<vmem>>, vector<1x16xf32>,
      %swap3A_1601 = vector.shape_cast %swap3A_1600 : vector<1x16xf32> to vector<16xf32>
      %swap3A_1602 = vector.shape_cast %mul3A_1596 : vector<16xf32> to vector<1x16xf32>
      tpu.vector_store %arg11[%swap3A_1598, %swap3A_1599], %swap3A_1602 {strides = array<i32>} : memref<128x128xf32, #tpu.memory_space<vmem>>, vector<1x16xf32>,
      %get3A_1603 = arith.constant 93 : i32
      %get3A_1604 = arith.index_cast %get3A_1603 : i32 to index
      %get3A_1605 = arith.constant 0 : index
      %get3A_1606 = tpu.vector_load %arg11[%get3A_1604, %get3A_1605] {strides = array<i32>} : memref<128x128xf32, #tpu.memory_space<vmem>>, vector<1x16xf32>,
      %get3A_1607 = vector.shape_cast %get3A_1606 : vector<1x16xf32> to vector<16xf32>
      %get3A_1608 = arith.constant 93 : i32
      %get3A_1609 = arith.index_cast %get3A_1608 : i32 to index
      %get3A_1610 = arith.constant 0 : index
      %get3A_1611 = tpu.vector_load %arg10[%get3A_1609, %get3A_1610] {strides = array<i32>} : memref<128x16xf32, #tpu.memory_space<vmem>>, vector<1x16xf32>,
      %get3A_1612 = vector.shape_cast %get3A_1611 : vector<1x16xf32> to vector<16xf32>
      %mul3A_1613 = arith.mulf %get3A_1607, %get3A_1612 : vector<16xf32>
      %swap3A_1614 = arith.constant 93 : i32
      %swap3A_1615 = arith.index_cast %swap3A_1614 : i32 to index
      %swap3A_1616 = arith.constant 0 : index
      %swap3A_1617 = tpu.vector_load %arg11[%swap3A_1615, %swap3A_1616] {strides = array<i32>} : memref<128x128xf32, #tpu.memory_space<vmem>>, vector<1x16xf32>,
      %swap3A_1618 = vector.shape_cast %swap3A_1617 : vector<1x16xf32> to vector<16xf32>
      %swap3A_1619 = vector.shape_cast %mul3A_1613 : vector<16xf32> to vector<1x16xf32>
      tpu.vector_store %arg11[%swap3A_1615, %swap3A_1616], %swap3A_1619 {strides = array<i32>} : memref<128x128xf32, #tpu.memory_space<vmem>>, vector<1x16xf32>,
      %get3A_1620 = arith.constant 94 : i32
      %get3A_1621 = arith.index_cast %get3A_1620 : i32 to index
      %get3A_1622 = arith.constant 0 : index
      %get3A_1623 = tpu.vector_load %arg11[%get3A_1621, %get3A_1622] {strides = array<i32>} : memref<128x128xf32, #tpu.memory_space<vmem>>, vector<1x16xf32>,
      %get3A_1624 = vector.shape_cast %get3A_1623 : vector<1x16xf32> to vector<16xf32>
      %get3A_1625 = arith.constant 94 : i32
      %get3A_1626 = arith.index_cast %get3A_1625 : i32 to index
      %get3A_1627 = arith.constant 0 : index
      %get3A_1628 = tpu.vector_load %arg10[%get3A_1626, %get3A_1627] {strides = array<i32>} : memref<128x16xf32, #tpu.memory_space<vmem>>, vector<1x16xf32>,
      %get3A_1629 = vector.shape_cast %get3A_1628 : vector<1x16xf32> to vector<16xf32>
      %mul3A_1630 = arith.mulf %get3A_1624, %get3A_1629 : vector<16xf32>
      %swap3A_1631 = arith.constant 94 : i32
      %swap3A_1632 = arith.index_cast %swap3A_1631 : i32 to index
      %swap3A_1633 = arith.constant 0 : index
      %swap3A_1634 = tpu.vector_load %arg11[%swap3A_1632, %swap3A_1633] {strides = array<i32>} : memref<128x128xf32, #tpu.memory_space<vmem>>, vector<1x16xf32>,
      %swap3A_1635 = vector.shape_cast %swap3A_1634 : vector<1x16xf32> to vector<16xf32>
      %swap3A_1636 = vector.shape_cast %mul3A_1630 : vector<16xf32> to vector<1x16xf32>
      tpu.vector_store %arg11[%swap3A_1632, %swap3A_1633], %swap3A_1636 {strides = array<i32>} : memref<128x128xf32, #tpu.memory_space<vmem>>, vector<1x16xf32>,
      %get3A_1637 = arith.constant 95 : i32
      %get3A_1638 = arith.index_cast %get3A_1637 : i32 to index
      %get3A_1639 = arith.constant 0 : index
      %get3A_1640 = tpu.vector_load %arg11[%get3A_1638, %get3A_1639] {strides = array<i32>} : memref<128x128xf32, #tpu.memory_space<vmem>>, vector<1x16xf32>,
      %get3A_1641 = vector.shape_cast %get3A_1640 : vector<1x16xf32> to vector<16xf32>
      %get3A_1642 = arith.constant 95 : i32
      %get3A_1643 = arith.index_cast %get3A_1642 : i32 to index
      %get3A_1644 = arith.constant 0 : index
      %get3A_1645 = tpu.vector_load %arg10[%get3A_1643, %get3A_1644] {strides = array<i32>} : memref<128x16xf32, #tpu.memory_space<vmem>>, vector<1x16xf32>,
      %get3A_1646 = vector.shape_cast %get3A_1645 : vector<1x16xf32> to vector<16xf32>
      %mul3A_1647 = arith.mulf %get3A_1641, %get3A_1646 : vector<16xf32>
      %swap3A_1648 = arith.constant 95 : i32
      %swap3A_1649 = arith.index_cast %swap3A_1648 : i32 to index
      %swap3A_1650 = arith.constant 0 : index
      %swap3A_1651 = tpu.vector_load %arg11[%swap3A_1649, %swap3A_1650] {strides = array<i32>} : memref<128x128xf32, #tpu.memory_space<vmem>>, vector<1x16xf32>,
      %swap3A_1652 = vector.shape_cast %swap3A_1651 : vector<1x16xf32> to vector<16xf32>
      %swap3A_1653 = vector.shape_cast %mul3A_1647 : vector<16xf32> to vector<1x16xf32>
      tpu.vector_store %arg11[%swap3A_1649, %swap3A_1650], %swap3A_1653 {strides = array<i32>} : memref<128x128xf32, #tpu.memory_space<vmem>>, vector<1x16xf32>,
      %get3A_1654 = arith.constant 96 : i32
      %get3A_1655 = arith.index_cast %get3A_1654 : i32 to index
      %get3A_1656 = arith.constant 0 : index
      %get3A_1657 = tpu.vector_load %arg11[%get3A_1655, %get3A_1656] {strides = array<i32>} : memref<128x128xf32, #tpu.memory_space<vmem>>, vector<1x16xf32>,
      %get3A_1658 = vector.shape_cast %get3A_1657 : vector<1x16xf32> to vector<16xf32>
      %get3A_1659 = arith.constant 96 : i32
      %get3A_1660 = arith.index_cast %get3A_1659 : i32 to index
      %get3A_1661 = arith.constant 0 : index
      %get3A_1662 = tpu.vector_load %arg10[%get3A_1660, %get3A_1661] {strides = array<i32>} : memref<128x16xf32, #tpu.memory_space<vmem>>, vector<1x16xf32>,
      %get3A_1663 = vector.shape_cast %get3A_1662 : vector<1x16xf32> to vector<16xf32>
      %mul3A_1664 = arith.mulf %get3A_1658, %get3A_1663 : vector<16xf32>
      %swap3A_1665 = arith.constant 96 : i32
      %swap3A_1666 = arith.index_cast %swap3A_1665 : i32 to index
      %swap3A_1667 = arith.constant 0 : index
      %swap3A_1668 = tpu.vector_load %arg11[%swap3A_1666, %swap3A_1667] {strides = array<i32>} : memref<128x128xf32, #tpu.memory_space<vmem>>, vector<1x16xf32>,
      %swap3A_1669 = vector.shape_cast %swap3A_1668 : vector<1x16xf32> to vector<16xf32>
      %swap3A_1670 = vector.shape_cast %mul3A_1664 : vector<16xf32> to vector<1x16xf32>
      tpu.vector_store %arg11[%swap3A_1666, %swap3A_1667], %swap3A_1670 {strides = array<i32>} : memref<128x128xf32, #tpu.memory_space<vmem>>, vector<1x16xf32>,
      %get3A_1671 = arith.constant 97 : i32
      %get3A_1672 = arith.index_cast %get3A_1671 : i32 to index
      %get3A_1673 = arith.constant 0 : index
      %get3A_1674 = tpu.vector_load %arg11[%get3A_1672, %get3A_1673] {strides = array<i32>} : memref<128x128xf32, #tpu.memory_space<vmem>>, vector<1x16xf32>,
      %get3A_1675 = vector.shape_cast %get3A_1674 : vector<1x16xf32> to vector<16xf32>
      %get3A_1676 = arith.constant 97 : i32
      %get3A_1677 = arith.index_cast %get3A_1676 : i32 to index
      %get3A_1678 = arith.constant 0 : index
      %get3A_1679 = tpu.vector_load %arg10[%get3A_1677, %get3A_1678] {strides = array<i32>} : memref<128x16xf32, #tpu.memory_space<vmem>>, vector<1x16xf32>,
      %get3A_1680 = vector.shape_cast %get3A_1679 : vector<1x16xf32> to vector<16xf32>
      %mul3A_1681 = arith.mulf %get3A_1675, %get3A_1680 : vector<16xf32>
      %swap3A_1682 = arith.constant 97 : i32
      %swap3A_1683 = arith.index_cast %swap3A_1682 : i32 to index
      %swap3A_1684 = arith.constant 0 : index
      %swap3A_1685 = tpu.vector_load %arg11[%swap3A_1683, %swap3A_1684] {strides = array<i32>} : memref<128x128xf32, #tpu.memory_space<vmem>>, vector<1x16xf32>,
      %swap3A_1686 = vector.shape_cast %swap3A_1685 : vector<1x16xf32> to vector<16xf32>
      %swap3A_1687 = vector.shape_cast %mul3A_1681 : vector<16xf32> to vector<1x16xf32>
      tpu.vector_store %arg11[%swap3A_1683, %swap3A_1684], %swap3A_1687 {strides = array<i32>} : memref<128x128xf32, #tpu.memory_space<vmem>>, vector<1x16xf32>,
      %get3A_1688 = arith.constant 98 : i32
      %get3A_1689 = arith.index_cast %get3A_1688 : i32 to index
      %get3A_1690 = arith.constant 0 : index
      %get3A_1691 = tpu.vector_load %arg11[%get3A_1689, %get3A_1690] {strides = array<i32>} : memref<128x128xf32, #tpu.memory_space<vmem>>, vector<1x16xf32>,
      %get3A_1692 = vector.shape_cast %get3A_1691 : vector<1x16xf32> to vector<16xf32>
      %get3A_1693 = arith.constant 98 : i32
      %get3A_1694 = arith.index_cast %get3A_1693 : i32 to index
      %get3A_1695 = arith.constant 0 : index
      %get3A_1696 = tpu.vector_load %arg10[%get3A_1694, %get3A_1695] {strides = array<i32>} : memref<128x16xf32, #tpu.memory_space<vmem>>, vector<1x16xf32>,
      %get3A_1697 = vector.shape_cast %get3A_1696 : vector<1x16xf32> to vector<16xf32>
      %mul3A_1698 = arith.mulf %get3A_1692, %get3A_1697 : vector<16xf32>
      %swap3A_1699 = arith.constant 98 : i32
      %swap3A_1700 = arith.index_cast %swap3A_1699 : i32 to index
      %swap3A_1701 = arith.constant 0 : index
      %swap3A_1702 = tpu.vector_load %arg11[%swap3A_1700, %swap3A_1701] {strides = array<i32>} : memref<128x128xf32, #tpu.memory_space<vmem>>, vector<1x16xf32>,
      %swap3A_1703 = vector.shape_cast %swap3A_1702 : vector<1x16xf32> to vector<16xf32>
      %swap3A_1704 = vector.shape_cast %mul3A_1698 : vector<16xf32> to vector<1x16xf32>
      tpu.vector_store %arg11[%swap3A_1700, %swap3A_1701], %swap3A_1704 {strides = array<i32>} : memref<128x128xf32, #tpu.memory_space<vmem>>, vector<1x16xf32>,
      %get3A_1705 = arith.constant 99 : i32
      %get3A_1706 = arith.index_cast %get3A_1705 : i32 to index
      %get3A_1707 = arith.constant 0 : index
      %get3A_1708 = tpu.vector_load %arg11[%get3A_1706, %get3A_1707] {strides = array<i32>} : memref<128x128xf32, #tpu.memory_space<vmem>>, vector<1x16xf32>,
      %get3A_1709 = vector.shape_cast %get3A_1708 : vector<1x16xf32> to vector<16xf32>
      %get3A_1710 = arith.constant 99 : i32
      %get3A_1711 = arith.index_cast %get3A_1710 : i32 to index
      %get3A_1712 = arith.constant 0 : index
      %get3A_1713 = tpu.vector_load %arg10[%get3A_1711, %get3A_1712] {strides = array<i32>} : memref<128x16xf32, #tpu.memory_space<vmem>>, vector<1x16xf32>,
      %get3A_1714 = vector.shape_cast %get3A_1713 : vector<1x16xf32> to vector<16xf32>
      %mul3A_1715 = arith.mulf %get3A_1709, %get3A_1714 : vector<16xf32>
      %swap3A_1716 = arith.constant 99 : i32
      %swap3A_1717 = arith.index_cast %swap3A_1716 : i32 to index
      %swap3A_1718 = arith.constant 0 : index
      %swap3A_1719 = tpu.vector_load %arg11[%swap3A_1717, %swap3A_1718] {strides = array<i32>} : memref<128x128xf32, #tpu.memory_space<vmem>>, vector<1x16xf32>,
      %swap3A_1720 = vector.shape_cast %swap3A_1719 : vector<1x16xf32> to vector<16xf32>
      %swap3A_1721 = vector.shape_cast %mul3A_1715 : vector<16xf32> to vector<1x16xf32>
      tpu.vector_store %arg11[%swap3A_1717, %swap3A_1718], %swap3A_1721 {strides = array<i32>} : memref<128x128xf32, #tpu.memory_space<vmem>>, vector<1x16xf32>,
      %get3A_1722 = arith.constant 100 : i32
      %get3A_1723 = arith.index_cast %get3A_1722 : i32 to index
      %get3A_1724 = arith.constant 0 : index
      %get3A_1725 = tpu.vector_load %arg11[%get3A_1723, %get3A_1724] {strides = array<i32>} : memref<128x128xf32, #tpu.memory_space<vmem>>, vector<1x16xf32>,
      %get3A_1726 = vector.shape_cast %get3A_1725 : vector<1x16xf32> to vector<16xf32>
      %get3A_1727 = arith.constant 100 : i32
      %get3A_1728 = arith.index_cast %get3A_1727 : i32 to index
      %get3A_1729 = arith.constant 0 : index
      %get3A_1730 = tpu.vector_load %arg10[%get3A_1728, %get3A_1729] {strides = array<i32>} : memref<128x16xf32, #tpu.memory_space<vmem>>, vector<1x16xf32>,
      %get3A_1731 = vector.shape_cast %get3A_1730 : vector<1x16xf32> to vector<16xf32>
      %mul3A_1732 = arith.mulf %get3A_1726, %get3A_1731 : vector<16xf32>
      %swap3A_1733 = arith.constant 100 : i32
      %swap3A_1734 = arith.index_cast %swap3A_1733 : i32 to index
      %swap3A_1735 = arith.constant 0 : index
      %swap3A_1736 = tpu.vector_load %arg11[%swap3A_1734, %swap3A_1735] {strides = array<i32>} : memref<128x128xf32, #tpu.memory_space<vmem>>, vector<1x16xf32>,
      %swap3A_1737 = vector.shape_cast %swap3A_1736 : vector<1x16xf32> to vector<16xf32>
      %swap3A_1738 = vector.shape_cast %mul3A_1732 : vector<16xf32> to vector<1x16xf32>
      tpu.vector_store %arg11[%swap3A_1734, %swap3A_1735], %swap3A_1738 {strides = array<i32>} : memref<128x128xf32, #tpu.memory_space<vmem>>, vector<1x16xf32>,
      %get3A_1739 = arith.constant 101 : i32
      %get3A_1740 = arith.index_cast %get3A_1739 : i32 to index
      %get3A_1741 = arith.constant 0 : index
      %get3A_1742 = tpu.vector_load %arg11[%get3A_1740, %get3A_1741] {strides = array<i32>} : memref<128x128xf32, #tpu.memory_space<vmem>>, vector<1x16xf32>,
      %get3A_1743 = vector.shape_cast %get3A_1742 : vector<1x16xf32> to vector<16xf32>
      %get3A_1744 = arith.constant 101 : i32
      %get3A_1745 = arith.index_cast %get3A_1744 : i32 to index
      %get3A_1746 = arith.constant 0 : index
      %get3A_1747 = tpu.vector_load %arg10[%get3A_1745, %get3A_1746] {strides = array<i32>} : memref<128x16xf32, #tpu.memory_space<vmem>>, vector<1x16xf32>,
      %get3A_1748 = vector.shape_cast %get3A_1747 : vector<1x16xf32> to vector<16xf32>
      %mul3A_1749 = arith.mulf %get3A_1743, %get3A_1748 : vector<16xf32>
      %swap3A_1750 = arith.constant 101 : i32
      %swap3A_1751 = arith.index_cast %swap3A_1750 : i32 to index
      %swap3A_1752 = arith.constant 0 : index
      %swap3A_1753 = tpu.vector_load %arg11[%swap3A_1751, %swap3A_1752] {strides = array<i32>} : memref<128x128xf32, #tpu.memory_space<vmem>>, vector<1x16xf32>,
      %swap3A_1754 = vector.shape_cast %swap3A_1753 : vector<1x16xf32> to vector<16xf32>
      %swap3A_1755 = vector.shape_cast %mul3A_1749 : vector<16xf32> to vector<1x16xf32>
      tpu.vector_store %arg11[%swap3A_1751, %swap3A_1752], %swap3A_1755 {strides = array<i32>} : memref<128x128xf32, #tpu.memory_space<vmem>>, vector<1x16xf32>,
      %get3A_1756 = arith.constant 102 : i32
      %get3A_1757 = arith.index_cast %get3A_1756 : i32 to index
      %get3A_1758 = arith.constant 0 : index
      %get3A_1759 = tpu.vector_load %arg11[%get3A_1757, %get3A_1758] {strides = array<i32>} : memref<128x128xf32, #tpu.memory_space<vmem>>, vector<1x16xf32>,
      %get3A_1760 = vector.shape_cast %get3A_1759 : vector<1x16xf32> to vector<16xf32>
      %get3A_1761 = arith.constant 102 : i32
      %get3A_1762 = arith.index_cast %get3A_1761 : i32 to index
      %get3A_1763 = arith.constant 0 : index
      %get3A_1764 = tpu.vector_load %arg10[%get3A_1762, %get3A_1763] {strides = array<i32>} : memref<128x16xf32, #tpu.memory_space<vmem>>, vector<1x16xf32>,
      %get3A_1765 = vector.shape_cast %get3A_1764 : vector<1x16xf32> to vector<16xf32>
      %mul3A_1766 = arith.mulf %get3A_1760, %get3A_1765 : vector<16xf32>
      %swap3A_1767 = arith.constant 102 : i32
      %swap3A_1768 = arith.index_cast %swap3A_1767 : i32 to index
      %swap3A_1769 = arith.constant 0 : index
      %swap3A_1770 = tpu.vector_load %arg11[%swap3A_1768, %swap3A_1769] {strides = array<i32>} : memref<128x128xf32, #tpu.memory_space<vmem>>, vector<1x16xf32>,
      %swap3A_1771 = vector.shape_cast %swap3A_1770 : vector<1x16xf32> to vector<16xf32>
      %swap3A_1772 = vector.shape_cast %mul3A_1766 : vector<16xf32> to vector<1x16xf32>
      tpu.vector_store %arg11[%swap3A_1768, %swap3A_1769], %swap3A_1772 {strides = array<i32>} : memref<128x128xf32, #tpu.memory_space<vmem>>, vector<1x16xf32>,
      %get3A_1773 = arith.constant 103 : i32
      %get3A_1774 = arith.index_cast %get3A_1773 : i32 to index
      %get3A_1775 = arith.constant 0 : index
      %get3A_1776 = tpu.vector_load %arg11[%get3A_1774, %get3A_1775] {strides = array<i32>} : memref<128x128xf32, #tpu.memory_space<vmem>>, vector<1x16xf32>,
      %get3A_1777 = vector.shape_cast %get3A_1776 : vector<1x16xf32> to vector<16xf32>
      %get3A_1778 = arith.constant 103 : i32
      %get3A_1779 = arith.index_cast %get3A_1778 : i32 to index
      %get3A_1780 = arith.constant 0 : index
      %get3A_1781 = tpu.vector_load %arg10[%get3A_1779, %get3A_1780] {strides = array<i32>} : memref<128x16xf32, #tpu.memory_space<vmem>>, vector<1x16xf32>,
      %get3A_1782 = vector.shape_cast %get3A_1781 : vector<1x16xf32> to vector<16xf32>
      %mul3A_1783 = arith.mulf %get3A_1777, %get3A_1782 : vector<16xf32>
      %swap3A_1784 = arith.constant 103 : i32
      %swap3A_1785 = arith.index_cast %swap3A_1784 : i32 to index
      %swap3A_1786 = arith.constant 0 : index
      %swap3A_1787 = tpu.vector_load %arg11[%swap3A_1785, %swap3A_1786] {strides = array<i32>} : memref<128x128xf32, #tpu.memory_space<vmem>>, vector<1x16xf32>,
      %swap3A_1788 = vector.shape_cast %swap3A_1787 : vector<1x16xf32> to vector<16xf32>
      %swap3A_1789 = vector.shape_cast %mul3A_1783 : vector<16xf32> to vector<1x16xf32>
      tpu.vector_store %arg11[%swap3A_1785, %swap3A_1786], %swap3A_1789 {strides = array<i32>} : memref<128x128xf32, #tpu.memory_space<vmem>>, vector<1x16xf32>,
      %get3A_1790 = arith.constant 104 : i32
      %get3A_1791 = arith.index_cast %get3A_1790 : i32 to index
      %get3A_1792 = arith.constant 0 : index
      %get3A_1793 = tpu.vector_load %arg11[%get3A_1791, %get3A_1792] {strides = array<i32>} : memref<128x128xf32, #tpu.memory_space<vmem>>, vector<1x16xf32>,
      %get3A_1794 = vector.shape_cast %get3A_1793 : vector<1x16xf32> to vector<16xf32>
      %get3A_1795 = arith.constant 104 : i32
      %get3A_1796 = arith.index_cast %get3A_1795 : i32 to index
      %get3A_1797 = arith.constant 0 : index
      %get3A_1798 = tpu.vector_load %arg10[%get3A_1796, %get3A_1797] {strides = array<i32>} : memref<128x16xf32, #tpu.memory_space<vmem>>, vector<1x16xf32>,
      %get3A_1799 = vector.shape_cast %get3A_1798 : vector<1x16xf32> to vector<16xf32>
      %mul3A_1800 = arith.mulf %get3A_1794, %get3A_1799 : vector<16xf32>
      %swap3A_1801 = arith.constant 104 : i32
      %swap3A_1802 = arith.index_cast %swap3A_1801 : i32 to index
      %swap3A_1803 = arith.constant 0 : index
      %swap3A_1804 = tpu.vector_load %arg11[%swap3A_1802, %swap3A_1803] {strides = array<i32>} : memref<128x128xf32, #tpu.memory_space<vmem>>, vector<1x16xf32>,
      %swap3A_1805 = vector.shape_cast %swap3A_1804 : vector<1x16xf32> to vector<16xf32>
      %swap3A_1806 = vector.shape_cast %mul3A_1800 : vector<16xf32> to vector<1x16xf32>
      tpu.vector_store %arg11[%swap3A_1802, %swap3A_1803], %swap3A_1806 {strides = array<i32>} : memref<128x128xf32, #tpu.memory_space<vmem>>, vector<1x16xf32>,
      %get3A_1807 = arith.constant 105 : i32
      %get3A_1808 = arith.index_cast %get3A_1807 : i32 to index
      %get3A_1809 = arith.constant 0 : index
      %get3A_1810 = tpu.vector_load %arg11[%get3A_1808, %get3A_1809] {strides = array<i32>} : memref<128x128xf32, #tpu.memory_space<vmem>>, vector<1x16xf32>,
      %get3A_1811 = vector.shape_cast %get3A_1810 : vector<1x16xf32> to vector<16xf32>
      %get3A_1812 = arith.constant 105 : i32
      %get3A_1813 = arith.index_cast %get3A_1812 : i32 to index
      %get3A_1814 = arith.constant 0 : index
      %get3A_1815 = tpu.vector_load %arg10[%get3A_1813, %get3A_1814] {strides = array<i32>} : memref<128x16xf32, #tpu.memory_space<vmem>>, vector<1x16xf32>,
      %get3A_1816 = vector.shape_cast %get3A_1815 : vector<1x16xf32> to vector<16xf32>
      %mul3A_1817 = arith.mulf %get3A_1811, %get3A_1816 : vector<16xf32>
      %swap3A_1818 = arith.constant 105 : i32
      %swap3A_1819 = arith.index_cast %swap3A_1818 : i32 to index
      %swap3A_1820 = arith.constant 0 : index
      %swap3A_1821 = tpu.vector_load %arg11[%swap3A_1819, %swap3A_1820] {strides = array<i32>} : memref<128x128xf32, #tpu.memory_space<vmem>>, vector<1x16xf32>,
      %swap3A_1822 = vector.shape_cast %swap3A_1821 : vector<1x16xf32> to vector<16xf32>
      %swap3A_1823 = vector.shape_cast %mul3A_1817 : vector<16xf32> to vector<1x16xf32>
      tpu.vector_store %arg11[%swap3A_1819, %swap3A_1820], %swap3A_1823 {strides = array<i32>} : memref<128x128xf32, #tpu.memory_space<vmem>>, vector<1x16xf32>,
      %get3A_1824 = arith.constant 106 : i32
      %get3A_1825 = arith.index_cast %get3A_1824 : i32 to index
      %get3A_1826 = arith.constant 0 : index
      %get3A_1827 = tpu.vector_load %arg11[%get3A_1825, %get3A_1826] {strides = array<i32>} : memref<128x128xf32, #tpu.memory_space<vmem>>, vector<1x16xf32>,
      %get3A_1828 = vector.shape_cast %get3A_1827 : vector<1x16xf32> to vector<16xf32>
      %get3A_1829 = arith.constant 106 : i32
      %get3A_1830 = arith.index_cast %get3A_1829 : i32 to index
      %get3A_1831 = arith.constant 0 : index
      %get3A_1832 = tpu.vector_load %arg10[%get3A_1830, %get3A_1831] {strides = array<i32>} : memref<128x16xf32, #tpu.memory_space<vmem>>, vector<1x16xf32>,
      %get3A_1833 = vector.shape_cast %get3A_1832 : vector<1x16xf32> to vector<16xf32>
      %mul3A_1834 = arith.mulf %get3A_1828, %get3A_1833 : vector<16xf32>
      %swap3A_1835 = arith.constant 106 : i32
      %swap3A_1836 = arith.index_cast %swap3A_1835 : i32 to index
      %swap3A_1837 = arith.constant 0 : index
      %swap3A_1838 = tpu.vector_load %arg11[%swap3A_1836, %swap3A_1837] {strides = array<i32>} : memref<128x128xf32, #tpu.memory_space<vmem>>, vector<1x16xf32>,
      %swap3A_1839 = vector.shape_cast %swap3A_1838 : vector<1x16xf32> to vector<16xf32>
      %swap3A_1840 = vector.shape_cast %mul3A_1834 : vector<16xf32> to vector<1x16xf32>
      tpu.vector_store %arg11[%swap3A_1836, %swap3A_1837], %swap3A_1840 {strides = array<i32>} : memref<128x128xf32, #tpu.memory_space<vmem>>, vector<1x16xf32>,
      %get3A_1841 = arith.constant 107 : i32
      %get3A_1842 = arith.index_cast %get3A_1841 : i32 to index
      %get3A_1843 = arith.constant 0 : index
      %get3A_1844 = tpu.vector_load %arg11[%get3A_1842, %get3A_1843] {strides = array<i32>} : memref<128x128xf32, #tpu.memory_space<vmem>>, vector<1x16xf32>,
      %get3A_1845 = vector.shape_cast %get3A_1844 : vector<1x16xf32> to vector<16xf32>
      %get3A_1846 = arith.constant 107 : i32
      %get3A_1847 = arith.index_cast %get3A_1846 : i32 to index
      %get3A_1848 = arith.constant 0 : index
      %get3A_1849 = tpu.vector_load %arg10[%get3A_1847, %get3A_1848] {strides = array<i32>} : memref<128x16xf32, #tpu.memory_space<vmem>>, vector<1x16xf32>,
      %get3A_1850 = vector.shape_cast %get3A_1849 : vector<1x16xf32> to vector<16xf32>
      %mul3A_1851 = arith.mulf %get3A_1845, %get3A_1850 : vector<16xf32>
      %swap3A_1852 = arith.constant 107 : i32
      %swap3A_1853 = arith.index_cast %swap3A_1852 : i32 to index
      %swap3A_1854 = arith.constant 0 : index
      %swap3A_1855 = tpu.vector_load %arg11[%swap3A_1853, %swap3A_1854] {strides = array<i32>} : memref<128x128xf32, #tpu.memory_space<vmem>>, vector<1x16xf32>,
      %swap3A_1856 = vector.shape_cast %swap3A_1855 : vector<1x16xf32> to vector<16xf32>
      %swap3A_1857 = vector.shape_cast %mul3A_1851 : vector<16xf32> to vector<1x16xf32>
      tpu.vector_store %arg11[%swap3A_1853, %swap3A_1854], %swap3A_1857 {strides = array<i32>} : memref<128x128xf32, #tpu.memory_space<vmem>>, vector<1x16xf32>,
      %get3A_1858 = arith.constant 108 : i32
      %get3A_1859 = arith.index_cast %get3A_1858 : i32 to index
      %get3A_1860 = arith.constant 0 : index
      %get3A_1861 = tpu.vector_load %arg11[%get3A_1859, %get3A_1860] {strides = array<i32>} : memref<128x128xf32, #tpu.memory_space<vmem>>, vector<1x16xf32>,
      %get3A_1862 = vector.shape_cast %get3A_1861 : vector<1x16xf32> to vector<16xf32>
      %get3A_1863 = arith.constant 108 : i32
      %get3A_1864 = arith.index_cast %get3A_1863 : i32 to index
      %get3A_1865 = arith.constant 0 : index
      %get3A_1866 = tpu.vector_load %arg10[%get3A_1864, %get3A_1865] {strides = array<i32>} : memref<128x16xf32, #tpu.memory_space<vmem>>, vector<1x16xf32>,
      %get3A_1867 = vector.shape_cast %get3A_1866 : vector<1x16xf32> to vector<16xf32>
      %mul3A_1868 = arith.mulf %get3A_1862, %get3A_1867 : vector<16xf32>
      %swap3A_1869 = arith.constant 108 : i32
      %swap3A_1870 = arith.index_cast %swap3A_1869 : i32 to index
      %swap3A_1871 = arith.constant 0 : index
      %swap3A_1872 = tpu.vector_load %arg11[%swap3A_1870, %swap3A_1871] {strides = array<i32>} : memref<128x128xf32, #tpu.memory_space<vmem>>, vector<1x16xf32>,
      %swap3A_1873 = vector.shape_cast %swap3A_1872 : vector<1x16xf32> to vector<16xf32>
      %swap3A_1874 = vector.shape_cast %mul3A_1868 : vector<16xf32> to vector<1x16xf32>
      tpu.vector_store %arg11[%swap3A_1870, %swap3A_1871], %swap3A_1874 {strides = array<i32>} : memref<128x128xf32, #tpu.memory_space<vmem>>, vector<1x16xf32>,
      %get3A_1875 = arith.constant 109 : i32
      %get3A_1876 = arith.index_cast %get3A_1875 : i32 to index
      %get3A_1877 = arith.constant 0 : index
      %get3A_1878 = tpu.vector_load %arg11[%get3A_1876, %get3A_1877] {strides = array<i32>} : memref<128x128xf32, #tpu.memory_space<vmem>>, vector<1x16xf32>,
      %get3A_1879 = vector.shape_cast %get3A_1878 : vector<1x16xf32> to vector<16xf32>
      %get3A_1880 = arith.constant 109 : i32
      %get3A_1881 = arith.index_cast %get3A_1880 : i32 to index
      %get3A_1882 = arith.constant 0 : index
      %get3A_1883 = tpu.vector_load %arg10[%get3A_1881, %get3A_1882] {strides = array<i32>} : memref<128x16xf32, #tpu.memory_space<vmem>>, vector<1x16xf32>,
      %get3A_1884 = vector.shape_cast %get3A_1883 : vector<1x16xf32> to vector<16xf32>
      %mul3A_1885 = arith.mulf %get3A_1879, %get3A_1884 : vector<16xf32>
      %swap3A_1886 = arith.constant 109 : i32
      %swap3A_1887 = arith.index_cast %swap3A_1886 : i32 to index
      %swap3A_1888 = arith.constant 0 : index
      %swap3A_1889 = tpu.vector_load %arg11[%swap3A_1887, %swap3A_1888] {strides = array<i32>} : memref<128x128xf32, #tpu.memory_space<vmem>>, vector<1x16xf32>,
      %swap3A_1890 = vector.shape_cast %swap3A_1889 : vector<1x16xf32> to vector<16xf32>
      %swap3A_1891 = vector.shape_cast %mul3A_1885 : vector<16xf32> to vector<1x16xf32>
      tpu.vector_store %arg11[%swap3A_1887, %swap3A_1888], %swap3A_1891 {strides = array<i32>} : memref<128x128xf32, #tpu.memory_space<vmem>>, vector<1x16xf32>,
      %get3A_1892 = arith.constant 110 : i32
      %get3A_1893 = arith.index_cast %get3A_1892 : i32 to index
      %get3A_1894 = arith.constant 0 : index
      %get3A_1895 = tpu.vector_load %arg11[%get3A_1893, %get3A_1894] {strides = array<i32>} : memref<128x128xf32, #tpu.memory_space<vmem>>, vector<1x16xf32>,
      %get3A_1896 = vector.shape_cast %get3A_1895 : vector<1x16xf32> to vector<16xf32>
      %get3A_1897 = arith.constant 110 : i32
      %get3A_1898 = arith.index_cast %get3A_1897 : i32 to index
      %get3A_1899 = arith.constant 0 : index
      %get3A_1900 = tpu.vector_load %arg10[%get3A_1898, %get3A_1899] {strides = array<i32>} : memref<128x16xf32, #tpu.memory_space<vmem>>, vector<1x16xf32>,
      %get3A_1901 = vector.shape_cast %get3A_1900 : vector<1x16xf32> to vector<16xf32>
      %mul3A_1902 = arith.mulf %get3A_1896, %get3A_1901 : vector<16xf32>
      %swap3A_1903 = arith.constant 110 : i32
      %swap3A_1904 = arith.index_cast %swap3A_1903 : i32 to index
      %swap3A_1905 = arith.constant 0 : index
      %swap3A_1906 = tpu.vector_load %arg11[%swap3A_1904, %swap3A_1905] {strides = array<i32>} : memref<128x128xf32, #tpu.memory_space<vmem>>, vector<1x16xf32>,
      %swap3A_1907 = vector.shape_cast %swap3A_1906 : vector<1x16xf32> to vector<16xf32>
      %swap3A_1908 = vector.shape_cast %mul3A_1902 : vector<16xf32> to vector<1x16xf32>
      tpu.vector_store %arg11[%swap3A_1904, %swap3A_1905], %swap3A_1908 {strides = array<i32>} : memref<128x128xf32, #tpu.memory_space<vmem>>, vector<1x16xf32>,
      %get3A_1909 = arith.constant 111 : i32
      %get3A_1910 = arith.index_cast %get3A_1909 : i32 to index
      %get3A_1911 = arith.constant 0 : index
      %get3A_1912 = tpu.vector_load %arg11[%get3A_1910, %get3A_1911] {strides = array<i32>} : memref<128x128xf32, #tpu.memory_space<vmem>>, vector<1x16xf32>,
      %get3A_1913 = vector.shape_cast %get3A_1912 : vector<1x16xf32> to vector<16xf32>
      %get3A_1914 = arith.constant 111 : i32
      %get3A_1915 = arith.index_cast %get3A_1914 : i32 to index
      %get3A_1916 = arith.constant 0 : index
      %get3A_1917 = tpu.vector_load %arg10[%get3A_1915, %get3A_1916] {strides = array<i32>} : memref<128x16xf32, #tpu.memory_space<vmem>>, vector<1x16xf32>,
      %get3A_1918 = vector.shape_cast %get3A_1917 : vector<1x16xf32> to vector<16xf32>
      %mul3A_1919 = arith.mulf %get3A_1913, %get3A_1918 : vector<16xf32>
      %swap3A_1920 = arith.constant 111 : i32
      %swap3A_1921 = arith.index_cast %swap3A_1920 : i32 to index
      %swap3A_1922 = arith.constant 0 : index
      %swap3A_1923 = tpu.vector_load %arg11[%swap3A_1921, %swap3A_1922] {strides = array<i32>} : memref<128x128xf32, #tpu.memory_space<vmem>>, vector<1x16xf32>,
      %swap3A_1924 = vector.shape_cast %swap3A_1923 : vector<1x16xf32> to vector<16xf32>
      %swap3A_1925 = vector.shape_cast %mul3A_1919 : vector<16xf32> to vector<1x16xf32>
      tpu.vector_store %arg11[%swap3A_1921, %swap3A_1922], %swap3A_1925 {strides = array<i32>} : memref<128x128xf32, #tpu.memory_space<vmem>>, vector<1x16xf32>,
      %get3A_1926 = arith.constant 112 : i32
      %get3A_1927 = arith.index_cast %get3A_1926 : i32 to index
      %get3A_1928 = arith.constant 0 : index
      %get3A_1929 = tpu.vector_load %arg11[%get3A_1927, %get3A_1928] {strides = array<i32>} : memref<128x128xf32, #tpu.memory_space<vmem>>, vector<1x16xf32>,
      %get3A_1930 = vector.shape_cast %get3A_1929 : vector<1x16xf32> to vector<16xf32>
      %get3A_1931 = arith.constant 112 : i32
      %get3A_1932 = arith.index_cast %get3A_1931 : i32 to index
      %get3A_1933 = arith.constant 0 : index
      %get3A_1934 = tpu.vector_load %arg10[%get3A_1932, %get3A_1933] {strides = array<i32>} : memref<128x16xf32, #tpu.memory_space<vmem>>, vector<1x16xf32>,
      %get3A_1935 = vector.shape_cast %get3A_1934 : vector<1x16xf32> to vector<16xf32>
      %mul3A_1936 = arith.mulf %get3A_1930, %get3A_1935 : vector<16xf32>
      %swap3A_1937 = arith.constant 112 : i32
      %swap3A_1938 = arith.index_cast %swap3A_1937 : i32 to index
      %swap3A_1939 = arith.constant 0 : index
      %swap3A_1940 = tpu.vector_load %arg11[%swap3A_1938, %swap3A_1939] {strides = array<i32>} : memref<128x128xf32, #tpu.memory_space<vmem>>, vector<1x16xf32>,
      %swap3A_1941 = vector.shape_cast %swap3A_1940 : vector<1x16xf32> to vector<16xf32>
      %swap3A_1942 = vector.shape_cast %mul3A_1936 : vector<16xf32> to vector<1x16xf32>
      tpu.vector_store %arg11[%swap3A_1938, %swap3A_1939], %swap3A_1942 {strides = array<i32>} : memref<128x128xf32, #tpu.memory_space<vmem>>, vector<1x16xf32>,
      %get3A_1943 = arith.constant 113 : i32
      %get3A_1944 = arith.index_cast %get3A_1943 : i32 to index
      %get3A_1945 = arith.constant 0 : index
      %get3A_1946 = tpu.vector_load %arg11[%get3A_1944, %get3A_1945] {strides = array<i32>} : memref<128x128xf32, #tpu.memory_space<vmem>>, vector<1x16xf32>,
      %get3A_1947 = vector.shape_cast %get3A_1946 : vector<1x16xf32> to vector<16xf32>
      %get3A_1948 = arith.constant 113 : i32
      %get3A_1949 = arith.index_cast %get3A_1948 : i32 to index
      %get3A_1950 = arith.constant 0 : index
      %get3A_1951 = tpu.vector_load %arg10[%get3A_1949, %get3A_1950] {strides = array<i32>} : memref<128x16xf32, #tpu.memory_space<vmem>>, vector<1x16xf32>,
      %get3A_1952 = vector.shape_cast %get3A_1951 : vector<1x16xf32> to vector<16xf32>
      %mul3A_1953 = arith.mulf %get3A_1947, %get3A_1952 : vector<16xf32>
      %swap3A_1954 = arith.constant 113 : i32
      %swap3A_1955 = arith.index_cast %swap3A_1954 : i32 to index
      %swap3A_1956 = arith.constant 0 : index
      %swap3A_1957 = tpu.vector_load %arg11[%swap3A_1955, %swap3A_1956] {strides = array<i32>} : memref<128x128xf32, #tpu.memory_space<vmem>>, vector<1x16xf32>,
      %swap3A_1958 = vector.shape_cast %swap3A_1957 : vector<1x16xf32> to vector<16xf32>
      %swap3A_1959 = vector.shape_cast %mul3A_1953 : vector<16xf32> to vector<1x16xf32>
      tpu.vector_store %arg11[%swap3A_1955, %swap3A_1956], %swap3A_1959 {strides = array<i32>} : memref<128x128xf32, #tpu.memory_space<vmem>>, vector<1x16xf32>,
      %get3A_1960 = arith.constant 114 : i32
      %get3A_1961 = arith.index_cast %get3A_1960 : i32 to index
      %get3A_1962 = arith.constant 0 : index
      %get3A_1963 = tpu.vector_load %arg11[%get3A_1961, %get3A_1962] {strides = array<i32>} : memref<128x128xf32, #tpu.memory_space<vmem>>, vector<1x16xf32>,
      %get3A_1964 = vector.shape_cast %get3A_1963 : vector<1x16xf32> to vector<16xf32>
      %get3A_1965 = arith.constant 114 : i32
      %get3A_1966 = arith.index_cast %get3A_1965 : i32 to index
      %get3A_1967 = arith.constant 0 : index
      %get3A_1968 = tpu.vector_load %arg10[%get3A_1966, %get3A_1967] {strides = array<i32>} : memref<128x16xf32, #tpu.memory_space<vmem>>, vector<1x16xf32>,
      %get3A_1969 = vector.shape_cast %get3A_1968 : vector<1x16xf32> to vector<16xf32>
      %mul3A_1970 = arith.mulf %get3A_1964, %get3A_1969 : vector<16xf32>
      %swap3A_1971 = arith.constant 114 : i32
      %swap3A_1972 = arith.index_cast %swap3A_1971 : i32 to index
      %swap3A_1973 = arith.constant 0 : index
      %swap3A_1974 = tpu.vector_load %arg11[%swap3A_1972, %swap3A_1973] {strides = array<i32>} : memref<128x128xf32, #tpu.memory_space<vmem>>, vector<1x16xf32>,
      %swap3A_1975 = vector.shape_cast %swap3A_1974 : vector<1x16xf32> to vector<16xf32>
      %swap3A_1976 = vector.shape_cast %mul3A_1970 : vector<16xf32> to vector<1x16xf32>
      tpu.vector_store %arg11[%swap3A_1972, %swap3A_1973], %swap3A_1976 {strides = array<i32>} : memref<128x128xf32, #tpu.memory_space<vmem>>, vector<1x16xf32>,
      %get3A_1977 = arith.constant 115 : i32
      %get3A_1978 = arith.index_cast %get3A_1977 : i32 to index
      %get3A_1979 = arith.constant 0 : index
      %get3A_1980 = tpu.vector_load %arg11[%get3A_1978, %get3A_1979] {strides = array<i32>} : memref<128x128xf32, #tpu.memory_space<vmem>>, vector<1x16xf32>,
      %get3A_1981 = vector.shape_cast %get3A_1980 : vector<1x16xf32> to vector<16xf32>
      %get3A_1982 = arith.constant 115 : i32
      %get3A_1983 = arith.index_cast %get3A_1982 : i32 to index
      %get3A_1984 = arith.constant 0 : index
      %get3A_1985 = tpu.vector_load %arg10[%get3A_1983, %get3A_1984] {strides = array<i32>} : memref<128x16xf32, #tpu.memory_space<vmem>>, vector<1x16xf32>,
      %get3A_1986 = vector.shape_cast %get3A_1985 : vector<1x16xf32> to vector<16xf32>
      %mul3A_1987 = arith.mulf %get3A_1981, %get3A_1986 : vector<16xf32>
      %swap3A_1988 = arith.constant 115 : i32
      %swap3A_1989 = arith.index_cast %swap3A_1988 : i32 to index
      %swap3A_1990 = arith.constant 0 : index
      %swap3A_1991 = tpu.vector_load %arg11[%swap3A_1989, %swap3A_1990] {strides = array<i32>} : memref<128x128xf32, #tpu.memory_space<vmem>>, vector<1x16xf32>,
      %swap3A_1992 = vector.shape_cast %swap3A_1991 : vector<1x16xf32> to vector<16xf32>
      %swap3A_1993 = vector.shape_cast %mul3A_1987 : vector<16xf32> to vector<1x16xf32>
      tpu.vector_store %arg11[%swap3A_1989, %swap3A_1990], %swap3A_1993 {strides = array<i32>} : memref<128x128xf32, #tpu.memory_space<vmem>>, vector<1x16xf32>,
      %get3A_1994 = arith.constant 116 : i32
      %get3A_1995 = arith.index_cast %get3A_1994 : i32 to index
      %get3A_1996 = arith.constant 0 : index
      %get3A_1997 = tpu.vector_load %arg11[%get3A_1995, %get3A_1996] {strides = array<i32>} : memref<128x128xf32, #tpu.memory_space<vmem>>, vector<1x16xf32>,
      %get3A_1998 = vector.shape_cast %get3A_1997 : vector<1x16xf32> to vector<16xf32>
      %get3A_1999 = arith.constant 116 : i32
      %get3A_2000 = arith.index_cast %get3A_1999 : i32 to index
      %get3A_2001 = arith.constant 0 : index
      %get3A_2002 = tpu.vector_load %arg10[%get3A_2000, %get3A_2001] {strides = array<i32>} : memref<128x16xf32, #tpu.memory_space<vmem>>, vector<1x16xf32>,
      %get3A_2003 = vector.shape_cast %get3A_2002 : vector<1x16xf32> to vector<16xf32>
      %mul3A_2004 = arith.mulf %get3A_1998, %get3A_2003 : vector<16xf32>
      %swap3A_2005 = arith.constant 116 : i32
      %swap3A_2006 = arith.index_cast %swap3A_2005 : i32 to index
      %swap3A_2007 = arith.constant 0 : index
      %swap3A_2008 = tpu.vector_load %arg11[%swap3A_2006, %swap3A_2007] {strides = array<i32>} : memref<128x128xf32, #tpu.memory_space<vmem>>, vector<1x16xf32>,
      %swap3A_2009 = vector.shape_cast %swap3A_2008 : vector<1x16xf32> to vector<16xf32>
      %swap3A_2010 = vector.shape_cast %mul3A_2004 : vector<16xf32> to vector<1x16xf32>
      tpu.vector_store %arg11[%swap3A_2006, %swap3A_2007], %swap3A_2010 {strides = array<i32>} : memref<128x128xf32, #tpu.memory_space<vmem>>, vector<1x16xf32>,
      %get3A_2011 = arith.constant 117 : i32
      %get3A_2012 = arith.index_cast %get3A_2011 : i32 to index
      %get3A_2013 = arith.constant 0 : index
      %get3A_2014 = tpu.vector_load %arg11[%get3A_2012, %get3A_2013] {strides = array<i32>} : memref<128x128xf32, #tpu.memory_space<vmem>>, vector<1x16xf32>,
      %get3A_2015 = vector.shape_cast %get3A_2014 : vector<1x16xf32> to vector<16xf32>
      %get3A_2016 = arith.constant 117 : i32
      %get3A_2017 = arith.index_cast %get3A_2016 : i32 to index
      %get3A_2018 = arith.constant 0 : index
      %get3A_2019 = tpu.vector_load %arg10[%get3A_2017, %get3A_2018] {strides = array<i32>} : memref<128x16xf32, #tpu.memory_space<vmem>>, vector<1x16xf32>,
      %get3A_2020 = vector.shape_cast %get3A_2019 : vector<1x16xf32> to vector<16xf32>
      %mul3A_2021 = arith.mulf %get3A_2015, %get3A_2020 : vector<16xf32>
      %swap3A_2022 = arith.constant 117 : i32
      %swap3A_2023 = arith.index_cast %swap3A_2022 : i32 to index
      %swap3A_2024 = arith.constant 0 : index
      %swap3A_2025 = tpu.vector_load %arg11[%swap3A_2023, %swap3A_2024] {strides = array<i32>} : memref<128x128xf32, #tpu.memory_space<vmem>>, vector<1x16xf32>,
      %swap3A_2026 = vector.shape_cast %swap3A_2025 : vector<1x16xf32> to vector<16xf32>
      %swap3A_2027 = vector.shape_cast %mul3A_2021 : vector<16xf32> to vector<1x16xf32>
      tpu.vector_store %arg11[%swap3A_2023, %swap3A_2024], %swap3A_2027 {strides = array<i32>} : memref<128x128xf32, #tpu.memory_space<vmem>>, vector<1x16xf32>,
      %get3A_2028 = arith.constant 118 : i32
      %get3A_2029 = arith.index_cast %get3A_2028 : i32 to index
      %get3A_2030 = arith.constant 0 : index
      %get3A_2031 = tpu.vector_load %arg11[%get3A_2029, %get3A_2030] {strides = array<i32>} : memref<128x128xf32, #tpu.memory_space<vmem>>, vector<1x16xf32>,
      %get3A_2032 = vector.shape_cast %get3A_2031 : vector<1x16xf32> to vector<16xf32>
      %get3A_2033 = arith.constant 118 : i32
      %get3A_2034 = arith.index_cast %get3A_2033 : i32 to index
      %get3A_2035 = arith.constant 0 : index
      %get3A_2036 = tpu.vector_load %arg10[%get3A_2034, %get3A_2035] {strides = array<i32>} : memref<128x16xf32, #tpu.memory_space<vmem>>, vector<1x16xf32>,
      %get3A_2037 = vector.shape_cast %get3A_2036 : vector<1x16xf32> to vector<16xf32>
      %mul3A_2038 = arith.mulf %get3A_2032, %get3A_2037 : vector<16xf32>
      %swap3A_2039 = arith.constant 118 : i32
      %swap3A_2040 = arith.index_cast %swap3A_2039 : i32 to index
      %swap3A_2041 = arith.constant 0 : index
      %swap3A_2042 = tpu.vector_load %arg11[%swap3A_2040, %swap3A_2041] {strides = array<i32>} : memref<128x128xf32, #tpu.memory_space<vmem>>, vector<1x16xf32>,
      %swap3A_2043 = vector.shape_cast %swap3A_2042 : vector<1x16xf32> to vector<16xf32>
      %swap3A_2044 = vector.shape_cast %mul3A_2038 : vector<16xf32> to vector<1x16xf32>
      tpu.vector_store %arg11[%swap3A_2040, %swap3A_2041], %swap3A_2044 {strides = array<i32>} : memref<128x128xf32, #tpu.memory_space<vmem>>, vector<1x16xf32>,
      %get3A_2045 = arith.constant 119 : i32
      %get3A_2046 = arith.index_cast %get3A_2045 : i32 to index
      %get3A_2047 = arith.constant 0 : index
      %get3A_2048 = tpu.vector_load %arg11[%get3A_2046, %get3A_2047] {strides = array<i32>} : memref<128x128xf32, #tpu.memory_space<vmem>>, vector<1x16xf32>,
      %get3A_2049 = vector.shape_cast %get3A_2048 : vector<1x16xf32> to vector<16xf32>
      %get3A_2050 = arith.constant 119 : i32
      %get3A_2051 = arith.index_cast %get3A_2050 : i32 to index
      %get3A_2052 = arith.constant 0 : index
      %get3A_2053 = tpu.vector_load %arg10[%get3A_2051, %get3A_2052] {strides = array<i32>} : memref<128x16xf32, #tpu.memory_space<vmem>>, vector<1x16xf32>,
      %get3A_2054 = vector.shape_cast %get3A_2053 : vector<1x16xf32> to vector<16xf32>
      %mul3A_2055 = arith.mulf %get3A_2049, %get3A_2054 : vector<16xf32>
      %swap3A_2056 = arith.constant 119 : i32
      %swap3A_2057 = arith.index_cast %swap3A_2056 : i32 to index
      %swap3A_2058 = arith.constant 0 : index
      %swap3A_2059 = tpu.vector_load %arg11[%swap3A_2057, %swap3A_2058] {strides = array<i32>} : memref<128x128xf32, #tpu.memory_space<vmem>>, vector<1x16xf32>,
      %swap3A_2060 = vector.shape_cast %swap3A_2059 : vector<1x16xf32> to vector<16xf32>
      %swap3A_2061 = vector.shape_cast %mul3A_2055 : vector<16xf32> to vector<1x16xf32>
      tpu.vector_store %arg11[%swap3A_2057, %swap3A_2058], %swap3A_2061 {strides = array<i32>} : memref<128x128xf32, #tpu.memory_space<vmem>>, vector<1x16xf32>,
      %get3A_2062 = arith.constant 120 : i32
      %get3A_2063 = arith.index_cast %get3A_2062 : i32 to index
      %get3A_2064 = arith.constant 0 : index
      %get3A_2065 = tpu.vector_load %arg11[%get3A_2063, %get3A_2064] {strides = array<i32>} : memref<128x128xf32, #tpu.memory_space<vmem>>, vector<1x16xf32>,
      %get3A_2066 = vector.shape_cast %get3A_2065 : vector<1x16xf32> to vector<16xf32>
      %get3A_2067 = arith.constant 120 : i32
      %get3A_2068 = arith.index_cast %get3A_2067 : i32 to index
      %get3A_2069 = arith.constant 0 : index
      %get3A_2070 = tpu.vector_load %arg10[%get3A_2068, %get3A_2069] {strides = array<i32>} : memref<128x16xf32, #tpu.memory_space<vmem>>, vector<1x16xf32>,
      %get3A_2071 = vector.shape_cast %get3A_2070 : vector<1x16xf32> to vector<16xf32>
      %mul3A_2072 = arith.mulf %get3A_2066, %get3A_2071 : vector<16xf32>
      %swap3A_2073 = arith.constant 120 : i32
      %swap3A_2074 = arith.index_cast %swap3A_2073 : i32 to index
      %swap3A_2075 = arith.constant 0 : index
      %swap3A_2076 = tpu.vector_load %arg11[%swap3A_2074, %swap3A_2075] {strides = array<i32>} : memref<128x128xf32, #tpu.memory_space<vmem>>, vector<1x16xf32>,
      %swap3A_2077 = vector.shape_cast %swap3A_2076 : vector<1x16xf32> to vector<16xf32>
      %swap3A_2078 = vector.shape_cast %mul3A_2072 : vector<16xf32> to vector<1x16xf32>
      tpu.vector_store %arg11[%swap3A_2074, %swap3A_2075], %swap3A_2078 {strides = array<i32>} : memref<128x128xf32, #tpu.memory_space<vmem>>, vector<1x16xf32>,
      %get3A_2079 = arith.constant 121 : i32
      %get3A_2080 = arith.index_cast %get3A_2079 : i32 to index
      %get3A_2081 = arith.constant 0 : index
      %get3A_2082 = tpu.vector_load %arg11[%get3A_2080, %get3A_2081] {strides = array<i32>} : memref<128x128xf32, #tpu.memory_space<vmem>>, vector<1x16xf32>,
      %get3A_2083 = vector.shape_cast %get3A_2082 : vector<1x16xf32> to vector<16xf32>
      %get3A_2084 = arith.constant 121 : i32
      %get3A_2085 = arith.index_cast %get3A_2084 : i32 to index
      %get3A_2086 = arith.constant 0 : index
      %get3A_2087 = tpu.vector_load %arg10[%get3A_2085, %get3A_2086] {strides = array<i32>} : memref<128x16xf32, #tpu.memory_space<vmem>>, vector<1x16xf32>,
      %get3A_2088 = vector.shape_cast %get3A_2087 : vector<1x16xf32> to vector<16xf32>
      %mul3A_2089 = arith.mulf %get3A_2083, %get3A_2088 : vector<16xf32>
      %swap3A_2090 = arith.constant 121 : i32
      %swap3A_2091 = arith.index_cast %swap3A_2090 : i32 to index
      %swap3A_2092 = arith.constant 0 : index
      %swap3A_2093 = tpu.vector_load %arg11[%swap3A_2091, %swap3A_2092] {strides = array<i32>} : memref<128x128xf32, #tpu.memory_space<vmem>>, vector<1x16xf32>,
      %swap3A_2094 = vector.shape_cast %swap3A_2093 : vector<1x16xf32> to vector<16xf32>
      %swap3A_2095 = vector.shape_cast %mul3A_2089 : vector<16xf32> to vector<1x16xf32>
      tpu.vector_store %arg11[%swap3A_2091, %swap3A_2092], %swap3A_2095 {strides = array<i32>} : memref<128x128xf32, #tpu.memory_space<vmem>>, vector<1x16xf32>,
      %get3A_2096 = arith.constant 122 : i32
      %get3A_2097 = arith.index_cast %get3A_2096 : i32 to index
      %get3A_2098 = arith.constant 0 : index
      %get3A_2099 = tpu.vector_load %arg11[%get3A_2097, %get3A_2098] {strides = array<i32>} : memref<128x128xf32, #tpu.memory_space<vmem>>, vector<1x16xf32>,
      %get3A_2100 = vector.shape_cast %get3A_2099 : vector<1x16xf32> to vector<16xf32>
      %get3A_2101 = arith.constant 122 : i32
      %get3A_2102 = arith.index_cast %get3A_2101 : i32 to index
      %get3A_2103 = arith.constant 0 : index
      %get3A_2104 = tpu.vector_load %arg10[%get3A_2102, %get3A_2103] {strides = array<i32>} : memref<128x16xf32, #tpu.memory_space<vmem>>, vector<1x16xf32>,
      %get3A_2105 = vector.shape_cast %get3A_2104 : vector<1x16xf32> to vector<16xf32>
      %mul3A_2106 = arith.mulf %get3A_2100, %get3A_2105 : vector<16xf32>
      %swap3A_2107 = arith.constant 122 : i32
      %swap3A_2108 = arith.index_cast %swap3A_2107 : i32 to index
      %swap3A_2109 = arith.constant 0 : index
      %swap3A_2110 = tpu.vector_load %arg11[%swap3A_2108, %swap3A_2109] {strides = array<i32>} : memref<128x128xf32, #tpu.memory_space<vmem>>, vector<1x16xf32>,
      %swap3A_2111 = vector.shape_cast %swap3A_2110 : vector<1x16xf32> to vector<16xf32>
      %swap3A_2112 = vector.shape_cast %mul3A_2106 : vector<16xf32> to vector<1x16xf32>
      tpu.vector_store %arg11[%swap3A_2108, %swap3A_2109], %swap3A_2112 {strides = array<i32>} : memref<128x128xf32, #tpu.memory_space<vmem>>, vector<1x16xf32>,
      %get3A_2113 = arith.constant 123 : i32
      %get3A_2114 = arith.index_cast %get3A_2113 : i32 to index
      %get3A_2115 = arith.constant 0 : index
      %get3A_2116 = tpu.vector_load %arg11[%get3A_2114, %get3A_2115] {strides = array<i32>} : memref<128x128xf32, #tpu.memory_space<vmem>>, vector<1x16xf32>,
      %get3A_2117 = vector.shape_cast %get3A_2116 : vector<1x16xf32> to vector<16xf32>
      %get3A_2118 = arith.constant 123 : i32
      %get3A_2119 = arith.index_cast %get3A_2118 : i32 to index
      %get3A_2120 = arith.constant 0 : index
      %get3A_2121 = tpu.vector_load %arg10[%get3A_2119, %get3A_2120] {strides = array<i32>} : memref<128x16xf32, #tpu.memory_space<vmem>>, vector<1x16xf32>,
      %get3A_2122 = vector.shape_cast %get3A_2121 : vector<1x16xf32> to vector<16xf32>
      %mul3A_2123 = arith.mulf %get3A_2117, %get3A_2122 : vector<16xf32>
      %swap3A_2124 = arith.constant 123 : i32
      %swap3A_2125 = arith.index_cast %swap3A_2124 : i32 to index
      %swap3A_2126 = arith.constant 0 : index
      %swap3A_2127 = tpu.vector_load %arg11[%swap3A_2125, %swap3A_2126] {strides = array<i32>} : memref<128x128xf32, #tpu.memory_space<vmem>>, vector<1x16xf32>,
      %swap3A_2128 = vector.shape_cast %swap3A_2127 : vector<1x16xf32> to vector<16xf32>
      %swap3A_2129 = vector.shape_cast %mul3A_2123 : vector<16xf32> to vector<1x16xf32>
      tpu.vector_store %arg11[%swap3A_2125, %swap3A_2126], %swap3A_2129 {strides = array<i32>} : memref<128x128xf32, #tpu.memory_space<vmem>>, vector<1x16xf32>,
      %get3A_2130 = arith.constant 124 : i32
      %get3A_2131 = arith.index_cast %get3A_2130 : i32 to index
      %get3A_2132 = arith.constant 0 : index
      %get3A_2133 = tpu.vector_load %arg11[%get3A_2131, %get3A_2132] {strides = array<i32>} : memref<128x128xf32, #tpu.memory_space<vmem>>, vector<1x16xf32>,
      %get3A_2134 = vector.shape_cast %get3A_2133 : vector<1x16xf32> to vector<16xf32>
      %get3A_2135 = arith.constant 124 : i32
      %get3A_2136 = arith.index_cast %get3A_2135 : i32 to index
      %get3A_2137 = arith.constant 0 : index
      %get3A_2138 = tpu.vector_load %arg10[%get3A_2136, %get3A_2137] {strides = array<i32>} : memref<128x16xf32, #tpu.memory_space<vmem>>, vector<1x16xf32>,
      %get3A_2139 = vector.shape_cast %get3A_2138 : vector<1x16xf32> to vector<16xf32>
      %mul3A_2140 = arith.mulf %get3A_2134, %get3A_2139 : vector<16xf32>
      %swap3A_2141 = arith.constant 124 : i32
      %swap3A_2142 = arith.index_cast %swap3A_2141 : i32 to index
      %swap3A_2143 = arith.constant 0 : index
      %swap3A_2144 = tpu.vector_load %arg11[%swap3A_2142, %swap3A_2143] {strides = array<i32>} : memref<128x128xf32, #tpu.memory_space<vmem>>, vector<1x16xf32>,
      %swap3A_2145 = vector.shape_cast %swap3A_2144 : vector<1x16xf32> to vector<16xf32>
      %swap3A_2146 = vector.shape_cast %mul3A_2140 : vector<16xf32> to vector<1x16xf32>
      tpu.vector_store %arg11[%swap3A_2142, %swap3A_2143], %swap3A_2146 {strides = array<i32>} : memref<128x128xf32, #tpu.memory_space<vmem>>, vector<1x16xf32>,
      %get3A_2147 = arith.constant 125 : i32
      %get3A_2148 = arith.index_cast %get3A_2147 : i32 to index
      %get3A_2149 = arith.constant 0 : index
      %get3A_2150 = tpu.vector_load %arg11[%get3A_2148, %get3A_2149] {strides = array<i32>} : memref<128x128xf32, #tpu.memory_space<vmem>>, vector<1x16xf32>,
      %get3A_2151 = vector.shape_cast %get3A_2150 : vector<1x16xf32> to vector<16xf32>
      %get3A_2152 = arith.constant 125 : i32
      %get3A_2153 = arith.index_cast %get3A_2152 : i32 to index
      %get3A_2154 = arith.constant 0 : index
      %get3A_2155 = tpu.vector_load %arg10[%get3A_2153, %get3A_2154] {strides = array<i32>} : memref<128x16xf32, #tpu.memory_space<vmem>>, vector<1x16xf32>,
      %get3A_2156 = vector.shape_cast %get3A_2155 : vector<1x16xf32> to vector<16xf32>
      %mul3A_2157 = arith.mulf %get3A_2151, %get3A_2156 : vector<16xf32>
      %swap3A_2158 = arith.constant 125 : i32
      %swap3A_2159 = arith.index_cast %swap3A_2158 : i32 to index
      %swap3A_2160 = arith.constant 0 : index
      %swap3A_2161 = tpu.vector_load %arg11[%swap3A_2159, %swap3A_2160] {strides = array<i32>} : memref<128x128xf32, #tpu.memory_space<vmem>>, vector<1x16xf32>,
      %swap3A_2162 = vector.shape_cast %swap3A_2161 : vector<1x16xf32> to vector<16xf32>
      %swap3A_2163 = vector.shape_cast %mul3A_2157 : vector<16xf32> to vector<1x16xf32>
      tpu.vector_store %arg11[%swap3A_2159, %swap3A_2160], %swap3A_2163 {strides = array<i32>} : memref<128x128xf32, #tpu.memory_space<vmem>>, vector<1x16xf32>,
      %get3A_2164 = arith.constant 126 : i32
      %get3A_2165 = arith.index_cast %get3A_2164 : i32 to index
      %get3A_2166 = arith.constant 0 : index
      %get3A_2167 = tpu.vector_load %arg11[%get3A_2165, %get3A_2166] {strides = array<i32>} : memref<128x128xf32, #tpu.memory_space<vmem>>, vector<1x16xf32>,
      %get3A_2168 = vector.shape_cast %get3A_2167 : vector<1x16xf32> to vector<16xf32>
      %get3A_2169 = arith.constant 126 : i32
      %get3A_2170 = arith.index_cast %get3A_2169 : i32 to index
      %get3A_2171 = arith.constant 0 : index
      %get3A_2172 = tpu.vector_load %arg10[%get3A_2170, %get3A_2171] {strides = array<i32>} : memref<128x16xf32, #tpu.memory_space<vmem>>, vector<1x16xf32>,
      %get3A_2173 = vector.shape_cast %get3A_2172 : vector<1x16xf32> to vector<16xf32>
      %mul3A_2174 = arith.mulf %get3A_2168, %get3A_2173 : vector<16xf32>
      %swap3A_2175 = arith.constant 126 : i32
      %swap3A_2176 = arith.index_cast %swap3A_2175 : i32 to index
      %swap3A_2177 = arith.constant 0 : index
      %swap3A_2178 = tpu.vector_load %arg11[%swap3A_2176, %swap3A_2177] {strides = array<i32>} : memref<128x128xf32, #tpu.memory_space<vmem>>, vector<1x16xf32>,
      %swap3A_2179 = vector.shape_cast %swap3A_2178 : vector<1x16xf32> to vector<16xf32>
      %swap3A_2180 = vector.shape_cast %mul3A_2174 : vector<16xf32> to vector<1x16xf32>
      tpu.vector_store %arg11[%swap3A_2176, %swap3A_2177], %swap3A_2180 {strides = array<i32>} : memref<128x128xf32, #tpu.memory_space<vmem>>, vector<1x16xf32>,
      %get3A_2181 = arith.constant 127 : i32
      %get3A_2182 = arith.index_cast %get3A_2181 : i32 to index
      %get3A_2183 = arith.constant 0 : index
      %get3A_2184 = tpu.vector_load %arg11[%get3A_2182, %get3A_2183] {strides = array<i32>} : memref<128x128xf32, #tpu.memory_space<vmem>>, vector<1x16xf32>,
      %get3A_2185 = vector.shape_cast %get3A_2184 : vector<1x16xf32> to vector<16xf32>
      %get3A_2186 = arith.constant 127 : i32
      %get3A_2187 = arith.index_cast %get3A_2186 : i32 to index
      %get3A_2188 = arith.constant 0 : index
      %get3A_2189 = tpu.vector_load %arg10[%get3A_2187, %get3A_2188] {strides = array<i32>} : memref<128x16xf32, #tpu.memory_space<vmem>>, vector<1x16xf32>,
      %get3A_2190 = vector.shape_cast %get3A_2189 : vector<1x16xf32> to vector<16xf32>
      %mul3A_2191 = arith.mulf %get3A_2185, %get3A_2190 : vector<16xf32>
      %swap3A_2192 = arith.constant 127 : i32
      %swap3A_2193 = arith.index_cast %swap3A_2192 : i32 to index
      %swap3A_2194 = arith.constant 0 : index
      %swap3A_2195 = tpu.vector_load %arg11[%swap3A_2193, %swap3A_2194] {strides = array<i32>} : memref<128x128xf32, #tpu.memory_space<vmem>>, vector<1x16xf32>,
      %swap3A_2196 = vector.shape_cast %swap3A_2195 : vector<1x16xf32> to vector<16xf32>
      %swap3A_2197 = vector.shape_cast %mul3A_2191 : vector<16xf32> to vector<1x16xf32>
      tpu.vector_store %arg11[%swap3A_2193, %swap3A_2194], %swap3A_2197 {strides = array<i32>} : memref<128x128xf32, #tpu.memory_space<vmem>>, vector<1x16xf32>,
      "tpu.region"() ({
        %run_scoped3A = tpu.sem_alloc : memref<!tpu.dma_semaphore, #tpu.memory_space<semaphore_mem>>
        %dma_start3A_2198 = arith.constant 0 : i32
        %dma_start3A_2199 = tpu.memref_slice %arg9[%scan3A_16, %dma_start3A_2198] : memref<79x128xi32, #tpu.memory_space<vmem>> -> memref<1x128xi32, #tpu.memory_space<vmem>>
        %dma_start3A_2200 = tpu.memref_squeeze %dma_start3A_2199 : memref<1x128xi32, #tpu.memory_space<vmem>> -> memref<128xi32, #tpu.memory_space<vmem>>
        %dma_start3A_2201 = arith.constant 0 : i32
        %dma_start3A_2202 = arith.constant 0 : i32
        %dma_start3A_2203 = tpu.memref_slice %arg12[%dma_start3A_2201, %dma_start3A_2202] : memref<10240x128xf32, #tpu.memory_space<vmem_shared>> -> memref<10240x128xf32, #tpu.memory_space<vmem_shared>>
        tpu.enqueue_indirect_dma source(%arg11 : memref<128x128xf32, #tpu.memory_space<vmem>>) target(%dma_start3A_2203 : memref<10240x128xf32, #tpu.memory_space<vmem_shared>>) offsets(%dma_start3A_2200 : memref<128xi32, #tpu.memory_space<vmem>>) semaphore(%run_scoped3A : memref<!tpu.dma_semaphore, #tpu.memory_space<semaphore_mem>>) {add = true}
        %dma_wait3A_2204 = arith.constant 0 : i32
        %dma_wait3A_2205 = tpu.memref_slice %arg9[%scan3A_16, %dma_wait3A_2204] : memref<79x128xi32, #tpu.memory_space<vmem>> -> memref<1x128xi32, #tpu.memory_space<vmem>>
        %dma_wait3A_2206 = tpu.memref_squeeze %dma_wait3A_2205 : memref<1x128xi32, #tpu.memory_space<vmem>> -> memref<128xi32, #tpu.memory_space<vmem>>
        %dma_wait3A_2207 = arith.constant 0 : i32
        %dma_wait3A_2208 = arith.constant 0 : i32
        %dma_wait3A_2209 = tpu.memref_slice %arg12[%dma_wait3A_2207, %dma_wait3A_2208] : memref<10240x128xf32, #tpu.memory_space<vmem_shared>> -> memref<10240x128xf32, #tpu.memory_space<vmem_shared>>
        tpu.wait_indirect_dma semaphore(%run_scoped3A : memref<!tpu.dma_semaphore, #tpu.memory_space<semaphore_mem>>) src(%arg11 : memref<128x128xf32, #tpu.memory_space<vmem>>) dst(%dma_wait3A_2209 : memref<10240x128xf32, #tpu.memory_space<vmem_shared>>)
        tpu.yield
      }) : () -> ()
    }
    %scan3A_9 = arith.constant 79 : i32
    %barrier3A_10 = arith.constant 0 : index
    tpu.barrier barrier_id(%barrier3A_10)
    %eq3A_11 = arith.constant 0 : i32
    %eq3A_12 = arith.cmpi eq, %arg1, %eq3A_11 : i32
    %convert_element_type3A_13 = arith.extui %eq3A_12 : i1 to i32
    %cond3A_14 = arith.constant 0 : i32
    %cond3A_15 = arith.cmpi ne, %convert_element_type3A_13, %cond3A_14 : i32
    scf.if %cond3A_15 {
      "tpu.region"() ({
        %run_scoped3A = tpu.sem_alloc : memref<!tpu.dma_semaphore, #tpu.memory_space<semaphore_mem>>
        %dma_start3A = arith.constant 0 : i32
        %dma_start3A_16 = arith.constant 0 : i32
        %dma_start3A_17 = tpu.memref_slice %arg7[%arg0, %dma_start3A, %dma_start3A_16] : memref<2x10240x128xf32, #tpu.memory_space<hbm>> -> memref<1x10240x128xf32, #tpu.memory_space<hbm>>
        %dma_start3A_18 = tpu.memref_squeeze %dma_start3A_17 : memref<1x10240x128xf32, #tpu.memory_space<hbm>> -> memref<10240x128xf32, #tpu.memory_space<hbm>>
        tpu.enqueue_dma source(%arg12 : memref<10240x128xf32, #tpu.memory_space<vmem_shared>>) target(%dma_start3A_18 : memref<10240x128xf32, #tpu.memory_space<hbm>>) target_semaphore(%run_scoped3A : memref<!tpu.dma_semaphore, #tpu.memory_space<semaphore_mem>>)
        %dma_wait3A = arith.constant 0 : i32
        %dma_wait3A_19 = arith.constant 0 : i32
        %dma_wait3A_20 = tpu.memref_slice %arg7[%arg0, %dma_wait3A, %dma_wait3A_19] : memref<2x10240x128xf32, #tpu.memory_space<hbm>> -> memref<1x10240x128xf32, #tpu.memory_space<hbm>>
        %dma_wait3A_21 = tpu.memref_squeeze %dma_wait3A_20 : memref<1x10240x128xf32, #tpu.memory_space<hbm>> -> memref<10240x128xf32, #tpu.memory_space<hbm>>
        tpu.wait_dma2 semaphore(%run_scoped3A : memref<!tpu.dma_semaphore, #tpu.memory_space<semaphore_mem>>) src(%arg12 : memref<10240x128xf32, #tpu.memory_space<vmem_shared>>) dst(%dma_wait3A_21 : memref<10240x128xf32, #tpu.memory_space<hbm>>)
        tpu.yield
      }) : () -> ()
    } else {
    }
    return
  }
}

#map = affine_map<(d0, d1) -> (0, 0)>
#map1 = affine_map<(d0, d1) -> (0, 0, 0)>
module attributes {stable_mosaic.version = 14 : i64} {
  func.func @seg_sum(%arg0: i32, %arg1: i32, %arg2: memref<10240x128xf32, #tpu.memory_space<hbm>>, %arg3: memref<32x79x128xi32, #tpu.memory_space<hbm>>, %arg4: memref<32x79x128xi32, #tpu.memory_space<hbm>>, %arg5: memref<323584x16xf32, #tpu.memory_space<hbm>>, %arg6: memref<10240x128xf32, #tpu.memory_space<hbm>>, %arg7: memref<2x10240x128xf32, #tpu.memory_space<hbm>>, %arg8: memref<128xi32, #tpu.memory_space<vmem>>, %arg9: memref<79x128xi32, #tpu.memory_space<vmem>>, %arg10: memref<128x16xf32, #tpu.memory_space<vmem>>, %arg11: memref<128x128xf32, #tpu.memory_space<vmem>>, %arg12: memref<10240x128xf32, #tpu.memory_space<vmem_shared>>, %arg13: memref<!tpu.dma_semaphore, #tpu.memory_space<semaphore_mem>>) attributes {dimension_semantics = [#tpu.dimension_semantics<core_parallel>, #tpu.dimension_semantics<subcore_parallel>], iteration_bounds = array<i64: 2, 16>, scalar_prefetch = 0 : i64, scratch_operands = 6 : i64, tpu.core_type = #tpu.core_type<sc_vector_subcore>, window_params = [{transform_indices = #map}, {transform_indices = #map1}, {transform_indices = #map1}, {transform_indices = #map}, {transform_indices = #map}, {transform_indices = #map1}]} {
    %mul3A = arith.constant 2 : i32
    %mul3A_0 = arith.muli %arg1, %mul3A : i32
    %add3A = arith.addi %mul3A_0, %arg0 : i32
    %mul3A_1 = arith.constant 79 : i32
    %mul3A_2 = arith.muli %add3A, %mul3A_1 : i32
    %eq3A = arith.constant 0 : i32
    %eq3A_3 = arith.cmpi eq, %arg1, %eq3A : i32
    %convert_element_type3A = arith.extui %eq3A_3 : i1 to i32
    %cond3A = arith.constant 0 : i32
    %cond3A_4 = arith.cmpi ne, %convert_element_type3A, %cond3A : i32
    scf.if %cond3A_4 {
      "tpu.region"() ({
        %run_scoped3A = tpu.sem_alloc : memref<!tpu.dma_semaphore, #tpu.memory_space<semaphore_mem>>
        tpu.enqueue_dma source(%arg6 : memref<10240x128xf32, #tpu.memory_space<hbm>>) target(%arg12 : memref<10240x128xf32, #tpu.memory_space<vmem_shared>>) target_semaphore(%run_scoped3A : memref<!tpu.dma_semaphore, #tpu.memory_space<semaphore_mem>>)
        tpu.wait_dma2 semaphore(%run_scoped3A : memref<!tpu.dma_semaphore, #tpu.memory_space<semaphore_mem>>) src(%arg6 : memref<10240x128xf32, #tpu.memory_space<hbm>>) dst(%arg12 : memref<10240x128xf32, #tpu.memory_space<vmem_shared>>)
        tpu.yield
      }) : () -> ()
    } else {
    }
    "tpu.region"() ({
      %run_scoped3A = tpu.sem_alloc : memref<!tpu.dma_semaphore, #tpu.memory_space<semaphore_mem>>
      %dma_start3A = arith.constant 0 : i32
      %dma_start3A_16 = arith.constant 0 : i32
      %dma_start3A_17 = tpu.memref_slice %arg4[%add3A, %dma_start3A, %dma_start3A_16] : memref<32x79x128xi32, #tpu.memory_space<hbm>> -> memref<1x79x128xi32, #tpu.memory_space<hbm>>
      %dma_start3A_18 = tpu.memref_squeeze %dma_start3A_17 : memref<1x79x128xi32, #tpu.memory_space<hbm>> -> memref<79x128xi32, #tpu.memory_space<hbm>>
      %dma_start3A_19 = arith.constant 0 : i32
      %dma_start3A_20 = arith.constant 0 : i32
      %dma_start3A_21 = tpu.memref_slice %arg4[%add3A, %dma_start3A_19, %dma_start3A_20] : memref<32x79x128xi32, #tpu.memory_space<hbm>> -> memref<1x79x128xi32, #tpu.memory_space<hbm>>
      %dma_start3A_22 = tpu.memref_squeeze %dma_start3A_21 : memref<1x79x128xi32, #tpu.memory_space<hbm>> -> memref<79x128xi32, #tpu.memory_space<hbm>>
      tpu.enqueue_dma source(%dma_start3A_22 : memref<79x128xi32, #tpu.memory_space<hbm>>) target(%arg9 : memref<79x128xi32, #tpu.memory_space<vmem>>) target_semaphore(%run_scoped3A : memref<!tpu.dma_semaphore, #tpu.memory_space<semaphore_mem>>)
      %dma_wait3A = arith.constant 0 : i32
      %dma_wait3A_23 = arith.constant 0 : i32
      %dma_wait3A_24 = tpu.memref_slice %arg4[%add3A, %dma_wait3A, %dma_wait3A_23] : memref<32x79x128xi32, #tpu.memory_space<hbm>> -> memref<1x79x128xi32, #tpu.memory_space<hbm>>
      %dma_wait3A_25 = tpu.memref_squeeze %dma_wait3A_24 : memref<1x79x128xi32, #tpu.memory_space<hbm>> -> memref<79x128xi32, #tpu.memory_space<hbm>>
      %dma_wait3A_26 = arith.constant 0 : i32
      %dma_wait3A_27 = arith.constant 0 : i32
      %dma_wait3A_28 = tpu.memref_slice %arg4[%add3A, %dma_wait3A_26, %dma_wait3A_27] : memref<32x79x128xi32, #tpu.memory_space<hbm>> -> memref<1x79x128xi32, #tpu.memory_space<hbm>>
      %dma_wait3A_29 = tpu.memref_squeeze %dma_wait3A_28 : memref<1x79x128xi32, #tpu.memory_space<hbm>> -> memref<79x128xi32, #tpu.memory_space<hbm>>
      tpu.wait_dma2 semaphore(%run_scoped3A : memref<!tpu.dma_semaphore, #tpu.memory_space<semaphore_mem>>) src(%dma_wait3A_29 : memref<79x128xi32, #tpu.memory_space<hbm>>) dst(%arg9 : memref<79x128xi32, #tpu.memory_space<vmem>>)
      tpu.yield
    }) : () -> ()
    %barrier3A = arith.constant 0 : index
    tpu.barrier barrier_id(%barrier3A)
    %scan3A = arith.constant 0 : i32
    %scan3A_5 = arith.constant 0 : i32
    %scan3A_6 = arith.constant 79 : i32
    %scan3A_7 = arith.addi %scan3A_5, %scan3A_6 : i32
    %scan3A_8 = arith.constant 1 : i32
    scf.for %scan3A_16 = %scan3A_5 to %scan3A_7 step %scan3A_8  : i32 {
      %add3A_17 = arith.addi %mul3A_2, %scan3A_16 : i32
      %mul3A_18 = arith.constant 128 : i32
      %mul3A_19 = arith.muli %add3A_17, %mul3A_18 : i32
      "tpu.region"() ({
        %run_scoped3A = tpu.sem_alloc : memref<!tpu.dma_semaphore, #tpu.memory_space<semaphore_mem>>
        %dma_start3A_2198 = arith.constant 0 : i32
        %dma_start3A_2199 = tpu.memref_slice %arg3[%add3A, %scan3A_16, %dma_start3A_2198] : memref<32x79x128xi32, #tpu.memory_space<hbm>> -> memref<1x1x128xi32, #tpu.memory_space<hbm>>
        %dma_start3A_2200 = tpu.memref_squeeze %dma_start3A_2199 : memref<1x1x128xi32, #tpu.memory_space<hbm>> -> memref<128xi32, #tpu.memory_space<hbm>>
        %dma_start3A_2201 = arith.constant 0 : i32
        %dma_start3A_2202 = tpu.memref_slice %arg3[%add3A, %scan3A_16, %dma_start3A_2201] : memref<32x79x128xi32, #tpu.memory_space<hbm>> -> memref<1x1x128xi32, #tpu.memory_space<hbm>>
        %dma_start3A_2203 = tpu.memref_squeeze %dma_start3A_2202 : memref<1x1x128xi32, #tpu.memory_space<hbm>> -> memref<128xi32, #tpu.memory_space<hbm>>
        tpu.enqueue_dma source(%dma_start3A_2203 : memref<128xi32, #tpu.memory_space<hbm>>) target(%arg8 : memref<128xi32, #tpu.memory_space<vmem>>) target_semaphore(%run_scoped3A : memref<!tpu.dma_semaphore, #tpu.memory_space<semaphore_mem>>)
        %dma_wait3A_2204 = arith.constant 0 : i32
        %dma_wait3A_2205 = tpu.memref_slice %arg3[%add3A, %scan3A_16, %dma_wait3A_2204] : memref<32x79x128xi32, #tpu.memory_space<hbm>> -> memref<1x1x128xi32, #tpu.memory_space<hbm>>
        %dma_wait3A_2206 = tpu.memref_squeeze %dma_wait3A_2205 : memref<1x1x128xi32, #tpu.memory_space<hbm>> -> memref<128xi32, #tpu.memory_space<hbm>>
        %dma_wait3A_2207 = arith.constant 0 : i32
        %dma_wait3A_2208 = tpu.memref_slice %arg3[%add3A, %scan3A_16, %dma_wait3A_2207] : memref<32x79x128xi32, #tpu.memory_space<hbm>> -> memref<1x1x128xi32, #tpu.memory_space<hbm>>
        %dma_wait3A_2209 = tpu.memref_squeeze %dma_wait3A_2208 : memref<1x1x128xi32, #tpu.memory_space<hbm>> -> memref<128xi32, #tpu.memory_space<hbm>>
        tpu.wait_dma2 semaphore(%run_scoped3A : memref<!tpu.dma_semaphore, #tpu.memory_space<semaphore_mem>>) src(%dma_wait3A_2209 : memref<128xi32, #tpu.memory_space<hbm>>) dst(%arg8 : memref<128xi32, #tpu.memory_space<vmem>>)
        tpu.yield
      }) : () -> ()
      "tpu.region"() ({
        %run_scoped3A = tpu.sem_alloc : memref<!tpu.dma_semaphore, #tpu.memory_space<semaphore_mem>>
        %dma_start3A_2198 = arith.constant 0 : i32
        %dma_start3A_2199 = tpu.memref_slice %arg5[%mul3A_19, %dma_start3A_2198] : memref<323584x16xf32, #tpu.memory_space<hbm>> -> memref<128x16xf32, #tpu.memory_space<hbm>>
        %dma_start3A_2200 = arith.constant 0 : i32
        %dma_start3A_2201 = tpu.memref_slice %arg5[%mul3A_19, %dma_start3A_2200] : memref<323584x16xf32, #tpu.memory_space<hbm>> -> memref<128x16xf32, #tpu.memory_space<hbm>>
        tpu.enqueue_dma source(%dma_start3A_2201 : memref<128x16xf32, #tpu.memory_space<hbm>>) target(%arg10 : memref<128x16xf32, #tpu.memory_space<vmem>>) target_semaphore(%run_scoped3A : memref<!tpu.dma_semaphore, #tpu.memory_space<semaphore_mem>>)
        %dma_wait3A_2202 = arith.constant 0 : i32
        %dma_wait3A_2203 = tpu.memref_slice %arg5[%mul3A_19, %dma_wait3A_2202] : memref<323584x16xf32, #tpu.memory_space<hbm>> -> memref<128x16xf32, #tpu.memory_space<hbm>>
        %dma_wait3A_2204 = arith.constant 0 : i32
        %dma_wait3A_2205 = tpu.memref_slice %arg5[%mul3A_19, %dma_wait3A_2204] : memref<323584x16xf32, #tpu.memory_space<hbm>> -> memref<128x16xf32, #tpu.memory_space<hbm>>
        tpu.wait_dma2 semaphore(%run_scoped3A : memref<!tpu.dma_semaphore, #tpu.memory_space<semaphore_mem>>) src(%dma_wait3A_2205 : memref<128x16xf32, #tpu.memory_space<hbm>>) dst(%arg10 : memref<128x16xf32, #tpu.memory_space<vmem>>)
        tpu.yield
      }) : () -> ()
      %dma_start3A = arith.constant 0 : i32
      %dma_start3A_20 = arith.constant 0 : i32
      %dma_start3A_21 = tpu.memref_slice %arg2[%dma_start3A, %dma_start3A_20] : memref<10240x128xf32, #tpu.memory_space<hbm>> -> memref<10240x128xf32, #tpu.memory_space<hbm>>
      tpu.enqueue_indirect_dma source(%dma_start3A_21 : memref<10240x128xf32, #tpu.memory_space<hbm>>) target(%arg11 : memref<128x128xf32, #tpu.memory_space<vmem>>) offsets(%arg8 : memref<128xi32, #tpu.memory_space<vmem>>) semaphore(%arg13 : memref<!tpu.dma_semaphore, #tpu.memory_space<semaphore_mem>>)
      %dma_wait3A = arith.constant 0 : i32
      %dma_wait3A_22 = arith.constant 0 : i32
      %dma_wait3A_23 = tpu.memref_slice %arg2[%dma_wait3A, %dma_wait3A_22] : memref<10240x128xf32, #tpu.memory_space<hbm>> -> memref<10240x128xf32, #tpu.memory_space<hbm>>
      tpu.wait_indirect_dma semaphore(%arg13 : memref<!tpu.dma_semaphore, #tpu.memory_space<semaphore_mem>>) src(%dma_wait3A_23 : memref<10240x128xf32, #tpu.memory_space<hbm>>) dst(%arg11 : memref<128x128xf32, #tpu.memory_space<vmem>>)
      %get3A = arith.constant 0 : i32
      %get3A_24 = arith.index_cast %get3A : i32 to index
      %get3A_25 = arith.constant 0 : index
      %get3A_26 = tpu.vector_load %arg11[%get3A_24, %get3A_25] {strides = array<i32>} : memref<128x128xf32, #tpu.memory_space<vmem>>, vector<1x16xf32>,
      %get3A_27 = vector.shape_cast %get3A_26 : vector<1x16xf32> to vector<16xf32>
      %get3A_28 = arith.constant 0 : i32
      %get3A_29 = arith.index_cast %get3A_28 : i32 to index
      %get3A_30 = arith.constant 0 : index
      %get3A_31 = tpu.vector_load %arg10[%get3A_29, %get3A_30] {strides = array<i32>} : memref<128x16xf32, #tpu.memory_space<vmem>>, vector<1x16xf32>,
      %get3A_32 = vector.shape_cast %get3A_31 : vector<1x16xf32> to vector<16xf32>
      %mul3A_33 = arith.mulf %get3A_27, %get3A_32 : vector<16xf32>
      %swap3A = arith.constant 0 : i32
      %swap3A_34 = arith.index_cast %swap3A : i32 to index
      %swap3A_35 = arith.constant 0 : index
      %swap3A_36 = tpu.vector_load %arg11[%swap3A_34, %swap3A_35] {strides = array<i32>} : memref<128x128xf32, #tpu.memory_space<vmem>>, vector<1x16xf32>,
      %swap3A_37 = vector.shape_cast %swap3A_36 : vector<1x16xf32> to vector<16xf32>
      %swap3A_38 = vector.shape_cast %mul3A_33 : vector<16xf32> to vector<1x16xf32>
      tpu.vector_store %arg11[%swap3A_34, %swap3A_35], %swap3A_38 {strides = array<i32>} : memref<128x128xf32, #tpu.memory_space<vmem>>, vector<1x16xf32>,
      %get3A_39 = arith.constant 1 : i32
      %get3A_40 = arith.index_cast %get3A_39 : i32 to index
      %get3A_41 = arith.constant 0 : index
      %get3A_42 = tpu.vector_load %arg11[%get3A_40, %get3A_41] {strides = array<i32>} : memref<128x128xf32, #tpu.memory_space<vmem>>, vector<1x16xf32>,
      %get3A_43 = vector.shape_cast %get3A_42 : vector<1x16xf32> to vector<16xf32>
      %get3A_44 = arith.constant 1 : i32
      %get3A_45 = arith.index_cast %get3A_44 : i32 to index
      %get3A_46 = arith.constant 0 : index
      %get3A_47 = tpu.vector_load %arg10[%get3A_45, %get3A_46] {strides = array<i32>} : memref<128x16xf32, #tpu.memory_space<vmem>>, vector<1x16xf32>,
      %get3A_48 = vector.shape_cast %get3A_47 : vector<1x16xf32> to vector<16xf32>
      %mul3A_49 = arith.mulf %get3A_43, %get3A_48 : vector<16xf32>
      %swap3A_50 = arith.constant 1 : i32
      %swap3A_51 = arith.index_cast %swap3A_50 : i32 to index
      %swap3A_52 = arith.constant 0 : index
      %swap3A_53 = tpu.vector_load %arg11[%swap3A_51, %swap3A_52] {strides = array<i32>} : memref<128x128xf32, #tpu.memory_space<vmem>>, vector<1x16xf32>,
      %swap3A_54 = vector.shape_cast %swap3A_53 : vector<1x16xf32> to vector<16xf32>
      %swap3A_55 = vector.shape_cast %mul3A_49 : vector<16xf32> to vector<1x16xf32>
      tpu.vector_store %arg11[%swap3A_51, %swap3A_52], %swap3A_55 {strides = array<i32>} : memref<128x128xf32, #tpu.memory_space<vmem>>, vector<1x16xf32>,
      %get3A_56 = arith.constant 2 : i32
      %get3A_57 = arith.index_cast %get3A_56 : i32 to index
      %get3A_58 = arith.constant 0 : index
      %get3A_59 = tpu.vector_load %arg11[%get3A_57, %get3A_58] {strides = array<i32>} : memref<128x128xf32, #tpu.memory_space<vmem>>, vector<1x16xf32>,
      %get3A_60 = vector.shape_cast %get3A_59 : vector<1x16xf32> to vector<16xf32>
      %get3A_61 = arith.constant 2 : i32
      %get3A_62 = arith.index_cast %get3A_61 : i32 to index
      %get3A_63 = arith.constant 0 : index
      %get3A_64 = tpu.vector_load %arg10[%get3A_62, %get3A_63] {strides = array<i32>} : memref<128x16xf32, #tpu.memory_space<vmem>>, vector<1x16xf32>,
      %get3A_65 = vector.shape_cast %get3A_64 : vector<1x16xf32> to vector<16xf32>
      %mul3A_66 = arith.mulf %get3A_60, %get3A_65 : vector<16xf32>
      %swap3A_67 = arith.constant 2 : i32
      %swap3A_68 = arith.index_cast %swap3A_67 : i32 to index
      %swap3A_69 = arith.constant 0 : index
      %swap3A_70 = tpu.vector_load %arg11[%swap3A_68, %swap3A_69] {strides = array<i32>} : memref<128x128xf32, #tpu.memory_space<vmem>>, vector<1x16xf32>,
      %swap3A_71 = vector.shape_cast %swap3A_70 : vector<1x16xf32> to vector<16xf32>
      %swap3A_72 = vector.shape_cast %mul3A_66 : vector<16xf32> to vector<1x16xf32>
      tpu.vector_store %arg11[%swap3A_68, %swap3A_69], %swap3A_72 {strides = array<i32>} : memref<128x128xf32, #tpu.memory_space<vmem>>, vector<1x16xf32>,
      %get3A_73 = arith.constant 3 : i32
      %get3A_74 = arith.index_cast %get3A_73 : i32 to index
      %get3A_75 = arith.constant 0 : index
      %get3A_76 = tpu.vector_load %arg11[%get3A_74, %get3A_75] {strides = array<i32>} : memref<128x128xf32, #tpu.memory_space<vmem>>, vector<1x16xf32>,
      %get3A_77 = vector.shape_cast %get3A_76 : vector<1x16xf32> to vector<16xf32>
      %get3A_78 = arith.constant 3 : i32
      %get3A_79 = arith.index_cast %get3A_78 : i32 to index
      %get3A_80 = arith.constant 0 : index
      %get3A_81 = tpu.vector_load %arg10[%get3A_79, %get3A_80] {strides = array<i32>} : memref<128x16xf32, #tpu.memory_space<vmem>>, vector<1x16xf32>,
      %get3A_82 = vector.shape_cast %get3A_81 : vector<1x16xf32> to vector<16xf32>
      %mul3A_83 = arith.mulf %get3A_77, %get3A_82 : vector<16xf32>
      %swap3A_84 = arith.constant 3 : i32
      %swap3A_85 = arith.index_cast %swap3A_84 : i32 to index
      %swap3A_86 = arith.constant 0 : index
      %swap3A_87 = tpu.vector_load %arg11[%swap3A_85, %swap3A_86] {strides = array<i32>} : memref<128x128xf32, #tpu.memory_space<vmem>>, vector<1x16xf32>,
      %swap3A_88 = vector.shape_cast %swap3A_87 : vector<1x16xf32> to vector<16xf32>
      %swap3A_89 = vector.shape_cast %mul3A_83 : vector<16xf32> to vector<1x16xf32>
      tpu.vector_store %arg11[%swap3A_85, %swap3A_86], %swap3A_89 {strides = array<i32>} : memref<128x128xf32, #tpu.memory_space<vmem>>, vector<1x16xf32>,
      %get3A_90 = arith.constant 4 : i32
      %get3A_91 = arith.index_cast %get3A_90 : i32 to index
      %get3A_92 = arith.constant 0 : index
      %get3A_93 = tpu.vector_load %arg11[%get3A_91, %get3A_92] {strides = array<i32>} : memref<128x128xf32, #tpu.memory_space<vmem>>, vector<1x16xf32>,
      %get3A_94 = vector.shape_cast %get3A_93 : vector<1x16xf32> to vector<16xf32>
      %get3A_95 = arith.constant 4 : i32
      %get3A_96 = arith.index_cast %get3A_95 : i32 to index
      %get3A_97 = arith.constant 0 : index
      %get3A_98 = tpu.vector_load %arg10[%get3A_96, %get3A_97] {strides = array<i32>} : memref<128x16xf32, #tpu.memory_space<vmem>>, vector<1x16xf32>,
      %get3A_99 = vector.shape_cast %get3A_98 : vector<1x16xf32> to vector<16xf32>
      %mul3A_100 = arith.mulf %get3A_94, %get3A_99 : vector<16xf32>
      %swap3A_101 = arith.constant 4 : i32
      %swap3A_102 = arith.index_cast %swap3A_101 : i32 to index
      %swap3A_103 = arith.constant 0 : index
      %swap3A_104 = tpu.vector_load %arg11[%swap3A_102, %swap3A_103] {strides = array<i32>} : memref<128x128xf32, #tpu.memory_space<vmem>>, vector<1x16xf32>,
      %swap3A_105 = vector.shape_cast %swap3A_104 : vector<1x16xf32> to vector<16xf32>
      %swap3A_106 = vector.shape_cast %mul3A_100 : vector<16xf32> to vector<1x16xf32>
      tpu.vector_store %arg11[%swap3A_102, %swap3A_103], %swap3A_106 {strides = array<i32>} : memref<128x128xf32, #tpu.memory_space<vmem>>, vector<1x16xf32>,
      %get3A_107 = arith.constant 5 : i32
      %get3A_108 = arith.index_cast %get3A_107 : i32 to index
      %get3A_109 = arith.constant 0 : index
      %get3A_110 = tpu.vector_load %arg11[%get3A_108, %get3A_109] {strides = array<i32>} : memref<128x128xf32, #tpu.memory_space<vmem>>, vector<1x16xf32>,
      %get3A_111 = vector.shape_cast %get3A_110 : vector<1x16xf32> to vector<16xf32>
      %get3A_112 = arith.constant 5 : i32
      %get3A_113 = arith.index_cast %get3A_112 : i32 to index
      %get3A_114 = arith.constant 0 : index
      %get3A_115 = tpu.vector_load %arg10[%get3A_113, %get3A_114] {strides = array<i32>} : memref<128x16xf32, #tpu.memory_space<vmem>>, vector<1x16xf32>,
      %get3A_116 = vector.shape_cast %get3A_115 : vector<1x16xf32> to vector<16xf32>
      %mul3A_117 = arith.mulf %get3A_111, %get3A_116 : vector<16xf32>
      %swap3A_118 = arith.constant 5 : i32
      %swap3A_119 = arith.index_cast %swap3A_118 : i32 to index
      %swap3A_120 = arith.constant 0 : index
      %swap3A_121 = tpu.vector_load %arg11[%swap3A_119, %swap3A_120] {strides = array<i32>} : memref<128x128xf32, #tpu.memory_space<vmem>>, vector<1x16xf32>,
      %swap3A_122 = vector.shape_cast %swap3A_121 : vector<1x16xf32> to vector<16xf32>
      %swap3A_123 = vector.shape_cast %mul3A_117 : vector<16xf32> to vector<1x16xf32>
      tpu.vector_store %arg11[%swap3A_119, %swap3A_120], %swap3A_123 {strides = array<i32>} : memref<128x128xf32, #tpu.memory_space<vmem>>, vector<1x16xf32>,
      %get3A_124 = arith.constant 6 : i32
      %get3A_125 = arith.index_cast %get3A_124 : i32 to index
      %get3A_126 = arith.constant 0 : index
      %get3A_127 = tpu.vector_load %arg11[%get3A_125, %get3A_126] {strides = array<i32>} : memref<128x128xf32, #tpu.memory_space<vmem>>, vector<1x16xf32>,
      %get3A_128 = vector.shape_cast %get3A_127 : vector<1x16xf32> to vector<16xf32>
      %get3A_129 = arith.constant 6 : i32
      %get3A_130 = arith.index_cast %get3A_129 : i32 to index
      %get3A_131 = arith.constant 0 : index
      %get3A_132 = tpu.vector_load %arg10[%get3A_130, %get3A_131] {strides = array<i32>} : memref<128x16xf32, #tpu.memory_space<vmem>>, vector<1x16xf32>,
      %get3A_133 = vector.shape_cast %get3A_132 : vector<1x16xf32> to vector<16xf32>
      %mul3A_134 = arith.mulf %get3A_128, %get3A_133 : vector<16xf32>
      %swap3A_135 = arith.constant 6 : i32
      %swap3A_136 = arith.index_cast %swap3A_135 : i32 to index
      %swap3A_137 = arith.constant 0 : index
      %swap3A_138 = tpu.vector_load %arg11[%swap3A_136, %swap3A_137] {strides = array<i32>} : memref<128x128xf32, #tpu.memory_space<vmem>>, vector<1x16xf32>,
      %swap3A_139 = vector.shape_cast %swap3A_138 : vector<1x16xf32> to vector<16xf32>
      %swap3A_140 = vector.shape_cast %mul3A_134 : vector<16xf32> to vector<1x16xf32>
      tpu.vector_store %arg11[%swap3A_136, %swap3A_137], %swap3A_140 {strides = array<i32>} : memref<128x128xf32, #tpu.memory_space<vmem>>, vector<1x16xf32>,
      %get3A_141 = arith.constant 7 : i32
      %get3A_142 = arith.index_cast %get3A_141 : i32 to index
      %get3A_143 = arith.constant 0 : index
      %get3A_144 = tpu.vector_load %arg11[%get3A_142, %get3A_143] {strides = array<i32>} : memref<128x128xf32, #tpu.memory_space<vmem>>, vector<1x16xf32>,
      %get3A_145 = vector.shape_cast %get3A_144 : vector<1x16xf32> to vector<16xf32>
      %get3A_146 = arith.constant 7 : i32
      %get3A_147 = arith.index_cast %get3A_146 : i32 to index
      %get3A_148 = arith.constant 0 : index
      %get3A_149 = tpu.vector_load %arg10[%get3A_147, %get3A_148] {strides = array<i32>} : memref<128x16xf32, #tpu.memory_space<vmem>>, vector<1x16xf32>,
      %get3A_150 = vector.shape_cast %get3A_149 : vector<1x16xf32> to vector<16xf32>
      %mul3A_151 = arith.mulf %get3A_145, %get3A_150 : vector<16xf32>
      %swap3A_152 = arith.constant 7 : i32
      %swap3A_153 = arith.index_cast %swap3A_152 : i32 to index
      %swap3A_154 = arith.constant 0 : index
      %swap3A_155 = tpu.vector_load %arg11[%swap3A_153, %swap3A_154] {strides = array<i32>} : memref<128x128xf32, #tpu.memory_space<vmem>>, vector<1x16xf32>,
      %swap3A_156 = vector.shape_cast %swap3A_155 : vector<1x16xf32> to vector<16xf32>
      %swap3A_157 = vector.shape_cast %mul3A_151 : vector<16xf32> to vector<1x16xf32>
      tpu.vector_store %arg11[%swap3A_153, %swap3A_154], %swap3A_157 {strides = array<i32>} : memref<128x128xf32, #tpu.memory_space<vmem>>, vector<1x16xf32>,
      %get3A_158 = arith.constant 8 : i32
      %get3A_159 = arith.index_cast %get3A_158 : i32 to index
      %get3A_160 = arith.constant 0 : index
      %get3A_161 = tpu.vector_load %arg11[%get3A_159, %get3A_160] {strides = array<i32>} : memref<128x128xf32, #tpu.memory_space<vmem>>, vector<1x16xf32>,
      %get3A_162 = vector.shape_cast %get3A_161 : vector<1x16xf32> to vector<16xf32>
      %get3A_163 = arith.constant 8 : i32
      %get3A_164 = arith.index_cast %get3A_163 : i32 to index
      %get3A_165 = arith.constant 0 : index
      %get3A_166 = tpu.vector_load %arg10[%get3A_164, %get3A_165] {strides = array<i32>} : memref<128x16xf32, #tpu.memory_space<vmem>>, vector<1x16xf32>,
      %get3A_167 = vector.shape_cast %get3A_166 : vector<1x16xf32> to vector<16xf32>
      %mul3A_168 = arith.mulf %get3A_162, %get3A_167 : vector<16xf32>
      %swap3A_169 = arith.constant 8 : i32
      %swap3A_170 = arith.index_cast %swap3A_169 : i32 to index
      %swap3A_171 = arith.constant 0 : index
      %swap3A_172 = tpu.vector_load %arg11[%swap3A_170, %swap3A_171] {strides = array<i32>} : memref<128x128xf32, #tpu.memory_space<vmem>>, vector<1x16xf32>,
      %swap3A_173 = vector.shape_cast %swap3A_172 : vector<1x16xf32> to vector<16xf32>
      %swap3A_174 = vector.shape_cast %mul3A_168 : vector<16xf32> to vector<1x16xf32>
      tpu.vector_store %arg11[%swap3A_170, %swap3A_171], %swap3A_174 {strides = array<i32>} : memref<128x128xf32, #tpu.memory_space<vmem>>, vector<1x16xf32>,
      %get3A_175 = arith.constant 9 : i32
      %get3A_176 = arith.index_cast %get3A_175 : i32 to index
      %get3A_177 = arith.constant 0 : index
      %get3A_178 = tpu.vector_load %arg11[%get3A_176, %get3A_177] {strides = array<i32>} : memref<128x128xf32, #tpu.memory_space<vmem>>, vector<1x16xf32>,
      %get3A_179 = vector.shape_cast %get3A_178 : vector<1x16xf32> to vector<16xf32>
      %get3A_180 = arith.constant 9 : i32
      %get3A_181 = arith.index_cast %get3A_180 : i32 to index
      %get3A_182 = arith.constant 0 : index
      %get3A_183 = tpu.vector_load %arg10[%get3A_181, %get3A_182] {strides = array<i32>} : memref<128x16xf32, #tpu.memory_space<vmem>>, vector<1x16xf32>,
      %get3A_184 = vector.shape_cast %get3A_183 : vector<1x16xf32> to vector<16xf32>
      %mul3A_185 = arith.mulf %get3A_179, %get3A_184 : vector<16xf32>
      %swap3A_186 = arith.constant 9 : i32
      %swap3A_187 = arith.index_cast %swap3A_186 : i32 to index
      %swap3A_188 = arith.constant 0 : index
      %swap3A_189 = tpu.vector_load %arg11[%swap3A_187, %swap3A_188] {strides = array<i32>} : memref<128x128xf32, #tpu.memory_space<vmem>>, vector<1x16xf32>,
      %swap3A_190 = vector.shape_cast %swap3A_189 : vector<1x16xf32> to vector<16xf32>
      %swap3A_191 = vector.shape_cast %mul3A_185 : vector<16xf32> to vector<1x16xf32>
      tpu.vector_store %arg11[%swap3A_187, %swap3A_188], %swap3A_191 {strides = array<i32>} : memref<128x128xf32, #tpu.memory_space<vmem>>, vector<1x16xf32>,
      %get3A_192 = arith.constant 10 : i32
      %get3A_193 = arith.index_cast %get3A_192 : i32 to index
      %get3A_194 = arith.constant 0 : index
      %get3A_195 = tpu.vector_load %arg11[%get3A_193, %get3A_194] {strides = array<i32>} : memref<128x128xf32, #tpu.memory_space<vmem>>, vector<1x16xf32>,
      %get3A_196 = vector.shape_cast %get3A_195 : vector<1x16xf32> to vector<16xf32>
      %get3A_197 = arith.constant 10 : i32
      %get3A_198 = arith.index_cast %get3A_197 : i32 to index
      %get3A_199 = arith.constant 0 : index
      %get3A_200 = tpu.vector_load %arg10[%get3A_198, %get3A_199] {strides = array<i32>} : memref<128x16xf32, #tpu.memory_space<vmem>>, vector<1x16xf32>,
      %get3A_201 = vector.shape_cast %get3A_200 : vector<1x16xf32> to vector<16xf32>
      %mul3A_202 = arith.mulf %get3A_196, %get3A_201 : vector<16xf32>
      %swap3A_203 = arith.constant 10 : i32
      %swap3A_204 = arith.index_cast %swap3A_203 : i32 to index
      %swap3A_205 = arith.constant 0 : index
      %swap3A_206 = tpu.vector_load %arg11[%swap3A_204, %swap3A_205] {strides = array<i32>} : memref<128x128xf32, #tpu.memory_space<vmem>>, vector<1x16xf32>,
      %swap3A_207 = vector.shape_cast %swap3A_206 : vector<1x16xf32> to vector<16xf32>
      %swap3A_208 = vector.shape_cast %mul3A_202 : vector<16xf32> to vector<1x16xf32>
      tpu.vector_store %arg11[%swap3A_204, %swap3A_205], %swap3A_208 {strides = array<i32>} : memref<128x128xf32, #tpu.memory_space<vmem>>, vector<1x16xf32>,
      %get3A_209 = arith.constant 11 : i32
      %get3A_210 = arith.index_cast %get3A_209 : i32 to index
      %get3A_211 = arith.constant 0 : index
      %get3A_212 = tpu.vector_load %arg11[%get3A_210, %get3A_211] {strides = array<i32>} : memref<128x128xf32, #tpu.memory_space<vmem>>, vector<1x16xf32>,
      %get3A_213 = vector.shape_cast %get3A_212 : vector<1x16xf32> to vector<16xf32>
      %get3A_214 = arith.constant 11 : i32
      %get3A_215 = arith.index_cast %get3A_214 : i32 to index
      %get3A_216 = arith.constant 0 : index
      %get3A_217 = tpu.vector_load %arg10[%get3A_215, %get3A_216] {strides = array<i32>} : memref<128x16xf32, #tpu.memory_space<vmem>>, vector<1x16xf32>,
      %get3A_218 = vector.shape_cast %get3A_217 : vector<1x16xf32> to vector<16xf32>
      %mul3A_219 = arith.mulf %get3A_213, %get3A_218 : vector<16xf32>
      %swap3A_220 = arith.constant 11 : i32
      %swap3A_221 = arith.index_cast %swap3A_220 : i32 to index
      %swap3A_222 = arith.constant 0 : index
      %swap3A_223 = tpu.vector_load %arg11[%swap3A_221, %swap3A_222] {strides = array<i32>} : memref<128x128xf32, #tpu.memory_space<vmem>>, vector<1x16xf32>,
      %swap3A_224 = vector.shape_cast %swap3A_223 : vector<1x16xf32> to vector<16xf32>
      %swap3A_225 = vector.shape_cast %mul3A_219 : vector<16xf32> to vector<1x16xf32>
      tpu.vector_store %arg11[%swap3A_221, %swap3A_222], %swap3A_225 {strides = array<i32>} : memref<128x128xf32, #tpu.memory_space<vmem>>, vector<1x16xf32>,
      %get3A_226 = arith.constant 12 : i32
      %get3A_227 = arith.index_cast %get3A_226 : i32 to index
      %get3A_228 = arith.constant 0 : index
      %get3A_229 = tpu.vector_load %arg11[%get3A_227, %get3A_228] {strides = array<i32>} : memref<128x128xf32, #tpu.memory_space<vmem>>, vector<1x16xf32>,
      %get3A_230 = vector.shape_cast %get3A_229 : vector<1x16xf32> to vector<16xf32>
      %get3A_231 = arith.constant 12 : i32
      %get3A_232 = arith.index_cast %get3A_231 : i32 to index
      %get3A_233 = arith.constant 0 : index
      %get3A_234 = tpu.vector_load %arg10[%get3A_232, %get3A_233] {strides = array<i32>} : memref<128x16xf32, #tpu.memory_space<vmem>>, vector<1x16xf32>,
      %get3A_235 = vector.shape_cast %get3A_234 : vector<1x16xf32> to vector<16xf32>
      %mul3A_236 = arith.mulf %get3A_230, %get3A_235 : vector<16xf32>
      %swap3A_237 = arith.constant 12 : i32
      %swap3A_238 = arith.index_cast %swap3A_237 : i32 to index
      %swap3A_239 = arith.constant 0 : index
      %swap3A_240 = tpu.vector_load %arg11[%swap3A_238, %swap3A_239] {strides = array<i32>} : memref<128x128xf32, #tpu.memory_space<vmem>>, vector<1x16xf32>,
      %swap3A_241 = vector.shape_cast %swap3A_240 : vector<1x16xf32> to vector<16xf32>
      %swap3A_242 = vector.shape_cast %mul3A_236 : vector<16xf32> to vector<1x16xf32>
      tpu.vector_store %arg11[%swap3A_238, %swap3A_239], %swap3A_242 {strides = array<i32>} : memref<128x128xf32, #tpu.memory_space<vmem>>, vector<1x16xf32>,
      %get3A_243 = arith.constant 13 : i32
      %get3A_244 = arith.index_cast %get3A_243 : i32 to index
      %get3A_245 = arith.constant 0 : index
      %get3A_246 = tpu.vector_load %arg11[%get3A_244, %get3A_245] {strides = array<i32>} : memref<128x128xf32, #tpu.memory_space<vmem>>, vector<1x16xf32>,
      %get3A_247 = vector.shape_cast %get3A_246 : vector<1x16xf32> to vector<16xf32>
      %get3A_248 = arith.constant 13 : i32
      %get3A_249 = arith.index_cast %get3A_248 : i32 to index
      %get3A_250 = arith.constant 0 : index
      %get3A_251 = tpu.vector_load %arg10[%get3A_249, %get3A_250] {strides = array<i32>} : memref<128x16xf32, #tpu.memory_space<vmem>>, vector<1x16xf32>,
      %get3A_252 = vector.shape_cast %get3A_251 : vector<1x16xf32> to vector<16xf32>
      %mul3A_253 = arith.mulf %get3A_247, %get3A_252 : vector<16xf32>
      %swap3A_254 = arith.constant 13 : i32
      %swap3A_255 = arith.index_cast %swap3A_254 : i32 to index
      %swap3A_256 = arith.constant 0 : index
      %swap3A_257 = tpu.vector_load %arg11[%swap3A_255, %swap3A_256] {strides = array<i32>} : memref<128x128xf32, #tpu.memory_space<vmem>>, vector<1x16xf32>,
      %swap3A_258 = vector.shape_cast %swap3A_257 : vector<1x16xf32> to vector<16xf32>
      %swap3A_259 = vector.shape_cast %mul3A_253 : vector<16xf32> to vector<1x16xf32>
      tpu.vector_store %arg11[%swap3A_255, %swap3A_256], %swap3A_259 {strides = array<i32>} : memref<128x128xf32, #tpu.memory_space<vmem>>, vector<1x16xf32>,
      %get3A_260 = arith.constant 14 : i32
      %get3A_261 = arith.index_cast %get3A_260 : i32 to index
      %get3A_262 = arith.constant 0 : index
      %get3A_263 = tpu.vector_load %arg11[%get3A_261, %get3A_262] {strides = array<i32>} : memref<128x128xf32, #tpu.memory_space<vmem>>, vector<1x16xf32>,
      %get3A_264 = vector.shape_cast %get3A_263 : vector<1x16xf32> to vector<16xf32>
      %get3A_265 = arith.constant 14 : i32
      %get3A_266 = arith.index_cast %get3A_265 : i32 to index
      %get3A_267 = arith.constant 0 : index
      %get3A_268 = tpu.vector_load %arg10[%get3A_266, %get3A_267] {strides = array<i32>} : memref<128x16xf32, #tpu.memory_space<vmem>>, vector<1x16xf32>,
      %get3A_269 = vector.shape_cast %get3A_268 : vector<1x16xf32> to vector<16xf32>
      %mul3A_270 = arith.mulf %get3A_264, %get3A_269 : vector<16xf32>
      %swap3A_271 = arith.constant 14 : i32
      %swap3A_272 = arith.index_cast %swap3A_271 : i32 to index
      %swap3A_273 = arith.constant 0 : index
      %swap3A_274 = tpu.vector_load %arg11[%swap3A_272, %swap3A_273] {strides = array<i32>} : memref<128x128xf32, #tpu.memory_space<vmem>>, vector<1x16xf32>,
      %swap3A_275 = vector.shape_cast %swap3A_274 : vector<1x16xf32> to vector<16xf32>
      %swap3A_276 = vector.shape_cast %mul3A_270 : vector<16xf32> to vector<1x16xf32>
      tpu.vector_store %arg11[%swap3A_272, %swap3A_273], %swap3A_276 {strides = array<i32>} : memref<128x128xf32, #tpu.memory_space<vmem>>, vector<1x16xf32>,
      %get3A_277 = arith.constant 15 : i32
      %get3A_278 = arith.index_cast %get3A_277 : i32 to index
      %get3A_279 = arith.constant 0 : index
      %get3A_280 = tpu.vector_load %arg11[%get3A_278, %get3A_279] {strides = array<i32>} : memref<128x128xf32, #tpu.memory_space<vmem>>, vector<1x16xf32>,
      %get3A_281 = vector.shape_cast %get3A_280 : vector<1x16xf32> to vector<16xf32>
      %get3A_282 = arith.constant 15 : i32
      %get3A_283 = arith.index_cast %get3A_282 : i32 to index
      %get3A_284 = arith.constant 0 : index
      %get3A_285 = tpu.vector_load %arg10[%get3A_283, %get3A_284] {strides = array<i32>} : memref<128x16xf32, #tpu.memory_space<vmem>>, vector<1x16xf32>,
      %get3A_286 = vector.shape_cast %get3A_285 : vector<1x16xf32> to vector<16xf32>
      %mul3A_287 = arith.mulf %get3A_281, %get3A_286 : vector<16xf32>
      %swap3A_288 = arith.constant 15 : i32
      %swap3A_289 = arith.index_cast %swap3A_288 : i32 to index
      %swap3A_290 = arith.constant 0 : index
      %swap3A_291 = tpu.vector_load %arg11[%swap3A_289, %swap3A_290] {strides = array<i32>} : memref<128x128xf32, #tpu.memory_space<vmem>>, vector<1x16xf32>,
      %swap3A_292 = vector.shape_cast %swap3A_291 : vector<1x16xf32> to vector<16xf32>
      %swap3A_293 = vector.shape_cast %mul3A_287 : vector<16xf32> to vector<1x16xf32>
      tpu.vector_store %arg11[%swap3A_289, %swap3A_290], %swap3A_293 {strides = array<i32>} : memref<128x128xf32, #tpu.memory_space<vmem>>, vector<1x16xf32>,
      %get3A_294 = arith.constant 16 : i32
      %get3A_295 = arith.index_cast %get3A_294 : i32 to index
      %get3A_296 = arith.constant 0 : index
      %get3A_297 = tpu.vector_load %arg11[%get3A_295, %get3A_296] {strides = array<i32>} : memref<128x128xf32, #tpu.memory_space<vmem>>, vector<1x16xf32>,
      %get3A_298 = vector.shape_cast %get3A_297 : vector<1x16xf32> to vector<16xf32>
      %get3A_299 = arith.constant 16 : i32
      %get3A_300 = arith.index_cast %get3A_299 : i32 to index
      %get3A_301 = arith.constant 0 : index
      %get3A_302 = tpu.vector_load %arg10[%get3A_300, %get3A_301] {strides = array<i32>} : memref<128x16xf32, #tpu.memory_space<vmem>>, vector<1x16xf32>,
      %get3A_303 = vector.shape_cast %get3A_302 : vector<1x16xf32> to vector<16xf32>
      %mul3A_304 = arith.mulf %get3A_298, %get3A_303 : vector<16xf32>
      %swap3A_305 = arith.constant 16 : i32
      %swap3A_306 = arith.index_cast %swap3A_305 : i32 to index
      %swap3A_307 = arith.constant 0 : index
      %swap3A_308 = tpu.vector_load %arg11[%swap3A_306, %swap3A_307] {strides = array<i32>} : memref<128x128xf32, #tpu.memory_space<vmem>>, vector<1x16xf32>,
      %swap3A_309 = vector.shape_cast %swap3A_308 : vector<1x16xf32> to vector<16xf32>
      %swap3A_310 = vector.shape_cast %mul3A_304 : vector<16xf32> to vector<1x16xf32>
      tpu.vector_store %arg11[%swap3A_306, %swap3A_307], %swap3A_310 {strides = array<i32>} : memref<128x128xf32, #tpu.memory_space<vmem>>, vector<1x16xf32>,
      %get3A_311 = arith.constant 17 : i32
      %get3A_312 = arith.index_cast %get3A_311 : i32 to index
      %get3A_313 = arith.constant 0 : index
      %get3A_314 = tpu.vector_load %arg11[%get3A_312, %get3A_313] {strides = array<i32>} : memref<128x128xf32, #tpu.memory_space<vmem>>, vector<1x16xf32>,
      %get3A_315 = vector.shape_cast %get3A_314 : vector<1x16xf32> to vector<16xf32>
      %get3A_316 = arith.constant 17 : i32
      %get3A_317 = arith.index_cast %get3A_316 : i32 to index
      %get3A_318 = arith.constant 0 : index
      %get3A_319 = tpu.vector_load %arg10[%get3A_317, %get3A_318] {strides = array<i32>} : memref<128x16xf32, #tpu.memory_space<vmem>>, vector<1x16xf32>,
      %get3A_320 = vector.shape_cast %get3A_319 : vector<1x16xf32> to vector<16xf32>
      %mul3A_321 = arith.mulf %get3A_315, %get3A_320 : vector<16xf32>
      %swap3A_322 = arith.constant 17 : i32
      %swap3A_323 = arith.index_cast %swap3A_322 : i32 to index
      %swap3A_324 = arith.constant 0 : index
      %swap3A_325 = tpu.vector_load %arg11[%swap3A_323, %swap3A_324] {strides = array<i32>} : memref<128x128xf32, #tpu.memory_space<vmem>>, vector<1x16xf32>,
      %swap3A_326 = vector.shape_cast %swap3A_325 : vector<1x16xf32> to vector<16xf32>
      %swap3A_327 = vector.shape_cast %mul3A_321 : vector<16xf32> to vector<1x16xf32>
      tpu.vector_store %arg11[%swap3A_323, %swap3A_324], %swap3A_327 {strides = array<i32>} : memref<128x128xf32, #tpu.memory_space<vmem>>, vector<1x16xf32>,
      %get3A_328 = arith.constant 18 : i32
      %get3A_329 = arith.index_cast %get3A_328 : i32 to index
      %get3A_330 = arith.constant 0 : index
      %get3A_331 = tpu.vector_load %arg11[%get3A_329, %get3A_330] {strides = array<i32>} : memref<128x128xf32, #tpu.memory_space<vmem>>, vector<1x16xf32>,
      %get3A_332 = vector.shape_cast %get3A_331 : vector<1x16xf32> to vector<16xf32>
      %get3A_333 = arith.constant 18 : i32
      %get3A_334 = arith.index_cast %get3A_333 : i32 to index
      %get3A_335 = arith.constant 0 : index
      %get3A_336 = tpu.vector_load %arg10[%get3A_334, %get3A_335] {strides = array<i32>} : memref<128x16xf32, #tpu.memory_space<vmem>>, vector<1x16xf32>,
      %get3A_337 = vector.shape_cast %get3A_336 : vector<1x16xf32> to vector<16xf32>
      %mul3A_338 = arith.mulf %get3A_332, %get3A_337 : vector<16xf32>
      %swap3A_339 = arith.constant 18 : i32
      %swap3A_340 = arith.index_cast %swap3A_339 : i32 to index
      %swap3A_341 = arith.constant 0 : index
      %swap3A_342 = tpu.vector_load %arg11[%swap3A_340, %swap3A_341] {strides = array<i32>} : memref<128x128xf32, #tpu.memory_space<vmem>>, vector<1x16xf32>,
      %swap3A_343 = vector.shape_cast %swap3A_342 : vector<1x16xf32> to vector<16xf32>
      %swap3A_344 = vector.shape_cast %mul3A_338 : vector<16xf32> to vector<1x16xf32>
      tpu.vector_store %arg11[%swap3A_340, %swap3A_341], %swap3A_344 {strides = array<i32>} : memref<128x128xf32, #tpu.memory_space<vmem>>, vector<1x16xf32>,
      %get3A_345 = arith.constant 19 : i32
      %get3A_346 = arith.index_cast %get3A_345 : i32 to index
      %get3A_347 = arith.constant 0 : index
      %get3A_348 = tpu.vector_load %arg11[%get3A_346, %get3A_347] {strides = array<i32>} : memref<128x128xf32, #tpu.memory_space<vmem>>, vector<1x16xf32>,
      %get3A_349 = vector.shape_cast %get3A_348 : vector<1x16xf32> to vector<16xf32>
      %get3A_350 = arith.constant 19 : i32
      %get3A_351 = arith.index_cast %get3A_350 : i32 to index
      %get3A_352 = arith.constant 0 : index
      %get3A_353 = tpu.vector_load %arg10[%get3A_351, %get3A_352] {strides = array<i32>} : memref<128x16xf32, #tpu.memory_space<vmem>>, vector<1x16xf32>,
      %get3A_354 = vector.shape_cast %get3A_353 : vector<1x16xf32> to vector<16xf32>
      %mul3A_355 = arith.mulf %get3A_349, %get3A_354 : vector<16xf32>
      %swap3A_356 = arith.constant 19 : i32
      %swap3A_357 = arith.index_cast %swap3A_356 : i32 to index
      %swap3A_358 = arith.constant 0 : index
      %swap3A_359 = tpu.vector_load %arg11[%swap3A_357, %swap3A_358] {strides = array<i32>} : memref<128x128xf32, #tpu.memory_space<vmem>>, vector<1x16xf32>,
      %swap3A_360 = vector.shape_cast %swap3A_359 : vector<1x16xf32> to vector<16xf32>
      %swap3A_361 = vector.shape_cast %mul3A_355 : vector<16xf32> to vector<1x16xf32>
      tpu.vector_store %arg11[%swap3A_357, %swap3A_358], %swap3A_361 {strides = array<i32>} : memref<128x128xf32, #tpu.memory_space<vmem>>, vector<1x16xf32>,
      %get3A_362 = arith.constant 20 : i32
      %get3A_363 = arith.index_cast %get3A_362 : i32 to index
      %get3A_364 = arith.constant 0 : index
      %get3A_365 = tpu.vector_load %arg11[%get3A_363, %get3A_364] {strides = array<i32>} : memref<128x128xf32, #tpu.memory_space<vmem>>, vector<1x16xf32>,
      %get3A_366 = vector.shape_cast %get3A_365 : vector<1x16xf32> to vector<16xf32>
      %get3A_367 = arith.constant 20 : i32
      %get3A_368 = arith.index_cast %get3A_367 : i32 to index
      %get3A_369 = arith.constant 0 : index
      %get3A_370 = tpu.vector_load %arg10[%get3A_368, %get3A_369] {strides = array<i32>} : memref<128x16xf32, #tpu.memory_space<vmem>>, vector<1x16xf32>,
      %get3A_371 = vector.shape_cast %get3A_370 : vector<1x16xf32> to vector<16xf32>
      %mul3A_372 = arith.mulf %get3A_366, %get3A_371 : vector<16xf32>
      %swap3A_373 = arith.constant 20 : i32
      %swap3A_374 = arith.index_cast %swap3A_373 : i32 to index
      %swap3A_375 = arith.constant 0 : index
      %swap3A_376 = tpu.vector_load %arg11[%swap3A_374, %swap3A_375] {strides = array<i32>} : memref<128x128xf32, #tpu.memory_space<vmem>>, vector<1x16xf32>,
      %swap3A_377 = vector.shape_cast %swap3A_376 : vector<1x16xf32> to vector<16xf32>
      %swap3A_378 = vector.shape_cast %mul3A_372 : vector<16xf32> to vector<1x16xf32>
      tpu.vector_store %arg11[%swap3A_374, %swap3A_375], %swap3A_378 {strides = array<i32>} : memref<128x128xf32, #tpu.memory_space<vmem>>, vector<1x16xf32>,
      %get3A_379 = arith.constant 21 : i32
      %get3A_380 = arith.index_cast %get3A_379 : i32 to index
      %get3A_381 = arith.constant 0 : index
      %get3A_382 = tpu.vector_load %arg11[%get3A_380, %get3A_381] {strides = array<i32>} : memref<128x128xf32, #tpu.memory_space<vmem>>, vector<1x16xf32>,
      %get3A_383 = vector.shape_cast %get3A_382 : vector<1x16xf32> to vector<16xf32>
      %get3A_384 = arith.constant 21 : i32
      %get3A_385 = arith.index_cast %get3A_384 : i32 to index
      %get3A_386 = arith.constant 0 : index
      %get3A_387 = tpu.vector_load %arg10[%get3A_385, %get3A_386] {strides = array<i32>} : memref<128x16xf32, #tpu.memory_space<vmem>>, vector<1x16xf32>,
      %get3A_388 = vector.shape_cast %get3A_387 : vector<1x16xf32> to vector<16xf32>
      %mul3A_389 = arith.mulf %get3A_383, %get3A_388 : vector<16xf32>
      %swap3A_390 = arith.constant 21 : i32
      %swap3A_391 = arith.index_cast %swap3A_390 : i32 to index
      %swap3A_392 = arith.constant 0 : index
      %swap3A_393 = tpu.vector_load %arg11[%swap3A_391, %swap3A_392] {strides = array<i32>} : memref<128x128xf32, #tpu.memory_space<vmem>>, vector<1x16xf32>,
      %swap3A_394 = vector.shape_cast %swap3A_393 : vector<1x16xf32> to vector<16xf32>
      %swap3A_395 = vector.shape_cast %mul3A_389 : vector<16xf32> to vector<1x16xf32>
      tpu.vector_store %arg11[%swap3A_391, %swap3A_392], %swap3A_395 {strides = array<i32>} : memref<128x128xf32, #tpu.memory_space<vmem>>, vector<1x16xf32>,
      %get3A_396 = arith.constant 22 : i32
      %get3A_397 = arith.index_cast %get3A_396 : i32 to index
      %get3A_398 = arith.constant 0 : index
      %get3A_399 = tpu.vector_load %arg11[%get3A_397, %get3A_398] {strides = array<i32>} : memref<128x128xf32, #tpu.memory_space<vmem>>, vector<1x16xf32>,
      %get3A_400 = vector.shape_cast %get3A_399 : vector<1x16xf32> to vector<16xf32>
      %get3A_401 = arith.constant 22 : i32
      %get3A_402 = arith.index_cast %get3A_401 : i32 to index
      %get3A_403 = arith.constant 0 : index
      %get3A_404 = tpu.vector_load %arg10[%get3A_402, %get3A_403] {strides = array<i32>} : memref<128x16xf32, #tpu.memory_space<vmem>>, vector<1x16xf32>,
      %get3A_405 = vector.shape_cast %get3A_404 : vector<1x16xf32> to vector<16xf32>
      %mul3A_406 = arith.mulf %get3A_400, %get3A_405 : vector<16xf32>
      %swap3A_407 = arith.constant 22 : i32
      %swap3A_408 = arith.index_cast %swap3A_407 : i32 to index
      %swap3A_409 = arith.constant 0 : index
      %swap3A_410 = tpu.vector_load %arg11[%swap3A_408, %swap3A_409] {strides = array<i32>} : memref<128x128xf32, #tpu.memory_space<vmem>>, vector<1x16xf32>,
      %swap3A_411 = vector.shape_cast %swap3A_410 : vector<1x16xf32> to vector<16xf32>
      %swap3A_412 = vector.shape_cast %mul3A_406 : vector<16xf32> to vector<1x16xf32>
      tpu.vector_store %arg11[%swap3A_408, %swap3A_409], %swap3A_412 {strides = array<i32>} : memref<128x128xf32, #tpu.memory_space<vmem>>, vector<1x16xf32>,
      %get3A_413 = arith.constant 23 : i32
      %get3A_414 = arith.index_cast %get3A_413 : i32 to index
      %get3A_415 = arith.constant 0 : index
      %get3A_416 = tpu.vector_load %arg11[%get3A_414, %get3A_415] {strides = array<i32>} : memref<128x128xf32, #tpu.memory_space<vmem>>, vector<1x16xf32>,
      %get3A_417 = vector.shape_cast %get3A_416 : vector<1x16xf32> to vector<16xf32>
      %get3A_418 = arith.constant 23 : i32
      %get3A_419 = arith.index_cast %get3A_418 : i32 to index
      %get3A_420 = arith.constant 0 : index
      %get3A_421 = tpu.vector_load %arg10[%get3A_419, %get3A_420] {strides = array<i32>} : memref<128x16xf32, #tpu.memory_space<vmem>>, vector<1x16xf32>,
      %get3A_422 = vector.shape_cast %get3A_421 : vector<1x16xf32> to vector<16xf32>
      %mul3A_423 = arith.mulf %get3A_417, %get3A_422 : vector<16xf32>
      %swap3A_424 = arith.constant 23 : i32
      %swap3A_425 = arith.index_cast %swap3A_424 : i32 to index
      %swap3A_426 = arith.constant 0 : index
      %swap3A_427 = tpu.vector_load %arg11[%swap3A_425, %swap3A_426] {strides = array<i32>} : memref<128x128xf32, #tpu.memory_space<vmem>>, vector<1x16xf32>,
      %swap3A_428 = vector.shape_cast %swap3A_427 : vector<1x16xf32> to vector<16xf32>
      %swap3A_429 = vector.shape_cast %mul3A_423 : vector<16xf32> to vector<1x16xf32>
      tpu.vector_store %arg11[%swap3A_425, %swap3A_426], %swap3A_429 {strides = array<i32>} : memref<128x128xf32, #tpu.memory_space<vmem>>, vector<1x16xf32>,
      %get3A_430 = arith.constant 24 : i32
      %get3A_431 = arith.index_cast %get3A_430 : i32 to index
      %get3A_432 = arith.constant 0 : index
      %get3A_433 = tpu.vector_load %arg11[%get3A_431, %get3A_432] {strides = array<i32>} : memref<128x128xf32, #tpu.memory_space<vmem>>, vector<1x16xf32>,
      %get3A_434 = vector.shape_cast %get3A_433 : vector<1x16xf32> to vector<16xf32>
      %get3A_435 = arith.constant 24 : i32
      %get3A_436 = arith.index_cast %get3A_435 : i32 to index
      %get3A_437 = arith.constant 0 : index
      %get3A_438 = tpu.vector_load %arg10[%get3A_436, %get3A_437] {strides = array<i32>} : memref<128x16xf32, #tpu.memory_space<vmem>>, vector<1x16xf32>,
      %get3A_439 = vector.shape_cast %get3A_438 : vector<1x16xf32> to vector<16xf32>
      %mul3A_440 = arith.mulf %get3A_434, %get3A_439 : vector<16xf32>
      %swap3A_441 = arith.constant 24 : i32
      %swap3A_442 = arith.index_cast %swap3A_441 : i32 to index
      %swap3A_443 = arith.constant 0 : index
      %swap3A_444 = tpu.vector_load %arg11[%swap3A_442, %swap3A_443] {strides = array<i32>} : memref<128x128xf32, #tpu.memory_space<vmem>>, vector<1x16xf32>,
      %swap3A_445 = vector.shape_cast %swap3A_444 : vector<1x16xf32> to vector<16xf32>
      %swap3A_446 = vector.shape_cast %mul3A_440 : vector<16xf32> to vector<1x16xf32>
      tpu.vector_store %arg11[%swap3A_442, %swap3A_443], %swap3A_446 {strides = array<i32>} : memref<128x128xf32, #tpu.memory_space<vmem>>, vector<1x16xf32>,
      %get3A_447 = arith.constant 25 : i32
      %get3A_448 = arith.index_cast %get3A_447 : i32 to index
      %get3A_449 = arith.constant 0 : index
      %get3A_450 = tpu.vector_load %arg11[%get3A_448, %get3A_449] {strides = array<i32>} : memref<128x128xf32, #tpu.memory_space<vmem>>, vector<1x16xf32>,
      %get3A_451 = vector.shape_cast %get3A_450 : vector<1x16xf32> to vector<16xf32>
      %get3A_452 = arith.constant 25 : i32
      %get3A_453 = arith.index_cast %get3A_452 : i32 to index
      %get3A_454 = arith.constant 0 : index
      %get3A_455 = tpu.vector_load %arg10[%get3A_453, %get3A_454] {strides = array<i32>} : memref<128x16xf32, #tpu.memory_space<vmem>>, vector<1x16xf32>,
      %get3A_456 = vector.shape_cast %get3A_455 : vector<1x16xf32> to vector<16xf32>
      %mul3A_457 = arith.mulf %get3A_451, %get3A_456 : vector<16xf32>
      %swap3A_458 = arith.constant 25 : i32
      %swap3A_459 = arith.index_cast %swap3A_458 : i32 to index
      %swap3A_460 = arith.constant 0 : index
      %swap3A_461 = tpu.vector_load %arg11[%swap3A_459, %swap3A_460] {strides = array<i32>} : memref<128x128xf32, #tpu.memory_space<vmem>>, vector<1x16xf32>,
      %swap3A_462 = vector.shape_cast %swap3A_461 : vector<1x16xf32> to vector<16xf32>
      %swap3A_463 = vector.shape_cast %mul3A_457 : vector<16xf32> to vector<1x16xf32>
      tpu.vector_store %arg11[%swap3A_459, %swap3A_460], %swap3A_463 {strides = array<i32>} : memref<128x128xf32, #tpu.memory_space<vmem>>, vector<1x16xf32>,
      %get3A_464 = arith.constant 26 : i32
      %get3A_465 = arith.index_cast %get3A_464 : i32 to index
      %get3A_466 = arith.constant 0 : index
      %get3A_467 = tpu.vector_load %arg11[%get3A_465, %get3A_466] {strides = array<i32>} : memref<128x128xf32, #tpu.memory_space<vmem>>, vector<1x16xf32>,
      %get3A_468 = vector.shape_cast %get3A_467 : vector<1x16xf32> to vector<16xf32>
      %get3A_469 = arith.constant 26 : i32
      %get3A_470 = arith.index_cast %get3A_469 : i32 to index
      %get3A_471 = arith.constant 0 : index
      %get3A_472 = tpu.vector_load %arg10[%get3A_470, %get3A_471] {strides = array<i32>} : memref<128x16xf32, #tpu.memory_space<vmem>>, vector<1x16xf32>,
      %get3A_473 = vector.shape_cast %get3A_472 : vector<1x16xf32> to vector<16xf32>
      %mul3A_474 = arith.mulf %get3A_468, %get3A_473 : vector<16xf32>
      %swap3A_475 = arith.constant 26 : i32
      %swap3A_476 = arith.index_cast %swap3A_475 : i32 to index
      %swap3A_477 = arith.constant 0 : index
      %swap3A_478 = tpu.vector_load %arg11[%swap3A_476, %swap3A_477] {strides = array<i32>} : memref<128x128xf32, #tpu.memory_space<vmem>>, vector<1x16xf32>,
      %swap3A_479 = vector.shape_cast %swap3A_478 : vector<1x16xf32> to vector<16xf32>
      %swap3A_480 = vector.shape_cast %mul3A_474 : vector<16xf32> to vector<1x16xf32>
      tpu.vector_store %arg11[%swap3A_476, %swap3A_477], %swap3A_480 {strides = array<i32>} : memref<128x128xf32, #tpu.memory_space<vmem>>, vector<1x16xf32>,
      %get3A_481 = arith.constant 27 : i32
      %get3A_482 = arith.index_cast %get3A_481 : i32 to index
      %get3A_483 = arith.constant 0 : index
      %get3A_484 = tpu.vector_load %arg11[%get3A_482, %get3A_483] {strides = array<i32>} : memref<128x128xf32, #tpu.memory_space<vmem>>, vector<1x16xf32>,
      %get3A_485 = vector.shape_cast %get3A_484 : vector<1x16xf32> to vector<16xf32>
      %get3A_486 = arith.constant 27 : i32
      %get3A_487 = arith.index_cast %get3A_486 : i32 to index
      %get3A_488 = arith.constant 0 : index
      %get3A_489 = tpu.vector_load %arg10[%get3A_487, %get3A_488] {strides = array<i32>} : memref<128x16xf32, #tpu.memory_space<vmem>>, vector<1x16xf32>,
      %get3A_490 = vector.shape_cast %get3A_489 : vector<1x16xf32> to vector<16xf32>
      %mul3A_491 = arith.mulf %get3A_485, %get3A_490 : vector<16xf32>
      %swap3A_492 = arith.constant 27 : i32
      %swap3A_493 = arith.index_cast %swap3A_492 : i32 to index
      %swap3A_494 = arith.constant 0 : index
      %swap3A_495 = tpu.vector_load %arg11[%swap3A_493, %swap3A_494] {strides = array<i32>} : memref<128x128xf32, #tpu.memory_space<vmem>>, vector<1x16xf32>,
      %swap3A_496 = vector.shape_cast %swap3A_495 : vector<1x16xf32> to vector<16xf32>
      %swap3A_497 = vector.shape_cast %mul3A_491 : vector<16xf32> to vector<1x16xf32>
      tpu.vector_store %arg11[%swap3A_493, %swap3A_494], %swap3A_497 {strides = array<i32>} : memref<128x128xf32, #tpu.memory_space<vmem>>, vector<1x16xf32>,
      %get3A_498 = arith.constant 28 : i32
      %get3A_499 = arith.index_cast %get3A_498 : i32 to index
      %get3A_500 = arith.constant 0 : index
      %get3A_501 = tpu.vector_load %arg11[%get3A_499, %get3A_500] {strides = array<i32>} : memref<128x128xf32, #tpu.memory_space<vmem>>, vector<1x16xf32>,
      %get3A_502 = vector.shape_cast %get3A_501 : vector<1x16xf32> to vector<16xf32>
      %get3A_503 = arith.constant 28 : i32
      %get3A_504 = arith.index_cast %get3A_503 : i32 to index
      %get3A_505 = arith.constant 0 : index
      %get3A_506 = tpu.vector_load %arg10[%get3A_504, %get3A_505] {strides = array<i32>} : memref<128x16xf32, #tpu.memory_space<vmem>>, vector<1x16xf32>,
      %get3A_507 = vector.shape_cast %get3A_506 : vector<1x16xf32> to vector<16xf32>
      %mul3A_508 = arith.mulf %get3A_502, %get3A_507 : vector<16xf32>
      %swap3A_509 = arith.constant 28 : i32
      %swap3A_510 = arith.index_cast %swap3A_509 : i32 to index
      %swap3A_511 = arith.constant 0 : index
      %swap3A_512 = tpu.vector_load %arg11[%swap3A_510, %swap3A_511] {strides = array<i32>} : memref<128x128xf32, #tpu.memory_space<vmem>>, vector<1x16xf32>,
      %swap3A_513 = vector.shape_cast %swap3A_512 : vector<1x16xf32> to vector<16xf32>
      %swap3A_514 = vector.shape_cast %mul3A_508 : vector<16xf32> to vector<1x16xf32>
      tpu.vector_store %arg11[%swap3A_510, %swap3A_511], %swap3A_514 {strides = array<i32>} : memref<128x128xf32, #tpu.memory_space<vmem>>, vector<1x16xf32>,
      %get3A_515 = arith.constant 29 : i32
      %get3A_516 = arith.index_cast %get3A_515 : i32 to index
      %get3A_517 = arith.constant 0 : index
      %get3A_518 = tpu.vector_load %arg11[%get3A_516, %get3A_517] {strides = array<i32>} : memref<128x128xf32, #tpu.memory_space<vmem>>, vector<1x16xf32>,
      %get3A_519 = vector.shape_cast %get3A_518 : vector<1x16xf32> to vector<16xf32>
      %get3A_520 = arith.constant 29 : i32
      %get3A_521 = arith.index_cast %get3A_520 : i32 to index
      %get3A_522 = arith.constant 0 : index
      %get3A_523 = tpu.vector_load %arg10[%get3A_521, %get3A_522] {strides = array<i32>} : memref<128x16xf32, #tpu.memory_space<vmem>>, vector<1x16xf32>,
      %get3A_524 = vector.shape_cast %get3A_523 : vector<1x16xf32> to vector<16xf32>
      %mul3A_525 = arith.mulf %get3A_519, %get3A_524 : vector<16xf32>
      %swap3A_526 = arith.constant 29 : i32
      %swap3A_527 = arith.index_cast %swap3A_526 : i32 to index
      %swap3A_528 = arith.constant 0 : index
      %swap3A_529 = tpu.vector_load %arg11[%swap3A_527, %swap3A_528] {strides = array<i32>} : memref<128x128xf32, #tpu.memory_space<vmem>>, vector<1x16xf32>,
      %swap3A_530 = vector.shape_cast %swap3A_529 : vector<1x16xf32> to vector<16xf32>
      %swap3A_531 = vector.shape_cast %mul3A_525 : vector<16xf32> to vector<1x16xf32>
      tpu.vector_store %arg11[%swap3A_527, %swap3A_528], %swap3A_531 {strides = array<i32>} : memref<128x128xf32, #tpu.memory_space<vmem>>, vector<1x16xf32>,
      %get3A_532 = arith.constant 30 : i32
      %get3A_533 = arith.index_cast %get3A_532 : i32 to index
      %get3A_534 = arith.constant 0 : index
      %get3A_535 = tpu.vector_load %arg11[%get3A_533, %get3A_534] {strides = array<i32>} : memref<128x128xf32, #tpu.memory_space<vmem>>, vector<1x16xf32>,
      %get3A_536 = vector.shape_cast %get3A_535 : vector<1x16xf32> to vector<16xf32>
      %get3A_537 = arith.constant 30 : i32
      %get3A_538 = arith.index_cast %get3A_537 : i32 to index
      %get3A_539 = arith.constant 0 : index
      %get3A_540 = tpu.vector_load %arg10[%get3A_538, %get3A_539] {strides = array<i32>} : memref<128x16xf32, #tpu.memory_space<vmem>>, vector<1x16xf32>,
      %get3A_541 = vector.shape_cast %get3A_540 : vector<1x16xf32> to vector<16xf32>
      %mul3A_542 = arith.mulf %get3A_536, %get3A_541 : vector<16xf32>
      %swap3A_543 = arith.constant 30 : i32
      %swap3A_544 = arith.index_cast %swap3A_543 : i32 to index
      %swap3A_545 = arith.constant 0 : index
      %swap3A_546 = tpu.vector_load %arg11[%swap3A_544, %swap3A_545] {strides = array<i32>} : memref<128x128xf32, #tpu.memory_space<vmem>>, vector<1x16xf32>,
      %swap3A_547 = vector.shape_cast %swap3A_546 : vector<1x16xf32> to vector<16xf32>
      %swap3A_548 = vector.shape_cast %mul3A_542 : vector<16xf32> to vector<1x16xf32>
      tpu.vector_store %arg11[%swap3A_544, %swap3A_545], %swap3A_548 {strides = array<i32>} : memref<128x128xf32, #tpu.memory_space<vmem>>, vector<1x16xf32>,
      %get3A_549 = arith.constant 31 : i32
      %get3A_550 = arith.index_cast %get3A_549 : i32 to index
      %get3A_551 = arith.constant 0 : index
      %get3A_552 = tpu.vector_load %arg11[%get3A_550, %get3A_551] {strides = array<i32>} : memref<128x128xf32, #tpu.memory_space<vmem>>, vector<1x16xf32>,
      %get3A_553 = vector.shape_cast %get3A_552 : vector<1x16xf32> to vector<16xf32>
      %get3A_554 = arith.constant 31 : i32
      %get3A_555 = arith.index_cast %get3A_554 : i32 to index
      %get3A_556 = arith.constant 0 : index
      %get3A_557 = tpu.vector_load %arg10[%get3A_555, %get3A_556] {strides = array<i32>} : memref<128x16xf32, #tpu.memory_space<vmem>>, vector<1x16xf32>,
      %get3A_558 = vector.shape_cast %get3A_557 : vector<1x16xf32> to vector<16xf32>
      %mul3A_559 = arith.mulf %get3A_553, %get3A_558 : vector<16xf32>
      %swap3A_560 = arith.constant 31 : i32
      %swap3A_561 = arith.index_cast %swap3A_560 : i32 to index
      %swap3A_562 = arith.constant 0 : index
      %swap3A_563 = tpu.vector_load %arg11[%swap3A_561, %swap3A_562] {strides = array<i32>} : memref<128x128xf32, #tpu.memory_space<vmem>>, vector<1x16xf32>,
      %swap3A_564 = vector.shape_cast %swap3A_563 : vector<1x16xf32> to vector<16xf32>
      %swap3A_565 = vector.shape_cast %mul3A_559 : vector<16xf32> to vector<1x16xf32>
      tpu.vector_store %arg11[%swap3A_561, %swap3A_562], %swap3A_565 {strides = array<i32>} : memref<128x128xf32, #tpu.memory_space<vmem>>, vector<1x16xf32>,
      %get3A_566 = arith.constant 32 : i32
      %get3A_567 = arith.index_cast %get3A_566 : i32 to index
      %get3A_568 = arith.constant 0 : index
      %get3A_569 = tpu.vector_load %arg11[%get3A_567, %get3A_568] {strides = array<i32>} : memref<128x128xf32, #tpu.memory_space<vmem>>, vector<1x16xf32>,
      %get3A_570 = vector.shape_cast %get3A_569 : vector<1x16xf32> to vector<16xf32>
      %get3A_571 = arith.constant 32 : i32
      %get3A_572 = arith.index_cast %get3A_571 : i32 to index
      %get3A_573 = arith.constant 0 : index
      %get3A_574 = tpu.vector_load %arg10[%get3A_572, %get3A_573] {strides = array<i32>} : memref<128x16xf32, #tpu.memory_space<vmem>>, vector<1x16xf32>,
      %get3A_575 = vector.shape_cast %get3A_574 : vector<1x16xf32> to vector<16xf32>
      %mul3A_576 = arith.mulf %get3A_570, %get3A_575 : vector<16xf32>
      %swap3A_577 = arith.constant 32 : i32
      %swap3A_578 = arith.index_cast %swap3A_577 : i32 to index
      %swap3A_579 = arith.constant 0 : index
      %swap3A_580 = tpu.vector_load %arg11[%swap3A_578, %swap3A_579] {strides = array<i32>} : memref<128x128xf32, #tpu.memory_space<vmem>>, vector<1x16xf32>,
      %swap3A_581 = vector.shape_cast %swap3A_580 : vector<1x16xf32> to vector<16xf32>
      %swap3A_582 = vector.shape_cast %mul3A_576 : vector<16xf32> to vector<1x16xf32>
      tpu.vector_store %arg11[%swap3A_578, %swap3A_579], %swap3A_582 {strides = array<i32>} : memref<128x128xf32, #tpu.memory_space<vmem>>, vector<1x16xf32>,
      %get3A_583 = arith.constant 33 : i32
      %get3A_584 = arith.index_cast %get3A_583 : i32 to index
      %get3A_585 = arith.constant 0 : index
      %get3A_586 = tpu.vector_load %arg11[%get3A_584, %get3A_585] {strides = array<i32>} : memref<128x128xf32, #tpu.memory_space<vmem>>, vector<1x16xf32>,
      %get3A_587 = vector.shape_cast %get3A_586 : vector<1x16xf32> to vector<16xf32>
      %get3A_588 = arith.constant 33 : i32
      %get3A_589 = arith.index_cast %get3A_588 : i32 to index
      %get3A_590 = arith.constant 0 : index
      %get3A_591 = tpu.vector_load %arg10[%get3A_589, %get3A_590] {strides = array<i32>} : memref<128x16xf32, #tpu.memory_space<vmem>>, vector<1x16xf32>,
      %get3A_592 = vector.shape_cast %get3A_591 : vector<1x16xf32> to vector<16xf32>
      %mul3A_593 = arith.mulf %get3A_587, %get3A_592 : vector<16xf32>
      %swap3A_594 = arith.constant 33 : i32
      %swap3A_595 = arith.index_cast %swap3A_594 : i32 to index
      %swap3A_596 = arith.constant 0 : index
      %swap3A_597 = tpu.vector_load %arg11[%swap3A_595, %swap3A_596] {strides = array<i32>} : memref<128x128xf32, #tpu.memory_space<vmem>>, vector<1x16xf32>,
      %swap3A_598 = vector.shape_cast %swap3A_597 : vector<1x16xf32> to vector<16xf32>
      %swap3A_599 = vector.shape_cast %mul3A_593 : vector<16xf32> to vector<1x16xf32>
      tpu.vector_store %arg11[%swap3A_595, %swap3A_596], %swap3A_599 {strides = array<i32>} : memref<128x128xf32, #tpu.memory_space<vmem>>, vector<1x16xf32>,
      %get3A_600 = arith.constant 34 : i32
      %get3A_601 = arith.index_cast %get3A_600 : i32 to index
      %get3A_602 = arith.constant 0 : index
      %get3A_603 = tpu.vector_load %arg11[%get3A_601, %get3A_602] {strides = array<i32>} : memref<128x128xf32, #tpu.memory_space<vmem>>, vector<1x16xf32>,
      %get3A_604 = vector.shape_cast %get3A_603 : vector<1x16xf32> to vector<16xf32>
      %get3A_605 = arith.constant 34 : i32
      %get3A_606 = arith.index_cast %get3A_605 : i32 to index
      %get3A_607 = arith.constant 0 : index
      %get3A_608 = tpu.vector_load %arg10[%get3A_606, %get3A_607] {strides = array<i32>} : memref<128x16xf32, #tpu.memory_space<vmem>>, vector<1x16xf32>,
      %get3A_609 = vector.shape_cast %get3A_608 : vector<1x16xf32> to vector<16xf32>
      %mul3A_610 = arith.mulf %get3A_604, %get3A_609 : vector<16xf32>
      %swap3A_611 = arith.constant 34 : i32
      %swap3A_612 = arith.index_cast %swap3A_611 : i32 to index
      %swap3A_613 = arith.constant 0 : index
      %swap3A_614 = tpu.vector_load %arg11[%swap3A_612, %swap3A_613] {strides = array<i32>} : memref<128x128xf32, #tpu.memory_space<vmem>>, vector<1x16xf32>,
      %swap3A_615 = vector.shape_cast %swap3A_614 : vector<1x16xf32> to vector<16xf32>
      %swap3A_616 = vector.shape_cast %mul3A_610 : vector<16xf32> to vector<1x16xf32>
      tpu.vector_store %arg11[%swap3A_612, %swap3A_613], %swap3A_616 {strides = array<i32>} : memref<128x128xf32, #tpu.memory_space<vmem>>, vector<1x16xf32>,
      %get3A_617 = arith.constant 35 : i32
      %get3A_618 = arith.index_cast %get3A_617 : i32 to index
      %get3A_619 = arith.constant 0 : index
      %get3A_620 = tpu.vector_load %arg11[%get3A_618, %get3A_619] {strides = array<i32>} : memref<128x128xf32, #tpu.memory_space<vmem>>, vector<1x16xf32>,
      %get3A_621 = vector.shape_cast %get3A_620 : vector<1x16xf32> to vector<16xf32>
      %get3A_622 = arith.constant 35 : i32
      %get3A_623 = arith.index_cast %get3A_622 : i32 to index
      %get3A_624 = arith.constant 0 : index
      %get3A_625 = tpu.vector_load %arg10[%get3A_623, %get3A_624] {strides = array<i32>} : memref<128x16xf32, #tpu.memory_space<vmem>>, vector<1x16xf32>,
      %get3A_626 = vector.shape_cast %get3A_625 : vector<1x16xf32> to vector<16xf32>
      %mul3A_627 = arith.mulf %get3A_621, %get3A_626 : vector<16xf32>
      %swap3A_628 = arith.constant 35 : i32
      %swap3A_629 = arith.index_cast %swap3A_628 : i32 to index
      %swap3A_630 = arith.constant 0 : index
      %swap3A_631 = tpu.vector_load %arg11[%swap3A_629, %swap3A_630] {strides = array<i32>} : memref<128x128xf32, #tpu.memory_space<vmem>>, vector<1x16xf32>,
      %swap3A_632 = vector.shape_cast %swap3A_631 : vector<1x16xf32> to vector<16xf32>
      %swap3A_633 = vector.shape_cast %mul3A_627 : vector<16xf32> to vector<1x16xf32>
      tpu.vector_store %arg11[%swap3A_629, %swap3A_630], %swap3A_633 {strides = array<i32>} : memref<128x128xf32, #tpu.memory_space<vmem>>, vector<1x16xf32>,
      %get3A_634 = arith.constant 36 : i32
      %get3A_635 = arith.index_cast %get3A_634 : i32 to index
      %get3A_636 = arith.constant 0 : index
      %get3A_637 = tpu.vector_load %arg11[%get3A_635, %get3A_636] {strides = array<i32>} : memref<128x128xf32, #tpu.memory_space<vmem>>, vector<1x16xf32>,
      %get3A_638 = vector.shape_cast %get3A_637 : vector<1x16xf32> to vector<16xf32>
      %get3A_639 = arith.constant 36 : i32
      %get3A_640 = arith.index_cast %get3A_639 : i32 to index
      %get3A_641 = arith.constant 0 : index
      %get3A_642 = tpu.vector_load %arg10[%get3A_640, %get3A_641] {strides = array<i32>} : memref<128x16xf32, #tpu.memory_space<vmem>>, vector<1x16xf32>,
      %get3A_643 = vector.shape_cast %get3A_642 : vector<1x16xf32> to vector<16xf32>
      %mul3A_644 = arith.mulf %get3A_638, %get3A_643 : vector<16xf32>
      %swap3A_645 = arith.constant 36 : i32
      %swap3A_646 = arith.index_cast %swap3A_645 : i32 to index
      %swap3A_647 = arith.constant 0 : index
      %swap3A_648 = tpu.vector_load %arg11[%swap3A_646, %swap3A_647] {strides = array<i32>} : memref<128x128xf32, #tpu.memory_space<vmem>>, vector<1x16xf32>,
      %swap3A_649 = vector.shape_cast %swap3A_648 : vector<1x16xf32> to vector<16xf32>
      %swap3A_650 = vector.shape_cast %mul3A_644 : vector<16xf32> to vector<1x16xf32>
      tpu.vector_store %arg11[%swap3A_646, %swap3A_647], %swap3A_650 {strides = array<i32>} : memref<128x128xf32, #tpu.memory_space<vmem>>, vector<1x16xf32>,
      %get3A_651 = arith.constant 37 : i32
      %get3A_652 = arith.index_cast %get3A_651 : i32 to index
      %get3A_653 = arith.constant 0 : index
      %get3A_654 = tpu.vector_load %arg11[%get3A_652, %get3A_653] {strides = array<i32>} : memref<128x128xf32, #tpu.memory_space<vmem>>, vector<1x16xf32>,
      %get3A_655 = vector.shape_cast %get3A_654 : vector<1x16xf32> to vector<16xf32>
      %get3A_656 = arith.constant 37 : i32
      %get3A_657 = arith.index_cast %get3A_656 : i32 to index
      %get3A_658 = arith.constant 0 : index
      %get3A_659 = tpu.vector_load %arg10[%get3A_657, %get3A_658] {strides = array<i32>} : memref<128x16xf32, #tpu.memory_space<vmem>>, vector<1x16xf32>,
      %get3A_660 = vector.shape_cast %get3A_659 : vector<1x16xf32> to vector<16xf32>
      %mul3A_661 = arith.mulf %get3A_655, %get3A_660 : vector<16xf32>
      %swap3A_662 = arith.constant 37 : i32
      %swap3A_663 = arith.index_cast %swap3A_662 : i32 to index
      %swap3A_664 = arith.constant 0 : index
      %swap3A_665 = tpu.vector_load %arg11[%swap3A_663, %swap3A_664] {strides = array<i32>} : memref<128x128xf32, #tpu.memory_space<vmem>>, vector<1x16xf32>,
      %swap3A_666 = vector.shape_cast %swap3A_665 : vector<1x16xf32> to vector<16xf32>
      %swap3A_667 = vector.shape_cast %mul3A_661 : vector<16xf32> to vector<1x16xf32>
      tpu.vector_store %arg11[%swap3A_663, %swap3A_664], %swap3A_667 {strides = array<i32>} : memref<128x128xf32, #tpu.memory_space<vmem>>, vector<1x16xf32>,
      %get3A_668 = arith.constant 38 : i32
      %get3A_669 = arith.index_cast %get3A_668 : i32 to index
      %get3A_670 = arith.constant 0 : index
      %get3A_671 = tpu.vector_load %arg11[%get3A_669, %get3A_670] {strides = array<i32>} : memref<128x128xf32, #tpu.memory_space<vmem>>, vector<1x16xf32>,
      %get3A_672 = vector.shape_cast %get3A_671 : vector<1x16xf32> to vector<16xf32>
      %get3A_673 = arith.constant 38 : i32
      %get3A_674 = arith.index_cast %get3A_673 : i32 to index
      %get3A_675 = arith.constant 0 : index
      %get3A_676 = tpu.vector_load %arg10[%get3A_674, %get3A_675] {strides = array<i32>} : memref<128x16xf32, #tpu.memory_space<vmem>>, vector<1x16xf32>,
      %get3A_677 = vector.shape_cast %get3A_676 : vector<1x16xf32> to vector<16xf32>
      %mul3A_678 = arith.mulf %get3A_672, %get3A_677 : vector<16xf32>
      %swap3A_679 = arith.constant 38 : i32
      %swap3A_680 = arith.index_cast %swap3A_679 : i32 to index
      %swap3A_681 = arith.constant 0 : index
      %swap3A_682 = tpu.vector_load %arg11[%swap3A_680, %swap3A_681] {strides = array<i32>} : memref<128x128xf32, #tpu.memory_space<vmem>>, vector<1x16xf32>,
      %swap3A_683 = vector.shape_cast %swap3A_682 : vector<1x16xf32> to vector<16xf32>
      %swap3A_684 = vector.shape_cast %mul3A_678 : vector<16xf32> to vector<1x16xf32>
      tpu.vector_store %arg11[%swap3A_680, %swap3A_681], %swap3A_684 {strides = array<i32>} : memref<128x128xf32, #tpu.memory_space<vmem>>, vector<1x16xf32>,
      %get3A_685 = arith.constant 39 : i32
      %get3A_686 = arith.index_cast %get3A_685 : i32 to index
      %get3A_687 = arith.constant 0 : index
      %get3A_688 = tpu.vector_load %arg11[%get3A_686, %get3A_687] {strides = array<i32>} : memref<128x128xf32, #tpu.memory_space<vmem>>, vector<1x16xf32>,
      %get3A_689 = vector.shape_cast %get3A_688 : vector<1x16xf32> to vector<16xf32>
      %get3A_690 = arith.constant 39 : i32
      %get3A_691 = arith.index_cast %get3A_690 : i32 to index
      %get3A_692 = arith.constant 0 : index
      %get3A_693 = tpu.vector_load %arg10[%get3A_691, %get3A_692] {strides = array<i32>} : memref<128x16xf32, #tpu.memory_space<vmem>>, vector<1x16xf32>,
      %get3A_694 = vector.shape_cast %get3A_693 : vector<1x16xf32> to vector<16xf32>
      %mul3A_695 = arith.mulf %get3A_689, %get3A_694 : vector<16xf32>
      %swap3A_696 = arith.constant 39 : i32
      %swap3A_697 = arith.index_cast %swap3A_696 : i32 to index
      %swap3A_698 = arith.constant 0 : index
      %swap3A_699 = tpu.vector_load %arg11[%swap3A_697, %swap3A_698] {strides = array<i32>} : memref<128x128xf32, #tpu.memory_space<vmem>>, vector<1x16xf32>,
      %swap3A_700 = vector.shape_cast %swap3A_699 : vector<1x16xf32> to vector<16xf32>
      %swap3A_701 = vector.shape_cast %mul3A_695 : vector<16xf32> to vector<1x16xf32>
      tpu.vector_store %arg11[%swap3A_697, %swap3A_698], %swap3A_701 {strides = array<i32>} : memref<128x128xf32, #tpu.memory_space<vmem>>, vector<1x16xf32>,
      %get3A_702 = arith.constant 40 : i32
      %get3A_703 = arith.index_cast %get3A_702 : i32 to index
      %get3A_704 = arith.constant 0 : index
      %get3A_705 = tpu.vector_load %arg11[%get3A_703, %get3A_704] {strides = array<i32>} : memref<128x128xf32, #tpu.memory_space<vmem>>, vector<1x16xf32>,
      %get3A_706 = vector.shape_cast %get3A_705 : vector<1x16xf32> to vector<16xf32>
      %get3A_707 = arith.constant 40 : i32
      %get3A_708 = arith.index_cast %get3A_707 : i32 to index
      %get3A_709 = arith.constant 0 : index
      %get3A_710 = tpu.vector_load %arg10[%get3A_708, %get3A_709] {strides = array<i32>} : memref<128x16xf32, #tpu.memory_space<vmem>>, vector<1x16xf32>,
      %get3A_711 = vector.shape_cast %get3A_710 : vector<1x16xf32> to vector<16xf32>
      %mul3A_712 = arith.mulf %get3A_706, %get3A_711 : vector<16xf32>
      %swap3A_713 = arith.constant 40 : i32
      %swap3A_714 = arith.index_cast %swap3A_713 : i32 to index
      %swap3A_715 = arith.constant 0 : index
      %swap3A_716 = tpu.vector_load %arg11[%swap3A_714, %swap3A_715] {strides = array<i32>} : memref<128x128xf32, #tpu.memory_space<vmem>>, vector<1x16xf32>,
      %swap3A_717 = vector.shape_cast %swap3A_716 : vector<1x16xf32> to vector<16xf32>
      %swap3A_718 = vector.shape_cast %mul3A_712 : vector<16xf32> to vector<1x16xf32>
      tpu.vector_store %arg11[%swap3A_714, %swap3A_715], %swap3A_718 {strides = array<i32>} : memref<128x128xf32, #tpu.memory_space<vmem>>, vector<1x16xf32>,
      %get3A_719 = arith.constant 41 : i32
      %get3A_720 = arith.index_cast %get3A_719 : i32 to index
      %get3A_721 = arith.constant 0 : index
      %get3A_722 = tpu.vector_load %arg11[%get3A_720, %get3A_721] {strides = array<i32>} : memref<128x128xf32, #tpu.memory_space<vmem>>, vector<1x16xf32>,
      %get3A_723 = vector.shape_cast %get3A_722 : vector<1x16xf32> to vector<16xf32>
      %get3A_724 = arith.constant 41 : i32
      %get3A_725 = arith.index_cast %get3A_724 : i32 to index
      %get3A_726 = arith.constant 0 : index
      %get3A_727 = tpu.vector_load %arg10[%get3A_725, %get3A_726] {strides = array<i32>} : memref<128x16xf32, #tpu.memory_space<vmem>>, vector<1x16xf32>,
      %get3A_728 = vector.shape_cast %get3A_727 : vector<1x16xf32> to vector<16xf32>
      %mul3A_729 = arith.mulf %get3A_723, %get3A_728 : vector<16xf32>
      %swap3A_730 = arith.constant 41 : i32
      %swap3A_731 = arith.index_cast %swap3A_730 : i32 to index
      %swap3A_732 = arith.constant 0 : index
      %swap3A_733 = tpu.vector_load %arg11[%swap3A_731, %swap3A_732] {strides = array<i32>} : memref<128x128xf32, #tpu.memory_space<vmem>>, vector<1x16xf32>,
      %swap3A_734 = vector.shape_cast %swap3A_733 : vector<1x16xf32> to vector<16xf32>
      %swap3A_735 = vector.shape_cast %mul3A_729 : vector<16xf32> to vector<1x16xf32>
      tpu.vector_store %arg11[%swap3A_731, %swap3A_732], %swap3A_735 {strides = array<i32>} : memref<128x128xf32, #tpu.memory_space<vmem>>, vector<1x16xf32>,
      %get3A_736 = arith.constant 42 : i32
      %get3A_737 = arith.index_cast %get3A_736 : i32 to index
      %get3A_738 = arith.constant 0 : index
      %get3A_739 = tpu.vector_load %arg11[%get3A_737, %get3A_738] {strides = array<i32>} : memref<128x128xf32, #tpu.memory_space<vmem>>, vector<1x16xf32>,
      %get3A_740 = vector.shape_cast %get3A_739 : vector<1x16xf32> to vector<16xf32>
      %get3A_741 = arith.constant 42 : i32
      %get3A_742 = arith.index_cast %get3A_741 : i32 to index
      %get3A_743 = arith.constant 0 : index
      %get3A_744 = tpu.vector_load %arg10[%get3A_742, %get3A_743] {strides = array<i32>} : memref<128x16xf32, #tpu.memory_space<vmem>>, vector<1x16xf32>,
      %get3A_745 = vector.shape_cast %get3A_744 : vector<1x16xf32> to vector<16xf32>
      %mul3A_746 = arith.mulf %get3A_740, %get3A_745 : vector<16xf32>
      %swap3A_747 = arith.constant 42 : i32
      %swap3A_748 = arith.index_cast %swap3A_747 : i32 to index
      %swap3A_749 = arith.constant 0 : index
      %swap3A_750 = tpu.vector_load %arg11[%swap3A_748, %swap3A_749] {strides = array<i32>} : memref<128x128xf32, #tpu.memory_space<vmem>>, vector<1x16xf32>,
      %swap3A_751 = vector.shape_cast %swap3A_750 : vector<1x16xf32> to vector<16xf32>
      %swap3A_752 = vector.shape_cast %mul3A_746 : vector<16xf32> to vector<1x16xf32>
      tpu.vector_store %arg11[%swap3A_748, %swap3A_749], %swap3A_752 {strides = array<i32>} : memref<128x128xf32, #tpu.memory_space<vmem>>, vector<1x16xf32>,
      %get3A_753 = arith.constant 43 : i32
      %get3A_754 = arith.index_cast %get3A_753 : i32 to index
      %get3A_755 = arith.constant 0 : index
      %get3A_756 = tpu.vector_load %arg11[%get3A_754, %get3A_755] {strides = array<i32>} : memref<128x128xf32, #tpu.memory_space<vmem>>, vector<1x16xf32>,
      %get3A_757 = vector.shape_cast %get3A_756 : vector<1x16xf32> to vector<16xf32>
      %get3A_758 = arith.constant 43 : i32
      %get3A_759 = arith.index_cast %get3A_758 : i32 to index
      %get3A_760 = arith.constant 0 : index
      %get3A_761 = tpu.vector_load %arg10[%get3A_759, %get3A_760] {strides = array<i32>} : memref<128x16xf32, #tpu.memory_space<vmem>>, vector<1x16xf32>,
      %get3A_762 = vector.shape_cast %get3A_761 : vector<1x16xf32> to vector<16xf32>
      %mul3A_763 = arith.mulf %get3A_757, %get3A_762 : vector<16xf32>
      %swap3A_764 = arith.constant 43 : i32
      %swap3A_765 = arith.index_cast %swap3A_764 : i32 to index
      %swap3A_766 = arith.constant 0 : index
      %swap3A_767 = tpu.vector_load %arg11[%swap3A_765, %swap3A_766] {strides = array<i32>} : memref<128x128xf32, #tpu.memory_space<vmem>>, vector<1x16xf32>,
      %swap3A_768 = vector.shape_cast %swap3A_767 : vector<1x16xf32> to vector<16xf32>
      %swap3A_769 = vector.shape_cast %mul3A_763 : vector<16xf32> to vector<1x16xf32>
      tpu.vector_store %arg11[%swap3A_765, %swap3A_766], %swap3A_769 {strides = array<i32>} : memref<128x128xf32, #tpu.memory_space<vmem>>, vector<1x16xf32>,
      %get3A_770 = arith.constant 44 : i32
      %get3A_771 = arith.index_cast %get3A_770 : i32 to index
      %get3A_772 = arith.constant 0 : index
      %get3A_773 = tpu.vector_load %arg11[%get3A_771, %get3A_772] {strides = array<i32>} : memref<128x128xf32, #tpu.memory_space<vmem>>, vector<1x16xf32>,
      %get3A_774 = vector.shape_cast %get3A_773 : vector<1x16xf32> to vector<16xf32>
      %get3A_775 = arith.constant 44 : i32
      %get3A_776 = arith.index_cast %get3A_775 : i32 to index
      %get3A_777 = arith.constant 0 : index
      %get3A_778 = tpu.vector_load %arg10[%get3A_776, %get3A_777] {strides = array<i32>} : memref<128x16xf32, #tpu.memory_space<vmem>>, vector<1x16xf32>,
      %get3A_779 = vector.shape_cast %get3A_778 : vector<1x16xf32> to vector<16xf32>
      %mul3A_780 = arith.mulf %get3A_774, %get3A_779 : vector<16xf32>
      %swap3A_781 = arith.constant 44 : i32
      %swap3A_782 = arith.index_cast %swap3A_781 : i32 to index
      %swap3A_783 = arith.constant 0 : index
      %swap3A_784 = tpu.vector_load %arg11[%swap3A_782, %swap3A_783] {strides = array<i32>} : memref<128x128xf32, #tpu.memory_space<vmem>>, vector<1x16xf32>,
      %swap3A_785 = vector.shape_cast %swap3A_784 : vector<1x16xf32> to vector<16xf32>
      %swap3A_786 = vector.shape_cast %mul3A_780 : vector<16xf32> to vector<1x16xf32>
      tpu.vector_store %arg11[%swap3A_782, %swap3A_783], %swap3A_786 {strides = array<i32>} : memref<128x128xf32, #tpu.memory_space<vmem>>, vector<1x16xf32>,
      %get3A_787 = arith.constant 45 : i32
      %get3A_788 = arith.index_cast %get3A_787 : i32 to index
      %get3A_789 = arith.constant 0 : index
      %get3A_790 = tpu.vector_load %arg11[%get3A_788, %get3A_789] {strides = array<i32>} : memref<128x128xf32, #tpu.memory_space<vmem>>, vector<1x16xf32>,
      %get3A_791 = vector.shape_cast %get3A_790 : vector<1x16xf32> to vector<16xf32>
      %get3A_792 = arith.constant 45 : i32
      %get3A_793 = arith.index_cast %get3A_792 : i32 to index
      %get3A_794 = arith.constant 0 : index
      %get3A_795 = tpu.vector_load %arg10[%get3A_793, %get3A_794] {strides = array<i32>} : memref<128x16xf32, #tpu.memory_space<vmem>>, vector<1x16xf32>,
      %get3A_796 = vector.shape_cast %get3A_795 : vector<1x16xf32> to vector<16xf32>
      %mul3A_797 = arith.mulf %get3A_791, %get3A_796 : vector<16xf32>
      %swap3A_798 = arith.constant 45 : i32
      %swap3A_799 = arith.index_cast %swap3A_798 : i32 to index
      %swap3A_800 = arith.constant 0 : index
      %swap3A_801 = tpu.vector_load %arg11[%swap3A_799, %swap3A_800] {strides = array<i32>} : memref<128x128xf32, #tpu.memory_space<vmem>>, vector<1x16xf32>,
      %swap3A_802 = vector.shape_cast %swap3A_801 : vector<1x16xf32> to vector<16xf32>
      %swap3A_803 = vector.shape_cast %mul3A_797 : vector<16xf32> to vector<1x16xf32>
      tpu.vector_store %arg11[%swap3A_799, %swap3A_800], %swap3A_803 {strides = array<i32>} : memref<128x128xf32, #tpu.memory_space<vmem>>, vector<1x16xf32>,
      %get3A_804 = arith.constant 46 : i32
      %get3A_805 = arith.index_cast %get3A_804 : i32 to index
      %get3A_806 = arith.constant 0 : index
      %get3A_807 = tpu.vector_load %arg11[%get3A_805, %get3A_806] {strides = array<i32>} : memref<128x128xf32, #tpu.memory_space<vmem>>, vector<1x16xf32>,
      %get3A_808 = vector.shape_cast %get3A_807 : vector<1x16xf32> to vector<16xf32>
      %get3A_809 = arith.constant 46 : i32
      %get3A_810 = arith.index_cast %get3A_809 : i32 to index
      %get3A_811 = arith.constant 0 : index
      %get3A_812 = tpu.vector_load %arg10[%get3A_810, %get3A_811] {strides = array<i32>} : memref<128x16xf32, #tpu.memory_space<vmem>>, vector<1x16xf32>,
      %get3A_813 = vector.shape_cast %get3A_812 : vector<1x16xf32> to vector<16xf32>
      %mul3A_814 = arith.mulf %get3A_808, %get3A_813 : vector<16xf32>
      %swap3A_815 = arith.constant 46 : i32
      %swap3A_816 = arith.index_cast %swap3A_815 : i32 to index
      %swap3A_817 = arith.constant 0 : index
      %swap3A_818 = tpu.vector_load %arg11[%swap3A_816, %swap3A_817] {strides = array<i32>} : memref<128x128xf32, #tpu.memory_space<vmem>>, vector<1x16xf32>,
      %swap3A_819 = vector.shape_cast %swap3A_818 : vector<1x16xf32> to vector<16xf32>
      %swap3A_820 = vector.shape_cast %mul3A_814 : vector<16xf32> to vector<1x16xf32>
      tpu.vector_store %arg11[%swap3A_816, %swap3A_817], %swap3A_820 {strides = array<i32>} : memref<128x128xf32, #tpu.memory_space<vmem>>, vector<1x16xf32>,
      %get3A_821 = arith.constant 47 : i32
      %get3A_822 = arith.index_cast %get3A_821 : i32 to index
      %get3A_823 = arith.constant 0 : index
      %get3A_824 = tpu.vector_load %arg11[%get3A_822, %get3A_823] {strides = array<i32>} : memref<128x128xf32, #tpu.memory_space<vmem>>, vector<1x16xf32>,
      %get3A_825 = vector.shape_cast %get3A_824 : vector<1x16xf32> to vector<16xf32>
      %get3A_826 = arith.constant 47 : i32
      %get3A_827 = arith.index_cast %get3A_826 : i32 to index
      %get3A_828 = arith.constant 0 : index
      %get3A_829 = tpu.vector_load %arg10[%get3A_827, %get3A_828] {strides = array<i32>} : memref<128x16xf32, #tpu.memory_space<vmem>>, vector<1x16xf32>,
      %get3A_830 = vector.shape_cast %get3A_829 : vector<1x16xf32> to vector<16xf32>
      %mul3A_831 = arith.mulf %get3A_825, %get3A_830 : vector<16xf32>
      %swap3A_832 = arith.constant 47 : i32
      %swap3A_833 = arith.index_cast %swap3A_832 : i32 to index
      %swap3A_834 = arith.constant 0 : index
      %swap3A_835 = tpu.vector_load %arg11[%swap3A_833, %swap3A_834] {strides = array<i32>} : memref<128x128xf32, #tpu.memory_space<vmem>>, vector<1x16xf32>,
      %swap3A_836 = vector.shape_cast %swap3A_835 : vector<1x16xf32> to vector<16xf32>
      %swap3A_837 = vector.shape_cast %mul3A_831 : vector<16xf32> to vector<1x16xf32>
      tpu.vector_store %arg11[%swap3A_833, %swap3A_834], %swap3A_837 {strides = array<i32>} : memref<128x128xf32, #tpu.memory_space<vmem>>, vector<1x16xf32>,
      %get3A_838 = arith.constant 48 : i32
      %get3A_839 = arith.index_cast %get3A_838 : i32 to index
      %get3A_840 = arith.constant 0 : index
      %get3A_841 = tpu.vector_load %arg11[%get3A_839, %get3A_840] {strides = array<i32>} : memref<128x128xf32, #tpu.memory_space<vmem>>, vector<1x16xf32>,
      %get3A_842 = vector.shape_cast %get3A_841 : vector<1x16xf32> to vector<16xf32>
      %get3A_843 = arith.constant 48 : i32
      %get3A_844 = arith.index_cast %get3A_843 : i32 to index
      %get3A_845 = arith.constant 0 : index
      %get3A_846 = tpu.vector_load %arg10[%get3A_844, %get3A_845] {strides = array<i32>} : memref<128x16xf32, #tpu.memory_space<vmem>>, vector<1x16xf32>,
      %get3A_847 = vector.shape_cast %get3A_846 : vector<1x16xf32> to vector<16xf32>
      %mul3A_848 = arith.mulf %get3A_842, %get3A_847 : vector<16xf32>
      %swap3A_849 = arith.constant 48 : i32
      %swap3A_850 = arith.index_cast %swap3A_849 : i32 to index
      %swap3A_851 = arith.constant 0 : index
      %swap3A_852 = tpu.vector_load %arg11[%swap3A_850, %swap3A_851] {strides = array<i32>} : memref<128x128xf32, #tpu.memory_space<vmem>>, vector<1x16xf32>,
      %swap3A_853 = vector.shape_cast %swap3A_852 : vector<1x16xf32> to vector<16xf32>
      %swap3A_854 = vector.shape_cast %mul3A_848 : vector<16xf32> to vector<1x16xf32>
      tpu.vector_store %arg11[%swap3A_850, %swap3A_851], %swap3A_854 {strides = array<i32>} : memref<128x128xf32, #tpu.memory_space<vmem>>, vector<1x16xf32>,
      %get3A_855 = arith.constant 49 : i32
      %get3A_856 = arith.index_cast %get3A_855 : i32 to index
      %get3A_857 = arith.constant 0 : index
      %get3A_858 = tpu.vector_load %arg11[%get3A_856, %get3A_857] {strides = array<i32>} : memref<128x128xf32, #tpu.memory_space<vmem>>, vector<1x16xf32>,
      %get3A_859 = vector.shape_cast %get3A_858 : vector<1x16xf32> to vector<16xf32>
      %get3A_860 = arith.constant 49 : i32
      %get3A_861 = arith.index_cast %get3A_860 : i32 to index
      %get3A_862 = arith.constant 0 : index
      %get3A_863 = tpu.vector_load %arg10[%get3A_861, %get3A_862] {strides = array<i32>} : memref<128x16xf32, #tpu.memory_space<vmem>>, vector<1x16xf32>,
      %get3A_864 = vector.shape_cast %get3A_863 : vector<1x16xf32> to vector<16xf32>
      %mul3A_865 = arith.mulf %get3A_859, %get3A_864 : vector<16xf32>
      %swap3A_866 = arith.constant 49 : i32
      %swap3A_867 = arith.index_cast %swap3A_866 : i32 to index
      %swap3A_868 = arith.constant 0 : index
      %swap3A_869 = tpu.vector_load %arg11[%swap3A_867, %swap3A_868] {strides = array<i32>} : memref<128x128xf32, #tpu.memory_space<vmem>>, vector<1x16xf32>,
      %swap3A_870 = vector.shape_cast %swap3A_869 : vector<1x16xf32> to vector<16xf32>
      %swap3A_871 = vector.shape_cast %mul3A_865 : vector<16xf32> to vector<1x16xf32>
      tpu.vector_store %arg11[%swap3A_867, %swap3A_868], %swap3A_871 {strides = array<i32>} : memref<128x128xf32, #tpu.memory_space<vmem>>, vector<1x16xf32>,
      %get3A_872 = arith.constant 50 : i32
      %get3A_873 = arith.index_cast %get3A_872 : i32 to index
      %get3A_874 = arith.constant 0 : index
      %get3A_875 = tpu.vector_load %arg11[%get3A_873, %get3A_874] {strides = array<i32>} : memref<128x128xf32, #tpu.memory_space<vmem>>, vector<1x16xf32>,
      %get3A_876 = vector.shape_cast %get3A_875 : vector<1x16xf32> to vector<16xf32>
      %get3A_877 = arith.constant 50 : i32
      %get3A_878 = arith.index_cast %get3A_877 : i32 to index
      %get3A_879 = arith.constant 0 : index
      %get3A_880 = tpu.vector_load %arg10[%get3A_878, %get3A_879] {strides = array<i32>} : memref<128x16xf32, #tpu.memory_space<vmem>>, vector<1x16xf32>,
      %get3A_881 = vector.shape_cast %get3A_880 : vector<1x16xf32> to vector<16xf32>
      %mul3A_882 = arith.mulf %get3A_876, %get3A_881 : vector<16xf32>
      %swap3A_883 = arith.constant 50 : i32
      %swap3A_884 = arith.index_cast %swap3A_883 : i32 to index
      %swap3A_885 = arith.constant 0 : index
      %swap3A_886 = tpu.vector_load %arg11[%swap3A_884, %swap3A_885] {strides = array<i32>} : memref<128x128xf32, #tpu.memory_space<vmem>>, vector<1x16xf32>,
      %swap3A_887 = vector.shape_cast %swap3A_886 : vector<1x16xf32> to vector<16xf32>
      %swap3A_888 = vector.shape_cast %mul3A_882 : vector<16xf32> to vector<1x16xf32>
      tpu.vector_store %arg11[%swap3A_884, %swap3A_885], %swap3A_888 {strides = array<i32>} : memref<128x128xf32, #tpu.memory_space<vmem>>, vector<1x16xf32>,
      %get3A_889 = arith.constant 51 : i32
      %get3A_890 = arith.index_cast %get3A_889 : i32 to index
      %get3A_891 = arith.constant 0 : index
      %get3A_892 = tpu.vector_load %arg11[%get3A_890, %get3A_891] {strides = array<i32>} : memref<128x128xf32, #tpu.memory_space<vmem>>, vector<1x16xf32>,
      %get3A_893 = vector.shape_cast %get3A_892 : vector<1x16xf32> to vector<16xf32>
      %get3A_894 = arith.constant 51 : i32
      %get3A_895 = arith.index_cast %get3A_894 : i32 to index
      %get3A_896 = arith.constant 0 : index
      %get3A_897 = tpu.vector_load %arg10[%get3A_895, %get3A_896] {strides = array<i32>} : memref<128x16xf32, #tpu.memory_space<vmem>>, vector<1x16xf32>,
      %get3A_898 = vector.shape_cast %get3A_897 : vector<1x16xf32> to vector<16xf32>
      %mul3A_899 = arith.mulf %get3A_893, %get3A_898 : vector<16xf32>
      %swap3A_900 = arith.constant 51 : i32
      %swap3A_901 = arith.index_cast %swap3A_900 : i32 to index
      %swap3A_902 = arith.constant 0 : index
      %swap3A_903 = tpu.vector_load %arg11[%swap3A_901, %swap3A_902] {strides = array<i32>} : memref<128x128xf32, #tpu.memory_space<vmem>>, vector<1x16xf32>,
      %swap3A_904 = vector.shape_cast %swap3A_903 : vector<1x16xf32> to vector<16xf32>
      %swap3A_905 = vector.shape_cast %mul3A_899 : vector<16xf32> to vector<1x16xf32>
      tpu.vector_store %arg11[%swap3A_901, %swap3A_902], %swap3A_905 {strides = array<i32>} : memref<128x128xf32, #tpu.memory_space<vmem>>, vector<1x16xf32>,
      %get3A_906 = arith.constant 52 : i32
      %get3A_907 = arith.index_cast %get3A_906 : i32 to index
      %get3A_908 = arith.constant 0 : index
      %get3A_909 = tpu.vector_load %arg11[%get3A_907, %get3A_908] {strides = array<i32>} : memref<128x128xf32, #tpu.memory_space<vmem>>, vector<1x16xf32>,
      %get3A_910 = vector.shape_cast %get3A_909 : vector<1x16xf32> to vector<16xf32>
      %get3A_911 = arith.constant 52 : i32
      %get3A_912 = arith.index_cast %get3A_911 : i32 to index
      %get3A_913 = arith.constant 0 : index
      %get3A_914 = tpu.vector_load %arg10[%get3A_912, %get3A_913] {strides = array<i32>} : memref<128x16xf32, #tpu.memory_space<vmem>>, vector<1x16xf32>,
      %get3A_915 = vector.shape_cast %get3A_914 : vector<1x16xf32> to vector<16xf32>
      %mul3A_916 = arith.mulf %get3A_910, %get3A_915 : vector<16xf32>
      %swap3A_917 = arith.constant 52 : i32
      %swap3A_918 = arith.index_cast %swap3A_917 : i32 to index
      %swap3A_919 = arith.constant 0 : index
      %swap3A_920 = tpu.vector_load %arg11[%swap3A_918, %swap3A_919] {strides = array<i32>} : memref<128x128xf32, #tpu.memory_space<vmem>>, vector<1x16xf32>,
      %swap3A_921 = vector.shape_cast %swap3A_920 : vector<1x16xf32> to vector<16xf32>
      %swap3A_922 = vector.shape_cast %mul3A_916 : vector<16xf32> to vector<1x16xf32>
      tpu.vector_store %arg11[%swap3A_918, %swap3A_919], %swap3A_922 {strides = array<i32>} : memref<128x128xf32, #tpu.memory_space<vmem>>, vector<1x16xf32>,
      %get3A_923 = arith.constant 53 : i32
      %get3A_924 = arith.index_cast %get3A_923 : i32 to index
      %get3A_925 = arith.constant 0 : index
      %get3A_926 = tpu.vector_load %arg11[%get3A_924, %get3A_925] {strides = array<i32>} : memref<128x128xf32, #tpu.memory_space<vmem>>, vector<1x16xf32>,
      %get3A_927 = vector.shape_cast %get3A_926 : vector<1x16xf32> to vector<16xf32>
      %get3A_928 = arith.constant 53 : i32
      %get3A_929 = arith.index_cast %get3A_928 : i32 to index
      %get3A_930 = arith.constant 0 : index
      %get3A_931 = tpu.vector_load %arg10[%get3A_929, %get3A_930] {strides = array<i32>} : memref<128x16xf32, #tpu.memory_space<vmem>>, vector<1x16xf32>,
      %get3A_932 = vector.shape_cast %get3A_931 : vector<1x16xf32> to vector<16xf32>
      %mul3A_933 = arith.mulf %get3A_927, %get3A_932 : vector<16xf32>
      %swap3A_934 = arith.constant 53 : i32
      %swap3A_935 = arith.index_cast %swap3A_934 : i32 to index
      %swap3A_936 = arith.constant 0 : index
      %swap3A_937 = tpu.vector_load %arg11[%swap3A_935, %swap3A_936] {strides = array<i32>} : memref<128x128xf32, #tpu.memory_space<vmem>>, vector<1x16xf32>,
      %swap3A_938 = vector.shape_cast %swap3A_937 : vector<1x16xf32> to vector<16xf32>
      %swap3A_939 = vector.shape_cast %mul3A_933 : vector<16xf32> to vector<1x16xf32>
      tpu.vector_store %arg11[%swap3A_935, %swap3A_936], %swap3A_939 {strides = array<i32>} : memref<128x128xf32, #tpu.memory_space<vmem>>, vector<1x16xf32>,
      %get3A_940 = arith.constant 54 : i32
      %get3A_941 = arith.index_cast %get3A_940 : i32 to index
      %get3A_942 = arith.constant 0 : index
      %get3A_943 = tpu.vector_load %arg11[%get3A_941, %get3A_942] {strides = array<i32>} : memref<128x128xf32, #tpu.memory_space<vmem>>, vector<1x16xf32>,
      %get3A_944 = vector.shape_cast %get3A_943 : vector<1x16xf32> to vector<16xf32>
      %get3A_945 = arith.constant 54 : i32
      %get3A_946 = arith.index_cast %get3A_945 : i32 to index
      %get3A_947 = arith.constant 0 : index
      %get3A_948 = tpu.vector_load %arg10[%get3A_946, %get3A_947] {strides = array<i32>} : memref<128x16xf32, #tpu.memory_space<vmem>>, vector<1x16xf32>,
      %get3A_949 = vector.shape_cast %get3A_948 : vector<1x16xf32> to vector<16xf32>
      %mul3A_950 = arith.mulf %get3A_944, %get3A_949 : vector<16xf32>
      %swap3A_951 = arith.constant 54 : i32
      %swap3A_952 = arith.index_cast %swap3A_951 : i32 to index
      %swap3A_953 = arith.constant 0 : index
      %swap3A_954 = tpu.vector_load %arg11[%swap3A_952, %swap3A_953] {strides = array<i32>} : memref<128x128xf32, #tpu.memory_space<vmem>>, vector<1x16xf32>,
      %swap3A_955 = vector.shape_cast %swap3A_954 : vector<1x16xf32> to vector<16xf32>
      %swap3A_956 = vector.shape_cast %mul3A_950 : vector<16xf32> to vector<1x16xf32>
      tpu.vector_store %arg11[%swap3A_952, %swap3A_953], %swap3A_956 {strides = array<i32>} : memref<128x128xf32, #tpu.memory_space<vmem>>, vector<1x16xf32>,
      %get3A_957 = arith.constant 55 : i32
      %get3A_958 = arith.index_cast %get3A_957 : i32 to index
      %get3A_959 = arith.constant 0 : index
      %get3A_960 = tpu.vector_load %arg11[%get3A_958, %get3A_959] {strides = array<i32>} : memref<128x128xf32, #tpu.memory_space<vmem>>, vector<1x16xf32>,
      %get3A_961 = vector.shape_cast %get3A_960 : vector<1x16xf32> to vector<16xf32>
      %get3A_962 = arith.constant 55 : i32
      %get3A_963 = arith.index_cast %get3A_962 : i32 to index
      %get3A_964 = arith.constant 0 : index
      %get3A_965 = tpu.vector_load %arg10[%get3A_963, %get3A_964] {strides = array<i32>} : memref<128x16xf32, #tpu.memory_space<vmem>>, vector<1x16xf32>,
      %get3A_966 = vector.shape_cast %get3A_965 : vector<1x16xf32> to vector<16xf32>
      %mul3A_967 = arith.mulf %get3A_961, %get3A_966 : vector<16xf32>
      %swap3A_968 = arith.constant 55 : i32
      %swap3A_969 = arith.index_cast %swap3A_968 : i32 to index
      %swap3A_970 = arith.constant 0 : index
      %swap3A_971 = tpu.vector_load %arg11[%swap3A_969, %swap3A_970] {strides = array<i32>} : memref<128x128xf32, #tpu.memory_space<vmem>>, vector<1x16xf32>,
      %swap3A_972 = vector.shape_cast %swap3A_971 : vector<1x16xf32> to vector<16xf32>
      %swap3A_973 = vector.shape_cast %mul3A_967 : vector<16xf32> to vector<1x16xf32>
      tpu.vector_store %arg11[%swap3A_969, %swap3A_970], %swap3A_973 {strides = array<i32>} : memref<128x128xf32, #tpu.memory_space<vmem>>, vector<1x16xf32>,
      %get3A_974 = arith.constant 56 : i32
      %get3A_975 = arith.index_cast %get3A_974 : i32 to index
      %get3A_976 = arith.constant 0 : index
      %get3A_977 = tpu.vector_load %arg11[%get3A_975, %get3A_976] {strides = array<i32>} : memref<128x128xf32, #tpu.memory_space<vmem>>, vector<1x16xf32>,
      %get3A_978 = vector.shape_cast %get3A_977 : vector<1x16xf32> to vector<16xf32>
      %get3A_979 = arith.constant 56 : i32
      %get3A_980 = arith.index_cast %get3A_979 : i32 to index
      %get3A_981 = arith.constant 0 : index
      %get3A_982 = tpu.vector_load %arg10[%get3A_980, %get3A_981] {strides = array<i32>} : memref<128x16xf32, #tpu.memory_space<vmem>>, vector<1x16xf32>,
      %get3A_983 = vector.shape_cast %get3A_982 : vector<1x16xf32> to vector<16xf32>
      %mul3A_984 = arith.mulf %get3A_978, %get3A_983 : vector<16xf32>
      %swap3A_985 = arith.constant 56 : i32
      %swap3A_986 = arith.index_cast %swap3A_985 : i32 to index
      %swap3A_987 = arith.constant 0 : index
      %swap3A_988 = tpu.vector_load %arg11[%swap3A_986, %swap3A_987] {strides = array<i32>} : memref<128x128xf32, #tpu.memory_space<vmem>>, vector<1x16xf32>,
      %swap3A_989 = vector.shape_cast %swap3A_988 : vector<1x16xf32> to vector<16xf32>
      %swap3A_990 = vector.shape_cast %mul3A_984 : vector<16xf32> to vector<1x16xf32>
      tpu.vector_store %arg11[%swap3A_986, %swap3A_987], %swap3A_990 {strides = array<i32>} : memref<128x128xf32, #tpu.memory_space<vmem>>, vector<1x16xf32>,
      %get3A_991 = arith.constant 57 : i32
      %get3A_992 = arith.index_cast %get3A_991 : i32 to index
      %get3A_993 = arith.constant 0 : index
      %get3A_994 = tpu.vector_load %arg11[%get3A_992, %get3A_993] {strides = array<i32>} : memref<128x128xf32, #tpu.memory_space<vmem>>, vector<1x16xf32>,
      %get3A_995 = vector.shape_cast %get3A_994 : vector<1x16xf32> to vector<16xf32>
      %get3A_996 = arith.constant 57 : i32
      %get3A_997 = arith.index_cast %get3A_996 : i32 to index
      %get3A_998 = arith.constant 0 : index
      %get3A_999 = tpu.vector_load %arg10[%get3A_997, %get3A_998] {strides = array<i32>} : memref<128x16xf32, #tpu.memory_space<vmem>>, vector<1x16xf32>,
      %get3A_1000 = vector.shape_cast %get3A_999 : vector<1x16xf32> to vector<16xf32>
      %mul3A_1001 = arith.mulf %get3A_995, %get3A_1000 : vector<16xf32>
      %swap3A_1002 = arith.constant 57 : i32
      %swap3A_1003 = arith.index_cast %swap3A_1002 : i32 to index
      %swap3A_1004 = arith.constant 0 : index
      %swap3A_1005 = tpu.vector_load %arg11[%swap3A_1003, %swap3A_1004] {strides = array<i32>} : memref<128x128xf32, #tpu.memory_space<vmem>>, vector<1x16xf32>,
      %swap3A_1006 = vector.shape_cast %swap3A_1005 : vector<1x16xf32> to vector<16xf32>
      %swap3A_1007 = vector.shape_cast %mul3A_1001 : vector<16xf32> to vector<1x16xf32>
      tpu.vector_store %arg11[%swap3A_1003, %swap3A_1004], %swap3A_1007 {strides = array<i32>} : memref<128x128xf32, #tpu.memory_space<vmem>>, vector<1x16xf32>,
      %get3A_1008 = arith.constant 58 : i32
      %get3A_1009 = arith.index_cast %get3A_1008 : i32 to index
      %get3A_1010 = arith.constant 0 : index
      %get3A_1011 = tpu.vector_load %arg11[%get3A_1009, %get3A_1010] {strides = array<i32>} : memref<128x128xf32, #tpu.memory_space<vmem>>, vector<1x16xf32>,
      %get3A_1012 = vector.shape_cast %get3A_1011 : vector<1x16xf32> to vector<16xf32>
      %get3A_1013 = arith.constant 58 : i32
      %get3A_1014 = arith.index_cast %get3A_1013 : i32 to index
      %get3A_1015 = arith.constant 0 : index
      %get3A_1016 = tpu.vector_load %arg10[%get3A_1014, %get3A_1015] {strides = array<i32>} : memref<128x16xf32, #tpu.memory_space<vmem>>, vector<1x16xf32>,
      %get3A_1017 = vector.shape_cast %get3A_1016 : vector<1x16xf32> to vector<16xf32>
      %mul3A_1018 = arith.mulf %get3A_1012, %get3A_1017 : vector<16xf32>
      %swap3A_1019 = arith.constant 58 : i32
      %swap3A_1020 = arith.index_cast %swap3A_1019 : i32 to index
      %swap3A_1021 = arith.constant 0 : index
      %swap3A_1022 = tpu.vector_load %arg11[%swap3A_1020, %swap3A_1021] {strides = array<i32>} : memref<128x128xf32, #tpu.memory_space<vmem>>, vector<1x16xf32>,
      %swap3A_1023 = vector.shape_cast %swap3A_1022 : vector<1x16xf32> to vector<16xf32>
      %swap3A_1024 = vector.shape_cast %mul3A_1018 : vector<16xf32> to vector<1x16xf32>
      tpu.vector_store %arg11[%swap3A_1020, %swap3A_1021], %swap3A_1024 {strides = array<i32>} : memref<128x128xf32, #tpu.memory_space<vmem>>, vector<1x16xf32>,
      %get3A_1025 = arith.constant 59 : i32
      %get3A_1026 = arith.index_cast %get3A_1025 : i32 to index
      %get3A_1027 = arith.constant 0 : index
      %get3A_1028 = tpu.vector_load %arg11[%get3A_1026, %get3A_1027] {strides = array<i32>} : memref<128x128xf32, #tpu.memory_space<vmem>>, vector<1x16xf32>,
      %get3A_1029 = vector.shape_cast %get3A_1028 : vector<1x16xf32> to vector<16xf32>
      %get3A_1030 = arith.constant 59 : i32
      %get3A_1031 = arith.index_cast %get3A_1030 : i32 to index
      %get3A_1032 = arith.constant 0 : index
      %get3A_1033 = tpu.vector_load %arg10[%get3A_1031, %get3A_1032] {strides = array<i32>} : memref<128x16xf32, #tpu.memory_space<vmem>>, vector<1x16xf32>,
      %get3A_1034 = vector.shape_cast %get3A_1033 : vector<1x16xf32> to vector<16xf32>
      %mul3A_1035 = arith.mulf %get3A_1029, %get3A_1034 : vector<16xf32>
      %swap3A_1036 = arith.constant 59 : i32
      %swap3A_1037 = arith.index_cast %swap3A_1036 : i32 to index
      %swap3A_1038 = arith.constant 0 : index
      %swap3A_1039 = tpu.vector_load %arg11[%swap3A_1037, %swap3A_1038] {strides = array<i32>} : memref<128x128xf32, #tpu.memory_space<vmem>>, vector<1x16xf32>,
      %swap3A_1040 = vector.shape_cast %swap3A_1039 : vector<1x16xf32> to vector<16xf32>
      %swap3A_1041 = vector.shape_cast %mul3A_1035 : vector<16xf32> to vector<1x16xf32>
      tpu.vector_store %arg11[%swap3A_1037, %swap3A_1038], %swap3A_1041 {strides = array<i32>} : memref<128x128xf32, #tpu.memory_space<vmem>>, vector<1x16xf32>,
      %get3A_1042 = arith.constant 60 : i32
      %get3A_1043 = arith.index_cast %get3A_1042 : i32 to index
      %get3A_1044 = arith.constant 0 : index
      %get3A_1045 = tpu.vector_load %arg11[%get3A_1043, %get3A_1044] {strides = array<i32>} : memref<128x128xf32, #tpu.memory_space<vmem>>, vector<1x16xf32>,
      %get3A_1046 = vector.shape_cast %get3A_1045 : vector<1x16xf32> to vector<16xf32>
      %get3A_1047 = arith.constant 60 : i32
      %get3A_1048 = arith.index_cast %get3A_1047 : i32 to index
      %get3A_1049 = arith.constant 0 : index
      %get3A_1050 = tpu.vector_load %arg10[%get3A_1048, %get3A_1049] {strides = array<i32>} : memref<128x16xf32, #tpu.memory_space<vmem>>, vector<1x16xf32>,
      %get3A_1051 = vector.shape_cast %get3A_1050 : vector<1x16xf32> to vector<16xf32>
      %mul3A_1052 = arith.mulf %get3A_1046, %get3A_1051 : vector<16xf32>
      %swap3A_1053 = arith.constant 60 : i32
      %swap3A_1054 = arith.index_cast %swap3A_1053 : i32 to index
      %swap3A_1055 = arith.constant 0 : index
      %swap3A_1056 = tpu.vector_load %arg11[%swap3A_1054, %swap3A_1055] {strides = array<i32>} : memref<128x128xf32, #tpu.memory_space<vmem>>, vector<1x16xf32>,
      %swap3A_1057 = vector.shape_cast %swap3A_1056 : vector<1x16xf32> to vector<16xf32>
      %swap3A_1058 = vector.shape_cast %mul3A_1052 : vector<16xf32> to vector<1x16xf32>
      tpu.vector_store %arg11[%swap3A_1054, %swap3A_1055], %swap3A_1058 {strides = array<i32>} : memref<128x128xf32, #tpu.memory_space<vmem>>, vector<1x16xf32>,
      %get3A_1059 = arith.constant 61 : i32
      %get3A_1060 = arith.index_cast %get3A_1059 : i32 to index
      %get3A_1061 = arith.constant 0 : index
      %get3A_1062 = tpu.vector_load %arg11[%get3A_1060, %get3A_1061] {strides = array<i32>} : memref<128x128xf32, #tpu.memory_space<vmem>>, vector<1x16xf32>,
      %get3A_1063 = vector.shape_cast %get3A_1062 : vector<1x16xf32> to vector<16xf32>
      %get3A_1064 = arith.constant 61 : i32
      %get3A_1065 = arith.index_cast %get3A_1064 : i32 to index
      %get3A_1066 = arith.constant 0 : index
      %get3A_1067 = tpu.vector_load %arg10[%get3A_1065, %get3A_1066] {strides = array<i32>} : memref<128x16xf32, #tpu.memory_space<vmem>>, vector<1x16xf32>,
      %get3A_1068 = vector.shape_cast %get3A_1067 : vector<1x16xf32> to vector<16xf32>
      %mul3A_1069 = arith.mulf %get3A_1063, %get3A_1068 : vector<16xf32>
      %swap3A_1070 = arith.constant 61 : i32
      %swap3A_1071 = arith.index_cast %swap3A_1070 : i32 to index
      %swap3A_1072 = arith.constant 0 : index
      %swap3A_1073 = tpu.vector_load %arg11[%swap3A_1071, %swap3A_1072] {strides = array<i32>} : memref<128x128xf32, #tpu.memory_space<vmem>>, vector<1x16xf32>,
      %swap3A_1074 = vector.shape_cast %swap3A_1073 : vector<1x16xf32> to vector<16xf32>
      %swap3A_1075 = vector.shape_cast %mul3A_1069 : vector<16xf32> to vector<1x16xf32>
      tpu.vector_store %arg11[%swap3A_1071, %swap3A_1072], %swap3A_1075 {strides = array<i32>} : memref<128x128xf32, #tpu.memory_space<vmem>>, vector<1x16xf32>,
      %get3A_1076 = arith.constant 62 : i32
      %get3A_1077 = arith.index_cast %get3A_1076 : i32 to index
      %get3A_1078 = arith.constant 0 : index
      %get3A_1079 = tpu.vector_load %arg11[%get3A_1077, %get3A_1078] {strides = array<i32>} : memref<128x128xf32, #tpu.memory_space<vmem>>, vector<1x16xf32>,
      %get3A_1080 = vector.shape_cast %get3A_1079 : vector<1x16xf32> to vector<16xf32>
      %get3A_1081 = arith.constant 62 : i32
      %get3A_1082 = arith.index_cast %get3A_1081 : i32 to index
      %get3A_1083 = arith.constant 0 : index
      %get3A_1084 = tpu.vector_load %arg10[%get3A_1082, %get3A_1083] {strides = array<i32>} : memref<128x16xf32, #tpu.memory_space<vmem>>, vector<1x16xf32>,
      %get3A_1085 = vector.shape_cast %get3A_1084 : vector<1x16xf32> to vector<16xf32>
      %mul3A_1086 = arith.mulf %get3A_1080, %get3A_1085 : vector<16xf32>
      %swap3A_1087 = arith.constant 62 : i32
      %swap3A_1088 = arith.index_cast %swap3A_1087 : i32 to index
      %swap3A_1089 = arith.constant 0 : index
      %swap3A_1090 = tpu.vector_load %arg11[%swap3A_1088, %swap3A_1089] {strides = array<i32>} : memref<128x128xf32, #tpu.memory_space<vmem>>, vector<1x16xf32>,
      %swap3A_1091 = vector.shape_cast %swap3A_1090 : vector<1x16xf32> to vector<16xf32>
      %swap3A_1092 = vector.shape_cast %mul3A_1086 : vector<16xf32> to vector<1x16xf32>
      tpu.vector_store %arg11[%swap3A_1088, %swap3A_1089], %swap3A_1092 {strides = array<i32>} : memref<128x128xf32, #tpu.memory_space<vmem>>, vector<1x16xf32>,
      %get3A_1093 = arith.constant 63 : i32
      %get3A_1094 = arith.index_cast %get3A_1093 : i32 to index
      %get3A_1095 = arith.constant 0 : index
      %get3A_1096 = tpu.vector_load %arg11[%get3A_1094, %get3A_1095] {strides = array<i32>} : memref<128x128xf32, #tpu.memory_space<vmem>>, vector<1x16xf32>,
      %get3A_1097 = vector.shape_cast %get3A_1096 : vector<1x16xf32> to vector<16xf32>
      %get3A_1098 = arith.constant 63 : i32
      %get3A_1099 = arith.index_cast %get3A_1098 : i32 to index
      %get3A_1100 = arith.constant 0 : index
      %get3A_1101 = tpu.vector_load %arg10[%get3A_1099, %get3A_1100] {strides = array<i32>} : memref<128x16xf32, #tpu.memory_space<vmem>>, vector<1x16xf32>,
      %get3A_1102 = vector.shape_cast %get3A_1101 : vector<1x16xf32> to vector<16xf32>
      %mul3A_1103 = arith.mulf %get3A_1097, %get3A_1102 : vector<16xf32>
      %swap3A_1104 = arith.constant 63 : i32
      %swap3A_1105 = arith.index_cast %swap3A_1104 : i32 to index
      %swap3A_1106 = arith.constant 0 : index
      %swap3A_1107 = tpu.vector_load %arg11[%swap3A_1105, %swap3A_1106] {strides = array<i32>} : memref<128x128xf32, #tpu.memory_space<vmem>>, vector<1x16xf32>,
      %swap3A_1108 = vector.shape_cast %swap3A_1107 : vector<1x16xf32> to vector<16xf32>
      %swap3A_1109 = vector.shape_cast %mul3A_1103 : vector<16xf32> to vector<1x16xf32>
      tpu.vector_store %arg11[%swap3A_1105, %swap3A_1106], %swap3A_1109 {strides = array<i32>} : memref<128x128xf32, #tpu.memory_space<vmem>>, vector<1x16xf32>,
      %get3A_1110 = arith.constant 64 : i32
      %get3A_1111 = arith.index_cast %get3A_1110 : i32 to index
      %get3A_1112 = arith.constant 0 : index
      %get3A_1113 = tpu.vector_load %arg11[%get3A_1111, %get3A_1112] {strides = array<i32>} : memref<128x128xf32, #tpu.memory_space<vmem>>, vector<1x16xf32>,
      %get3A_1114 = vector.shape_cast %get3A_1113 : vector<1x16xf32> to vector<16xf32>
      %get3A_1115 = arith.constant 64 : i32
      %get3A_1116 = arith.index_cast %get3A_1115 : i32 to index
      %get3A_1117 = arith.constant 0 : index
      %get3A_1118 = tpu.vector_load %arg10[%get3A_1116, %get3A_1117] {strides = array<i32>} : memref<128x16xf32, #tpu.memory_space<vmem>>, vector<1x16xf32>,
      %get3A_1119 = vector.shape_cast %get3A_1118 : vector<1x16xf32> to vector<16xf32>
      %mul3A_1120 = arith.mulf %get3A_1114, %get3A_1119 : vector<16xf32>
      %swap3A_1121 = arith.constant 64 : i32
      %swap3A_1122 = arith.index_cast %swap3A_1121 : i32 to index
      %swap3A_1123 = arith.constant 0 : index
      %swap3A_1124 = tpu.vector_load %arg11[%swap3A_1122, %swap3A_1123] {strides = array<i32>} : memref<128x128xf32, #tpu.memory_space<vmem>>, vector<1x16xf32>,
      %swap3A_1125 = vector.shape_cast %swap3A_1124 : vector<1x16xf32> to vector<16xf32>
      %swap3A_1126 = vector.shape_cast %mul3A_1120 : vector<16xf32> to vector<1x16xf32>
      tpu.vector_store %arg11[%swap3A_1122, %swap3A_1123], %swap3A_1126 {strides = array<i32>} : memref<128x128xf32, #tpu.memory_space<vmem>>, vector<1x16xf32>,
      %get3A_1127 = arith.constant 65 : i32
      %get3A_1128 = arith.index_cast %get3A_1127 : i32 to index
      %get3A_1129 = arith.constant 0 : index
      %get3A_1130 = tpu.vector_load %arg11[%get3A_1128, %get3A_1129] {strides = array<i32>} : memref<128x128xf32, #tpu.memory_space<vmem>>, vector<1x16xf32>,
      %get3A_1131 = vector.shape_cast %get3A_1130 : vector<1x16xf32> to vector<16xf32>
      %get3A_1132 = arith.constant 65 : i32
      %get3A_1133 = arith.index_cast %get3A_1132 : i32 to index
      %get3A_1134 = arith.constant 0 : index
      %get3A_1135 = tpu.vector_load %arg10[%get3A_1133, %get3A_1134] {strides = array<i32>} : memref<128x16xf32, #tpu.memory_space<vmem>>, vector<1x16xf32>,
      %get3A_1136 = vector.shape_cast %get3A_1135 : vector<1x16xf32> to vector<16xf32>
      %mul3A_1137 = arith.mulf %get3A_1131, %get3A_1136 : vector<16xf32>
      %swap3A_1138 = arith.constant 65 : i32
      %swap3A_1139 = arith.index_cast %swap3A_1138 : i32 to index
      %swap3A_1140 = arith.constant 0 : index
      %swap3A_1141 = tpu.vector_load %arg11[%swap3A_1139, %swap3A_1140] {strides = array<i32>} : memref<128x128xf32, #tpu.memory_space<vmem>>, vector<1x16xf32>,
      %swap3A_1142 = vector.shape_cast %swap3A_1141 : vector<1x16xf32> to vector<16xf32>
      %swap3A_1143 = vector.shape_cast %mul3A_1137 : vector<16xf32> to vector<1x16xf32>
      tpu.vector_store %arg11[%swap3A_1139, %swap3A_1140], %swap3A_1143 {strides = array<i32>} : memref<128x128xf32, #tpu.memory_space<vmem>>, vector<1x16xf32>,
      %get3A_1144 = arith.constant 66 : i32
      %get3A_1145 = arith.index_cast %get3A_1144 : i32 to index
      %get3A_1146 = arith.constant 0 : index
      %get3A_1147 = tpu.vector_load %arg11[%get3A_1145, %get3A_1146] {strides = array<i32>} : memref<128x128xf32, #tpu.memory_space<vmem>>, vector<1x16xf32>,
      %get3A_1148 = vector.shape_cast %get3A_1147 : vector<1x16xf32> to vector<16xf32>
      %get3A_1149 = arith.constant 66 : i32
      %get3A_1150 = arith.index_cast %get3A_1149 : i32 to index
      %get3A_1151 = arith.constant 0 : index
      %get3A_1152 = tpu.vector_load %arg10[%get3A_1150, %get3A_1151] {strides = array<i32>} : memref<128x16xf32, #tpu.memory_space<vmem>>, vector<1x16xf32>,
      %get3A_1153 = vector.shape_cast %get3A_1152 : vector<1x16xf32> to vector<16xf32>
      %mul3A_1154 = arith.mulf %get3A_1148, %get3A_1153 : vector<16xf32>
      %swap3A_1155 = arith.constant 66 : i32
      %swap3A_1156 = arith.index_cast %swap3A_1155 : i32 to index
      %swap3A_1157 = arith.constant 0 : index
      %swap3A_1158 = tpu.vector_load %arg11[%swap3A_1156, %swap3A_1157] {strides = array<i32>} : memref<128x128xf32, #tpu.memory_space<vmem>>, vector<1x16xf32>,
      %swap3A_1159 = vector.shape_cast %swap3A_1158 : vector<1x16xf32> to vector<16xf32>
      %swap3A_1160 = vector.shape_cast %mul3A_1154 : vector<16xf32> to vector<1x16xf32>
      tpu.vector_store %arg11[%swap3A_1156, %swap3A_1157], %swap3A_1160 {strides = array<i32>} : memref<128x128xf32, #tpu.memory_space<vmem>>, vector<1x16xf32>,
      %get3A_1161 = arith.constant 67 : i32
      %get3A_1162 = arith.index_cast %get3A_1161 : i32 to index
      %get3A_1163 = arith.constant 0 : index
      %get3A_1164 = tpu.vector_load %arg11[%get3A_1162, %get3A_1163] {strides = array<i32>} : memref<128x128xf32, #tpu.memory_space<vmem>>, vector<1x16xf32>,
      %get3A_1165 = vector.shape_cast %get3A_1164 : vector<1x16xf32> to vector<16xf32>
      %get3A_1166 = arith.constant 67 : i32
      %get3A_1167 = arith.index_cast %get3A_1166 : i32 to index
      %get3A_1168 = arith.constant 0 : index
      %get3A_1169 = tpu.vector_load %arg10[%get3A_1167, %get3A_1168] {strides = array<i32>} : memref<128x16xf32, #tpu.memory_space<vmem>>, vector<1x16xf32>,
      %get3A_1170 = vector.shape_cast %get3A_1169 : vector<1x16xf32> to vector<16xf32>
      %mul3A_1171 = arith.mulf %get3A_1165, %get3A_1170 : vector<16xf32>
      %swap3A_1172 = arith.constant 67 : i32
      %swap3A_1173 = arith.index_cast %swap3A_1172 : i32 to index
      %swap3A_1174 = arith.constant 0 : index
      %swap3A_1175 = tpu.vector_load %arg11[%swap3A_1173, %swap3A_1174] {strides = array<i32>} : memref<128x128xf32, #tpu.memory_space<vmem>>, vector<1x16xf32>,
      %swap3A_1176 = vector.shape_cast %swap3A_1175 : vector<1x16xf32> to vector<16xf32>
      %swap3A_1177 = vector.shape_cast %mul3A_1171 : vector<16xf32> to vector<1x16xf32>
      tpu.vector_store %arg11[%swap3A_1173, %swap3A_1174], %swap3A_1177 {strides = array<i32>} : memref<128x128xf32, #tpu.memory_space<vmem>>, vector<1x16xf32>,
      %get3A_1178 = arith.constant 68 : i32
      %get3A_1179 = arith.index_cast %get3A_1178 : i32 to index
      %get3A_1180 = arith.constant 0 : index
      %get3A_1181 = tpu.vector_load %arg11[%get3A_1179, %get3A_1180] {strides = array<i32>} : memref<128x128xf32, #tpu.memory_space<vmem>>, vector<1x16xf32>,
      %get3A_1182 = vector.shape_cast %get3A_1181 : vector<1x16xf32> to vector<16xf32>
      %get3A_1183 = arith.constant 68 : i32
      %get3A_1184 = arith.index_cast %get3A_1183 : i32 to index
      %get3A_1185 = arith.constant 0 : index
      %get3A_1186 = tpu.vector_load %arg10[%get3A_1184, %get3A_1185] {strides = array<i32>} : memref<128x16xf32, #tpu.memory_space<vmem>>, vector<1x16xf32>,
      %get3A_1187 = vector.shape_cast %get3A_1186 : vector<1x16xf32> to vector<16xf32>
      %mul3A_1188 = arith.mulf %get3A_1182, %get3A_1187 : vector<16xf32>
      %swap3A_1189 = arith.constant 68 : i32
      %swap3A_1190 = arith.index_cast %swap3A_1189 : i32 to index
      %swap3A_1191 = arith.constant 0 : index
      %swap3A_1192 = tpu.vector_load %arg11[%swap3A_1190, %swap3A_1191] {strides = array<i32>} : memref<128x128xf32, #tpu.memory_space<vmem>>, vector<1x16xf32>,
      %swap3A_1193 = vector.shape_cast %swap3A_1192 : vector<1x16xf32> to vector<16xf32>
      %swap3A_1194 = vector.shape_cast %mul3A_1188 : vector<16xf32> to vector<1x16xf32>
      tpu.vector_store %arg11[%swap3A_1190, %swap3A_1191], %swap3A_1194 {strides = array<i32>} : memref<128x128xf32, #tpu.memory_space<vmem>>, vector<1x16xf32>,
      %get3A_1195 = arith.constant 69 : i32
      %get3A_1196 = arith.index_cast %get3A_1195 : i32 to index
      %get3A_1197 = arith.constant 0 : index
      %get3A_1198 = tpu.vector_load %arg11[%get3A_1196, %get3A_1197] {strides = array<i32>} : memref<128x128xf32, #tpu.memory_space<vmem>>, vector<1x16xf32>,
      %get3A_1199 = vector.shape_cast %get3A_1198 : vector<1x16xf32> to vector<16xf32>
      %get3A_1200 = arith.constant 69 : i32
      %get3A_1201 = arith.index_cast %get3A_1200 : i32 to index
      %get3A_1202 = arith.constant 0 : index
      %get3A_1203 = tpu.vector_load %arg10[%get3A_1201, %get3A_1202] {strides = array<i32>} : memref<128x16xf32, #tpu.memory_space<vmem>>, vector<1x16xf32>,
      %get3A_1204 = vector.shape_cast %get3A_1203 : vector<1x16xf32> to vector<16xf32>
      %mul3A_1205 = arith.mulf %get3A_1199, %get3A_1204 : vector<16xf32>
      %swap3A_1206 = arith.constant 69 : i32
      %swap3A_1207 = arith.index_cast %swap3A_1206 : i32 to index
      %swap3A_1208 = arith.constant 0 : index
      %swap3A_1209 = tpu.vector_load %arg11[%swap3A_1207, %swap3A_1208] {strides = array<i32>} : memref<128x128xf32, #tpu.memory_space<vmem>>, vector<1x16xf32>,
      %swap3A_1210 = vector.shape_cast %swap3A_1209 : vector<1x16xf32> to vector<16xf32>
      %swap3A_1211 = vector.shape_cast %mul3A_1205 : vector<16xf32> to vector<1x16xf32>
      tpu.vector_store %arg11[%swap3A_1207, %swap3A_1208], %swap3A_1211 {strides = array<i32>} : memref<128x128xf32, #tpu.memory_space<vmem>>, vector<1x16xf32>,
      %get3A_1212 = arith.constant 70 : i32
      %get3A_1213 = arith.index_cast %get3A_1212 : i32 to index
      %get3A_1214 = arith.constant 0 : index
      %get3A_1215 = tpu.vector_load %arg11[%get3A_1213, %get3A_1214] {strides = array<i32>} : memref<128x128xf32, #tpu.memory_space<vmem>>, vector<1x16xf32>,
      %get3A_1216 = vector.shape_cast %get3A_1215 : vector<1x16xf32> to vector<16xf32>
      %get3A_1217 = arith.constant 70 : i32
      %get3A_1218 = arith.index_cast %get3A_1217 : i32 to index
      %get3A_1219 = arith.constant 0 : index
      %get3A_1220 = tpu.vector_load %arg10[%get3A_1218, %get3A_1219] {strides = array<i32>} : memref<128x16xf32, #tpu.memory_space<vmem>>, vector<1x16xf32>,
      %get3A_1221 = vector.shape_cast %get3A_1220 : vector<1x16xf32> to vector<16xf32>
      %mul3A_1222 = arith.mulf %get3A_1216, %get3A_1221 : vector<16xf32>
      %swap3A_1223 = arith.constant 70 : i32
      %swap3A_1224 = arith.index_cast %swap3A_1223 : i32 to index
      %swap3A_1225 = arith.constant 0 : index
      %swap3A_1226 = tpu.vector_load %arg11[%swap3A_1224, %swap3A_1225] {strides = array<i32>} : memref<128x128xf32, #tpu.memory_space<vmem>>, vector<1x16xf32>,
      %swap3A_1227 = vector.shape_cast %swap3A_1226 : vector<1x16xf32> to vector<16xf32>
      %swap3A_1228 = vector.shape_cast %mul3A_1222 : vector<16xf32> to vector<1x16xf32>
      tpu.vector_store %arg11[%swap3A_1224, %swap3A_1225], %swap3A_1228 {strides = array<i32>} : memref<128x128xf32, #tpu.memory_space<vmem>>, vector<1x16xf32>,
      %get3A_1229 = arith.constant 71 : i32
      %get3A_1230 = arith.index_cast %get3A_1229 : i32 to index
      %get3A_1231 = arith.constant 0 : index
      %get3A_1232 = tpu.vector_load %arg11[%get3A_1230, %get3A_1231] {strides = array<i32>} : memref<128x128xf32, #tpu.memory_space<vmem>>, vector<1x16xf32>,
      %get3A_1233 = vector.shape_cast %get3A_1232 : vector<1x16xf32> to vector<16xf32>
      %get3A_1234 = arith.constant 71 : i32
      %get3A_1235 = arith.index_cast %get3A_1234 : i32 to index
      %get3A_1236 = arith.constant 0 : index
      %get3A_1237 = tpu.vector_load %arg10[%get3A_1235, %get3A_1236] {strides = array<i32>} : memref<128x16xf32, #tpu.memory_space<vmem>>, vector<1x16xf32>,
      %get3A_1238 = vector.shape_cast %get3A_1237 : vector<1x16xf32> to vector<16xf32>
      %mul3A_1239 = arith.mulf %get3A_1233, %get3A_1238 : vector<16xf32>
      %swap3A_1240 = arith.constant 71 : i32
      %swap3A_1241 = arith.index_cast %swap3A_1240 : i32 to index
      %swap3A_1242 = arith.constant 0 : index
      %swap3A_1243 = tpu.vector_load %arg11[%swap3A_1241, %swap3A_1242] {strides = array<i32>} : memref<128x128xf32, #tpu.memory_space<vmem>>, vector<1x16xf32>,
      %swap3A_1244 = vector.shape_cast %swap3A_1243 : vector<1x16xf32> to vector<16xf32>
      %swap3A_1245 = vector.shape_cast %mul3A_1239 : vector<16xf32> to vector<1x16xf32>
      tpu.vector_store %arg11[%swap3A_1241, %swap3A_1242], %swap3A_1245 {strides = array<i32>} : memref<128x128xf32, #tpu.memory_space<vmem>>, vector<1x16xf32>,
      %get3A_1246 = arith.constant 72 : i32
      %get3A_1247 = arith.index_cast %get3A_1246 : i32 to index
      %get3A_1248 = arith.constant 0 : index
      %get3A_1249 = tpu.vector_load %arg11[%get3A_1247, %get3A_1248] {strides = array<i32>} : memref<128x128xf32, #tpu.memory_space<vmem>>, vector<1x16xf32>,
      %get3A_1250 = vector.shape_cast %get3A_1249 : vector<1x16xf32> to vector<16xf32>
      %get3A_1251 = arith.constant 72 : i32
      %get3A_1252 = arith.index_cast %get3A_1251 : i32 to index
      %get3A_1253 = arith.constant 0 : index
      %get3A_1254 = tpu.vector_load %arg10[%get3A_1252, %get3A_1253] {strides = array<i32>} : memref<128x16xf32, #tpu.memory_space<vmem>>, vector<1x16xf32>,
      %get3A_1255 = vector.shape_cast %get3A_1254 : vector<1x16xf32> to vector<16xf32>
      %mul3A_1256 = arith.mulf %get3A_1250, %get3A_1255 : vector<16xf32>
      %swap3A_1257 = arith.constant 72 : i32
      %swap3A_1258 = arith.index_cast %swap3A_1257 : i32 to index
      %swap3A_1259 = arith.constant 0 : index
      %swap3A_1260 = tpu.vector_load %arg11[%swap3A_1258, %swap3A_1259] {strides = array<i32>} : memref<128x128xf32, #tpu.memory_space<vmem>>, vector<1x16xf32>,
      %swap3A_1261 = vector.shape_cast %swap3A_1260 : vector<1x16xf32> to vector<16xf32>
      %swap3A_1262 = vector.shape_cast %mul3A_1256 : vector<16xf32> to vector<1x16xf32>
      tpu.vector_store %arg11[%swap3A_1258, %swap3A_1259], %swap3A_1262 {strides = array<i32>} : memref<128x128xf32, #tpu.memory_space<vmem>>, vector<1x16xf32>,
      %get3A_1263 = arith.constant 73 : i32
      %get3A_1264 = arith.index_cast %get3A_1263 : i32 to index
      %get3A_1265 = arith.constant 0 : index
      %get3A_1266 = tpu.vector_load %arg11[%get3A_1264, %get3A_1265] {strides = array<i32>} : memref<128x128xf32, #tpu.memory_space<vmem>>, vector<1x16xf32>,
      %get3A_1267 = vector.shape_cast %get3A_1266 : vector<1x16xf32> to vector<16xf32>
      %get3A_1268 = arith.constant 73 : i32
      %get3A_1269 = arith.index_cast %get3A_1268 : i32 to index
      %get3A_1270 = arith.constant 0 : index
      %get3A_1271 = tpu.vector_load %arg10[%get3A_1269, %get3A_1270] {strides = array<i32>} : memref<128x16xf32, #tpu.memory_space<vmem>>, vector<1x16xf32>,
      %get3A_1272 = vector.shape_cast %get3A_1271 : vector<1x16xf32> to vector<16xf32>
      %mul3A_1273 = arith.mulf %get3A_1267, %get3A_1272 : vector<16xf32>
      %swap3A_1274 = arith.constant 73 : i32
      %swap3A_1275 = arith.index_cast %swap3A_1274 : i32 to index
      %swap3A_1276 = arith.constant 0 : index
      %swap3A_1277 = tpu.vector_load %arg11[%swap3A_1275, %swap3A_1276] {strides = array<i32>} : memref<128x128xf32, #tpu.memory_space<vmem>>, vector<1x16xf32>,
      %swap3A_1278 = vector.shape_cast %swap3A_1277 : vector<1x16xf32> to vector<16xf32>
      %swap3A_1279 = vector.shape_cast %mul3A_1273 : vector<16xf32> to vector<1x16xf32>
      tpu.vector_store %arg11[%swap3A_1275, %swap3A_1276], %swap3A_1279 {strides = array<i32>} : memref<128x128xf32, #tpu.memory_space<vmem>>, vector<1x16xf32>,
      %get3A_1280 = arith.constant 74 : i32
      %get3A_1281 = arith.index_cast %get3A_1280 : i32 to index
      %get3A_1282 = arith.constant 0 : index
      %get3A_1283 = tpu.vector_load %arg11[%get3A_1281, %get3A_1282] {strides = array<i32>} : memref<128x128xf32, #tpu.memory_space<vmem>>, vector<1x16xf32>,
      %get3A_1284 = vector.shape_cast %get3A_1283 : vector<1x16xf32> to vector<16xf32>
      %get3A_1285 = arith.constant 74 : i32
      %get3A_1286 = arith.index_cast %get3A_1285 : i32 to index
      %get3A_1287 = arith.constant 0 : index
      %get3A_1288 = tpu.vector_load %arg10[%get3A_1286, %get3A_1287] {strides = array<i32>} : memref<128x16xf32, #tpu.memory_space<vmem>>, vector<1x16xf32>,
      %get3A_1289 = vector.shape_cast %get3A_1288 : vector<1x16xf32> to vector<16xf32>
      %mul3A_1290 = arith.mulf %get3A_1284, %get3A_1289 : vector<16xf32>
      %swap3A_1291 = arith.constant 74 : i32
      %swap3A_1292 = arith.index_cast %swap3A_1291 : i32 to index
      %swap3A_1293 = arith.constant 0 : index
      %swap3A_1294 = tpu.vector_load %arg11[%swap3A_1292, %swap3A_1293] {strides = array<i32>} : memref<128x128xf32, #tpu.memory_space<vmem>>, vector<1x16xf32>,
      %swap3A_1295 = vector.shape_cast %swap3A_1294 : vector<1x16xf32> to vector<16xf32>
      %swap3A_1296 = vector.shape_cast %mul3A_1290 : vector<16xf32> to vector<1x16xf32>
      tpu.vector_store %arg11[%swap3A_1292, %swap3A_1293], %swap3A_1296 {strides = array<i32>} : memref<128x128xf32, #tpu.memory_space<vmem>>, vector<1x16xf32>,
      %get3A_1297 = arith.constant 75 : i32
      %get3A_1298 = arith.index_cast %get3A_1297 : i32 to index
      %get3A_1299 = arith.constant 0 : index
      %get3A_1300 = tpu.vector_load %arg11[%get3A_1298, %get3A_1299] {strides = array<i32>} : memref<128x128xf32, #tpu.memory_space<vmem>>, vector<1x16xf32>,
      %get3A_1301 = vector.shape_cast %get3A_1300 : vector<1x16xf32> to vector<16xf32>
      %get3A_1302 = arith.constant 75 : i32
      %get3A_1303 = arith.index_cast %get3A_1302 : i32 to index
      %get3A_1304 = arith.constant 0 : index
      %get3A_1305 = tpu.vector_load %arg10[%get3A_1303, %get3A_1304] {strides = array<i32>} : memref<128x16xf32, #tpu.memory_space<vmem>>, vector<1x16xf32>,
      %get3A_1306 = vector.shape_cast %get3A_1305 : vector<1x16xf32> to vector<16xf32>
      %mul3A_1307 = arith.mulf %get3A_1301, %get3A_1306 : vector<16xf32>
      %swap3A_1308 = arith.constant 75 : i32
      %swap3A_1309 = arith.index_cast %swap3A_1308 : i32 to index
      %swap3A_1310 = arith.constant 0 : index
      %swap3A_1311 = tpu.vector_load %arg11[%swap3A_1309, %swap3A_1310] {strides = array<i32>} : memref<128x128xf32, #tpu.memory_space<vmem>>, vector<1x16xf32>,
      %swap3A_1312 = vector.shape_cast %swap3A_1311 : vector<1x16xf32> to vector<16xf32>
      %swap3A_1313 = vector.shape_cast %mul3A_1307 : vector<16xf32> to vector<1x16xf32>
      tpu.vector_store %arg11[%swap3A_1309, %swap3A_1310], %swap3A_1313 {strides = array<i32>} : memref<128x128xf32, #tpu.memory_space<vmem>>, vector<1x16xf32>,
      %get3A_1314 = arith.constant 76 : i32
      %get3A_1315 = arith.index_cast %get3A_1314 : i32 to index
      %get3A_1316 = arith.constant 0 : index
      %get3A_1317 = tpu.vector_load %arg11[%get3A_1315, %get3A_1316] {strides = array<i32>} : memref<128x128xf32, #tpu.memory_space<vmem>>, vector<1x16xf32>,
      %get3A_1318 = vector.shape_cast %get3A_1317 : vector<1x16xf32> to vector<16xf32>
      %get3A_1319 = arith.constant 76 : i32
      %get3A_1320 = arith.index_cast %get3A_1319 : i32 to index
      %get3A_1321 = arith.constant 0 : index
      %get3A_1322 = tpu.vector_load %arg10[%get3A_1320, %get3A_1321] {strides = array<i32>} : memref<128x16xf32, #tpu.memory_space<vmem>>, vector<1x16xf32>,
      %get3A_1323 = vector.shape_cast %get3A_1322 : vector<1x16xf32> to vector<16xf32>
      %mul3A_1324 = arith.mulf %get3A_1318, %get3A_1323 : vector<16xf32>
      %swap3A_1325 = arith.constant 76 : i32
      %swap3A_1326 = arith.index_cast %swap3A_1325 : i32 to index
      %swap3A_1327 = arith.constant 0 : index
      %swap3A_1328 = tpu.vector_load %arg11[%swap3A_1326, %swap3A_1327] {strides = array<i32>} : memref<128x128xf32, #tpu.memory_space<vmem>>, vector<1x16xf32>,
      %swap3A_1329 = vector.shape_cast %swap3A_1328 : vector<1x16xf32> to vector<16xf32>
      %swap3A_1330 = vector.shape_cast %mul3A_1324 : vector<16xf32> to vector<1x16xf32>
      tpu.vector_store %arg11[%swap3A_1326, %swap3A_1327], %swap3A_1330 {strides = array<i32>} : memref<128x128xf32, #tpu.memory_space<vmem>>, vector<1x16xf32>,
      %get3A_1331 = arith.constant 77 : i32
      %get3A_1332 = arith.index_cast %get3A_1331 : i32 to index
      %get3A_1333 = arith.constant 0 : index
      %get3A_1334 = tpu.vector_load %arg11[%get3A_1332, %get3A_1333] {strides = array<i32>} : memref<128x128xf32, #tpu.memory_space<vmem>>, vector<1x16xf32>,
      %get3A_1335 = vector.shape_cast %get3A_1334 : vector<1x16xf32> to vector<16xf32>
      %get3A_1336 = arith.constant 77 : i32
      %get3A_1337 = arith.index_cast %get3A_1336 : i32 to index
      %get3A_1338 = arith.constant 0 : index
      %get3A_1339 = tpu.vector_load %arg10[%get3A_1337, %get3A_1338] {strides = array<i32>} : memref<128x16xf32, #tpu.memory_space<vmem>>, vector<1x16xf32>,
      %get3A_1340 = vector.shape_cast %get3A_1339 : vector<1x16xf32> to vector<16xf32>
      %mul3A_1341 = arith.mulf %get3A_1335, %get3A_1340 : vector<16xf32>
      %swap3A_1342 = arith.constant 77 : i32
      %swap3A_1343 = arith.index_cast %swap3A_1342 : i32 to index
      %swap3A_1344 = arith.constant 0 : index
      %swap3A_1345 = tpu.vector_load %arg11[%swap3A_1343, %swap3A_1344] {strides = array<i32>} : memref<128x128xf32, #tpu.memory_space<vmem>>, vector<1x16xf32>,
      %swap3A_1346 = vector.shape_cast %swap3A_1345 : vector<1x16xf32> to vector<16xf32>
      %swap3A_1347 = vector.shape_cast %mul3A_1341 : vector<16xf32> to vector<1x16xf32>
      tpu.vector_store %arg11[%swap3A_1343, %swap3A_1344], %swap3A_1347 {strides = array<i32>} : memref<128x128xf32, #tpu.memory_space<vmem>>, vector<1x16xf32>,
      %get3A_1348 = arith.constant 78 : i32
      %get3A_1349 = arith.index_cast %get3A_1348 : i32 to index
      %get3A_1350 = arith.constant 0 : index
      %get3A_1351 = tpu.vector_load %arg11[%get3A_1349, %get3A_1350] {strides = array<i32>} : memref<128x128xf32, #tpu.memory_space<vmem>>, vector<1x16xf32>,
      %get3A_1352 = vector.shape_cast %get3A_1351 : vector<1x16xf32> to vector<16xf32>
      %get3A_1353 = arith.constant 78 : i32
      %get3A_1354 = arith.index_cast %get3A_1353 : i32 to index
      %get3A_1355 = arith.constant 0 : index
      %get3A_1356 = tpu.vector_load %arg10[%get3A_1354, %get3A_1355] {strides = array<i32>} : memref<128x16xf32, #tpu.memory_space<vmem>>, vector<1x16xf32>,
      %get3A_1357 = vector.shape_cast %get3A_1356 : vector<1x16xf32> to vector<16xf32>
      %mul3A_1358 = arith.mulf %get3A_1352, %get3A_1357 : vector<16xf32>
      %swap3A_1359 = arith.constant 78 : i32
      %swap3A_1360 = arith.index_cast %swap3A_1359 : i32 to index
      %swap3A_1361 = arith.constant 0 : index
      %swap3A_1362 = tpu.vector_load %arg11[%swap3A_1360, %swap3A_1361] {strides = array<i32>} : memref<128x128xf32, #tpu.memory_space<vmem>>, vector<1x16xf32>,
      %swap3A_1363 = vector.shape_cast %swap3A_1362 : vector<1x16xf32> to vector<16xf32>
      %swap3A_1364 = vector.shape_cast %mul3A_1358 : vector<16xf32> to vector<1x16xf32>
      tpu.vector_store %arg11[%swap3A_1360, %swap3A_1361], %swap3A_1364 {strides = array<i32>} : memref<128x128xf32, #tpu.memory_space<vmem>>, vector<1x16xf32>,
      %get3A_1365 = arith.constant 79 : i32
      %get3A_1366 = arith.index_cast %get3A_1365 : i32 to index
      %get3A_1367 = arith.constant 0 : index
      %get3A_1368 = tpu.vector_load %arg11[%get3A_1366, %get3A_1367] {strides = array<i32>} : memref<128x128xf32, #tpu.memory_space<vmem>>, vector<1x16xf32>,
      %get3A_1369 = vector.shape_cast %get3A_1368 : vector<1x16xf32> to vector<16xf32>
      %get3A_1370 = arith.constant 79 : i32
      %get3A_1371 = arith.index_cast %get3A_1370 : i32 to index
      %get3A_1372 = arith.constant 0 : index
      %get3A_1373 = tpu.vector_load %arg10[%get3A_1371, %get3A_1372] {strides = array<i32>} : memref<128x16xf32, #tpu.memory_space<vmem>>, vector<1x16xf32>,
      %get3A_1374 = vector.shape_cast %get3A_1373 : vector<1x16xf32> to vector<16xf32>
      %mul3A_1375 = arith.mulf %get3A_1369, %get3A_1374 : vector<16xf32>
      %swap3A_1376 = arith.constant 79 : i32
      %swap3A_1377 = arith.index_cast %swap3A_1376 : i32 to index
      %swap3A_1378 = arith.constant 0 : index
      %swap3A_1379 = tpu.vector_load %arg11[%swap3A_1377, %swap3A_1378] {strides = array<i32>} : memref<128x128xf32, #tpu.memory_space<vmem>>, vector<1x16xf32>,
      %swap3A_1380 = vector.shape_cast %swap3A_1379 : vector<1x16xf32> to vector<16xf32>
      %swap3A_1381 = vector.shape_cast %mul3A_1375 : vector<16xf32> to vector<1x16xf32>
      tpu.vector_store %arg11[%swap3A_1377, %swap3A_1378], %swap3A_1381 {strides = array<i32>} : memref<128x128xf32, #tpu.memory_space<vmem>>, vector<1x16xf32>,
      %get3A_1382 = arith.constant 80 : i32
      %get3A_1383 = arith.index_cast %get3A_1382 : i32 to index
      %get3A_1384 = arith.constant 0 : index
      %get3A_1385 = tpu.vector_load %arg11[%get3A_1383, %get3A_1384] {strides = array<i32>} : memref<128x128xf32, #tpu.memory_space<vmem>>, vector<1x16xf32>,
      %get3A_1386 = vector.shape_cast %get3A_1385 : vector<1x16xf32> to vector<16xf32>
      %get3A_1387 = arith.constant 80 : i32
      %get3A_1388 = arith.index_cast %get3A_1387 : i32 to index
      %get3A_1389 = arith.constant 0 : index
      %get3A_1390 = tpu.vector_load %arg10[%get3A_1388, %get3A_1389] {strides = array<i32>} : memref<128x16xf32, #tpu.memory_space<vmem>>, vector<1x16xf32>,
      %get3A_1391 = vector.shape_cast %get3A_1390 : vector<1x16xf32> to vector<16xf32>
      %mul3A_1392 = arith.mulf %get3A_1386, %get3A_1391 : vector<16xf32>
      %swap3A_1393 = arith.constant 80 : i32
      %swap3A_1394 = arith.index_cast %swap3A_1393 : i32 to index
      %swap3A_1395 = arith.constant 0 : index
      %swap3A_1396 = tpu.vector_load %arg11[%swap3A_1394, %swap3A_1395] {strides = array<i32>} : memref<128x128xf32, #tpu.memory_space<vmem>>, vector<1x16xf32>,
      %swap3A_1397 = vector.shape_cast %swap3A_1396 : vector<1x16xf32> to vector<16xf32>
      %swap3A_1398 = vector.shape_cast %mul3A_1392 : vector<16xf32> to vector<1x16xf32>
      tpu.vector_store %arg11[%swap3A_1394, %swap3A_1395], %swap3A_1398 {strides = array<i32>} : memref<128x128xf32, #tpu.memory_space<vmem>>, vector<1x16xf32>,
      %get3A_1399 = arith.constant 81 : i32
      %get3A_1400 = arith.index_cast %get3A_1399 : i32 to index
      %get3A_1401 = arith.constant 0 : index
      %get3A_1402 = tpu.vector_load %arg11[%get3A_1400, %get3A_1401] {strides = array<i32>} : memref<128x128xf32, #tpu.memory_space<vmem>>, vector<1x16xf32>,
      %get3A_1403 = vector.shape_cast %get3A_1402 : vector<1x16xf32> to vector<16xf32>
      %get3A_1404 = arith.constant 81 : i32
      %get3A_1405 = arith.index_cast %get3A_1404 : i32 to index
      %get3A_1406 = arith.constant 0 : index
      %get3A_1407 = tpu.vector_load %arg10[%get3A_1405, %get3A_1406] {strides = array<i32>} : memref<128x16xf32, #tpu.memory_space<vmem>>, vector<1x16xf32>,
      %get3A_1408 = vector.shape_cast %get3A_1407 : vector<1x16xf32> to vector<16xf32>
      %mul3A_1409 = arith.mulf %get3A_1403, %get3A_1408 : vector<16xf32>
      %swap3A_1410 = arith.constant 81 : i32
      %swap3A_1411 = arith.index_cast %swap3A_1410 : i32 to index
      %swap3A_1412 = arith.constant 0 : index
      %swap3A_1413 = tpu.vector_load %arg11[%swap3A_1411, %swap3A_1412] {strides = array<i32>} : memref<128x128xf32, #tpu.memory_space<vmem>>, vector<1x16xf32>,
      %swap3A_1414 = vector.shape_cast %swap3A_1413 : vector<1x16xf32> to vector<16xf32>
      %swap3A_1415 = vector.shape_cast %mul3A_1409 : vector<16xf32> to vector<1x16xf32>
      tpu.vector_store %arg11[%swap3A_1411, %swap3A_1412], %swap3A_1415 {strides = array<i32>} : memref<128x128xf32, #tpu.memory_space<vmem>>, vector<1x16xf32>,
      %get3A_1416 = arith.constant 82 : i32
      %get3A_1417 = arith.index_cast %get3A_1416 : i32 to index
      %get3A_1418 = arith.constant 0 : index
      %get3A_1419 = tpu.vector_load %arg11[%get3A_1417, %get3A_1418] {strides = array<i32>} : memref<128x128xf32, #tpu.memory_space<vmem>>, vector<1x16xf32>,
      %get3A_1420 = vector.shape_cast %get3A_1419 : vector<1x16xf32> to vector<16xf32>
      %get3A_1421 = arith.constant 82 : i32
      %get3A_1422 = arith.index_cast %get3A_1421 : i32 to index
      %get3A_1423 = arith.constant 0 : index
      %get3A_1424 = tpu.vector_load %arg10[%get3A_1422, %get3A_1423] {strides = array<i32>} : memref<128x16xf32, #tpu.memory_space<vmem>>, vector<1x16xf32>,
      %get3A_1425 = vector.shape_cast %get3A_1424 : vector<1x16xf32> to vector<16xf32>
      %mul3A_1426 = arith.mulf %get3A_1420, %get3A_1425 : vector<16xf32>
      %swap3A_1427 = arith.constant 82 : i32
      %swap3A_1428 = arith.index_cast %swap3A_1427 : i32 to index
      %swap3A_1429 = arith.constant 0 : index
      %swap3A_1430 = tpu.vector_load %arg11[%swap3A_1428, %swap3A_1429] {strides = array<i32>} : memref<128x128xf32, #tpu.memory_space<vmem>>, vector<1x16xf32>,
      %swap3A_1431 = vector.shape_cast %swap3A_1430 : vector<1x16xf32> to vector<16xf32>
      %swap3A_1432 = vector.shape_cast %mul3A_1426 : vector<16xf32> to vector<1x16xf32>
      tpu.vector_store %arg11[%swap3A_1428, %swap3A_1429], %swap3A_1432 {strides = array<i32>} : memref<128x128xf32, #tpu.memory_space<vmem>>, vector<1x16xf32>,
      %get3A_1433 = arith.constant 83 : i32
      %get3A_1434 = arith.index_cast %get3A_1433 : i32 to index
      %get3A_1435 = arith.constant 0 : index
      %get3A_1436 = tpu.vector_load %arg11[%get3A_1434, %get3A_1435] {strides = array<i32>} : memref<128x128xf32, #tpu.memory_space<vmem>>, vector<1x16xf32>,
      %get3A_1437 = vector.shape_cast %get3A_1436 : vector<1x16xf32> to vector<16xf32>
      %get3A_1438 = arith.constant 83 : i32
      %get3A_1439 = arith.index_cast %get3A_1438 : i32 to index
      %get3A_1440 = arith.constant 0 : index
      %get3A_1441 = tpu.vector_load %arg10[%get3A_1439, %get3A_1440] {strides = array<i32>} : memref<128x16xf32, #tpu.memory_space<vmem>>, vector<1x16xf32>,
      %get3A_1442 = vector.shape_cast %get3A_1441 : vector<1x16xf32> to vector<16xf32>
      %mul3A_1443 = arith.mulf %get3A_1437, %get3A_1442 : vector<16xf32>
      %swap3A_1444 = arith.constant 83 : i32
      %swap3A_1445 = arith.index_cast %swap3A_1444 : i32 to index
      %swap3A_1446 = arith.constant 0 : index
      %swap3A_1447 = tpu.vector_load %arg11[%swap3A_1445, %swap3A_1446] {strides = array<i32>} : memref<128x128xf32, #tpu.memory_space<vmem>>, vector<1x16xf32>,
      %swap3A_1448 = vector.shape_cast %swap3A_1447 : vector<1x16xf32> to vector<16xf32>
      %swap3A_1449 = vector.shape_cast %mul3A_1443 : vector<16xf32> to vector<1x16xf32>
      tpu.vector_store %arg11[%swap3A_1445, %swap3A_1446], %swap3A_1449 {strides = array<i32>} : memref<128x128xf32, #tpu.memory_space<vmem>>, vector<1x16xf32>,
      %get3A_1450 = arith.constant 84 : i32
      %get3A_1451 = arith.index_cast %get3A_1450 : i32 to index
      %get3A_1452 = arith.constant 0 : index
      %get3A_1453 = tpu.vector_load %arg11[%get3A_1451, %get3A_1452] {strides = array<i32>} : memref<128x128xf32, #tpu.memory_space<vmem>>, vector<1x16xf32>,
      %get3A_1454 = vector.shape_cast %get3A_1453 : vector<1x16xf32> to vector<16xf32>
      %get3A_1455 = arith.constant 84 : i32
      %get3A_1456 = arith.index_cast %get3A_1455 : i32 to index
      %get3A_1457 = arith.constant 0 : index
      %get3A_1458 = tpu.vector_load %arg10[%get3A_1456, %get3A_1457] {strides = array<i32>} : memref<128x16xf32, #tpu.memory_space<vmem>>, vector<1x16xf32>,
      %get3A_1459 = vector.shape_cast %get3A_1458 : vector<1x16xf32> to vector<16xf32>
      %mul3A_1460 = arith.mulf %get3A_1454, %get3A_1459 : vector<16xf32>
      %swap3A_1461 = arith.constant 84 : i32
      %swap3A_1462 = arith.index_cast %swap3A_1461 : i32 to index
      %swap3A_1463 = arith.constant 0 : index
      %swap3A_1464 = tpu.vector_load %arg11[%swap3A_1462, %swap3A_1463] {strides = array<i32>} : memref<128x128xf32, #tpu.memory_space<vmem>>, vector<1x16xf32>,
      %swap3A_1465 = vector.shape_cast %swap3A_1464 : vector<1x16xf32> to vector<16xf32>
      %swap3A_1466 = vector.shape_cast %mul3A_1460 : vector<16xf32> to vector<1x16xf32>
      tpu.vector_store %arg11[%swap3A_1462, %swap3A_1463], %swap3A_1466 {strides = array<i32>} : memref<128x128xf32, #tpu.memory_space<vmem>>, vector<1x16xf32>,
      %get3A_1467 = arith.constant 85 : i32
      %get3A_1468 = arith.index_cast %get3A_1467 : i32 to index
      %get3A_1469 = arith.constant 0 : index
      %get3A_1470 = tpu.vector_load %arg11[%get3A_1468, %get3A_1469] {strides = array<i32>} : memref<128x128xf32, #tpu.memory_space<vmem>>, vector<1x16xf32>,
      %get3A_1471 = vector.shape_cast %get3A_1470 : vector<1x16xf32> to vector<16xf32>
      %get3A_1472 = arith.constant 85 : i32
      %get3A_1473 = arith.index_cast %get3A_1472 : i32 to index
      %get3A_1474 = arith.constant 0 : index
      %get3A_1475 = tpu.vector_load %arg10[%get3A_1473, %get3A_1474] {strides = array<i32>} : memref<128x16xf32, #tpu.memory_space<vmem>>, vector<1x16xf32>,
      %get3A_1476 = vector.shape_cast %get3A_1475 : vector<1x16xf32> to vector<16xf32>
      %mul3A_1477 = arith.mulf %get3A_1471, %get3A_1476 : vector<16xf32>
      %swap3A_1478 = arith.constant 85 : i32
      %swap3A_1479 = arith.index_cast %swap3A_1478 : i32 to index
      %swap3A_1480 = arith.constant 0 : index
      %swap3A_1481 = tpu.vector_load %arg11[%swap3A_1479, %swap3A_1480] {strides = array<i32>} : memref<128x128xf32, #tpu.memory_space<vmem>>, vector<1x16xf32>,
      %swap3A_1482 = vector.shape_cast %swap3A_1481 : vector<1x16xf32> to vector<16xf32>
      %swap3A_1483 = vector.shape_cast %mul3A_1477 : vector<16xf32> to vector<1x16xf32>
      tpu.vector_store %arg11[%swap3A_1479, %swap3A_1480], %swap3A_1483 {strides = array<i32>} : memref<128x128xf32, #tpu.memory_space<vmem>>, vector<1x16xf32>,
      %get3A_1484 = arith.constant 86 : i32
      %get3A_1485 = arith.index_cast %get3A_1484 : i32 to index
      %get3A_1486 = arith.constant 0 : index
      %get3A_1487 = tpu.vector_load %arg11[%get3A_1485, %get3A_1486] {strides = array<i32>} : memref<128x128xf32, #tpu.memory_space<vmem>>, vector<1x16xf32>,
      %get3A_1488 = vector.shape_cast %get3A_1487 : vector<1x16xf32> to vector<16xf32>
      %get3A_1489 = arith.constant 86 : i32
      %get3A_1490 = arith.index_cast %get3A_1489 : i32 to index
      %get3A_1491 = arith.constant 0 : index
      %get3A_1492 = tpu.vector_load %arg10[%get3A_1490, %get3A_1491] {strides = array<i32>} : memref<128x16xf32, #tpu.memory_space<vmem>>, vector<1x16xf32>,
      %get3A_1493 = vector.shape_cast %get3A_1492 : vector<1x16xf32> to vector<16xf32>
      %mul3A_1494 = arith.mulf %get3A_1488, %get3A_1493 : vector<16xf32>
      %swap3A_1495 = arith.constant 86 : i32
      %swap3A_1496 = arith.index_cast %swap3A_1495 : i32 to index
      %swap3A_1497 = arith.constant 0 : index
      %swap3A_1498 = tpu.vector_load %arg11[%swap3A_1496, %swap3A_1497] {strides = array<i32>} : memref<128x128xf32, #tpu.memory_space<vmem>>, vector<1x16xf32>,
      %swap3A_1499 = vector.shape_cast %swap3A_1498 : vector<1x16xf32> to vector<16xf32>
      %swap3A_1500 = vector.shape_cast %mul3A_1494 : vector<16xf32> to vector<1x16xf32>
      tpu.vector_store %arg11[%swap3A_1496, %swap3A_1497], %swap3A_1500 {strides = array<i32>} : memref<128x128xf32, #tpu.memory_space<vmem>>, vector<1x16xf32>,
      %get3A_1501 = arith.constant 87 : i32
      %get3A_1502 = arith.index_cast %get3A_1501 : i32 to index
      %get3A_1503 = arith.constant 0 : index
      %get3A_1504 = tpu.vector_load %arg11[%get3A_1502, %get3A_1503] {strides = array<i32>} : memref<128x128xf32, #tpu.memory_space<vmem>>, vector<1x16xf32>,
      %get3A_1505 = vector.shape_cast %get3A_1504 : vector<1x16xf32> to vector<16xf32>
      %get3A_1506 = arith.constant 87 : i32
      %get3A_1507 = arith.index_cast %get3A_1506 : i32 to index
      %get3A_1508 = arith.constant 0 : index
      %get3A_1509 = tpu.vector_load %arg10[%get3A_1507, %get3A_1508] {strides = array<i32>} : memref<128x16xf32, #tpu.memory_space<vmem>>, vector<1x16xf32>,
      %get3A_1510 = vector.shape_cast %get3A_1509 : vector<1x16xf32> to vector<16xf32>
      %mul3A_1511 = arith.mulf %get3A_1505, %get3A_1510 : vector<16xf32>
      %swap3A_1512 = arith.constant 87 : i32
      %swap3A_1513 = arith.index_cast %swap3A_1512 : i32 to index
      %swap3A_1514 = arith.constant 0 : index
      %swap3A_1515 = tpu.vector_load %arg11[%swap3A_1513, %swap3A_1514] {strides = array<i32>} : memref<128x128xf32, #tpu.memory_space<vmem>>, vector<1x16xf32>,
      %swap3A_1516 = vector.shape_cast %swap3A_1515 : vector<1x16xf32> to vector<16xf32>
      %swap3A_1517 = vector.shape_cast %mul3A_1511 : vector<16xf32> to vector<1x16xf32>
      tpu.vector_store %arg11[%swap3A_1513, %swap3A_1514], %swap3A_1517 {strides = array<i32>} : memref<128x128xf32, #tpu.memory_space<vmem>>, vector<1x16xf32>,
      %get3A_1518 = arith.constant 88 : i32
      %get3A_1519 = arith.index_cast %get3A_1518 : i32 to index
      %get3A_1520 = arith.constant 0 : index
      %get3A_1521 = tpu.vector_load %arg11[%get3A_1519, %get3A_1520] {strides = array<i32>} : memref<128x128xf32, #tpu.memory_space<vmem>>, vector<1x16xf32>,
      %get3A_1522 = vector.shape_cast %get3A_1521 : vector<1x16xf32> to vector<16xf32>
      %get3A_1523 = arith.constant 88 : i32
      %get3A_1524 = arith.index_cast %get3A_1523 : i32 to index
      %get3A_1525 = arith.constant 0 : index
      %get3A_1526 = tpu.vector_load %arg10[%get3A_1524, %get3A_1525] {strides = array<i32>} : memref<128x16xf32, #tpu.memory_space<vmem>>, vector<1x16xf32>,
      %get3A_1527 = vector.shape_cast %get3A_1526 : vector<1x16xf32> to vector<16xf32>
      %mul3A_1528 = arith.mulf %get3A_1522, %get3A_1527 : vector<16xf32>
      %swap3A_1529 = arith.constant 88 : i32
      %swap3A_1530 = arith.index_cast %swap3A_1529 : i32 to index
      %swap3A_1531 = arith.constant 0 : index
      %swap3A_1532 = tpu.vector_load %arg11[%swap3A_1530, %swap3A_1531] {strides = array<i32>} : memref<128x128xf32, #tpu.memory_space<vmem>>, vector<1x16xf32>,
      %swap3A_1533 = vector.shape_cast %swap3A_1532 : vector<1x16xf32> to vector<16xf32>
      %swap3A_1534 = vector.shape_cast %mul3A_1528 : vector<16xf32> to vector<1x16xf32>
      tpu.vector_store %arg11[%swap3A_1530, %swap3A_1531], %swap3A_1534 {strides = array<i32>} : memref<128x128xf32, #tpu.memory_space<vmem>>, vector<1x16xf32>,
      %get3A_1535 = arith.constant 89 : i32
      %get3A_1536 = arith.index_cast %get3A_1535 : i32 to index
      %get3A_1537 = arith.constant 0 : index
      %get3A_1538 = tpu.vector_load %arg11[%get3A_1536, %get3A_1537] {strides = array<i32>} : memref<128x128xf32, #tpu.memory_space<vmem>>, vector<1x16xf32>,
      %get3A_1539 = vector.shape_cast %get3A_1538 : vector<1x16xf32> to vector<16xf32>
      %get3A_1540 = arith.constant 89 : i32
      %get3A_1541 = arith.index_cast %get3A_1540 : i32 to index
      %get3A_1542 = arith.constant 0 : index
      %get3A_1543 = tpu.vector_load %arg10[%get3A_1541, %get3A_1542] {strides = array<i32>} : memref<128x16xf32, #tpu.memory_space<vmem>>, vector<1x16xf32>,
      %get3A_1544 = vector.shape_cast %get3A_1543 : vector<1x16xf32> to vector<16xf32>
      %mul3A_1545 = arith.mulf %get3A_1539, %get3A_1544 : vector<16xf32>
      %swap3A_1546 = arith.constant 89 : i32
      %swap3A_1547 = arith.index_cast %swap3A_1546 : i32 to index
      %swap3A_1548 = arith.constant 0 : index
      %swap3A_1549 = tpu.vector_load %arg11[%swap3A_1547, %swap3A_1548] {strides = array<i32>} : memref<128x128xf32, #tpu.memory_space<vmem>>, vector<1x16xf32>,
      %swap3A_1550 = vector.shape_cast %swap3A_1549 : vector<1x16xf32> to vector<16xf32>
      %swap3A_1551 = vector.shape_cast %mul3A_1545 : vector<16xf32> to vector<1x16xf32>
      tpu.vector_store %arg11[%swap3A_1547, %swap3A_1548], %swap3A_1551 {strides = array<i32>} : memref<128x128xf32, #tpu.memory_space<vmem>>, vector<1x16xf32>,
      %get3A_1552 = arith.constant 90 : i32
      %get3A_1553 = arith.index_cast %get3A_1552 : i32 to index
      %get3A_1554 = arith.constant 0 : index
      %get3A_1555 = tpu.vector_load %arg11[%get3A_1553, %get3A_1554] {strides = array<i32>} : memref<128x128xf32, #tpu.memory_space<vmem>>, vector<1x16xf32>,
      %get3A_1556 = vector.shape_cast %get3A_1555 : vector<1x16xf32> to vector<16xf32>
      %get3A_1557 = arith.constant 90 : i32
      %get3A_1558 = arith.index_cast %get3A_1557 : i32 to index
      %get3A_1559 = arith.constant 0 : index
      %get3A_1560 = tpu.vector_load %arg10[%get3A_1558, %get3A_1559] {strides = array<i32>} : memref<128x16xf32, #tpu.memory_space<vmem>>, vector<1x16xf32>,
      %get3A_1561 = vector.shape_cast %get3A_1560 : vector<1x16xf32> to vector<16xf32>
      %mul3A_1562 = arith.mulf %get3A_1556, %get3A_1561 : vector<16xf32>
      %swap3A_1563 = arith.constant 90 : i32
      %swap3A_1564 = arith.index_cast %swap3A_1563 : i32 to index
      %swap3A_1565 = arith.constant 0 : index
      %swap3A_1566 = tpu.vector_load %arg11[%swap3A_1564, %swap3A_1565] {strides = array<i32>} : memref<128x128xf32, #tpu.memory_space<vmem>>, vector<1x16xf32>,
      %swap3A_1567 = vector.shape_cast %swap3A_1566 : vector<1x16xf32> to vector<16xf32>
      %swap3A_1568 = vector.shape_cast %mul3A_1562 : vector<16xf32> to vector<1x16xf32>
      tpu.vector_store %arg11[%swap3A_1564, %swap3A_1565], %swap3A_1568 {strides = array<i32>} : memref<128x128xf32, #tpu.memory_space<vmem>>, vector<1x16xf32>,
      %get3A_1569 = arith.constant 91 : i32
      %get3A_1570 = arith.index_cast %get3A_1569 : i32 to index
      %get3A_1571 = arith.constant 0 : index
      %get3A_1572 = tpu.vector_load %arg11[%get3A_1570, %get3A_1571] {strides = array<i32>} : memref<128x128xf32, #tpu.memory_space<vmem>>, vector<1x16xf32>,
      %get3A_1573 = vector.shape_cast %get3A_1572 : vector<1x16xf32> to vector<16xf32>
      %get3A_1574 = arith.constant 91 : i32
      %get3A_1575 = arith.index_cast %get3A_1574 : i32 to index
      %get3A_1576 = arith.constant 0 : index
      %get3A_1577 = tpu.vector_load %arg10[%get3A_1575, %get3A_1576] {strides = array<i32>} : memref<128x16xf32, #tpu.memory_space<vmem>>, vector<1x16xf32>,
      %get3A_1578 = vector.shape_cast %get3A_1577 : vector<1x16xf32> to vector<16xf32>
      %mul3A_1579 = arith.mulf %get3A_1573, %get3A_1578 : vector<16xf32>
      %swap3A_1580 = arith.constant 91 : i32
      %swap3A_1581 = arith.index_cast %swap3A_1580 : i32 to index
      %swap3A_1582 = arith.constant 0 : index
      %swap3A_1583 = tpu.vector_load %arg11[%swap3A_1581, %swap3A_1582] {strides = array<i32>} : memref<128x128xf32, #tpu.memory_space<vmem>>, vector<1x16xf32>,
      %swap3A_1584 = vector.shape_cast %swap3A_1583 : vector<1x16xf32> to vector<16xf32>
      %swap3A_1585 = vector.shape_cast %mul3A_1579 : vector<16xf32> to vector<1x16xf32>
      tpu.vector_store %arg11[%swap3A_1581, %swap3A_1582], %swap3A_1585 {strides = array<i32>} : memref<128x128xf32, #tpu.memory_space<vmem>>, vector<1x16xf32>,
      %get3A_1586 = arith.constant 92 : i32
      %get3A_1587 = arith.index_cast %get3A_1586 : i32 to index
      %get3A_1588 = arith.constant 0 : index
      %get3A_1589 = tpu.vector_load %arg11[%get3A_1587, %get3A_1588] {strides = array<i32>} : memref<128x128xf32, #tpu.memory_space<vmem>>, vector<1x16xf32>,
      %get3A_1590 = vector.shape_cast %get3A_1589 : vector<1x16xf32> to vector<16xf32>
      %get3A_1591 = arith.constant 92 : i32
      %get3A_1592 = arith.index_cast %get3A_1591 : i32 to index
      %get3A_1593 = arith.constant 0 : index
      %get3A_1594 = tpu.vector_load %arg10[%get3A_1592, %get3A_1593] {strides = array<i32>} : memref<128x16xf32, #tpu.memory_space<vmem>>, vector<1x16xf32>,
      %get3A_1595 = vector.shape_cast %get3A_1594 : vector<1x16xf32> to vector<16xf32>
      %mul3A_1596 = arith.mulf %get3A_1590, %get3A_1595 : vector<16xf32>
      %swap3A_1597 = arith.constant 92 : i32
      %swap3A_1598 = arith.index_cast %swap3A_1597 : i32 to index
      %swap3A_1599 = arith.constant 0 : index
      %swap3A_1600 = tpu.vector_load %arg11[%swap3A_1598, %swap3A_1599] {strides = array<i32>} : memref<128x128xf32, #tpu.memory_space<vmem>>, vector<1x16xf32>,
      %swap3A_1601 = vector.shape_cast %swap3A_1600 : vector<1x16xf32> to vector<16xf32>
      %swap3A_1602 = vector.shape_cast %mul3A_1596 : vector<16xf32> to vector<1x16xf32>
      tpu.vector_store %arg11[%swap3A_1598, %swap3A_1599], %swap3A_1602 {strides = array<i32>} : memref<128x128xf32, #tpu.memory_space<vmem>>, vector<1x16xf32>,
      %get3A_1603 = arith.constant 93 : i32
      %get3A_1604 = arith.index_cast %get3A_1603 : i32 to index
      %get3A_1605 = arith.constant 0 : index
      %get3A_1606 = tpu.vector_load %arg11[%get3A_1604, %get3A_1605] {strides = array<i32>} : memref<128x128xf32, #tpu.memory_space<vmem>>, vector<1x16xf32>,
      %get3A_1607 = vector.shape_cast %get3A_1606 : vector<1x16xf32> to vector<16xf32>
      %get3A_1608 = arith.constant 93 : i32
      %get3A_1609 = arith.index_cast %get3A_1608 : i32 to index
      %get3A_1610 = arith.constant 0 : index
      %get3A_1611 = tpu.vector_load %arg10[%get3A_1609, %get3A_1610] {strides = array<i32>} : memref<128x16xf32, #tpu.memory_space<vmem>>, vector<1x16xf32>,
      %get3A_1612 = vector.shape_cast %get3A_1611 : vector<1x16xf32> to vector<16xf32>
      %mul3A_1613 = arith.mulf %get3A_1607, %get3A_1612 : vector<16xf32>
      %swap3A_1614 = arith.constant 93 : i32
      %swap3A_1615 = arith.index_cast %swap3A_1614 : i32 to index
      %swap3A_1616 = arith.constant 0 : index
      %swap3A_1617 = tpu.vector_load %arg11[%swap3A_1615, %swap3A_1616] {strides = array<i32>} : memref<128x128xf32, #tpu.memory_space<vmem>>, vector<1x16xf32>,
      %swap3A_1618 = vector.shape_cast %swap3A_1617 : vector<1x16xf32> to vector<16xf32>
      %swap3A_1619 = vector.shape_cast %mul3A_1613 : vector<16xf32> to vector<1x16xf32>
      tpu.vector_store %arg11[%swap3A_1615, %swap3A_1616], %swap3A_1619 {strides = array<i32>} : memref<128x128xf32, #tpu.memory_space<vmem>>, vector<1x16xf32>,
      %get3A_1620 = arith.constant 94 : i32
      %get3A_1621 = arith.index_cast %get3A_1620 : i32 to index
      %get3A_1622 = arith.constant 0 : index
      %get3A_1623 = tpu.vector_load %arg11[%get3A_1621, %get3A_1622] {strides = array<i32>} : memref<128x128xf32, #tpu.memory_space<vmem>>, vector<1x16xf32>,
      %get3A_1624 = vector.shape_cast %get3A_1623 : vector<1x16xf32> to vector<16xf32>
      %get3A_1625 = arith.constant 94 : i32
      %get3A_1626 = arith.index_cast %get3A_1625 : i32 to index
      %get3A_1627 = arith.constant 0 : index
      %get3A_1628 = tpu.vector_load %arg10[%get3A_1626, %get3A_1627] {strides = array<i32>} : memref<128x16xf32, #tpu.memory_space<vmem>>, vector<1x16xf32>,
      %get3A_1629 = vector.shape_cast %get3A_1628 : vector<1x16xf32> to vector<16xf32>
      %mul3A_1630 = arith.mulf %get3A_1624, %get3A_1629 : vector<16xf32>
      %swap3A_1631 = arith.constant 94 : i32
      %swap3A_1632 = arith.index_cast %swap3A_1631 : i32 to index
      %swap3A_1633 = arith.constant 0 : index
      %swap3A_1634 = tpu.vector_load %arg11[%swap3A_1632, %swap3A_1633] {strides = array<i32>} : memref<128x128xf32, #tpu.memory_space<vmem>>, vector<1x16xf32>,
      %swap3A_1635 = vector.shape_cast %swap3A_1634 : vector<1x16xf32> to vector<16xf32>
      %swap3A_1636 = vector.shape_cast %mul3A_1630 : vector<16xf32> to vector<1x16xf32>
      tpu.vector_store %arg11[%swap3A_1632, %swap3A_1633], %swap3A_1636 {strides = array<i32>} : memref<128x128xf32, #tpu.memory_space<vmem>>, vector<1x16xf32>,
      %get3A_1637 = arith.constant 95 : i32
      %get3A_1638 = arith.index_cast %get3A_1637 : i32 to index
      %get3A_1639 = arith.constant 0 : index
      %get3A_1640 = tpu.vector_load %arg11[%get3A_1638, %get3A_1639] {strides = array<i32>} : memref<128x128xf32, #tpu.memory_space<vmem>>, vector<1x16xf32>,
      %get3A_1641 = vector.shape_cast %get3A_1640 : vector<1x16xf32> to vector<16xf32>
      %get3A_1642 = arith.constant 95 : i32
      %get3A_1643 = arith.index_cast %get3A_1642 : i32 to index
      %get3A_1644 = arith.constant 0 : index
      %get3A_1645 = tpu.vector_load %arg10[%get3A_1643, %get3A_1644] {strides = array<i32>} : memref<128x16xf32, #tpu.memory_space<vmem>>, vector<1x16xf32>,
      %get3A_1646 = vector.shape_cast %get3A_1645 : vector<1x16xf32> to vector<16xf32>
      %mul3A_1647 = arith.mulf %get3A_1641, %get3A_1646 : vector<16xf32>
      %swap3A_1648 = arith.constant 95 : i32
      %swap3A_1649 = arith.index_cast %swap3A_1648 : i32 to index
      %swap3A_1650 = arith.constant 0 : index
      %swap3A_1651 = tpu.vector_load %arg11[%swap3A_1649, %swap3A_1650] {strides = array<i32>} : memref<128x128xf32, #tpu.memory_space<vmem>>, vector<1x16xf32>,
      %swap3A_1652 = vector.shape_cast %swap3A_1651 : vector<1x16xf32> to vector<16xf32>
      %swap3A_1653 = vector.shape_cast %mul3A_1647 : vector<16xf32> to vector<1x16xf32>
      tpu.vector_store %arg11[%swap3A_1649, %swap3A_1650], %swap3A_1653 {strides = array<i32>} : memref<128x128xf32, #tpu.memory_space<vmem>>, vector<1x16xf32>,
      %get3A_1654 = arith.constant 96 : i32
      %get3A_1655 = arith.index_cast %get3A_1654 : i32 to index
      %get3A_1656 = arith.constant 0 : index
      %get3A_1657 = tpu.vector_load %arg11[%get3A_1655, %get3A_1656] {strides = array<i32>} : memref<128x128xf32, #tpu.memory_space<vmem>>, vector<1x16xf32>,
      %get3A_1658 = vector.shape_cast %get3A_1657 : vector<1x16xf32> to vector<16xf32>
      %get3A_1659 = arith.constant 96 : i32
      %get3A_1660 = arith.index_cast %get3A_1659 : i32 to index
      %get3A_1661 = arith.constant 0 : index
      %get3A_1662 = tpu.vector_load %arg10[%get3A_1660, %get3A_1661] {strides = array<i32>} : memref<128x16xf32, #tpu.memory_space<vmem>>, vector<1x16xf32>,
      %get3A_1663 = vector.shape_cast %get3A_1662 : vector<1x16xf32> to vector<16xf32>
      %mul3A_1664 = arith.mulf %get3A_1658, %get3A_1663 : vector<16xf32>
      %swap3A_1665 = arith.constant 96 : i32
      %swap3A_1666 = arith.index_cast %swap3A_1665 : i32 to index
      %swap3A_1667 = arith.constant 0 : index
      %swap3A_1668 = tpu.vector_load %arg11[%swap3A_1666, %swap3A_1667] {strides = array<i32>} : memref<128x128xf32, #tpu.memory_space<vmem>>, vector<1x16xf32>,
      %swap3A_1669 = vector.shape_cast %swap3A_1668 : vector<1x16xf32> to vector<16xf32>
      %swap3A_1670 = vector.shape_cast %mul3A_1664 : vector<16xf32> to vector<1x16xf32>
      tpu.vector_store %arg11[%swap3A_1666, %swap3A_1667], %swap3A_1670 {strides = array<i32>} : memref<128x128xf32, #tpu.memory_space<vmem>>, vector<1x16xf32>,
      %get3A_1671 = arith.constant 97 : i32
      %get3A_1672 = arith.index_cast %get3A_1671 : i32 to index
      %get3A_1673 = arith.constant 0 : index
      %get3A_1674 = tpu.vector_load %arg11[%get3A_1672, %get3A_1673] {strides = array<i32>} : memref<128x128xf32, #tpu.memory_space<vmem>>, vector<1x16xf32>,
      %get3A_1675 = vector.shape_cast %get3A_1674 : vector<1x16xf32> to vector<16xf32>
      %get3A_1676 = arith.constant 97 : i32
      %get3A_1677 = arith.index_cast %get3A_1676 : i32 to index
      %get3A_1678 = arith.constant 0 : index
      %get3A_1679 = tpu.vector_load %arg10[%get3A_1677, %get3A_1678] {strides = array<i32>} : memref<128x16xf32, #tpu.memory_space<vmem>>, vector<1x16xf32>,
      %get3A_1680 = vector.shape_cast %get3A_1679 : vector<1x16xf32> to vector<16xf32>
      %mul3A_1681 = arith.mulf %get3A_1675, %get3A_1680 : vector<16xf32>
      %swap3A_1682 = arith.constant 97 : i32
      %swap3A_1683 = arith.index_cast %swap3A_1682 : i32 to index
      %swap3A_1684 = arith.constant 0 : index
      %swap3A_1685 = tpu.vector_load %arg11[%swap3A_1683, %swap3A_1684] {strides = array<i32>} : memref<128x128xf32, #tpu.memory_space<vmem>>, vector<1x16xf32>,
      %swap3A_1686 = vector.shape_cast %swap3A_1685 : vector<1x16xf32> to vector<16xf32>
      %swap3A_1687 = vector.shape_cast %mul3A_1681 : vector<16xf32> to vector<1x16xf32>
      tpu.vector_store %arg11[%swap3A_1683, %swap3A_1684], %swap3A_1687 {strides = array<i32>} : memref<128x128xf32, #tpu.memory_space<vmem>>, vector<1x16xf32>,
      %get3A_1688 = arith.constant 98 : i32
      %get3A_1689 = arith.index_cast %get3A_1688 : i32 to index
      %get3A_1690 = arith.constant 0 : index
      %get3A_1691 = tpu.vector_load %arg11[%get3A_1689, %get3A_1690] {strides = array<i32>} : memref<128x128xf32, #tpu.memory_space<vmem>>, vector<1x16xf32>,
      %get3A_1692 = vector.shape_cast %get3A_1691 : vector<1x16xf32> to vector<16xf32>
      %get3A_1693 = arith.constant 98 : i32
      %get3A_1694 = arith.index_cast %get3A_1693 : i32 to index
      %get3A_1695 = arith.constant 0 : index
      %get3A_1696 = tpu.vector_load %arg10[%get3A_1694, %get3A_1695] {strides = array<i32>} : memref<128x16xf32, #tpu.memory_space<vmem>>, vector<1x16xf32>,
      %get3A_1697 = vector.shape_cast %get3A_1696 : vector<1x16xf32> to vector<16xf32>
      %mul3A_1698 = arith.mulf %get3A_1692, %get3A_1697 : vector<16xf32>
      %swap3A_1699 = arith.constant 98 : i32
      %swap3A_1700 = arith.index_cast %swap3A_1699 : i32 to index
      %swap3A_1701 = arith.constant 0 : index
      %swap3A_1702 = tpu.vector_load %arg11[%swap3A_1700, %swap3A_1701] {strides = array<i32>} : memref<128x128xf32, #tpu.memory_space<vmem>>, vector<1x16xf32>,
      %swap3A_1703 = vector.shape_cast %swap3A_1702 : vector<1x16xf32> to vector<16xf32>
      %swap3A_1704 = vector.shape_cast %mul3A_1698 : vector<16xf32> to vector<1x16xf32>
      tpu.vector_store %arg11[%swap3A_1700, %swap3A_1701], %swap3A_1704 {strides = array<i32>} : memref<128x128xf32, #tpu.memory_space<vmem>>, vector<1x16xf32>,
      %get3A_1705 = arith.constant 99 : i32
      %get3A_1706 = arith.index_cast %get3A_1705 : i32 to index
      %get3A_1707 = arith.constant 0 : index
      %get3A_1708 = tpu.vector_load %arg11[%get3A_1706, %get3A_1707] {strides = array<i32>} : memref<128x128xf32, #tpu.memory_space<vmem>>, vector<1x16xf32>,
      %get3A_1709 = vector.shape_cast %get3A_1708 : vector<1x16xf32> to vector<16xf32>
      %get3A_1710 = arith.constant 99 : i32
      %get3A_1711 = arith.index_cast %get3A_1710 : i32 to index
      %get3A_1712 = arith.constant 0 : index
      %get3A_1713 = tpu.vector_load %arg10[%get3A_1711, %get3A_1712] {strides = array<i32>} : memref<128x16xf32, #tpu.memory_space<vmem>>, vector<1x16xf32>,
      %get3A_1714 = vector.shape_cast %get3A_1713 : vector<1x16xf32> to vector<16xf32>
      %mul3A_1715 = arith.mulf %get3A_1709, %get3A_1714 : vector<16xf32>
      %swap3A_1716 = arith.constant 99 : i32
      %swap3A_1717 = arith.index_cast %swap3A_1716 : i32 to index
      %swap3A_1718 = arith.constant 0 : index
      %swap3A_1719 = tpu.vector_load %arg11[%swap3A_1717, %swap3A_1718] {strides = array<i32>} : memref<128x128xf32, #tpu.memory_space<vmem>>, vector<1x16xf32>,
      %swap3A_1720 = vector.shape_cast %swap3A_1719 : vector<1x16xf32> to vector<16xf32>
      %swap3A_1721 = vector.shape_cast %mul3A_1715 : vector<16xf32> to vector<1x16xf32>
      tpu.vector_store %arg11[%swap3A_1717, %swap3A_1718], %swap3A_1721 {strides = array<i32>} : memref<128x128xf32, #tpu.memory_space<vmem>>, vector<1x16xf32>,
      %get3A_1722 = arith.constant 100 : i32
      %get3A_1723 = arith.index_cast %get3A_1722 : i32 to index
      %get3A_1724 = arith.constant 0 : index
      %get3A_1725 = tpu.vector_load %arg11[%get3A_1723, %get3A_1724] {strides = array<i32>} : memref<128x128xf32, #tpu.memory_space<vmem>>, vector<1x16xf32>,
      %get3A_1726 = vector.shape_cast %get3A_1725 : vector<1x16xf32> to vector<16xf32>
      %get3A_1727 = arith.constant 100 : i32
      %get3A_1728 = arith.index_cast %get3A_1727 : i32 to index
      %get3A_1729 = arith.constant 0 : index
      %get3A_1730 = tpu.vector_load %arg10[%get3A_1728, %get3A_1729] {strides = array<i32>} : memref<128x16xf32, #tpu.memory_space<vmem>>, vector<1x16xf32>,
      %get3A_1731 = vector.shape_cast %get3A_1730 : vector<1x16xf32> to vector<16xf32>
      %mul3A_1732 = arith.mulf %get3A_1726, %get3A_1731 : vector<16xf32>
      %swap3A_1733 = arith.constant 100 : i32
      %swap3A_1734 = arith.index_cast %swap3A_1733 : i32 to index
      %swap3A_1735 = arith.constant 0 : index
      %swap3A_1736 = tpu.vector_load %arg11[%swap3A_1734, %swap3A_1735] {strides = array<i32>} : memref<128x128xf32, #tpu.memory_space<vmem>>, vector<1x16xf32>,
      %swap3A_1737 = vector.shape_cast %swap3A_1736 : vector<1x16xf32> to vector<16xf32>
      %swap3A_1738 = vector.shape_cast %mul3A_1732 : vector<16xf32> to vector<1x16xf32>
      tpu.vector_store %arg11[%swap3A_1734, %swap3A_1735], %swap3A_1738 {strides = array<i32>} : memref<128x128xf32, #tpu.memory_space<vmem>>, vector<1x16xf32>,
      %get3A_1739 = arith.constant 101 : i32
      %get3A_1740 = arith.index_cast %get3A_1739 : i32 to index
      %get3A_1741 = arith.constant 0 : index
      %get3A_1742 = tpu.vector_load %arg11[%get3A_1740, %get3A_1741] {strides = array<i32>} : memref<128x128xf32, #tpu.memory_space<vmem>>, vector<1x16xf32>,
      %get3A_1743 = vector.shape_cast %get3A_1742 : vector<1x16xf32> to vector<16xf32>
      %get3A_1744 = arith.constant 101 : i32
      %get3A_1745 = arith.index_cast %get3A_1744 : i32 to index
      %get3A_1746 = arith.constant 0 : index
      %get3A_1747 = tpu.vector_load %arg10[%get3A_1745, %get3A_1746] {strides = array<i32>} : memref<128x16xf32, #tpu.memory_space<vmem>>, vector<1x16xf32>,
      %get3A_1748 = vector.shape_cast %get3A_1747 : vector<1x16xf32> to vector<16xf32>
      %mul3A_1749 = arith.mulf %get3A_1743, %get3A_1748 : vector<16xf32>
      %swap3A_1750 = arith.constant 101 : i32
      %swap3A_1751 = arith.index_cast %swap3A_1750 : i32 to index
      %swap3A_1752 = arith.constant 0 : index
      %swap3A_1753 = tpu.vector_load %arg11[%swap3A_1751, %swap3A_1752] {strides = array<i32>} : memref<128x128xf32, #tpu.memory_space<vmem>>, vector<1x16xf32>,
      %swap3A_1754 = vector.shape_cast %swap3A_1753 : vector<1x16xf32> to vector<16xf32>
      %swap3A_1755 = vector.shape_cast %mul3A_1749 : vector<16xf32> to vector<1x16xf32>
      tpu.vector_store %arg11[%swap3A_1751, %swap3A_1752], %swap3A_1755 {strides = array<i32>} : memref<128x128xf32, #tpu.memory_space<vmem>>, vector<1x16xf32>,
      %get3A_1756 = arith.constant 102 : i32
      %get3A_1757 = arith.index_cast %get3A_1756 : i32 to index
      %get3A_1758 = arith.constant 0 : index
      %get3A_1759 = tpu.vector_load %arg11[%get3A_1757, %get3A_1758] {strides = array<i32>} : memref<128x128xf32, #tpu.memory_space<vmem>>, vector<1x16xf32>,
      %get3A_1760 = vector.shape_cast %get3A_1759 : vector<1x16xf32> to vector<16xf32>
      %get3A_1761 = arith.constant 102 : i32
      %get3A_1762 = arith.index_cast %get3A_1761 : i32 to index
      %get3A_1763 = arith.constant 0 : index
      %get3A_1764 = tpu.vector_load %arg10[%get3A_1762, %get3A_1763] {strides = array<i32>} : memref<128x16xf32, #tpu.memory_space<vmem>>, vector<1x16xf32>,
      %get3A_1765 = vector.shape_cast %get3A_1764 : vector<1x16xf32> to vector<16xf32>
      %mul3A_1766 = arith.mulf %get3A_1760, %get3A_1765 : vector<16xf32>
      %swap3A_1767 = arith.constant 102 : i32
      %swap3A_1768 = arith.index_cast %swap3A_1767 : i32 to index
      %swap3A_1769 = arith.constant 0 : index
      %swap3A_1770 = tpu.vector_load %arg11[%swap3A_1768, %swap3A_1769] {strides = array<i32>} : memref<128x128xf32, #tpu.memory_space<vmem>>, vector<1x16xf32>,
      %swap3A_1771 = vector.shape_cast %swap3A_1770 : vector<1x16xf32> to vector<16xf32>
      %swap3A_1772 = vector.shape_cast %mul3A_1766 : vector<16xf32> to vector<1x16xf32>
      tpu.vector_store %arg11[%swap3A_1768, %swap3A_1769], %swap3A_1772 {strides = array<i32>} : memref<128x128xf32, #tpu.memory_space<vmem>>, vector<1x16xf32>,
      %get3A_1773 = arith.constant 103 : i32
      %get3A_1774 = arith.index_cast %get3A_1773 : i32 to index
      %get3A_1775 = arith.constant 0 : index
      %get3A_1776 = tpu.vector_load %arg11[%get3A_1774, %get3A_1775] {strides = array<i32>} : memref<128x128xf32, #tpu.memory_space<vmem>>, vector<1x16xf32>,
      %get3A_1777 = vector.shape_cast %get3A_1776 : vector<1x16xf32> to vector<16xf32>
      %get3A_1778 = arith.constant 103 : i32
      %get3A_1779 = arith.index_cast %get3A_1778 : i32 to index
      %get3A_1780 = arith.constant 0 : index
      %get3A_1781 = tpu.vector_load %arg10[%get3A_1779, %get3A_1780] {strides = array<i32>} : memref<128x16xf32, #tpu.memory_space<vmem>>, vector<1x16xf32>,
      %get3A_1782 = vector.shape_cast %get3A_1781 : vector<1x16xf32> to vector<16xf32>
      %mul3A_1783 = arith.mulf %get3A_1777, %get3A_1782 : vector<16xf32>
      %swap3A_1784 = arith.constant 103 : i32
      %swap3A_1785 = arith.index_cast %swap3A_1784 : i32 to index
      %swap3A_1786 = arith.constant 0 : index
      %swap3A_1787 = tpu.vector_load %arg11[%swap3A_1785, %swap3A_1786] {strides = array<i32>} : memref<128x128xf32, #tpu.memory_space<vmem>>, vector<1x16xf32>,
      %swap3A_1788 = vector.shape_cast %swap3A_1787 : vector<1x16xf32> to vector<16xf32>
      %swap3A_1789 = vector.shape_cast %mul3A_1783 : vector<16xf32> to vector<1x16xf32>
      tpu.vector_store %arg11[%swap3A_1785, %swap3A_1786], %swap3A_1789 {strides = array<i32>} : memref<128x128xf32, #tpu.memory_space<vmem>>, vector<1x16xf32>,
      %get3A_1790 = arith.constant 104 : i32
      %get3A_1791 = arith.index_cast %get3A_1790 : i32 to index
      %get3A_1792 = arith.constant 0 : index
      %get3A_1793 = tpu.vector_load %arg11[%get3A_1791, %get3A_1792] {strides = array<i32>} : memref<128x128xf32, #tpu.memory_space<vmem>>, vector<1x16xf32>,
      %get3A_1794 = vector.shape_cast %get3A_1793 : vector<1x16xf32> to vector<16xf32>
      %get3A_1795 = arith.constant 104 : i32
      %get3A_1796 = arith.index_cast %get3A_1795 : i32 to index
      %get3A_1797 = arith.constant 0 : index
      %get3A_1798 = tpu.vector_load %arg10[%get3A_1796, %get3A_1797] {strides = array<i32>} : memref<128x16xf32, #tpu.memory_space<vmem>>, vector<1x16xf32>,
      %get3A_1799 = vector.shape_cast %get3A_1798 : vector<1x16xf32> to vector<16xf32>
      %mul3A_1800 = arith.mulf %get3A_1794, %get3A_1799 : vector<16xf32>
      %swap3A_1801 = arith.constant 104 : i32
      %swap3A_1802 = arith.index_cast %swap3A_1801 : i32 to index
      %swap3A_1803 = arith.constant 0 : index
      %swap3A_1804 = tpu.vector_load %arg11[%swap3A_1802, %swap3A_1803] {strides = array<i32>} : memref<128x128xf32, #tpu.memory_space<vmem>>, vector<1x16xf32>,
      %swap3A_1805 = vector.shape_cast %swap3A_1804 : vector<1x16xf32> to vector<16xf32>
      %swap3A_1806 = vector.shape_cast %mul3A_1800 : vector<16xf32> to vector<1x16xf32>
      tpu.vector_store %arg11[%swap3A_1802, %swap3A_1803], %swap3A_1806 {strides = array<i32>} : memref<128x128xf32, #tpu.memory_space<vmem>>, vector<1x16xf32>,
      %get3A_1807 = arith.constant 105 : i32
      %get3A_1808 = arith.index_cast %get3A_1807 : i32 to index
      %get3A_1809 = arith.constant 0 : index
      %get3A_1810 = tpu.vector_load %arg11[%get3A_1808, %get3A_1809] {strides = array<i32>} : memref<128x128xf32, #tpu.memory_space<vmem>>, vector<1x16xf32>,
      %get3A_1811 = vector.shape_cast %get3A_1810 : vector<1x16xf32> to vector<16xf32>
      %get3A_1812 = arith.constant 105 : i32
      %get3A_1813 = arith.index_cast %get3A_1812 : i32 to index
      %get3A_1814 = arith.constant 0 : index
      %get3A_1815 = tpu.vector_load %arg10[%get3A_1813, %get3A_1814] {strides = array<i32>} : memref<128x16xf32, #tpu.memory_space<vmem>>, vector<1x16xf32>,
      %get3A_1816 = vector.shape_cast %get3A_1815 : vector<1x16xf32> to vector<16xf32>
      %mul3A_1817 = arith.mulf %get3A_1811, %get3A_1816 : vector<16xf32>
      %swap3A_1818 = arith.constant 105 : i32
      %swap3A_1819 = arith.index_cast %swap3A_1818 : i32 to index
      %swap3A_1820 = arith.constant 0 : index
      %swap3A_1821 = tpu.vector_load %arg11[%swap3A_1819, %swap3A_1820] {strides = array<i32>} : memref<128x128xf32, #tpu.memory_space<vmem>>, vector<1x16xf32>,
      %swap3A_1822 = vector.shape_cast %swap3A_1821 : vector<1x16xf32> to vector<16xf32>
      %swap3A_1823 = vector.shape_cast %mul3A_1817 : vector<16xf32> to vector<1x16xf32>
      tpu.vector_store %arg11[%swap3A_1819, %swap3A_1820], %swap3A_1823 {strides = array<i32>} : memref<128x128xf32, #tpu.memory_space<vmem>>, vector<1x16xf32>,
      %get3A_1824 = arith.constant 106 : i32
      %get3A_1825 = arith.index_cast %get3A_1824 : i32 to index
      %get3A_1826 = arith.constant 0 : index
      %get3A_1827 = tpu.vector_load %arg11[%get3A_1825, %get3A_1826] {strides = array<i32>} : memref<128x128xf32, #tpu.memory_space<vmem>>, vector<1x16xf32>,
      %get3A_1828 = vector.shape_cast %get3A_1827 : vector<1x16xf32> to vector<16xf32>
      %get3A_1829 = arith.constant 106 : i32
      %get3A_1830 = arith.index_cast %get3A_1829 : i32 to index
      %get3A_1831 = arith.constant 0 : index
      %get3A_1832 = tpu.vector_load %arg10[%get3A_1830, %get3A_1831] {strides = array<i32>} : memref<128x16xf32, #tpu.memory_space<vmem>>, vector<1x16xf32>,
      %get3A_1833 = vector.shape_cast %get3A_1832 : vector<1x16xf32> to vector<16xf32>
      %mul3A_1834 = arith.mulf %get3A_1828, %get3A_1833 : vector<16xf32>
      %swap3A_1835 = arith.constant 106 : i32
      %swap3A_1836 = arith.index_cast %swap3A_1835 : i32 to index
      %swap3A_1837 = arith.constant 0 : index
      %swap3A_1838 = tpu.vector_load %arg11[%swap3A_1836, %swap3A_1837] {strides = array<i32>} : memref<128x128xf32, #tpu.memory_space<vmem>>, vector<1x16xf32>,
      %swap3A_1839 = vector.shape_cast %swap3A_1838 : vector<1x16xf32> to vector<16xf32>
      %swap3A_1840 = vector.shape_cast %mul3A_1834 : vector<16xf32> to vector<1x16xf32>
      tpu.vector_store %arg11[%swap3A_1836, %swap3A_1837], %swap3A_1840 {strides = array<i32>} : memref<128x128xf32, #tpu.memory_space<vmem>>, vector<1x16xf32>,
      %get3A_1841 = arith.constant 107 : i32
      %get3A_1842 = arith.index_cast %get3A_1841 : i32 to index
      %get3A_1843 = arith.constant 0 : index
      %get3A_1844 = tpu.vector_load %arg11[%get3A_1842, %get3A_1843] {strides = array<i32>} : memref<128x128xf32, #tpu.memory_space<vmem>>, vector<1x16xf32>,
      %get3A_1845 = vector.shape_cast %get3A_1844 : vector<1x16xf32> to vector<16xf32>
      %get3A_1846 = arith.constant 107 : i32
      %get3A_1847 = arith.index_cast %get3A_1846 : i32 to index
      %get3A_1848 = arith.constant 0 : index
      %get3A_1849 = tpu.vector_load %arg10[%get3A_1847, %get3A_1848] {strides = array<i32>} : memref<128x16xf32, #tpu.memory_space<vmem>>, vector<1x16xf32>,
      %get3A_1850 = vector.shape_cast %get3A_1849 : vector<1x16xf32> to vector<16xf32>
      %mul3A_1851 = arith.mulf %get3A_1845, %get3A_1850 : vector<16xf32>
      %swap3A_1852 = arith.constant 107 : i32
      %swap3A_1853 = arith.index_cast %swap3A_1852 : i32 to index
      %swap3A_1854 = arith.constant 0 : index
      %swap3A_1855 = tpu.vector_load %arg11[%swap3A_1853, %swap3A_1854] {strides = array<i32>} : memref<128x128xf32, #tpu.memory_space<vmem>>, vector<1x16xf32>,
      %swap3A_1856 = vector.shape_cast %swap3A_1855 : vector<1x16xf32> to vector<16xf32>
      %swap3A_1857 = vector.shape_cast %mul3A_1851 : vector<16xf32> to vector<1x16xf32>
      tpu.vector_store %arg11[%swap3A_1853, %swap3A_1854], %swap3A_1857 {strides = array<i32>} : memref<128x128xf32, #tpu.memory_space<vmem>>, vector<1x16xf32>,
      %get3A_1858 = arith.constant 108 : i32
      %get3A_1859 = arith.index_cast %get3A_1858 : i32 to index
      %get3A_1860 = arith.constant 0 : index
      %get3A_1861 = tpu.vector_load %arg11[%get3A_1859, %get3A_1860] {strides = array<i32>} : memref<128x128xf32, #tpu.memory_space<vmem>>, vector<1x16xf32>,
      %get3A_1862 = vector.shape_cast %get3A_1861 : vector<1x16xf32> to vector<16xf32>
      %get3A_1863 = arith.constant 108 : i32
      %get3A_1864 = arith.index_cast %get3A_1863 : i32 to index
      %get3A_1865 = arith.constant 0 : index
      %get3A_1866 = tpu.vector_load %arg10[%get3A_1864, %get3A_1865] {strides = array<i32>} : memref<128x16xf32, #tpu.memory_space<vmem>>, vector<1x16xf32>,
      %get3A_1867 = vector.shape_cast %get3A_1866 : vector<1x16xf32> to vector<16xf32>
      %mul3A_1868 = arith.mulf %get3A_1862, %get3A_1867 : vector<16xf32>
      %swap3A_1869 = arith.constant 108 : i32
      %swap3A_1870 = arith.index_cast %swap3A_1869 : i32 to index
      %swap3A_1871 = arith.constant 0 : index
      %swap3A_1872 = tpu.vector_load %arg11[%swap3A_1870, %swap3A_1871] {strides = array<i32>} : memref<128x128xf32, #tpu.memory_space<vmem>>, vector<1x16xf32>,
      %swap3A_1873 = vector.shape_cast %swap3A_1872 : vector<1x16xf32> to vector<16xf32>
      %swap3A_1874 = vector.shape_cast %mul3A_1868 : vector<16xf32> to vector<1x16xf32>
      tpu.vector_store %arg11[%swap3A_1870, %swap3A_1871], %swap3A_1874 {strides = array<i32>} : memref<128x128xf32, #tpu.memory_space<vmem>>, vector<1x16xf32>,
      %get3A_1875 = arith.constant 109 : i32
      %get3A_1876 = arith.index_cast %get3A_1875 : i32 to index
      %get3A_1877 = arith.constant 0 : index
      %get3A_1878 = tpu.vector_load %arg11[%get3A_1876, %get3A_1877] {strides = array<i32>} : memref<128x128xf32, #tpu.memory_space<vmem>>, vector<1x16xf32>,
      %get3A_1879 = vector.shape_cast %get3A_1878 : vector<1x16xf32> to vector<16xf32>
      %get3A_1880 = arith.constant 109 : i32
      %get3A_1881 = arith.index_cast %get3A_1880 : i32 to index
      %get3A_1882 = arith.constant 0 : index
      %get3A_1883 = tpu.vector_load %arg10[%get3A_1881, %get3A_1882] {strides = array<i32>} : memref<128x16xf32, #tpu.memory_space<vmem>>, vector<1x16xf32>,
      %get3A_1884 = vector.shape_cast %get3A_1883 : vector<1x16xf32> to vector<16xf32>
      %mul3A_1885 = arith.mulf %get3A_1879, %get3A_1884 : vector<16xf32>
      %swap3A_1886 = arith.constant 109 : i32
      %swap3A_1887 = arith.index_cast %swap3A_1886 : i32 to index
      %swap3A_1888 = arith.constant 0 : index
      %swap3A_1889 = tpu.vector_load %arg11[%swap3A_1887, %swap3A_1888] {strides = array<i32>} : memref<128x128xf32, #tpu.memory_space<vmem>>, vector<1x16xf32>,
      %swap3A_1890 = vector.shape_cast %swap3A_1889 : vector<1x16xf32> to vector<16xf32>
      %swap3A_1891 = vector.shape_cast %mul3A_1885 : vector<16xf32> to vector<1x16xf32>
      tpu.vector_store %arg11[%swap3A_1887, %swap3A_1888], %swap3A_1891 {strides = array<i32>} : memref<128x128xf32, #tpu.memory_space<vmem>>, vector<1x16xf32>,
      %get3A_1892 = arith.constant 110 : i32
      %get3A_1893 = arith.index_cast %get3A_1892 : i32 to index
      %get3A_1894 = arith.constant 0 : index
      %get3A_1895 = tpu.vector_load %arg11[%get3A_1893, %get3A_1894] {strides = array<i32>} : memref<128x128xf32, #tpu.memory_space<vmem>>, vector<1x16xf32>,
      %get3A_1896 = vector.shape_cast %get3A_1895 : vector<1x16xf32> to vector<16xf32>
      %get3A_1897 = arith.constant 110 : i32
      %get3A_1898 = arith.index_cast %get3A_1897 : i32 to index
      %get3A_1899 = arith.constant 0 : index
      %get3A_1900 = tpu.vector_load %arg10[%get3A_1898, %get3A_1899] {strides = array<i32>} : memref<128x16xf32, #tpu.memory_space<vmem>>, vector<1x16xf32>,
      %get3A_1901 = vector.shape_cast %get3A_1900 : vector<1x16xf32> to vector<16xf32>
      %mul3A_1902 = arith.mulf %get3A_1896, %get3A_1901 : vector<16xf32>
      %swap3A_1903 = arith.constant 110 : i32
      %swap3A_1904 = arith.index_cast %swap3A_1903 : i32 to index
      %swap3A_1905 = arith.constant 0 : index
      %swap3A_1906 = tpu.vector_load %arg11[%swap3A_1904, %swap3A_1905] {strides = array<i32>} : memref<128x128xf32, #tpu.memory_space<vmem>>, vector<1x16xf32>,
      %swap3A_1907 = vector.shape_cast %swap3A_1906 : vector<1x16xf32> to vector<16xf32>
      %swap3A_1908 = vector.shape_cast %mul3A_1902 : vector<16xf32> to vector<1x16xf32>
      tpu.vector_store %arg11[%swap3A_1904, %swap3A_1905], %swap3A_1908 {strides = array<i32>} : memref<128x128xf32, #tpu.memory_space<vmem>>, vector<1x16xf32>,
      %get3A_1909 = arith.constant 111 : i32
      %get3A_1910 = arith.index_cast %get3A_1909 : i32 to index
      %get3A_1911 = arith.constant 0 : index
      %get3A_1912 = tpu.vector_load %arg11[%get3A_1910, %get3A_1911] {strides = array<i32>} : memref<128x128xf32, #tpu.memory_space<vmem>>, vector<1x16xf32>,
      %get3A_1913 = vector.shape_cast %get3A_1912 : vector<1x16xf32> to vector<16xf32>
      %get3A_1914 = arith.constant 111 : i32
      %get3A_1915 = arith.index_cast %get3A_1914 : i32 to index
      %get3A_1916 = arith.constant 0 : index
      %get3A_1917 = tpu.vector_load %arg10[%get3A_1915, %get3A_1916] {strides = array<i32>} : memref<128x16xf32, #tpu.memory_space<vmem>>, vector<1x16xf32>,
      %get3A_1918 = vector.shape_cast %get3A_1917 : vector<1x16xf32> to vector<16xf32>
      %mul3A_1919 = arith.mulf %get3A_1913, %get3A_1918 : vector<16xf32>
      %swap3A_1920 = arith.constant 111 : i32
      %swap3A_1921 = arith.index_cast %swap3A_1920 : i32 to index
      %swap3A_1922 = arith.constant 0 : index
      %swap3A_1923 = tpu.vector_load %arg11[%swap3A_1921, %swap3A_1922] {strides = array<i32>} : memref<128x128xf32, #tpu.memory_space<vmem>>, vector<1x16xf32>,
      %swap3A_1924 = vector.shape_cast %swap3A_1923 : vector<1x16xf32> to vector<16xf32>
      %swap3A_1925 = vector.shape_cast %mul3A_1919 : vector<16xf32> to vector<1x16xf32>
      tpu.vector_store %arg11[%swap3A_1921, %swap3A_1922], %swap3A_1925 {strides = array<i32>} : memref<128x128xf32, #tpu.memory_space<vmem>>, vector<1x16xf32>,
      %get3A_1926 = arith.constant 112 : i32
      %get3A_1927 = arith.index_cast %get3A_1926 : i32 to index
      %get3A_1928 = arith.constant 0 : index
      %get3A_1929 = tpu.vector_load %arg11[%get3A_1927, %get3A_1928] {strides = array<i32>} : memref<128x128xf32, #tpu.memory_space<vmem>>, vector<1x16xf32>,
      %get3A_1930 = vector.shape_cast %get3A_1929 : vector<1x16xf32> to vector<16xf32>
      %get3A_1931 = arith.constant 112 : i32
      %get3A_1932 = arith.index_cast %get3A_1931 : i32 to index
      %get3A_1933 = arith.constant 0 : index
      %get3A_1934 = tpu.vector_load %arg10[%get3A_1932, %get3A_1933] {strides = array<i32>} : memref<128x16xf32, #tpu.memory_space<vmem>>, vector<1x16xf32>,
      %get3A_1935 = vector.shape_cast %get3A_1934 : vector<1x16xf32> to vector<16xf32>
      %mul3A_1936 = arith.mulf %get3A_1930, %get3A_1935 : vector<16xf32>
      %swap3A_1937 = arith.constant 112 : i32
      %swap3A_1938 = arith.index_cast %swap3A_1937 : i32 to index
      %swap3A_1939 = arith.constant 0 : index
      %swap3A_1940 = tpu.vector_load %arg11[%swap3A_1938, %swap3A_1939] {strides = array<i32>} : memref<128x128xf32, #tpu.memory_space<vmem>>, vector<1x16xf32>,
      %swap3A_1941 = vector.shape_cast %swap3A_1940 : vector<1x16xf32> to vector<16xf32>
      %swap3A_1942 = vector.shape_cast %mul3A_1936 : vector<16xf32> to vector<1x16xf32>
      tpu.vector_store %arg11[%swap3A_1938, %swap3A_1939], %swap3A_1942 {strides = array<i32>} : memref<128x128xf32, #tpu.memory_space<vmem>>, vector<1x16xf32>,
      %get3A_1943 = arith.constant 113 : i32
      %get3A_1944 = arith.index_cast %get3A_1943 : i32 to index
      %get3A_1945 = arith.constant 0 : index
      %get3A_1946 = tpu.vector_load %arg11[%get3A_1944, %get3A_1945] {strides = array<i32>} : memref<128x128xf32, #tpu.memory_space<vmem>>, vector<1x16xf32>,
      %get3A_1947 = vector.shape_cast %get3A_1946 : vector<1x16xf32> to vector<16xf32>
      %get3A_1948 = arith.constant 113 : i32
      %get3A_1949 = arith.index_cast %get3A_1948 : i32 to index
      %get3A_1950 = arith.constant 0 : index
      %get3A_1951 = tpu.vector_load %arg10[%get3A_1949, %get3A_1950] {strides = array<i32>} : memref<128x16xf32, #tpu.memory_space<vmem>>, vector<1x16xf32>,
      %get3A_1952 = vector.shape_cast %get3A_1951 : vector<1x16xf32> to vector<16xf32>
      %mul3A_1953 = arith.mulf %get3A_1947, %get3A_1952 : vector<16xf32>
      %swap3A_1954 = arith.constant 113 : i32
      %swap3A_1955 = arith.index_cast %swap3A_1954 : i32 to index
      %swap3A_1956 = arith.constant 0 : index
      %swap3A_1957 = tpu.vector_load %arg11[%swap3A_1955, %swap3A_1956] {strides = array<i32>} : memref<128x128xf32, #tpu.memory_space<vmem>>, vector<1x16xf32>,
      %swap3A_1958 = vector.shape_cast %swap3A_1957 : vector<1x16xf32> to vector<16xf32>
      %swap3A_1959 = vector.shape_cast %mul3A_1953 : vector<16xf32> to vector<1x16xf32>
      tpu.vector_store %arg11[%swap3A_1955, %swap3A_1956], %swap3A_1959 {strides = array<i32>} : memref<128x128xf32, #tpu.memory_space<vmem>>, vector<1x16xf32>,
      %get3A_1960 = arith.constant 114 : i32
      %get3A_1961 = arith.index_cast %get3A_1960 : i32 to index
      %get3A_1962 = arith.constant 0 : index
      %get3A_1963 = tpu.vector_load %arg11[%get3A_1961, %get3A_1962] {strides = array<i32>} : memref<128x128xf32, #tpu.memory_space<vmem>>, vector<1x16xf32>,
      %get3A_1964 = vector.shape_cast %get3A_1963 : vector<1x16xf32> to vector<16xf32>
      %get3A_1965 = arith.constant 114 : i32
      %get3A_1966 = arith.index_cast %get3A_1965 : i32 to index
      %get3A_1967 = arith.constant 0 : index
      %get3A_1968 = tpu.vector_load %arg10[%get3A_1966, %get3A_1967] {strides = array<i32>} : memref<128x16xf32, #tpu.memory_space<vmem>>, vector<1x16xf32>,
      %get3A_1969 = vector.shape_cast %get3A_1968 : vector<1x16xf32> to vector<16xf32>
      %mul3A_1970 = arith.mulf %get3A_1964, %get3A_1969 : vector<16xf32>
      %swap3A_1971 = arith.constant 114 : i32
      %swap3A_1972 = arith.index_cast %swap3A_1971 : i32 to index
      %swap3A_1973 = arith.constant 0 : index
      %swap3A_1974 = tpu.vector_load %arg11[%swap3A_1972, %swap3A_1973] {strides = array<i32>} : memref<128x128xf32, #tpu.memory_space<vmem>>, vector<1x16xf32>,
      %swap3A_1975 = vector.shape_cast %swap3A_1974 : vector<1x16xf32> to vector<16xf32>
      %swap3A_1976 = vector.shape_cast %mul3A_1970 : vector<16xf32> to vector<1x16xf32>
      tpu.vector_store %arg11[%swap3A_1972, %swap3A_1973], %swap3A_1976 {strides = array<i32>} : memref<128x128xf32, #tpu.memory_space<vmem>>, vector<1x16xf32>,
      %get3A_1977 = arith.constant 115 : i32
      %get3A_1978 = arith.index_cast %get3A_1977 : i32 to index
      %get3A_1979 = arith.constant 0 : index
      %get3A_1980 = tpu.vector_load %arg11[%get3A_1978, %get3A_1979] {strides = array<i32>} : memref<128x128xf32, #tpu.memory_space<vmem>>, vector<1x16xf32>,
      %get3A_1981 = vector.shape_cast %get3A_1980 : vector<1x16xf32> to vector<16xf32>
      %get3A_1982 = arith.constant 115 : i32
      %get3A_1983 = arith.index_cast %get3A_1982 : i32 to index
      %get3A_1984 = arith.constant 0 : index
      %get3A_1985 = tpu.vector_load %arg10[%get3A_1983, %get3A_1984] {strides = array<i32>} : memref<128x16xf32, #tpu.memory_space<vmem>>, vector<1x16xf32>,
      %get3A_1986 = vector.shape_cast %get3A_1985 : vector<1x16xf32> to vector<16xf32>
      %mul3A_1987 = arith.mulf %get3A_1981, %get3A_1986 : vector<16xf32>
      %swap3A_1988 = arith.constant 115 : i32
      %swap3A_1989 = arith.index_cast %swap3A_1988 : i32 to index
      %swap3A_1990 = arith.constant 0 : index
      %swap3A_1991 = tpu.vector_load %arg11[%swap3A_1989, %swap3A_1990] {strides = array<i32>} : memref<128x128xf32, #tpu.memory_space<vmem>>, vector<1x16xf32>,
      %swap3A_1992 = vector.shape_cast %swap3A_1991 : vector<1x16xf32> to vector<16xf32>
      %swap3A_1993 = vector.shape_cast %mul3A_1987 : vector<16xf32> to vector<1x16xf32>
      tpu.vector_store %arg11[%swap3A_1989, %swap3A_1990], %swap3A_1993 {strides = array<i32>} : memref<128x128xf32, #tpu.memory_space<vmem>>, vector<1x16xf32>,
      %get3A_1994 = arith.constant 116 : i32
      %get3A_1995 = arith.index_cast %get3A_1994 : i32 to index
      %get3A_1996 = arith.constant 0 : index
      %get3A_1997 = tpu.vector_load %arg11[%get3A_1995, %get3A_1996] {strides = array<i32>} : memref<128x128xf32, #tpu.memory_space<vmem>>, vector<1x16xf32>,
      %get3A_1998 = vector.shape_cast %get3A_1997 : vector<1x16xf32> to vector<16xf32>
      %get3A_1999 = arith.constant 116 : i32
      %get3A_2000 = arith.index_cast %get3A_1999 : i32 to index
      %get3A_2001 = arith.constant 0 : index
      %get3A_2002 = tpu.vector_load %arg10[%get3A_2000, %get3A_2001] {strides = array<i32>} : memref<128x16xf32, #tpu.memory_space<vmem>>, vector<1x16xf32>,
      %get3A_2003 = vector.shape_cast %get3A_2002 : vector<1x16xf32> to vector<16xf32>
      %mul3A_2004 = arith.mulf %get3A_1998, %get3A_2003 : vector<16xf32>
      %swap3A_2005 = arith.constant 116 : i32
      %swap3A_2006 = arith.index_cast %swap3A_2005 : i32 to index
      %swap3A_2007 = arith.constant 0 : index
      %swap3A_2008 = tpu.vector_load %arg11[%swap3A_2006, %swap3A_2007] {strides = array<i32>} : memref<128x128xf32, #tpu.memory_space<vmem>>, vector<1x16xf32>,
      %swap3A_2009 = vector.shape_cast %swap3A_2008 : vector<1x16xf32> to vector<16xf32>
      %swap3A_2010 = vector.shape_cast %mul3A_2004 : vector<16xf32> to vector<1x16xf32>
      tpu.vector_store %arg11[%swap3A_2006, %swap3A_2007], %swap3A_2010 {strides = array<i32>} : memref<128x128xf32, #tpu.memory_space<vmem>>, vector<1x16xf32>,
      %get3A_2011 = arith.constant 117 : i32
      %get3A_2012 = arith.index_cast %get3A_2011 : i32 to index
      %get3A_2013 = arith.constant 0 : index
      %get3A_2014 = tpu.vector_load %arg11[%get3A_2012, %get3A_2013] {strides = array<i32>} : memref<128x128xf32, #tpu.memory_space<vmem>>, vector<1x16xf32>,
      %get3A_2015 = vector.shape_cast %get3A_2014 : vector<1x16xf32> to vector<16xf32>
      %get3A_2016 = arith.constant 117 : i32
      %get3A_2017 = arith.index_cast %get3A_2016 : i32 to index
      %get3A_2018 = arith.constant 0 : index
      %get3A_2019 = tpu.vector_load %arg10[%get3A_2017, %get3A_2018] {strides = array<i32>} : memref<128x16xf32, #tpu.memory_space<vmem>>, vector<1x16xf32>,
      %get3A_2020 = vector.shape_cast %get3A_2019 : vector<1x16xf32> to vector<16xf32>
      %mul3A_2021 = arith.mulf %get3A_2015, %get3A_2020 : vector<16xf32>
      %swap3A_2022 = arith.constant 117 : i32
      %swap3A_2023 = arith.index_cast %swap3A_2022 : i32 to index
      %swap3A_2024 = arith.constant 0 : index
      %swap3A_2025 = tpu.vector_load %arg11[%swap3A_2023, %swap3A_2024] {strides = array<i32>} : memref<128x128xf32, #tpu.memory_space<vmem>>, vector<1x16xf32>,
      %swap3A_2026 = vector.shape_cast %swap3A_2025 : vector<1x16xf32> to vector<16xf32>
      %swap3A_2027 = vector.shape_cast %mul3A_2021 : vector<16xf32> to vector<1x16xf32>
      tpu.vector_store %arg11[%swap3A_2023, %swap3A_2024], %swap3A_2027 {strides = array<i32>} : memref<128x128xf32, #tpu.memory_space<vmem>>, vector<1x16xf32>,
      %get3A_2028 = arith.constant 118 : i32
      %get3A_2029 = arith.index_cast %get3A_2028 : i32 to index
      %get3A_2030 = arith.constant 0 : index
      %get3A_2031 = tpu.vector_load %arg11[%get3A_2029, %get3A_2030] {strides = array<i32>} : memref<128x128xf32, #tpu.memory_space<vmem>>, vector<1x16xf32>,
      %get3A_2032 = vector.shape_cast %get3A_2031 : vector<1x16xf32> to vector<16xf32>
      %get3A_2033 = arith.constant 118 : i32
      %get3A_2034 = arith.index_cast %get3A_2033 : i32 to index
      %get3A_2035 = arith.constant 0 : index
      %get3A_2036 = tpu.vector_load %arg10[%get3A_2034, %get3A_2035] {strides = array<i32>} : memref<128x16xf32, #tpu.memory_space<vmem>>, vector<1x16xf32>,
      %get3A_2037 = vector.shape_cast %get3A_2036 : vector<1x16xf32> to vector<16xf32>
      %mul3A_2038 = arith.mulf %get3A_2032, %get3A_2037 : vector<16xf32>
      %swap3A_2039 = arith.constant 118 : i32
      %swap3A_2040 = arith.index_cast %swap3A_2039 : i32 to index
      %swap3A_2041 = arith.constant 0 : index
      %swap3A_2042 = tpu.vector_load %arg11[%swap3A_2040, %swap3A_2041] {strides = array<i32>} : memref<128x128xf32, #tpu.memory_space<vmem>>, vector<1x16xf32>,
      %swap3A_2043 = vector.shape_cast %swap3A_2042 : vector<1x16xf32> to vector<16xf32>
      %swap3A_2044 = vector.shape_cast %mul3A_2038 : vector<16xf32> to vector<1x16xf32>
      tpu.vector_store %arg11[%swap3A_2040, %swap3A_2041], %swap3A_2044 {strides = array<i32>} : memref<128x128xf32, #tpu.memory_space<vmem>>, vector<1x16xf32>,
      %get3A_2045 = arith.constant 119 : i32
      %get3A_2046 = arith.index_cast %get3A_2045 : i32 to index
      %get3A_2047 = arith.constant 0 : index
      %get3A_2048 = tpu.vector_load %arg11[%get3A_2046, %get3A_2047] {strides = array<i32>} : memref<128x128xf32, #tpu.memory_space<vmem>>, vector<1x16xf32>,
      %get3A_2049 = vector.shape_cast %get3A_2048 : vector<1x16xf32> to vector<16xf32>
      %get3A_2050 = arith.constant 119 : i32
      %get3A_2051 = arith.index_cast %get3A_2050 : i32 to index
      %get3A_2052 = arith.constant 0 : index
      %get3A_2053 = tpu.vector_load %arg10[%get3A_2051, %get3A_2052] {strides = array<i32>} : memref<128x16xf32, #tpu.memory_space<vmem>>, vector<1x16xf32>,
      %get3A_2054 = vector.shape_cast %get3A_2053 : vector<1x16xf32> to vector<16xf32>
      %mul3A_2055 = arith.mulf %get3A_2049, %get3A_2054 : vector<16xf32>
      %swap3A_2056 = arith.constant 119 : i32
      %swap3A_2057 = arith.index_cast %swap3A_2056 : i32 to index
      %swap3A_2058 = arith.constant 0 : index
      %swap3A_2059 = tpu.vector_load %arg11[%swap3A_2057, %swap3A_2058] {strides = array<i32>} : memref<128x128xf32, #tpu.memory_space<vmem>>, vector<1x16xf32>,
      %swap3A_2060 = vector.shape_cast %swap3A_2059 : vector<1x16xf32> to vector<16xf32>
      %swap3A_2061 = vector.shape_cast %mul3A_2055 : vector<16xf32> to vector<1x16xf32>
      tpu.vector_store %arg11[%swap3A_2057, %swap3A_2058], %swap3A_2061 {strides = array<i32>} : memref<128x128xf32, #tpu.memory_space<vmem>>, vector<1x16xf32>,
      %get3A_2062 = arith.constant 120 : i32
      %get3A_2063 = arith.index_cast %get3A_2062 : i32 to index
      %get3A_2064 = arith.constant 0 : index
      %get3A_2065 = tpu.vector_load %arg11[%get3A_2063, %get3A_2064] {strides = array<i32>} : memref<128x128xf32, #tpu.memory_space<vmem>>, vector<1x16xf32>,
      %get3A_2066 = vector.shape_cast %get3A_2065 : vector<1x16xf32> to vector<16xf32>
      %get3A_2067 = arith.constant 120 : i32
      %get3A_2068 = arith.index_cast %get3A_2067 : i32 to index
      %get3A_2069 = arith.constant 0 : index
      %get3A_2070 = tpu.vector_load %arg10[%get3A_2068, %get3A_2069] {strides = array<i32>} : memref<128x16xf32, #tpu.memory_space<vmem>>, vector<1x16xf32>,
      %get3A_2071 = vector.shape_cast %get3A_2070 : vector<1x16xf32> to vector<16xf32>
      %mul3A_2072 = arith.mulf %get3A_2066, %get3A_2071 : vector<16xf32>
      %swap3A_2073 = arith.constant 120 : i32
      %swap3A_2074 = arith.index_cast %swap3A_2073 : i32 to index
      %swap3A_2075 = arith.constant 0 : index
      %swap3A_2076 = tpu.vector_load %arg11[%swap3A_2074, %swap3A_2075] {strides = array<i32>} : memref<128x128xf32, #tpu.memory_space<vmem>>, vector<1x16xf32>,
      %swap3A_2077 = vector.shape_cast %swap3A_2076 : vector<1x16xf32> to vector<16xf32>
      %swap3A_2078 = vector.shape_cast %mul3A_2072 : vector<16xf32> to vector<1x16xf32>
      tpu.vector_store %arg11[%swap3A_2074, %swap3A_2075], %swap3A_2078 {strides = array<i32>} : memref<128x128xf32, #tpu.memory_space<vmem>>, vector<1x16xf32>,
      %get3A_2079 = arith.constant 121 : i32
      %get3A_2080 = arith.index_cast %get3A_2079 : i32 to index
      %get3A_2081 = arith.constant 0 : index
      %get3A_2082 = tpu.vector_load %arg11[%get3A_2080, %get3A_2081] {strides = array<i32>} : memref<128x128xf32, #tpu.memory_space<vmem>>, vector<1x16xf32>,
      %get3A_2083 = vector.shape_cast %get3A_2082 : vector<1x16xf32> to vector<16xf32>
      %get3A_2084 = arith.constant 121 : i32
      %get3A_2085 = arith.index_cast %get3A_2084 : i32 to index
      %get3A_2086 = arith.constant 0 : index
      %get3A_2087 = tpu.vector_load %arg10[%get3A_2085, %get3A_2086] {strides = array<i32>} : memref<128x16xf32, #tpu.memory_space<vmem>>, vector<1x16xf32>,
      %get3A_2088 = vector.shape_cast %get3A_2087 : vector<1x16xf32> to vector<16xf32>
      %mul3A_2089 = arith.mulf %get3A_2083, %get3A_2088 : vector<16xf32>
      %swap3A_2090 = arith.constant 121 : i32
      %swap3A_2091 = arith.index_cast %swap3A_2090 : i32 to index
      %swap3A_2092 = arith.constant 0 : index
      %swap3A_2093 = tpu.vector_load %arg11[%swap3A_2091, %swap3A_2092] {strides = array<i32>} : memref<128x128xf32, #tpu.memory_space<vmem>>, vector<1x16xf32>,
      %swap3A_2094 = vector.shape_cast %swap3A_2093 : vector<1x16xf32> to vector<16xf32>
      %swap3A_2095 = vector.shape_cast %mul3A_2089 : vector<16xf32> to vector<1x16xf32>
      tpu.vector_store %arg11[%swap3A_2091, %swap3A_2092], %swap3A_2095 {strides = array<i32>} : memref<128x128xf32, #tpu.memory_space<vmem>>, vector<1x16xf32>,
      %get3A_2096 = arith.constant 122 : i32
      %get3A_2097 = arith.index_cast %get3A_2096 : i32 to index
      %get3A_2098 = arith.constant 0 : index
      %get3A_2099 = tpu.vector_load %arg11[%get3A_2097, %get3A_2098] {strides = array<i32>} : memref<128x128xf32, #tpu.memory_space<vmem>>, vector<1x16xf32>,
      %get3A_2100 = vector.shape_cast %get3A_2099 : vector<1x16xf32> to vector<16xf32>
      %get3A_2101 = arith.constant 122 : i32
      %get3A_2102 = arith.index_cast %get3A_2101 : i32 to index
      %get3A_2103 = arith.constant 0 : index
      %get3A_2104 = tpu.vector_load %arg10[%get3A_2102, %get3A_2103] {strides = array<i32>} : memref<128x16xf32, #tpu.memory_space<vmem>>, vector<1x16xf32>,
      %get3A_2105 = vector.shape_cast %get3A_2104 : vector<1x16xf32> to vector<16xf32>
      %mul3A_2106 = arith.mulf %get3A_2100, %get3A_2105 : vector<16xf32>
      %swap3A_2107 = arith.constant 122 : i32
      %swap3A_2108 = arith.index_cast %swap3A_2107 : i32 to index
      %swap3A_2109 = arith.constant 0 : index
      %swap3A_2110 = tpu.vector_load %arg11[%swap3A_2108, %swap3A_2109] {strides = array<i32>} : memref<128x128xf32, #tpu.memory_space<vmem>>, vector<1x16xf32>,
      %swap3A_2111 = vector.shape_cast %swap3A_2110 : vector<1x16xf32> to vector<16xf32>
      %swap3A_2112 = vector.shape_cast %mul3A_2106 : vector<16xf32> to vector<1x16xf32>
      tpu.vector_store %arg11[%swap3A_2108, %swap3A_2109], %swap3A_2112 {strides = array<i32>} : memref<128x128xf32, #tpu.memory_space<vmem>>, vector<1x16xf32>,
      %get3A_2113 = arith.constant 123 : i32
      %get3A_2114 = arith.index_cast %get3A_2113 : i32 to index
      %get3A_2115 = arith.constant 0 : index
      %get3A_2116 = tpu.vector_load %arg11[%get3A_2114, %get3A_2115] {strides = array<i32>} : memref<128x128xf32, #tpu.memory_space<vmem>>, vector<1x16xf32>,
      %get3A_2117 = vector.shape_cast %get3A_2116 : vector<1x16xf32> to vector<16xf32>
      %get3A_2118 = arith.constant 123 : i32
      %get3A_2119 = arith.index_cast %get3A_2118 : i32 to index
      %get3A_2120 = arith.constant 0 : index
      %get3A_2121 = tpu.vector_load %arg10[%get3A_2119, %get3A_2120] {strides = array<i32>} : memref<128x16xf32, #tpu.memory_space<vmem>>, vector<1x16xf32>,
      %get3A_2122 = vector.shape_cast %get3A_2121 : vector<1x16xf32> to vector<16xf32>
      %mul3A_2123 = arith.mulf %get3A_2117, %get3A_2122 : vector<16xf32>
      %swap3A_2124 = arith.constant 123 : i32
      %swap3A_2125 = arith.index_cast %swap3A_2124 : i32 to index
      %swap3A_2126 = arith.constant 0 : index
      %swap3A_2127 = tpu.vector_load %arg11[%swap3A_2125, %swap3A_2126] {strides = array<i32>} : memref<128x128xf32, #tpu.memory_space<vmem>>, vector<1x16xf32>,
      %swap3A_2128 = vector.shape_cast %swap3A_2127 : vector<1x16xf32> to vector<16xf32>
      %swap3A_2129 = vector.shape_cast %mul3A_2123 : vector<16xf32> to vector<1x16xf32>
      tpu.vector_store %arg11[%swap3A_2125, %swap3A_2126], %swap3A_2129 {strides = array<i32>} : memref<128x128xf32, #tpu.memory_space<vmem>>, vector<1x16xf32>,
      %get3A_2130 = arith.constant 124 : i32
      %get3A_2131 = arith.index_cast %get3A_2130 : i32 to index
      %get3A_2132 = arith.constant 0 : index
      %get3A_2133 = tpu.vector_load %arg11[%get3A_2131, %get3A_2132] {strides = array<i32>} : memref<128x128xf32, #tpu.memory_space<vmem>>, vector<1x16xf32>,
      %get3A_2134 = vector.shape_cast %get3A_2133 : vector<1x16xf32> to vector<16xf32>
      %get3A_2135 = arith.constant 124 : i32
      %get3A_2136 = arith.index_cast %get3A_2135 : i32 to index
      %get3A_2137 = arith.constant 0 : index
      %get3A_2138 = tpu.vector_load %arg10[%get3A_2136, %get3A_2137] {strides = array<i32>} : memref<128x16xf32, #tpu.memory_space<vmem>>, vector<1x16xf32>,
      %get3A_2139 = vector.shape_cast %get3A_2138 : vector<1x16xf32> to vector<16xf32>
      %mul3A_2140 = arith.mulf %get3A_2134, %get3A_2139 : vector<16xf32>
      %swap3A_2141 = arith.constant 124 : i32
      %swap3A_2142 = arith.index_cast %swap3A_2141 : i32 to index
      %swap3A_2143 = arith.constant 0 : index
      %swap3A_2144 = tpu.vector_load %arg11[%swap3A_2142, %swap3A_2143] {strides = array<i32>} : memref<128x128xf32, #tpu.memory_space<vmem>>, vector<1x16xf32>,
      %swap3A_2145 = vector.shape_cast %swap3A_2144 : vector<1x16xf32> to vector<16xf32>
      %swap3A_2146 = vector.shape_cast %mul3A_2140 : vector<16xf32> to vector<1x16xf32>
      tpu.vector_store %arg11[%swap3A_2142, %swap3A_2143], %swap3A_2146 {strides = array<i32>} : memref<128x128xf32, #tpu.memory_space<vmem>>, vector<1x16xf32>,
      %get3A_2147 = arith.constant 125 : i32
      %get3A_2148 = arith.index_cast %get3A_2147 : i32 to index
      %get3A_2149 = arith.constant 0 : index
      %get3A_2150 = tpu.vector_load %arg11[%get3A_2148, %get3A_2149] {strides = array<i32>} : memref<128x128xf32, #tpu.memory_space<vmem>>, vector<1x16xf32>,
      %get3A_2151 = vector.shape_cast %get3A_2150 : vector<1x16xf32> to vector<16xf32>
      %get3A_2152 = arith.constant 125 : i32
      %get3A_2153 = arith.index_cast %get3A_2152 : i32 to index
      %get3A_2154 = arith.constant 0 : index
      %get3A_2155 = tpu.vector_load %arg10[%get3A_2153, %get3A_2154] {strides = array<i32>} : memref<128x16xf32, #tpu.memory_space<vmem>>, vector<1x16xf32>,
      %get3A_2156 = vector.shape_cast %get3A_2155 : vector<1x16xf32> to vector<16xf32>
      %mul3A_2157 = arith.mulf %get3A_2151, %get3A_2156 : vector<16xf32>
      %swap3A_2158 = arith.constant 125 : i32
      %swap3A_2159 = arith.index_cast %swap3A_2158 : i32 to index
      %swap3A_2160 = arith.constant 0 : index
      %swap3A_2161 = tpu.vector_load %arg11[%swap3A_2159, %swap3A_2160] {strides = array<i32>} : memref<128x128xf32, #tpu.memory_space<vmem>>, vector<1x16xf32>,
      %swap3A_2162 = vector.shape_cast %swap3A_2161 : vector<1x16xf32> to vector<16xf32>
      %swap3A_2163 = vector.shape_cast %mul3A_2157 : vector<16xf32> to vector<1x16xf32>
      tpu.vector_store %arg11[%swap3A_2159, %swap3A_2160], %swap3A_2163 {strides = array<i32>} : memref<128x128xf32, #tpu.memory_space<vmem>>, vector<1x16xf32>,
      %get3A_2164 = arith.constant 126 : i32
      %get3A_2165 = arith.index_cast %get3A_2164 : i32 to index
      %get3A_2166 = arith.constant 0 : index
      %get3A_2167 = tpu.vector_load %arg11[%get3A_2165, %get3A_2166] {strides = array<i32>} : memref<128x128xf32, #tpu.memory_space<vmem>>, vector<1x16xf32>,
      %get3A_2168 = vector.shape_cast %get3A_2167 : vector<1x16xf32> to vector<16xf32>
      %get3A_2169 = arith.constant 126 : i32
      %get3A_2170 = arith.index_cast %get3A_2169 : i32 to index
      %get3A_2171 = arith.constant 0 : index
      %get3A_2172 = tpu.vector_load %arg10[%get3A_2170, %get3A_2171] {strides = array<i32>} : memref<128x16xf32, #tpu.memory_space<vmem>>, vector<1x16xf32>,
      %get3A_2173 = vector.shape_cast %get3A_2172 : vector<1x16xf32> to vector<16xf32>
      %mul3A_2174 = arith.mulf %get3A_2168, %get3A_2173 : vector<16xf32>
      %swap3A_2175 = arith.constant 126 : i32
      %swap3A_2176 = arith.index_cast %swap3A_2175 : i32 to index
      %swap3A_2177 = arith.constant 0 : index
      %swap3A_2178 = tpu.vector_load %arg11[%swap3A_2176, %swap3A_2177] {strides = array<i32>} : memref<128x128xf32, #tpu.memory_space<vmem>>, vector<1x16xf32>,
      %swap3A_2179 = vector.shape_cast %swap3A_2178 : vector<1x16xf32> to vector<16xf32>
      %swap3A_2180 = vector.shape_cast %mul3A_2174 : vector<16xf32> to vector<1x16xf32>
      tpu.vector_store %arg11[%swap3A_2176, %swap3A_2177], %swap3A_2180 {strides = array<i32>} : memref<128x128xf32, #tpu.memory_space<vmem>>, vector<1x16xf32>,
      %get3A_2181 = arith.constant 127 : i32
      %get3A_2182 = arith.index_cast %get3A_2181 : i32 to index
      %get3A_2183 = arith.constant 0 : index
      %get3A_2184 = tpu.vector_load %arg11[%get3A_2182, %get3A_2183] {strides = array<i32>} : memref<128x128xf32, #tpu.memory_space<vmem>>, vector<1x16xf32>,
      %get3A_2185 = vector.shape_cast %get3A_2184 : vector<1x16xf32> to vector<16xf32>
      %get3A_2186 = arith.constant 127 : i32
      %get3A_2187 = arith.index_cast %get3A_2186 : i32 to index
      %get3A_2188 = arith.constant 0 : index
      %get3A_2189 = tpu.vector_load %arg10[%get3A_2187, %get3A_2188] {strides = array<i32>} : memref<128x16xf32, #tpu.memory_space<vmem>>, vector<1x16xf32>,
      %get3A_2190 = vector.shape_cast %get3A_2189 : vector<1x16xf32> to vector<16xf32>
      %mul3A_2191 = arith.mulf %get3A_2185, %get3A_2190 : vector<16xf32>
      %swap3A_2192 = arith.constant 127 : i32
      %swap3A_2193 = arith.index_cast %swap3A_2192 : i32 to index
      %swap3A_2194 = arith.constant 0 : index
      %swap3A_2195 = tpu.vector_load %arg11[%swap3A_2193, %swap3A_2194] {strides = array<i32>} : memref<128x128xf32, #tpu.memory_space<vmem>>, vector<1x16xf32>,
      %swap3A_2196 = vector.shape_cast %swap3A_2195 : vector<1x16xf32> to vector<16xf32>
      %swap3A_2197 = vector.shape_cast %mul3A_2191 : vector<16xf32> to vector<1x16xf32>
      tpu.vector_store %arg11[%swap3A_2193, %swap3A_2194], %swap3A_2197 {strides = array<i32>} : memref<128x128xf32, #tpu.memory_space<vmem>>, vector<1x16xf32>,
      "tpu.region"() ({
        %run_scoped3A = tpu.sem_alloc : memref<!tpu.dma_semaphore, #tpu.memory_space<semaphore_mem>>
        %dma_start3A_2198 = arith.constant 0 : i32
        %dma_start3A_2199 = tpu.memref_slice %arg9[%scan3A_16, %dma_start3A_2198] : memref<79x128xi32, #tpu.memory_space<vmem>> -> memref<1x128xi32, #tpu.memory_space<vmem>>
        %dma_start3A_2200 = tpu.memref_squeeze %dma_start3A_2199 : memref<1x128xi32, #tpu.memory_space<vmem>> -> memref<128xi32, #tpu.memory_space<vmem>>
        %dma_start3A_2201 = arith.constant 0 : i32
        %dma_start3A_2202 = arith.constant 0 : i32
        %dma_start3A_2203 = tpu.memref_slice %arg12[%dma_start3A_2201, %dma_start3A_2202] : memref<10240x128xf32, #tpu.memory_space<vmem_shared>> -> memref<10240x128xf32, #tpu.memory_space<vmem_shared>>
        tpu.enqueue_indirect_dma source(%arg11 : memref<128x128xf32, #tpu.memory_space<vmem>>) target(%dma_start3A_2203 : memref<10240x128xf32, #tpu.memory_space<vmem_shared>>) offsets(%dma_start3A_2200 : memref<128xi32, #tpu.memory_space<vmem>>) semaphore(%run_scoped3A : memref<!tpu.dma_semaphore, #tpu.memory_space<semaphore_mem>>) {add = true}
        %dma_wait3A_2204 = arith.constant 0 : i32
        %dma_wait3A_2205 = tpu.memref_slice %arg9[%scan3A_16, %dma_wait3A_2204] : memref<79x128xi32, #tpu.memory_space<vmem>> -> memref<1x128xi32, #tpu.memory_space<vmem>>
        %dma_wait3A_2206 = tpu.memref_squeeze %dma_wait3A_2205 : memref<1x128xi32, #tpu.memory_space<vmem>> -> memref<128xi32, #tpu.memory_space<vmem>>
        %dma_wait3A_2207 = arith.constant 0 : i32
        %dma_wait3A_2208 = arith.constant 0 : i32
        %dma_wait3A_2209 = tpu.memref_slice %arg12[%dma_wait3A_2207, %dma_wait3A_2208] : memref<10240x128xf32, #tpu.memory_space<vmem_shared>> -> memref<10240x128xf32, #tpu.memory_space<vmem_shared>>
        tpu.wait_indirect_dma semaphore(%run_scoped3A : memref<!tpu.dma_semaphore, #tpu.memory_space<semaphore_mem>>) src(%arg11 : memref<128x128xf32, #tpu.memory_space<vmem>>) dst(%dma_wait3A_2209 : memref<10240x128xf32, #tpu.memory_space<vmem_shared>>)
        tpu.yield
      }) : () -> ()
    }
    %scan3A_9 = arith.constant 79 : i32
    %barrier3A_10 = arith.constant 0 : index
    tpu.barrier barrier_id(%barrier3A_10)
    %eq3A_11 = arith.constant 0 : i32
    %eq3A_12 = arith.cmpi eq, %arg1, %eq3A_11 : i32
    %convert_element_type3A_13 = arith.extui %eq3A_12 : i1 to i32
    %cond3A_14 = arith.constant 0 : i32
    %cond3A_15 = arith.cmpi ne, %convert_element_type3A_13, %cond3A_14 : i32
    scf.if %cond3A_15 {
      "tpu.region"() ({
        %run_scoped3A = tpu.sem_alloc : memref<!tpu.dma_semaphore, #tpu.memory_space<semaphore_mem>>
        %dma_start3A = arith.constant 0 : i32
        %dma_start3A_16 = arith.constant 0 : i32
        %dma_start3A_17 = tpu.memref_slice %arg7[%arg0, %dma_start3A, %dma_start3A_16] : memref<2x10240x128xf32, #tpu.memory_space<hbm>> -> memref<1x10240x128xf32, #tpu.memory_space<hbm>>
        %dma_start3A_18 = tpu.memref_squeeze %dma_start3A_17 : memref<1x10240x128xf32, #tpu.memory_space<hbm>> -> memref<10240x128xf32, #tpu.memory_space<hbm>>
        tpu.enqueue_dma source(%arg12 : memref<10240x128xf32, #tpu.memory_space<vmem_shared>>) target(%dma_start3A_18 : memref<10240x128xf32, #tpu.memory_space<hbm>>) target_semaphore(%run_scoped3A : memref<!tpu.dma_semaphore, #tpu.memory_space<semaphore_mem>>)
        %dma_wait3A = arith.constant 0 : i32
        %dma_wait3A_19 = arith.constant 0 : i32
        %dma_wait3A_20 = tpu.memref_slice %arg7[%arg0, %dma_wait3A, %dma_wait3A_19] : memref<2x10240x128xf32, #tpu.memory_space<hbm>> -> memref<1x10240x128xf32, #tpu.memory_space<hbm>>
        %dma_wait3A_21 = tpu.memref_squeeze %dma_wait3A_20 : memref<1x10240x128xf32, #tpu.memory_space<hbm>> -> memref<10240x128xf32, #tpu.memory_space<hbm>>
        tpu.wait_dma2 semaphore(%run_scoped3A : memref<!tpu.dma_semaphore, #tpu.memory_space<semaphore_mem>>) src(%arg12 : memref<10240x128xf32, #tpu.memory_space<vmem_shared>>) dst(%dma_wait3A_21 : memref<10240x128xf32, #tpu.memory_space<hbm>>)
        tpu.yield
      }) : () -> ()
    } else {
    }
    return
  }
}

module attributes {stable_mosaic.version = 14 : i64} {
  func.func @body(%arg0: i32, %arg1: memref<1024x128xf32, #tpu.memory_space<vmem>>, %arg2: memref<128x128xf32, #tpu.memory_space<vmem>>, %arg3: memref<1024x128xf32, #tpu.memory_space<vmem>>) attributes {dimension_semantics = [#tpu.dimension_semantics<arbitrary>], iteration_bounds = array<i64: 10>, scalar_prefetch = 0 : i64, scratch_operands = 0 : i64, tpu.core_type = #tpu.core_type<tc>, window_params = [{transform_indices = @transform_0, window_bounds = array<i64: 1024, 128>}, {pipeline_mode = #tpu.pipeline_mode<synchronous>, transform_indices = @transform_1, window_bounds = array<i64: 128, 128>}, {transform_indices = @transform_2, window_bounds = array<i64: 1024, 128>}]} {
    %get3A = arith.constant 0 : index
    %get3A_0 = arith.constant 0 : index
    %get3A_1 = vector.load %arg1[%get3A, %get3A_0] : memref<1024x128xf32, #tpu.memory_space<vmem>>, vector<1024x128xf32>
    %get3A_2 = arith.constant 0 : index
    %get3A_3 = arith.constant 0 : index
    %get3A_4 = vector.load %arg2[%get3A_2, %get3A_3] : memref<128x128xf32, #tpu.memory_space<vmem>>, vector<128x128xf32>
    %dot_general3A = arith.constant dense<0.000000e+00> : vector<1024x128xf32>
    %dot_general3A_5 = tpu.matmul %get3A_1, %get3A_4, %dot_general3A {dimension_numbers = #tpu.dot_dimension_numbers<[1], [0], [0], [1], [0, 0, 1, 1], [], []>, precision = #tpu.contract_precision<fp32>, transpose_lhs_hint = false} : vector<1024x128xf32>, vector<128x128xf32>, vector<1024x128xf32> -> vector<1024x128xf32>
    %swap3A = arith.constant 0 : index
    %swap3A_6 = arith.constant 0 : index
    %swap3A_7 = vector.load %arg3[%swap3A, %swap3A_6] : memref<1024x128xf32, #tpu.memory_space<vmem>>, vector<1024x128xf32>
    tpu.vector_store %arg3[%swap3A, %swap3A_6], %dot_general3A_5 {strides = array<i32>} : memref<1024x128xf32, #tpu.memory_space<vmem>>, vector<1024x128xf32>,
    return
  }
  func.func @transform_0(%arg0: i32) -> (i32, i32) {
    %c0_i32 = arith.constant 0 : i32
    %c0_i32_0 = arith.constant 0 : i32
    return %arg0, %c0_i32 : i32, i32
  }
  func.func @transform_1(%arg0: i32) -> (i32, i32) {
    %c0_i32 = arith.constant 0 : i32
    %c0_i32_0 = arith.constant 0 : i32
    %c0_i32_1 = arith.constant 0 : i32
    return %c0_i32, %c0_i32_0 : i32, i32
  }
  func.func @transform_2(%arg0: i32) -> (i32, i32) {
    %c0_i32 = arith.constant 0 : i32
    %c0_i32_0 = arith.constant 0 : i32
    return %arg0, %c0_i32 : i32, i32
  }
}

module attributes {stable_mosaic.version = 14 : i64} {
  func.func @body(%arg0: i32, %arg1: memref<1024x128xf32, #tpu.memory_space<vmem>>, %arg2: memref<1024x128xf32, #tpu.memory_space<vmem>>, %arg3: memref<1x128xf32, #tpu.memory_space<vmem>>, %arg4: memref<128x128xf32, #tpu.memory_space<vmem>>, %arg5: memref<1024x128xf32, #tpu.memory_space<vmem>>) attributes {dimension_semantics = [#tpu.dimension_semantics<arbitrary>], iteration_bounds = array<i64: 10>, scalar_prefetch = 0 : i64, scratch_operands = 0 : i64, tpu.core_type = #tpu.core_type<tc>, window_params = [{transform_indices = @transform_0, window_bounds = array<i64: 1024, 128>}, {transform_indices = @transform_1, window_bounds = array<i64: 1024, 128>}, {pipeline_mode = #tpu.pipeline_mode<synchronous>, transform_indices = @transform_2, window_bounds = array<i64: 1, 128>}, {pipeline_mode = #tpu.pipeline_mode<synchronous>, transform_indices = @transform_3, window_bounds = array<i64: 128, 128>}, {transform_indices = @transform_4, window_bounds = array<i64: 1024, 128>}]} {
    %get3A = arith.constant 0 : index
    %get3A_0 = arith.constant 0 : index
    %get3A_1 = vector.load %arg1[%get3A, %get3A_0] : memref<1024x128xf32, #tpu.memory_space<vmem>>, vector<1024x128xf32>
    %get3A_2 = arith.constant 0 : index
    %get3A_3 = arith.constant 0 : index
    %get3A_4 = vector.load %arg2[%get3A_2, %get3A_3] : memref<1024x128xf32, #tpu.memory_space<vmem>>, vector<1024x128xf32>
    %add3A = arith.addf %get3A_1, %get3A_4 : vector<1024x128xf32>
    %get3A_5 = arith.constant 0 : index
    %get3A_6 = arith.constant 0 : index
    %get3A_7 = vector.load %arg3[%get3A_5, %get3A_6] : memref<1x128xf32, #tpu.memory_space<vmem>>, vector<1x128xf32>
    %add3A_8 = vector.broadcast %get3A_7 : vector<1x128xf32> to vector<1024x128xf32>
    %add3A_9 = arith.addf %add3A, %add3A_8 : vector<1024x128xf32>
    %max3A = arith.constant 0.000000e+00 : f32
    %max3A_10 = vector.broadcast %max3A : f32 to vector<1024x128xf32>
    %max3A_11 = arith.maximumf %add3A_9, %max3A_10 : vector<1024x128xf32>
    %get3A_12 = arith.constant 0 : index
    %get3A_13 = arith.constant 0 : index
    %get3A_14 = vector.load %arg4[%get3A_12, %get3A_13] : memref<128x128xf32, #tpu.memory_space<vmem>>, vector<128x128xf32>
    %dot_general3A = arith.constant dense<0.000000e+00> : vector<1024x128xf32>
    %dot_general3A_15 = tpu.matmul %max3A_11, %get3A_14, %dot_general3A {dimension_numbers = #tpu.dot_dimension_numbers<[1], [0], [0], [1], [0, 0, 1, 1], [], []>, precision = #tpu.contract_precision<fp32>, transpose_lhs_hint = false} : vector<1024x128xf32>, vector<128x128xf32>, vector<1024x128xf32> -> vector<1024x128xf32>
    %swap3A = arith.constant 0 : index
    %swap3A_16 = arith.constant 0 : index
    %swap3A_17 = vector.load %arg5[%swap3A, %swap3A_16] : memref<1024x128xf32, #tpu.memory_space<vmem>>, vector<1024x128xf32>
    tpu.vector_store %arg5[%swap3A, %swap3A_16], %dot_general3A_15 {strides = array<i32>} : memref<1024x128xf32, #tpu.memory_space<vmem>>, vector<1024x128xf32>,
    return
  }
  func.func @transform_0(%arg0: i32) -> (i32, i32) {
    %c0_i32 = arith.constant 0 : i32
    %c0_i32_0 = arith.constant 0 : i32
    return %arg0, %c0_i32 : i32, i32
  }
  func.func @transform_1(%arg0: i32) -> (i32, i32) {
    %c0_i32 = arith.constant 0 : i32
    %c0_i32_0 = arith.constant 0 : i32
    return %arg0, %c0_i32 : i32, i32
  }
  func.func @transform_2(%arg0: i32) -> (i32, i32) {
    %c0_i32 = arith.constant 0 : i32
    %c0_i32_0 = arith.constant 0 : i32
    %c0_i32_1 = arith.constant 0 : i32
    return %c0_i32, %c0_i32_0 : i32, i32
  }
  func.func @transform_3(%arg0: i32) -> (i32, i32) {
    %c0_i32 = arith.constant 0 : i32
    %c0_i32_0 = arith.constant 0 : i32
    %c0_i32_1 = arith.constant 0 : i32
    return %c0_i32, %c0_i32_0 : i32, i32
  }
  func.func @transform_4(%arg0: i32) -> (i32, i32) {
    %c0_i32 = arith.constant 0 : i32
    %c0_i32_0 = arith.constant 0 : i32
    return %arg0, %c0_i32 : i32, i32
  }
}

module attributes {stable_mosaic.version = 14 : i64} {
  func.func @body(%arg0: i32, %arg1: memref<1000x16xf32, #tpu.memory_space<vmem>>, %arg2: memref<1000x16xf32, #tpu.memory_space<vmem>>, %arg3: memref<1x16xf32, #tpu.memory_space<vmem>>, %arg4: memref<1000x16xf32, #tpu.memory_space<vmem>>) attributes {dimension_semantics = [#tpu.dimension_semantics<arbitrary>], iteration_bounds = array<i64: 10>, scalar_prefetch = 0 : i64, scratch_operands = 0 : i64, tpu.core_type = #tpu.core_type<tc>, window_params = [{transform_indices = @transform_0, window_bounds = array<i64: 1000, 16>}, {transform_indices = @transform_1, window_bounds = array<i64: 1000, 16>}, {pipeline_mode = #tpu.pipeline_mode<synchronous>, transform_indices = @transform_2, window_bounds = array<i64: 1, 16>}, {transform_indices = @transform_3, window_bounds = array<i64: 1000, 16>}]} {
    %get3A = arith.constant 0 : index
    %get3A_0 = arith.constant 0 : index
    %get3A_1 = vector.load %arg1[%get3A, %get3A_0] : memref<1000x16xf32, #tpu.memory_space<vmem>>, vector<1000x16xf32>
    %get3A_2 = arith.constant 0 : index
    %get3A_3 = arith.constant 0 : index
    %get3A_4 = vector.load %arg2[%get3A_2, %get3A_3] : memref<1000x16xf32, #tpu.memory_space<vmem>>, vector<1000x16xf32>
    %add3A = arith.addf %get3A_1, %get3A_4 : vector<1000x16xf32>
    %get3A_5 = arith.constant 0 : index
    %get3A_6 = arith.constant 0 : index
    %get3A_7 = vector.load %arg3[%get3A_5, %get3A_6] : memref<1x16xf32, #tpu.memory_space<vmem>>, vector<1x16xf32>
    %add3A_8 = vector.broadcast %get3A_7 : vector<1x16xf32> to vector<1000x16xf32>
    %add3A_9 = arith.addf %add3A, %add3A_8 : vector<1000x16xf32>
    %reduce_max3A = arith.constant dense<0xFF800000> : vector<1000xf32>
    %reduce_max3A_10 = vector.multi_reduction <maximumf>, %add3A_9, %reduce_max3A [1] : vector<1000x16xf32> to vector<1000xf32>
    %broadcast_in_dim3A = vector.shape_cast %reduce_max3A_10 : vector<1000xf32> to vector<1000x1xf32>
    %sub3A = vector.broadcast %broadcast_in_dim3A : vector<1000x1xf32> to vector<1000x16xf32>
    %sub3A_11 = arith.subf %add3A_9, %sub3A : vector<1000x16xf32>
    %exp3A = math.exp %sub3A_11 : vector<1000x16xf32>
    %reduce_sum3A = arith.constant dense<0.000000e+00> : vector<1000xf32>
    %reduce_sum3A_12 = vector.multi_reduction <add>, %exp3A, %reduce_sum3A [1] : vector<1000x16xf32> to vector<1000xf32>
    %broadcast_in_dim3A_13 = vector.shape_cast %reduce_sum3A_12 : vector<1000xf32> to vector<1000x1xf32>
    %log3A = math.log %broadcast_in_dim3A_13 : vector<1000x1xf32>
    %sub3A_14 = vector.broadcast %broadcast_in_dim3A : vector<1000x1xf32> to vector<1000x16xf32>
    %sub3A_15 = arith.subf %add3A_9, %sub3A_14 : vector<1000x16xf32>
    %sub3A_16 = vector.broadcast %log3A : vector<1000x1xf32> to vector<1000x16xf32>
    %sub3A_17 = arith.subf %sub3A_15, %sub3A_16 : vector<1000x16xf32>
    %swap3A = arith.constant 0 : index
    %swap3A_18 = arith.constant 0 : index
    %swap3A_19 = vector.load %arg4[%swap3A, %swap3A_18] : memref<1000x16xf32, #tpu.memory_space<vmem>>, vector<1000x16xf32>
    tpu.vector_store %arg4[%swap3A, %swap3A_18], %sub3A_17 {strides = array<i32>} : memref<1000x16xf32, #tpu.memory_space<vmem>>, vector<1000x16xf32>,
    return
  }
  func.func @transform_0(%arg0: i32) -> (i32, i32) {
    %c0_i32 = arith.constant 0 : i32
    %c0_i32_0 = arith.constant 0 : i32
    return %arg0, %c0_i32 : i32, i32
  }
  func.func @transform_1(%arg0: i32) -> (i32, i32) {
    %c0_i32 = arith.constant 0 : i32
    %c0_i32_0 = arith.constant 0 : i32
    return %arg0, %c0_i32 : i32, i32
  }
  func.func @transform_2(%arg0: i32) -> (i32, i32) {
    %c0_i32 = arith.constant 0 : i32
    %c0_i32_0 = arith.constant 0 : i32
    %c0_i32_1 = arith.constant 0 : i32
    return %c0_i32, %c0_i32_0 : i32, i32
  }
  func.func @transform_3(%arg0: i32) -> (i32, i32) {
    %c0_i32 = arith.constant 0 : i32
    %c0_i32_0 = arith.constant 0 : i32
    return %arg0, %c0_i32 : i32, i32
  }
}

</mosaic_0001>

<sc_bundles>
// kernel: kernel.10.cloned.1.call-start
scs
__scs_entry_jumppad:
0x0: {  	(pc) =	sbr.rel $0x88, $3  }
0x1: {  	(tag) =	ssettag $0x0;
	lr =	simm.s32 $0x1  }
0x2: {  	[smem:$0x3F9A] =	sst lr;
	_ =	strace $0xD0000000  }
0x3: {  	_ = 	snop  }
0x4: {  	_ = 	snop  }
0x5: {  	_ = 	snop  }
0x6: {  	_ = 	snop  }
0x7: {  	_ = 	snop  }
__scs_overlays_trampoline_lowered:
0x8: {  	[smem:$0x3FA9] =	sst s0  }
0x9: {  	[smem:$0x3FAA] =	sst s1  }
0xa: {  	[smem:$0x3FAB] =	sst s2  }
0xb: {  	[smem:$0x3FAC] =	sst s3  }
0xc: {  	[smem:$0x3FAD] =	sst s4  }
0xd: {  	[smem:$0x3FAE] =	sst s5  }
0xe: {  	[smem:$0x3FAF] =	sst s6  }
0xf: {  	[smem:$0x3FB0] =	sst s7  }
0x10: {  	[smem:$0x3FB1] =	sst s8  }
0x11: {  	[smem:$0x3FB2] =	sst s9;
	s0 =	simm.s32 @!p0 $0x0  }
0x12: {  	s1 =	sld [smem:$0x3F98];
	s0 =	simm.s32 @p0 $0x1  }
0x13: {  	[smem:$0x3FB3] =	sst s0;
	s0 =	simm.s32 @!p1 $0x0  }
0x14: {  	s2 =	sld [smem:$0x3F97];
	s0 =	simm.s32 @p1 $0x1  }
0x15: {  	[smem:$0x3FB4] =	sst s0;
	s0 =	simm.s32 @!p2 $0x0  }
0x16: {  	s3 =	sld [smem:$0x3FDB];
	s0 =	simm.s32 @p2 $0x1  }
0x17: {  	s4 =	simm.s32 $0x1BF5;
	[smem:$0x3FB6] =	sst s0  }
0x18: {  	s0 =	sld [smem:$0x3F99];
	_ =	swait.ge [sflag:s4], $0x0  }
0x19: {  	s7 =	sld [smem:$0x3F9A]  }
0x1a: {  	s8 =	sadd.s32 $0xFFFFE003, lr  }
0x1b: {  	s9 =	sadd.s32 $0xFFFFFEF7, lr;
	s5 =	simm.s32 $0xFFFFFFFF;
	p2 =	slt.u32 s8, $0xFFFFF086  }
0x1c: {  	p1 =	slt.u32 s9, $0xF7A;
	s5 =	simm.s32 @!p2 $0x0  }
0x1d: {  	s5 =	simm.s32 @p1 $0x1;
	p0 =	seq.s32 s7, s2  }
0x1e: {  	s7 =	smul.u32 @!p0 $0xF7A, s2;
	p2 =	seq.s32 @!p0 s5, $0x0  }
0x1f: {  	s9 =	smul.u32 $0xF7A, s1;
	s8 =	simm.s32 @!p0 $0x1BF5;
	p2 =	por !p2, p0  }
0x20: {  	[sflag:s8] =	ssyncset.s32 @!p0 $0xFFFFF086;
	s6 =	sadd.s32 @!p0 s3, s7;
	s7 =	simm.s32 @!p0 $0x108  }
0x21: {  	s3 =	sadd.s32 s3, s9;
	s6 =	sadd.s32 @!p0 $0x88, s6;
	s7 =	simm.s32 @p2 $0x1082  }
0x22: {  	[simem:s7], [sflag:s8] =	dma.local @!p0 [hbm:s6], $0xF7A  }
0x23: {  	s9 =	sor.u32 $0xD0000000, s2;
	s6 =	simm.s32 $0x108;
	_ =	swait.ge @!p0 [sflag:s8], $0x0  }
0x24: {  	s3 =	sadd.s32 $0x88, s3;
	s6 =	simm.s32 @!p1 $0x1082;
	[sflag:s4] =	ssyncset.s32 $0xFFFFF086  }
0x25: {  	[simem:s6], [sflag:s4] =	dma.local [hbm:s3], $0xF7A  }
0x26: {  	[smem:$0x3F9A] =	sst s1;
	(tag) =	ssettag s2;
	_ =	strace s9  }
0x27: {  	s1 =	sld [smem:$0x3FAA]  }
0x28: {  	s2 =	sld [smem:$0x3FAB]  }
0x29: {  	s4 =	sld [smem:$0x3FAD]  }
0x2a: {  	p0 =	seq.s32 s5, $0x0;
	s5 =	sld [smem:$0x3FAE]  }
0x2b: {  	s6 =	sld [smem:$0x3FAF]  }
0x2c: {  	s7 =	sld [smem:$0x3FB0]  }
0x2d: {  	s3 =	simm.s32 $0x108;
	s8 =	sld [smem:$0x3FB1]  }
0x2e: {  	s3 =	simm.s32 @!p0 $0x1082;
	s9 =	sld [smem:$0x3FB2]  }
0x2f: {  	lr =	sadd.s32 s0, s3;
	s0 =	sld [smem:$0x3FA9]  }
0x30: {  	s3 =	sld [smem:$0x3FAC]  }
0x31: {  	[smem:$0x3FB5] =	sst s10  }
0x32: {  	s10 =	sld [smem:$0x3FB3];
	_ =	sdelay $0x3  }
0x33: {  	p0 =	seq.s32 s10, $0x1;
	s10 =	sld [smem:$0x3FB5];
	_ =	sdelay $0x3  }
0x34: {  	[smem:$0x3FB5] =	sst s10  }
0x35: {  	s10 =	sld [smem:$0x3FB4];
	_ =	sdelay $0x3  }
0x36: {  	p1 =	seq.s32 s10, $0x1;
	s10 =	sld [smem:$0x3FB5];
	_ =	sdelay $0x3  }
0x37: {  	[smem:$0x3FB5] =	sst s10  }
0x38: {  	s10 =	sld [smem:$0x3FB6]  }
0x39: {  	_ = 	snop;
	(pc) =	sbr.ind lr, $3  }
0x3a: {  	_ = 	snop  }
0x3b: {  	_ = 	snop  }
0x3c: {  	p2 =	seq.s32 s10, $0x1;
	s10 =	sld [smem:$0x3FB5]  }
0x3d: {  	_ =	shalt  }
0x3e: {  	_ =	shalt  }
0x3f: {  	_ =	shalt  }
0x40: {  	_ =	shalt  }
0x41: {  	_ =	shalt  }
0x42: {  	_ =	shalt  }
0x43: {  	_ =	shalt  }
0x44: {  	_ =	shalt  }
0x45: {  	_ =	shalt  }
0x46: {  	_ =	shalt  }
0x47: {  	_ =	shalt  }
0x48: {  	_ =	shalt  }
0x49: {  	_ =	shalt  }
0x4a: {  	_ =	shalt  }
0x4b: {  	_ =	shalt  }
0x4c: {  	_ =	shalt  }
0x4d: {  	_ =	shalt  }
0x4e: {  	_ =	shalt  }
0x4f: {  	_ =	shalt  }
0x50: {  	_ =	shalt  }
0x51: {  	_ =	shalt  }
0x52: {  	_ =	shalt  }
0x53: {  	_ =	shalt  }
0x54: {  	_ =	shalt  }
0x55: {  	_ =	shalt  }
0x56: {  	_ =	shalt  }
0x57: {  	_ =	shalt  }
0x58: {  	_ =	shalt  }
0x59: {  	_ =	shalt  }
0x5a: {  	_ =	shalt  }
0x5b: {  	_ =	shalt  }
0x5c: {  	_ =	shalt  }
0x5d: {  	_ =	shalt  }
0x5e: {  	_ =	shalt  }
0x5f: {  	_ =	shalt  }
0x60: {  	_ =	shalt  }
0x61: {  	_ =	shalt  }
0x62: {  	_ =	shalt  }
0x63: {  	_ =	shalt  }
0x64: {  	_ =	shalt  }
0x65: {  	_ =	shalt  }
0x66: {  	_ =	shalt  }
0x67: {  	_ =	shalt  }
0x68: {  	_ =	shalt  }
0x69: {  	_ =	shalt  }
0x6a: {  	_ =	shalt  }
0x6b: {  	_ =	shalt  }
0x6c: {  	_ =	shalt  }
0x6d: {  	_ =	shalt  }
0x6e: {  	_ =	shalt  }
0x6f: {  	_ =	shalt  }
0x70: {  	_ =	shalt  }
0x71: {  	_ =	shalt  }
0x72: {  	_ =	shalt  }
0x73: {  	_ =	shalt  }
0x74: {  	_ =	shalt  }
0x75: {  	_ =	shalt  }
0x76: {  	_ =	shalt  }
0x77: {  	_ =	shalt  }
0x78: {  	_ =	shalt  }
0x79: {  	_ =	shalt  }
0x7a: {  	_ =	shalt  }
0x7b: {  	_ =	shalt  }
0x7c: {  	_ =	shalt  }
0x7d: {  	_ =	shalt  }
0x7e: {  	_ =	shalt  }
0x7f: {  	_ =	shalt  }
0x80: {  	_ =	shalt  }
0x81: {  	_ =	shalt  }
0x82: {  	_ =	shalt  }
0x83: {  	_ =	shalt  }
0x84: {  	_ =	shalt  }
0x85: {  	_ =	shalt  }
0x86: {  	_ =	shalt  }
0x87: {  	_ =	shalt  }
.Lfunc_end0:
.L_simem_size_0:
called_computation.1_lowered:
.L_overlay_start_0:
0x88: {  	s2 =	sld [smem:$0x3FD9]  }
0x89: {  	s3 =	sld [smem:$0x3FFE];
	_ =	sdelay $0x1  }
0x8a: {  	s1 =	srdreg.scid  }
0x8b: {  	s0 =	sand.u32 $0x1, s1  }
0x8c: {  	s16 =	sshll.u32 s0, $0xA;
	s2 =	sadd.s32 s3, s2  }
0x8d: {  	s2 =	sadd.s32 s2, s16  }
0x8e: {  	[smem:$0x3FC1] =	sst s2  }
0x8f: {  	_ = 	snop  }
0x90: {  	(tm) =	ssettm $0x1  }
0x91: {  	s17 =	sld [smem:$0x3FFB];
	_ =	sdelay $0x3  }
0x92: {  	_ =	strace s17  }
0x93: {  	s2 =	sld [smem:$0x3FFC];
	_ =	sdelay $0x3  }
0x94: {  	_ =	strace s2  }
0x95: {  	s2 =	sld [smem:$0x3FFD];
	_ =	sdelay $0x3  }
0x96: {  	_ =	strace s2  }
0x97: {  	_ =	strace $0x8FFFFFFF  }
0x98: {  	s18 =	sld [smem:$0x3FDB];
	_ =	sdelay $0x1  }
0x99: {  	s19 =	simm.s32 $_scs_section_size  }
0x9a: {  	s4 =	simm.s32 $_size__tile_overlayer_lowered;
	s5 =	simm.s32 $_tile_overlayer_lowered  }
0x9b: {  	s22 =	simm.s32 $0x1BFF;
	s21 =	sshll.u32 s5, $0x1;
	s2 =	sadd.s32 s19, s18  }
0x9c: {  	s6 =	simm.s32 $0x0;
	s20 =	sshll.u32 s4, $0x1;
	s4 =	sadd.s32 s21, s2  }
0x9d: {  	[timem:s6], [sflag:s22] =	dma.local [hbm:s4], s20  }
0x9e: {  	_ =	swait.ge [sflag:s22], s20  }
0x9f: {  	s3 =	ssub.s32 $0x0, s20;
	[sflag:s22] =	ssyncset.done $0x0  }
0xa0: {  	[sflag:s22] =	ssyncadd.s32 s3;
	_ =	sdelay $0x1  }
0xa1: {  	s23 =	simm.s32 $0x1B8B  }
0xa2: {  	_ =	swait.ge [sflag:s23], $0x1  }
0xa3: {  	[sflag:s23] =	ssyncset.done $0x0  }
0xa4: {  	s25 =	simm.s32 $0x1B8E;
	s24 =	sld [smem:$0x3FFE];
	[sflag:s23] =	ssyncadd.s32 $0xFFFFFFFF  }
0xa5: {  	s26 =	simm.s32 $execute0_lowered;
	[smem:$0x3FD2] =	sst s25  }
0xa6: {  	s4 =	sshll.u32 s26, $0x1;
	_ =	strace $0x80000049;
	[dreg:$0x1] =	wrdreg $0xFFFFFFFF  }
0xa7: {  	s28 =	simm.s32 $_size_execute0_lowered;
	s2 =	sadd.s32 s2, s4;
	[dreg:$0x0] =	wrdreg $0x0  }
0xa8: {  	s4 =	sshll.u32 s28, $0x1;
	[dreg:$0x2] =	wrdreg s2  }
0xa9: {  	[dreg:$0x3] =	wrdreg s4  }
0xaa: {  	[dreg:$0x4] =	wrdreg $0xC0  }
0xab: {  	_ =	task [dreg:s6], $0x5FFFF  }
0xac: {  	[dreg:$0x1] =	wrdreg $0xFFFFFFFF  }
0xad: {  	[dreg:$0x0] =	wrdreg $0x60  }
0xae: {  	[dreg:$0x2] =	wrdreg s24  }
0xaf: {  	[dreg:$0x3] =	wrdreg $0xA8800  }
0xb0: {  	[dreg:$0x4] =	wrdreg $0x9  }
0xb1: {  	_ =	task.clear_ibuf [dreg:s6], $0x5FFFF;
	_ =	strace $0x90000049  }
0xb2: {  	s29 =	simm.s32 $0x9;
	_ =	strace $0x8000004B  }
0xb3: {  	_ =	swait.ge [sflag:s29], $0x1  }
0xb4: {  	[sflag:s29] =	ssyncadd.s32 $0xFFFFFFFF  }
0xb5: {  	_ =	strace $0x9000004B  }
0xb6: {  	_ =	sfence  }
0xb7: {  	s30 =	sld [smem:$0x0];
	_ =	sdelay $0x2  }
0xb8: {  	s31 =	sshll.u32 s1, $0xD;
	s1 =	sshrl.u32 s1, $0x2  }
0xb9: {  	s3 =	sand.u32 $0x4000, s31;
	s1 =	sadd.s32 s1, s30  }
0xba: {  	s0 =	sor.u32 s3, s0;
	s1 =	sshll.u32 s1, $0x11  }
0xbb: {  	s0 =	sor.u32 s1, s0  }
0xbc: {  	s0 =	sadd.s32 $0x8F2B, s0  }
0xbd: {  	[sflag:s0] =	ssyncadd.remote.s32 $0x1  }
0xbe: {  	_ =	sfence.sel $0xFFFF  }
0xbf: {  	[dreg:$0x0] =	wrdreg $0xFFFFFFFF;
	(pc) =	sbr.abs _section_cstart, $3  }
0xc0: {  	[dreg:$0x1] =	wrdreg $0xFFFFFFFF  }
0xc1: {  	_ =	task.clear_ibuf [dreg:s6], $0x2FFFF;
	_ =	strace $0x9FFFFFFF  }
0xc2: {  	(tm) =	ssettm $0x7FFFFFFF  }
0xc3: {  	_ =	shalt  }
tec
execute0_lowered:
.L_overlay_start_1:
0x0: {  	(tag) =	ssettag $0x1  }
0x1: {  	s0 =	srdreg.scid;
	s7 =	rddreg [dreg:$0x0]  }
0x2: {  	s9 =	stileid.u32;
	s1 =	rddreg [dreg:$0x1];
	s2 =	simm.s32 $0x0  }
0x3: {  	s16 =	simm.s32 $0x1;
	s8 =	sand.u32 $0x1, s0;
	s0 =	rddreg [dreg:$0x2]  }
0x4: {  	s17 =	simm.s32 $0x0;
	s29 =	sshll.u32 s9, $0x1;
	[smem:$0x7FF] =	sst s2  }
0x5: {  	s10 =	smul.u32 $0x4F000, s9;
	s4 =	sadd.s32 $0x15A00, s7;
	s5 =	sadd.s32 $0x1A00, s7  }
0x6: {  	p0 =	sne.s32 s9, $0x0;
	s3 =	sor.u32 s8, s29;
	s12 =	smul.u32 $0x28000, s8  }
0x7: {  	_ =	strace $0x8000004A;
	s13 =	ssub.s32 $0x2, s8;
	s15 =	smul.u32 $0x27800, s8  }
0x8: {  	s3 =	smul.u32 $0x2800, s3;
	s10 =	sadd.s32 s10, s7;
	s14 =	sshrl.u32 s13, $0x1  }
0x9: {  	s30 =	sadd.s32 s12, s7;
	s31 =	ssub.s32 s13, s14;
	s10 =	sadd.s32 s15, s10  }
0xa: {  	s12 =	simm.s32 $0x2;
	s13 =	simm.s32 $0x2880;
	s14 =	simm.s32 $0x80  }
0xb: {  	s15 =	simm.s32 $0x6880;
	s6 =	sshrl.u32 s3, $0x3;
	s8 =	sadd.s32 $0x555A00, s30  }
0xc: {  	s9 =	smax.u32 s31, $0x1;
	s10 =	sadd.s32 $0x3DA00, s10;
	s11 =	sadd.s32 s6, s7  }
0xd: {  	s6 =	sadd.s32 $0x52DA00, s7;
	s7 =	sadd.s32 $0xBA00, s11;
	s11 =	sshrl.u32 @!p0 s1, $0x3  }
.LBB2_1:
0xe: {  	s18 =	simm.s32 @!p0 $0x1C02  }
0xf: {  	[spmem:s11], [sflag:s18] =	dma.local @!p0 [hbm:s6], $0x28000  }
0x10: {  	s18 =	simm.s32 @!p0 $0x2  }
0x11: {  	_ =	swait.ge @!p0 [sflag:s18], $0x28000  }
0x12: {  	[sflag:s18] =	ssyncset.done @!p0 $0x0  }
0x13: {  	[sflag:s18] =	ssyncadd.s32 @!p0 $0xFFFD8000  }
0x14: {  	[tilespmem:s14], [sflag:$0x2] =	stream.linear.gather [hbm4b:s7+s2], $0x2780, $0x38;
	[tilespmem:$0x1E880] =	vst v63  }
0x15: {  	_ =	swait.ge [sflag:s12], $0x2780  }
0x16: {  	[sflag:s12] =	ssyncset.done $0x0  }
0x17: {  	s19 =	simm.s32 $0x80;
	[sflag:s12] =	ssyncadd.s32 $0xFFFFD880  }
0x18: {  	s20 =	simm.s32 $0x0;
	s18 =	smov.u32 s10;
	[bflag:$0x0] =	sbarrier.arrive $0xFFFF  }
.LBB2_2:
0x19: {  	s21 =	sand.u32 $0x3C00, s20  }
0x1a: {  	s22 =	sand.u32 $0x380, s20;
	s21 =	sadd.s32 s3, s21  }
0x1b: {  	s21 =	sor.u32 s22, s21  }
0x1c: {  	s21 =	sshrl.u32 s21, $0x3  }
0x1d: {  	s21 =	sadd.s32 s5, s21  }
0x1e: {  	[tilespmem:s2], [sflag:$0x2] =	stream.linear.gather [hbm4b:s21+s2], $0x80, $0x38;
	[tilespmem:$0x1E880] =	vst v63  }
0x1f: {  	_ =	swait.ge [sflag:s12], $0x80  }
0x20: {  	[sflag:s12] =	ssyncset.done $0x0  }
0x21: {  	[sflag:s12] =	ssyncadd.s32 $0xFFFFFF80  }
0x22: {  	[tilespmem:s13], [sflag:$0x2] =	stream.linear.gather [hbm4b:s18+s2], $0x4000, $0x38;
	[tilespmem:$0x1E880] =	vst v63  }
0x23: {  	_ =	swait.ge [sflag:s12], $0x4000  }
0x24: {  	[sflag:s12] =	ssyncset.done $0x0  }
0x25: {  	[sflag:s12] =	ssyncadd.s32 $0xFFFFC000  }
0x26: {  	[tilespmem:s15], [sflag:$0x1] =	stream.indirect.gather [hbm4b:s4+s14], $0x80, s2, s14, $0xb8;
	[tilespmem:$0x1E880] =	vst v63  }
0x27: {  	_ =	swait.ge [sflag:s16], $0x4000  }
0x28: {  	[sflag:s16] =	ssyncset.done $0x0  }
0x29: {  	[sflag:s16] =	ssyncadd.s32 $0xFFFFC000  }
0x2a: {  	v3 =	vld [tilespmem:$0x6880]  }
0x2b: {  	v0 =	vld [tilespmem:$0x2880]  }
0x2c: {  	v4 =	vld [tilespmem:$0x6900]  }
0x2d: {  	v1 =	vld [tilespmem:$0x2900]  }
0x2e: {  	v6 =	vld [tilespmem:$0x6980]  }
0x2f: {  	v2 =	vld [tilespmem:$0x2980]  }
0x30: {  	v8 =	vld [tilespmem:$0x6A00]  }
0x31: {  	v5 =	vld [tilespmem:$0x2A00]  }
0x32: {  	v10 =	vld [tilespmem:$0x6A80]  }
0x33: {  	v7 =	vld [tilespmem:$0x2A80]  }
0x34: {  	v12 =	vld [tilespmem:$0x6B00]  }
0x35: {  	v9 =	vld [tilespmem:$0x2B00]  }
0x36: {  	v14 =	vld [tilespmem:$0x6B80]  }
0x37: {  	v11 =	vld [tilespmem:$0x2B80]  }
0x38: {  	v16 =	vld [tilespmem:$0x6C00]  }
0x39: {  	v13 =	vld [tilespmem:$0x2C00]  }
0x3a: {  	v18 =	vld [tilespmem:$0x6C80]  }
0x3b: {  	v15 =	vld [tilespmem:$0x2C80]  }
0x3c: {  	v20 =	vld [tilespmem:$0x6D00]  }
0x3d: {  	v17 =	vld [tilespmem:$0x2D00]  }
0x3e: {  	v22 =	vld [tilespmem:$0x6D80]  }
0x3f: {  	v19 =	vld [tilespmem:$0x2D80]  }
0x40: {  	v24 =	vld [tilespmem:$0x6E00]  }
0x41: {  	v21 =	vld [tilespmem:$0x2E00]  }
0x42: {  	v26 =	vld [tilespmem:$0x6E80]  }
0x43: {  	v23 =	vld [tilespmem:$0x2E80]  }
0x44: {  	v28 =	vld [tilespmem:$0x6F00]  }
0x45: {  	v25 =	vld [tilespmem:$0x2F00]  }
0x46: {  	v58 =	vld [tilespmem:$0x6F80]  }
0x47: {  	v27 =	vld [tilespmem:$0x2F80]  }
0x48: {  	v59 =	vld [tilespmem:$0x7000]  }
0x49: {  	v29 =	vld [tilespmem:$0x3000]  }
0x4a: {  	v50 =	vld [tilespmem:$0x7080]  }
0x4b: {  	v30 =	vld [tilespmem:$0x3080]  }
0x4c: {  	v47 =	vld [tilespmem:$0x7100]  }
0x4d: {  	v31 =	vld [tilespmem:$0x3100]  }
0x4e: {  	v38 =	vld [tilespmem:$0x7180]  }
0x4f: {  	v32 =	vld [tilespmem:$0x3180]  }
0x50: {  	v39 =	vld [tilespmem:$0x7200]  }
0x51: {  	v33 =	vld [tilespmem:$0x3200]  }
0x52: {  	v36 =	vld [tilespmem:$0x7280]  }
0x53: {  	v34 =	vld [tilespmem:$0x3280]  }
0x54: {  	v40 =	vld [tilespmem:$0x7300]  }
0x55: {  	v35 =	vld [tilespmem:$0x3300]  }
0x56: {  	v42 =	vld [tilespmem:$0x7380]  }
0x57: {  	v37 =	vld [tilespmem:$0x3380]  }
0x58: {  	v43 =	vld [tilespmem:$0x7400]  }
0x59: {  	v41 =	vld [tilespmem:$0x3400]  }
0x5a: {  	v46 =	vld [tilespmem:$0x7480]  }
0x5b: {  	v44 =	vld [tilespmem:$0x3480]  }
0x5c: {  	v49 =	vld [tilespmem:$0x7500]  }
0x5d: {  	v45 =	vld [tilespmem:$0x3500]  }
0x5e: {  	v52 =	vld [tilespmem:$0x7580]  }
0x5f: {  	v48 =	vld [tilespmem:$0x3580]  }
0x60: {  	v63 =	vld [tilespmem:$0x7880];
	_ =	sdelay $0x4  }
0x61: {  	[tilespmem:$0x1FAE0] =	vst v63;
	v63 =	vld [tilespmem:$0x3880];
	_ =	sdelay $0x4  }
0x62: {  	[tilespmem:$0x1FAF0] =	vst v63;
	v63 =	vld [tilespmem:$0x7900];
	_ =	sdelay $0x4  }
0x63: {  	[tilespmem:$0x1FB00] =	vst v63;
	v63 =	vld [tilespmem:$0x3900];
	_ =	sdelay $0x4  }
0x64: {  	[tilespmem:$0x1FB10] =	vst v63;
	v63 =	vld [tilespmem:$0x7980];
	_ =	sdelay $0x4  }
0x65: {  	[tilespmem:$0x1FB20] =	vst v63;
	v63 =	vld [tilespmem:$0x3980];
	_ =	sdelay $0x4  }
0x66: {  	[tilespmem:$0x1FB30] =	vst v63;
	v63 =	vld [tilespmem:$0x7A00];
	_ =	sdelay $0x4  }
0x67: {  	[tilespmem:$0x1FB40] =	vst v63;
	v63 =	vld [tilespmem:$0x3A00];
	_ =	sdelay $0x4  }
0x68: {  	[tilespmem:$0x1FB50] =	vst v63;
	v63 =	vld [tilespmem:$0x7A80];
	_ =	sdelay $0x4  }
0x69: {  	[tilespmem:$0x1FB60] =	vst v63;
	v63 =	vld [tilespmem:$0x3A80];
	_ =	sdelay $0x4  }
0x6a: {  	[tilespmem:$0x1FB70] =	vst v63;
	v63 =	vld [tilespmem:$0x7B00];
	_ =	sdelay $0x4  }
0x6b: {  	[tilespmem:$0x1FB80] =	vst v63;
	v63 =	vld [tilespmem:$0x3B00];
	_ =	sdelay $0x4  }
0x6c: {  	[tilespmem:$0x1FB90] =	vst v63;
	v63 =	vld [tilespmem:$0x7B80];
	_ =	sdelay $0x4  }
0x6d: {  	[tilespmem:$0x1FBA0] =	vst v63;
	v63 =	vld [tilespmem:$0x3B80];
	_ =	sdelay $0x4  }
0x6e: {  	[tilespmem:$0x1FBB0] =	vst v63;
	v63 =	vld [tilespmem:$0x7C00];
	_ =	sdelay $0x4  }
0x6f: {  	[tilespmem:$0x1FBC0] =	vst v63;
	v63 =	vld [tilespmem:$0x3C00];
	_ =	sdelay $0x4  }
0x70: {  	[tilespmem:$0x1FBD0] =	vst v63;
	v63 =	vld [tilespmem:$0x7C80];
	_ =	sdelay $0x4  }
0x71: {  	[tilespmem:$0x1FBE0] =	vst v63;
	v63 =	vld [tilespmem:$0x3C80];
	_ =	sdelay $0x4  }
0x72: {  	[tilespmem:$0x1FBF0] =	vst v63;
	v63 =	vld [tilespmem:$0x7D00];
	_ =	sdelay $0x4  }
0x73: {  	[tilespmem:$0x1FC00] =	vst v63;
	v63 =	vld [tilespmem:$0x3D00];
	_ =	sdelay $0x4  }
0x74: {  	[tilespmem:$0x1FC10] =	vst v63;
	v63 =	vld [tilespmem:$0x7D80];
	_ =	sdelay $0x4  }
0x75: {  	[tilespmem:$0x1FC20] =	vst v63;
	v63 =	vld [tilespmem:$0x3D80];
	_ =	sdelay $0x4  }
0x76: {  	[tilespmem:$0x1FC30] =	vst v63;
	v63 =	vld [tilespmem:$0x7E00];
	_ =	sdelay $0x4  }
0x77: {  	[tilespmem:$0x1FC40] =	vst v63;
	v63 =	vld [tilespmem:$0x3E00];
	_ =	sdelay $0x4  }
0x78: {  	[tilespmem:$0x1FC50] =	vst v63;
	v63 =	vld [tilespmem:$0x7E80];
	_ =	sdelay $0x4  }
0x79: {  	[tilespmem:$0x1FC60] =	vst v63;
	v63 =	vld [tilespmem:$0x3E80];
	_ =	sdelay $0x4  }
0x7a: {  	[tilespmem:$0x1FC70] =	vst v63;
	v63 =	vld [tilespmem:$0x7F00];
	_ =	sdelay $0x4  }
0x7b: {  	[tilespmem:$0x1FC80] =	vst v63;
	v63 =	vld [tilespmem:$0x3F00];
	_ =	sdelay $0x4  }
0x7c: {  	[tilespmem:$0x1FC90] =	vst v63;
	v63 =	vld [tilespmem:$0x7F80];
	_ =	sdelay $0x2  }
0x7d: {  	v54 =	vld [tilespmem:$0x7600]  }
0x7e: {  	v51 =	vld [tilespmem:$0x3600]  }
0x7f: {  	[tilespmem:$0x1FCA0] =	vst v63;
	v63 =	vld [tilespmem:$0x3F80]  }
0x80: {  	v56 =	vld [tilespmem:$0x7680]  }
0x81: {  	v53 =	vld [tilespmem:$0x3680]  }
0x82: {  	v57 =	vld [tilespmem:$0x7700]  }
0x83: {  	v61 =	vld [tilespmem:$0x7800]  }
0x84: {  	[tilespmem:$0x1FCB0] =	vst v63;
	v63 =	vld [tilespmem:$0x8000]  }
0x85: {  	v55 =	vld [tilespmem:$0x3700]  }
0x86: {  	v62 =	vld [tilespmem:$0x7780]  }
0x87: {  	v60 =	vld [tilespmem:$0x3780]  }
0x88: {  	[tilespmem:$0x1FAD0] =	vst v61;
	v61 =	vld [tilespmem:$0x3800]  }
0x89: {  	[tilespmem:$0x1FCC0] =	vst v63;
	v63 =	vld [tilespmem:$0x4000]  }
0x8a: {  	v1 =	vmul.f32 v1, v4;
	v4 =	vld [tilespmem:$0x4A00]  }
0x8b: {  	v5 =	vmul.f32 v5, v8;
	v8 =	vld [tilespmem:$0x4A80]  }
0x8c: {  	v7 =	vmul.f32 v7, v10;
	v10 =	vld [tilespmem:$0x8B00]  }
0x8d: {  	v9 =	vmul.f32 v9, v12;
	v12 =	vld [tilespmem:$0x4B00]  }
0x8e: {  	[tilespmem:$0x1FCD0] =	vst v63;
	v63 =	vld [tilespmem:$0x8080]  }
0x8f: {  	v11 =	vmul.f32 v11, v14;
	v14 =	vld [tilespmem:$0x8B80]  }
0x90: {  	v13 =	vmul.f32 v13, v16;
	v16 =	vld [tilespmem:$0x4B80]  }
0x91: {  	v15 =	vmul.f32 v15, v18;
	v18 =	vld [tilespmem:$0x8C00]  }
0x92: {  	v17 =	vmul.f32 v17, v20;
	v20 =	vld [tilespmem:$0x4C00]  }
0x93: {  	[tilespmem:$0x1FCE0] =	vst v63;
	v63 =	vld [tilespmem:$0x4080]  }
0x94: {  	v19 =	vmul.f32 v19, v22;
	v22 =	vld [tilespmem:$0x8C80]  }
0x95: {  	v21 =	vmul.f32 v21, v24;
	v24 =	vld [tilespmem:$0x4C80]  }
0x96: {  	v23 =	vmul.f32 v23, v26;
	v26 =	vld [tilespmem:$0x8D00]  }
0x97: {  	v25 =	vmul.f32 v25, v28;
	v28 =	vmul.f32 v27, v58;
	v58 =	vld [tilespmem:$0x4D00]  }
0x98: {  	[tilespmem:$0x1FCF0] =	vst v63;
	v63 =	vld [tilespmem:$0x8100]  }
0x99: {  	v29 =	vmul.f32 v29, v59;
	v59 =	vld [tilespmem:$0x8D80]  }
0x9a: {  	v30 =	vmul.f32 v30, v50;
	v50 =	vld [tilespmem:$0x4D80]  }
0x9b: {  	v31 =	vmul.f32 v31, v47;
	v47 =	vld [tilespmem:$0x8E00]  }
0x9c: {  	v32 =	vmul.f32 v32, v38;
	v38 =	vld [tilespmem:$0x4E00]  }
0x9d: {  	[tilespmem:$0x1FD00] =	vst v63;
	v63 =	vld [tilespmem:$0x4100]  }
0x9e: {  	v33 =	vmul.f32 v33, v39;
	v39 =	vld [tilespmem:$0x8E80]  }
0x9f: {  	v27 =	vld [tilespmem:$0x8F00]  }
0xa0: {  	v0 =	vmul.f32 v0, v3;
	v44 =	vmul.f32 v44, v46;
	v3 =	vld [tilespmem:$0x9100]  }
0xa1: {  	v46 =	vmul.f32 v45, v49;
	v49 =	vmul.f32 v51, v54;
	v54 =	vld [tilespmem:$0x1FAD0]  }
0xa2: {  	[tilespmem:$0x1FD10] =	vst v63;
	v63 =	vld [tilespmem:$0x8180]  }
0xa3: {  	v51 =	vmul.f32 v53, v56;
	v56 =	vld [tilespmem:$0x1FAE0]  }
0xa4: {  	[tilespmem:$0x6880] =	vst v0;
	v0 =	vmul.f32 v2, v6;
	v6 =	vld [tilespmem:$0x8A80]  }
0xa5: {  	[tilespmem:$0x7080] =	vst v30;
	v30 =	vld [tilespmem:$0x4E80]  }
0xa6: {  	[tilespmem:$0x6D80] =	vst v19;
	v19 =	vld [tilespmem:$0x8F80]  }
0xa7: {  	[tilespmem:$0x1FD20] =	vst v63;
	v63 =	vld [tilespmem:$0x4180]  }
0xa8: {  	[tilespmem:$0x6A80] =	vst v7;
	v7 =	vld [tilespmem:$0x9000]  }
0xa9: {  	[tilespmem:$0x6900] =	vst v1;
	v1 =	vld [tilespmem:$0x9080]  }
0xaa: {  	v2 =	vld [tilespmem:$0x5080]  }
0xab: {  	[tilespmem:$0x6A00] =	vst v5;
	v5 =	vld [tilespmem:$0x9180]  }
0xac: {  	[tilespmem:$0x1FD30] =	vst v63;
	v63 =	vld [tilespmem:$0x8200]  }
0xad: {  	[tilespmem:$0x6980] =	vst v0;
	v0 =	vld [tilespmem:$0x5000]  }
0xae: {  	[tilespmem:$0x1FFB0] =	vst v18;
	v18 =	vld [tilespmem:$0x4F00]  }
0xaf: {  	[tilespmem:$0x1FF70] =	vst v10;
	v10 =	vld [tilespmem:$0x4F80]  }
0xb0: {  	v48 =	vmul.f32 v48, v52;
	v52 =	vmul.f32 v55, v57;
	v57 =	vld [tilespmem:$0x1FAF0]  }
0xb1: {  	[tilespmem:$0x1FD40] =	vst v63;
	v63 =	vld [tilespmem:$0x4200]  }
0xb2: {  	[tilespmem:$0x1FF40] =	vst v4;
	v4 =	vld [tilespmem:$0x5100]  }
0xb3: {  	[tilespmem:$0x1FF60] =	vst v8;
	v8 =	vld [tilespmem:$0x9200]  }
0xb4: {  	[tilespmem:$0x1FF50] =	vst v6;
	v6 =	vld [tilespmem:$0x5180]  }
0xb5: {  	[tilespmem:$0x6B00] =	vst v9;
	v1 =	vmul.f32 v2, v1;
	v2 =	vld [tilespmem:$0x5D80];
	v9 =	vmul.f32 v57, v56  }
0xb6: {  	[tilespmem:$0x1FD50] =	vst v63;
	v63 =	vld [tilespmem:$0x8280]  }
0xb7: {  	[tilespmem:$0x7880] =	vst v9;
	v9 =	vld [tilespmem:$0x5200]  }
0xb8: {  	v0 =	vmul.f32 v0, v7;
	v7 =	vld [tilespmem:$0x9D80]  }
0xb9: {  	v53 =	vmul.f32 v60, v62;
	[tilespmem:$0x6B80] =	vst v11;
	v60 =	vld [tilespmem:$0x1FB00]  }
0xba: {  	[tilespmem:$0x6C00] =	vst v13;
	v55 =	vmul.f32 v61, v54;
	v10 =	vmul.f32 v10, v19;
	v61 =	vld [tilespmem:$0x1FB10]  }
0xbb: {  	[tilespmem:$0x1FD60] =	vst v63;
	v63 =	vld [tilespmem:$0x4280]  }
0xbc: {  	[tilespmem:$0x8F80] =	vst v10;
	v10 =	vmul.f32 v9, v8;
	v8 =	vld [tilespmem:$0x9F00]  }
0xbd: {  	[tilespmem:$0x6D00] =	vst v17;
	v9 =	vld [tilespmem:$0x5F00]  }
0xbe: {  	[tilespmem:$0x6E00] =	vst v21;
	v62 =	vld [tilespmem:$0x1FB20]  }
0xbf: {  	[tilespmem:$0x1FFA0] =	vst v16;
	v16 =	vld [tilespmem:$0x1FB30]  }
0xc0: {  	[tilespmem:$0x1FD70] =	vst v63;
	v63 =	vld [tilespmem:$0x8300]  }
0xc1: {  	[tilespmem:$0x1FF80] =	vst v12;
	v17 =	vld [tilespmem:$0x1FB40]  }
0xc2: {  	[tilespmem:$0x1FFC0] =	vst v20;
	v20 =	vld [tilespmem:$0x1FB50]  }
0xc3: {  	[tilespmem:$0x1FF90] =	vst v14;
	v21 =	vld [tilespmem:$0x1FB60]  }
0xc4: {  	[tilespmem:$0x1FFD0] =	vst v22;
	v22 =	vld [tilespmem:$0x1FB70]  }
0xc5: {  	v11 =	vmul.f32 v61, v60;
	[tilespmem:$0x1FD80] =	vst v63;
	v63 =	vld [tilespmem:$0x4300]  }
0xc6: {  	[tilespmem:$0x9200] =	vst v10;
	v10 =	vld [tilespmem:$0x9F80];
	v12 =	vmul.f32 v16, v62  }
0xc7: {  	[tilespmem:$0x7900] =	vst v11;
	v11 =	vld [tilespmem:$0x9280];
	v13 =	vmul.f32 v20, v17  }
0xc8: {  	[tilespmem:$0x7980] =	vst v12;
	v12 =	vld [tilespmem:$0x5280]  }
0xc9: {  	[tilespmem:$0x7A00] =	vst v13;
	v13 =	vld [tilespmem:$0x9300]  }
0xca: {  	v14 =	vmul.f32 v22, v21;
	[tilespmem:$0x1FD90] =	vst v63;
	v63 =	vld [tilespmem:$0x8380]  }
0xcb: {  	[tilespmem:$0x6E80] =	vst v23;
	v23 =	vld [tilespmem:$0x1FB80]  }
0xcc: {  	[tilespmem:$0x7A80] =	vst v14;
	v14 =	vld [tilespmem:$0x5300]  }
0xcd: {  	[tilespmem:$0x1FFE0] =	vst v24;
	v24 =	vld [tilespmem:$0x1FB90]  }
0xce: {  	[tilespmem:$0x6F00] =	vst v25;
	v25 =	vld [tilespmem:$0x1FBA0]  }
0xcf: {  	[tilespmem:$0x1FDA0] =	vst v63;
	v63 =	vld [tilespmem:$0x4380]  }
0xd0: {  	[tilespmem:$0x1FFF0] =	vst v26;
	v12 =	vmul.f32 v12, v11;
	v26 =	vld [tilespmem:$0x1FBB0]  }
0xd1: {  	v11 =	vld [tilespmem:$0x5F80]  }
0xd2: {  	[tilespmem:$0x9280] =	vst v12;
	v12 =	vld [tilespmem:$0xA000]  }
0xd3: {  	[tilespmem:$0x6C80] =	vst v15;
	v14 =	vmul.f32 v14, v13;
	v13 =	vld [tilespmem:$0x6000]  }
0xd4: {  	v15 =	vmul.f32 v24, v23;
	[tilespmem:$0x1FDB0] =	vst v63;
	v63 =	vld [tilespmem:$0x8400]  }
0xd5: {  	[tilespmem:$0x9300] =	vst v14;
	v14 =	vld [tilespmem:$0xA080];
	v16 =	vmul.f32 v26, v25  }
0xd6: {  	[tilespmem:$0x7B00] =	vst v15;
	v15 =	vld [tilespmem:$0x9380]  }
0xd7: {  	[tilespmem:$0x7B80] =	vst v16;
	v16 =	vld [tilespmem:$0x5380]  }
0xd8: {  	[tilespmem:$0x6F80] =	vst v28;
	v28 =	vld [tilespmem:$0x1FBC0]  }
0xd9: {  	[tilespmem:$0x1FDC0] =	vst v63;
	v63 =	vld [tilespmem:$0x4400]  }
0xda: {  	v18 =	vmul.f32 v18, v27;
	v26 =	vld [tilespmem:$0x5500]  }
0xdb: {  	[tilespmem:$0x7000] =	vst v29;
	v29 =	vld [tilespmem:$0x1FBD0]  }
0xdc: {  	[tilespmem:$0x8F00] =	vst v18;
	v18 =	vmul.f32 v16, v15;
	v15 =	vld [tilespmem:$0x6080]  }
0xdd: {  	v16 =	vld [tilespmem:$0xA100]  }
0xde: {  	[tilespmem:$0x1FDD0] =	vst v63;
	v63 =	vld [tilespmem:$0x8480]  }
0xdf: {  	[tilespmem:$0x7100] =	vst v31;
	v31 =	vld [tilespmem:$0x1FBE0]  }
0xe0: {  	[tilespmem:$0x7180] =	vst v32;
	v32 =	vld [tilespmem:$0x1FBF0]  }
0xe1: {  	[tilespmem:$0x9380] =	vst v18;
	v18 =	vld [tilespmem:$0xA180]  }
0xe2: {  	v17 =	vmul.f32 v29, v28;
	v28 =	vld [tilespmem:$0x9580]  }
0xe3: {  	[tilespmem:$0x1FDE0] =	vst v63;
	v63 =	vld [tilespmem:$0x4480]  }
0xe4: {  	[tilespmem:$0x7C00] =	vst v17;
	v17 =	vld [tilespmem:$0x9400]  }
0xe5: {  	v20 =	vmul.f32 v32, v31;
	v31 =	vld [tilespmem:$0x9600]  }
0xe6: {  	v32 =	vld [tilespmem:$0x5600]  }
0xe7: {  	[tilespmem:$0x7C80] =	vst v20;
	v20 =	vld [tilespmem:$0x5400]  }
0xe8: {  	[tilespmem:$0x1FDF0] =	vst v63;
	v63 =	vld [tilespmem:$0x8500]  }
0xe9: {  	v29 =	vld [tilespmem:$0x5580]  }
0xea: {  	[tilespmem:$0x7200] =	vst v33;
	v33 =	vld [tilespmem:$0x1FC00]  }
0xeb: {  	v36 =	vmul.f32 v34, v36;
	v34 =	vld [tilespmem:$0x1FC10]  }
0xec: {  	v32 =	vmul.f32 v32, v31;
	v20 =	vmul.f32 v20, v17;
	v17 =	vld [tilespmem:$0x6100]  }
0xed: {  	[tilespmem:$0x1FE00] =	vst v63;
	v63 =	vld [tilespmem:$0x4500]  }
0xee: {  	[tilespmem:$0x9600] =	vst v32;
	v32 =	vld [tilespmem:$0xA500]  }
0xef: {  	v40 =	vmul.f32 v35, v40;
	v35 =	vld [tilespmem:$0x1FC20]  }
0xf0: {  	v21 =	vmul.f32 v34, v33;
	v33 =	vld [tilespmem:$0x9680]  }
0xf1: {  	v34 =	vld [tilespmem:$0x5680]  }
0xf2: {  	[tilespmem:$0x1FE10] =	vst v63;
	v63 =	vld [tilespmem:$0x8580]  }
0xf3: {  	[tilespmem:$0x7280] =	vst v36;
	v36 =	vld [tilespmem:$0x1FC30]  }
0xf4: {  	[tilespmem:$0x7D00] =	vst v21;
	v21 =	vld [tilespmem:$0x9480]  }
0xf5: {  	v42 =	vmul.f32 v37, v42;
	v37 =	vld [tilespmem:$0x1FC40]  }
0xf6: {  	[tilespmem:$0x7300] =	vst v40;
	v34 =	vmul.f32 v34, v33;
	v40 =	vld [tilespmem:$0x1FC50]  }
0xf7: {  	[tilespmem:$0x1FE20] =	vst v63;
	v63 =	vld [tilespmem:$0x4580]  }
0xf8: {  	[tilespmem:$0x9680] =	vst v34;
	v34 =	vld [tilespmem:$0x6500];
	v22 =	vmul.f32 v36, v35  }
0xf9: {  	v35 =	vld [tilespmem:$0x9700]  }
0xfa: {  	[tilespmem:$0x7D80] =	vst v22;
	v22 =	vld [tilespmem:$0x5480]  }
0xfb: {  	v43 =	vmul.f32 v41, v43;
	v23 =	vmul.f32 v40, v37;
	v41 =	vld [tilespmem:$0x1FC60]  }
0xfc: {  	[tilespmem:$0x1FE30] =	vst v63;
	v63 =	vld [tilespmem:$0x8600]  }
0xfd: {  	[tilespmem:$0x7E00] =	vst v23;
	v23 =	vld [tilespmem:$0x9500]  }
0xfe: {  	[tilespmem:$0x7380] =	vst v42;
	v42 =	vld [tilespmem:$0x1FC70]  }
0xff: {  	[tilespmem:$0x7400] =	vst v43;
	v43 =	vld [tilespmem:$0x1FC80]  }
0x100: {  	[tilespmem:$0x7480] =	vst v44;
	v44 =	vld [tilespmem:$0x1FC90]  }
0x101: {  	[tilespmem:$0x1FE40] =	vst v63;
	v63 =	vld [tilespmem:$0x4600]  }
0x102: {  	v45 =	vld [tilespmem:$0x1FCA0]  }
0x103: {  	[tilespmem:$0x7500] =	vst v46;
	v46 =	vld [tilespmem:$0x1FCB0]  }
0x104: {  	[tilespmem:$0x7580] =	vst v48;
	v48 =	vld [tilespmem:$0x1FCC0]  }
0x105: {  	[tilespmem:$0x7600] =	vst v49;
	v49 =	vld [tilespmem:$0x1FCD0]  }
0x106: {  	[tilespmem:$0x1FE50] =	vst v63;
	v63 =	vld [tilespmem:$0x8680]  }
0x107: {  	[tilespmem:$0x7680] =	vst v51;
	v51 =	vld [tilespmem:$0x1FCE0]  }
0x108: {  	[tilespmem:$0x7700] =	vst v52;
	v52 =	vld [tilespmem:$0x1FCF0]  }
0x109: {  	[tilespmem:$0x7780] =	vst v53;
	v53 =	vld [tilespmem:$0x1FD00]  }
0x10a: {  	v54 =	vld [tilespmem:$0x1FD10]  }
0x10b: {  	v25 =	vmul.f32 v44, v43;
	[tilespmem:$0x1FE60] =	vst v63;
	v63 =	vld [tilespmem:$0x4680]  }
0x10c: {  	v57 =	vld [tilespmem:$0x1FD40]  }
0x10d: {  	[tilespmem:$0x7F00] =	vst v25;
	v25 =	vmul.f32 v49, v48;
	v60 =	vld [tilespmem:$0x1FD50]  }
0x10e: {  	v36 =	vld [tilespmem:$0x1FD80]  }
0x10f: {  	[tilespmem:$0x8000] =	vst v25;
	v37 =	vld [tilespmem:$0x1FD90]  }
0x110: {  	v25 =	vmul.f32 v54, v53;
	[tilespmem:$0x1FE70] =	vst v63;
	v63 =	vld [tilespmem:$0x8700]  }
0x111: {  	[tilespmem:$0x7800] =	vst v55;
	v55 =	vld [tilespmem:$0x1FD20]  }
0x112: {  	[tilespmem:$0x8100] =	vst v25;
	v56 =	vld [tilespmem:$0x1FD30];
	v25 =	vmul.f32 v60, v57  }
0x113: {  	v61 =	vld [tilespmem:$0x1FD60]  }
0x114: {  	[tilespmem:$0x8200] =	vst v25;
	v25 =	vmul.f32 v37, v36;
	v36 =	vld [tilespmem:$0x5700]  }
0x115: {  	v24 =	vmul.f32 v42, v41;
	[tilespmem:$0x1FE80] =	vst v63;
	v63 =	vld [tilespmem:$0x4700]  }
0x116: {  	v62 =	vld [tilespmem:$0x1FD70]  }
0x117: {  	[tilespmem:$0x7E80] =	vst v24;
	v24 =	vmul.f32 v46, v45;
	v40 =	vld [tilespmem:$0x1FDA0]  }
0x118: {  	v37 =	vld [tilespmem:$0x9780]  }
0x119: {  	[tilespmem:$0x7F80] =	vst v24;
	v41 =	vld [tilespmem:$0x1FDB0];
	v36 =	vmul.f32 v36, v35  }
0x11a: {  	v24 =	vmul.f32 v52, v51;
	[tilespmem:$0x1FE90] =	vst v63;
	v63 =	vld [tilespmem:$0x8780]  }
0x11b: {  	[tilespmem:$0x9700] =	vst v36;
	v36 =	vld [tilespmem:$0xA580]  }
0x11c: {  	[tilespmem:$0x8080] =	vst v24;
	v24 =	vmul.f32 v56, v55;
	v42 =	vld [tilespmem:$0x1FDC0]  }
0x11d: {  	v43 =	vld [tilespmem:$0x1FDD0]  }
0x11e: {  	[tilespmem:$0x8180] =	vst v24;
	v44 =	vld [tilespmem:$0x1FDE0]  }
0x11f: {  	v24 =	vmul.f32 v62, v61;
	[tilespmem:$0x1FEA0] =	vst v63;
	v63 =	vld [tilespmem:$0x4780]  }
0x120: {  	v45 =	vld [tilespmem:$0x1FDF0]  }
0x121: {  	[tilespmem:$0x8280] =	vst v24;
	v24 =	vmul.f32 v41, v40;
	v40 =	vld [tilespmem:$0x5780]  }
0x122: {  	v41 =	vld [tilespmem:$0x9800]  }
0x123: {  	[tilespmem:$0x8300] =	vst v25;
	v25 =	vmul.f32 v43, v42;
	v43 =	vld [tilespmem:$0x9880]  }
0x124: {  	[tilespmem:$0x1FEB0] =	vst v63;
	v63 =	vld [tilespmem:$0x8800]  }
0x125: {  	[tilespmem:$0x8380] =	vst v24;
	v24 =	vmul.f32 v45, v44;
	v44 =	vld [tilespmem:$0x5880]  }
0x126: {  	v42 =	vld [tilespmem:$0x5800]  }
0x127: {  	v46 =	vld [tilespmem:$0x1FE00]  }
0x128: {  	v45 =	vld [tilespmem:$0x9900]  }
0x129: {  	[tilespmem:$0x1FEC0] =	vst v63;
	v63 =	vld [tilespmem:$0x4800]  }
0x12a: {  	v37 =	vmul.f32 v40, v37;
	v48 =	vld [tilespmem:$0x1FE10];
	v40 =	vmul.f32 v44, v43  }
0x12b: {  	v44 =	vld [tilespmem:$0x6200]  }
0x12c: {  	[tilespmem:$0x9880] =	vst v40;
	v40 =	vld [tilespmem:$0xA600]  }
0x12d: {  	v49 =	vld [tilespmem:$0x1FE20]  }
0x12e: {  	[tilespmem:$0x1FED0] =	vst v63;
	v63 =	vld [tilespmem:$0x8880]  }
0x12f: {  	v51 =	vld [tilespmem:$0x1FE30]  }
0x130: {  	[tilespmem:$0x8400] =	vst v25;
	v25 =	vmul.f32 v48, v46;
	v46 =	vld [tilespmem:$0x5900]  }
0x131: {  	v48 =	vld [tilespmem:$0x9980]  }
0x132: {  	v52 =	vld [tilespmem:$0x1FE40]  }
0x133: {  	[tilespmem:$0x1FEE0] =	vst v63;
	v63 =	vld [tilespmem:$0x4880]  }
0x134: {  	[tilespmem:$0x8480] =	vst v24;
	v24 =	vmul.f32 v51, v49;
	v49 =	vld [tilespmem:$0x5980]  }
0x135: {  	v51 =	vld [tilespmem:$0x9A00]  }
0x136: {  	v53 =	vld [tilespmem:$0x1FE50]  }
0x137: {  	v54 =	vld [tilespmem:$0x1FE60]  }
0x138: {  	[tilespmem:$0x1FEF0] =	vst v63;
	v63 =	vld [tilespmem:$0x8900]  }
0x139: {  	v55 =	vld [tilespmem:$0x1FE70]  }
0x13a: {  	v56 =	vld [tilespmem:$0x1FE80]  }
0x13b: {  	v57 =	vld [tilespmem:$0x1FE90]  }
0x13c: {  	v60 =	vld [tilespmem:$0x1FEA0]  }
0x13d: {  	[tilespmem:$0x1FF00] =	vst v63;
	v63 =	vld [tilespmem:$0x4900]  }
0x13e: {  	v61 =	vld [tilespmem:$0x1FEB0]  }
0x13f: {  	[tilespmem:$0x8500] =	vst v25;
	v25 =	vmul.f32 v53, v52;
	v62 =	vld [tilespmem:$0x1FEC0]  }
0x140: {  	[tilespmem:$0x8580] =	vst v24;
	v52 =	vld [tilespmem:$0x1FED0]  }
0x141: {  	v43 =	vmul.f32 v49, v48;
	v48 =	vld [tilespmem:$0x6280];
	[tilespmem:$0x8600] =	vst v25;
	v24 =	vmul.f32 v55, v54  }
0x142: {  	[tilespmem:$0x1FF10] =	vst v63;
	v63 =	vld [tilespmem:$0x8980]  }
0x143: {  	[tilespmem:$0x8680] =	vst v24;
	v25 =	vmul.f32 v57, v56;
	v24 =	vmul.f32 v61, v60;
	v61 =	vld [tilespmem:$0x1FF40]  }
0x144: {  	v53 =	vld [tilespmem:$0x1FEE0]  }
0x145: {  	[tilespmem:$0x8700] =	vst v25;
	v25 =	vmul.f32 v52, v62;
	v52 =	vld [tilespmem:$0x5A00]  }
0x146: {  	v54 =	vld [tilespmem:$0x1FEF0]  }
0x147: {  	[tilespmem:$0x1FF20] =	vst v63;
	v63 =	vld [tilespmem:$0x4980]  }
0x148: {  	v62 =	vld [tilespmem:$0x1FF50]  }
0x149: {  	v55 =	vld [tilespmem:$0x1FF00]  }
0x14a: {  	v56 =	vld [tilespmem:$0x1FF10]  }
0x14b: {  	[tilespmem:$0x8780] =	vst v24;
	v24 =	vmul.f32 v54, v53;
	v53 =	vld [tilespmem:$0x9A80]  }
0x14c: {  	[tilespmem:$0x1FF30] =	vst v63;
	v63 =	vld [tilespmem:$0x8A00]  }
0x14d: {  	[tilespmem:$0x9080] =	vst v1;
	v57 =	vld [tilespmem:$0x1FF20]  }
0x14e: {  	[tilespmem:$0x9000] =	vst v0;
	v29 =	vmul.f32 v29, v28;
	v60 =	vld [tilespmem:$0x1FF30]  }
0x14f: {  	[tilespmem:$0x8800] =	vst v25;
	v54 =	vld [tilespmem:$0x5A80];
	v25 =	vmul.f32 v56, v55  }
0x150: {  	[tilespmem:$0x9580] =	vst v29;
	v31 =	vmul.f32 v9, v8;
	v55 =	vld [tilespmem:$0x9B00]  }
0x151: {  	[tilespmem:$0x8900] =	vst v25;
	v25 =	vmul.f32 v61, v63;
	v63 =	vld [tilespmem:$0x1FF60]  }
0x152: {  	[tilespmem:$0x9F00] =	vst v31;
	v56 =	vld [tilespmem:$0x5B00]  }
0x153: {  	v33 =	vmul.f32 v11, v10;
	[tilespmem:$0x8880] =	vst v24;
	v24 =	vmul.f32 v60, v57;
	v57 =	vld [tilespmem:$0x1FF70]  }
0x154: {  	[tilespmem:$0x9400] =	vst v20;
	v60 =	vld [tilespmem:$0x1FF80]  }
0x155: {  	[tilespmem:$0x9F80] =	vst v33;
	v27 =	vmul.f32 v26, v23;
	v61 =	vld [tilespmem:$0x1FF90]  }
0x156: {  	v35 =	vmul.f32 v13, v12;
	[tilespmem:$0x8980] =	vst v24;
	v24 =	vmul.f32 v63, v62;
	v62 =	vld [tilespmem:$0x1FFA0]  }
0x157: {  	[tilespmem:$0x9500] =	vst v27;
	v49 =	vmul.f32 v56, v55;
	v55 =	vld [tilespmem:$0xA380]  }
0x158: {  	[tilespmem:$0xA000] =	vst v35;
	v63 =	vld [tilespmem:$0x1FFB0]  }
0x159: {  	[tilespmem:$0x8A00] =	vst v25;
	v25 =	vmul.f32 v60, v57;
	v60 =	vld [tilespmem:$0x1FFC0]  }
0x15a: {  	[tilespmem:$0x9780] =	vst v37;
	v37 =	vmul.f32 v15, v14;
	v57 =	vld [tilespmem:$0x9B80]  }
0x15b: {  	[tilespmem:$0x8A80] =	vst v24;
	v24 =	vmul.f32 v62, v61;
	v61 =	vld [tilespmem:$0x1FFF0]  }
0x15c: {  	[tilespmem:$0xA080] =	vst v37;
	v62 =	vmul.f32 v50, v59;
	v50 =	vld [tilespmem:$0x5C00]  }
0x15d: {  	[tilespmem:$0x9980] =	vst v43;
	v59 =	vld [tilespmem:$0x5D00]  }
0x15e: {  	[tilespmem:$0x8B00] =	vst v25;
	v25 =	vmul.f32 v60, v63;
	v60 =	vld [tilespmem:$0x1FFE0]  }
0x15f: {  	[tilespmem:$0x9B00] =	vst v49;
	v63 =	vmul.f32 v38, v47;
	v38 =	vld [tilespmem:$0x9C80]  }
0x160: {  	v47 =	vmul.f32 v30, v39;
	v30 =	vld [tilespmem:$0x5C80];
	[tilespmem:$0x8B80] =	vst v24  }
0x161: {  	v39 =	vmul.f32 v42, v41;
	v41 =	vld [tilespmem:$0x6180];
	[tilespmem:$0x8D80] =	vst v62  }
0x162: {  	v42 =	vmul.f32 v46, v45;
	v46 =	vld [tilespmem:$0xA280];
	[tilespmem:$0x8C00] =	vst v25  }
0x163: {  	v45 =	vmul.f32 v52, v51;
	v51 =	vld [tilespmem:$0xA300];
	[tilespmem:$0x8E00] =	vst v63  }
0x164: {  	v24 =	vld [tilespmem:$0x1FFD0];
	[tilespmem:$0x8E80] =	vst v47  }
0x165: {  	v62 =	vmul.f32 v6, v5;
	v5 =	vld [tilespmem:$0x9E80];
	[tilespmem:$0x9800] =	vst v39  }
0x166: {  	v6 =	vld [tilespmem:$0x5E80];
	[tilespmem:$0x9900] =	vst v42  }
0x167: {  	v63 =	vld [tilespmem:$0x5E00];
	v47 =	vmul.f32 v54, v53;
	[tilespmem:$0x9A00] =	vst v45  }
0x168: {  	v53 =	vld [tilespmem:$0x6300];
	v39 =	vmul.f32 v17, v16;
	[tilespmem:$0x9180] =	vst v62  }
0x169: {  	v42 =	vld [tilespmem:$0x6600];
	v25 =	vmul.f32 v58, v61;
	[tilespmem:$0x9A80] =	vst v47  }
0x16a: {  	v58 =	vld [tilespmem:$0x9C00];
	v61 =	vmul.f32 v4, v3;
	[tilespmem:$0xA100] =	vst v39  }
0x16b: {  	v3 =	vld [tilespmem:$0x9E00];
	v56 =	vmul.f32 v30, v38;
	[tilespmem:$0x8D00] =	vst v25  }
0x16c: {  	v30 =	vld [tilespmem:$0x6480];
	v41 =	vmul.f32 v41, v18;
	[tilespmem:$0x9100] =	vst v61  }
0x16d: {  	v38 =	vld [tilespmem:$0x6580];
	v45 =	vmul.f32 v48, v46;
	[tilespmem:$0x9C80] =	vst v56  }
0x16e: {  	v24 =	vmul.f32 v60, v24;
	v60 =	vld [tilespmem:$0x5B80];
	[tilespmem:$0xA180] =	vst v41  }
0x16f: {  	v25 =	vld [tilespmem:$0x9D00];
	v47 =	vmul.f32 v53, v51;
	[tilespmem:$0xA280] =	vst v45  }
0x170: {  	v46 =	vld [tilespmem:$0x6680];
	[tilespmem:$0x8C80] =	vst v24;
	v24 =	vmul.f32 v22, v21  }
0x171: {  	v61 =	vld [tilespmem:$0x6400];
	v54 =	vmul.f32 v50, v58;
	[tilespmem:$0xA300] =	vst v47  }
0x172: {  	v21 =	vld [tilespmem:$0xA200];
	v62 =	vmul.f32 v63, v3;
	[tilespmem:$0x9480] =	vst v24  }
0x173: {  	v63 =	vld [tilespmem:$0xA480];
	v52 =	vmul.f32 v60, v57;
	[tilespmem:$0x9C00] =	vst v54  }
0x174: {  	v57 =	vld [tilespmem:$0x6380];
	v58 =	vmul.f32 v59, v25;
	[tilespmem:$0x9E00] =	vst v62  }
0x175: {  	v59 =	vld [tilespmem:$0xA400];
	v60 =	vmul.f32 v2, v7;
	[tilespmem:$0x9B80] =	vst v52  }
0x176: {  	v48 =	vld [tilespmem:$0xA700];
	v25 =	vmul.f32 v6, v5;
	[tilespmem:$0x9D00] =	vst v58  }
0x177: {  	v56 =	vld [tilespmem:$0xA800];
	[tilespmem:$0x9D80] =	vst v60;
	v43 =	vmul.f32 v44, v21  }
0x178: {  	v50 =	vld [tilespmem:$0x6700];
	[tilespmem:$0x9E80] =	vst v25;
	v53 =	vmul.f32 v30, v63  }
0x179: {  	v54 =	vld [tilespmem:$0x6780];
	[tilespmem:$0xA200] =	vst v43;
	v49 =	vmul.f32 v57, v55  }
0x17a: {  	v44 =	vld [tilespmem:$0xA680];
	v51 =	vmul.f32 v61, v59;
	[tilespmem:$0xA480] =	vst v53  }
0x17b: {  	v52 =	vld [tilespmem:$0xA780];
	v55 =	vmul.f32 v34, v32;
	[tilespmem:$0xA380] =	vst v49  }
0x17c: {  	v58 =	vld [tilespmem:$0x6800];
	v57 =	vmul.f32 v38, v36;
	[tilespmem:$0xA400] =	vst v51  }
0x17d: {  	v59 =	vmul.f32 v42, v40;
	[tilespmem:$0xA500] =	vst v55  }
0x17e: {  	v61 =	vmul.f32 v50, v48;
	[tilespmem:$0xA580] =	vst v57  }
0x17f: {  	v60 =	vmul.f32 v46, v44;
	[tilespmem:$0xA600] =	vst v59  }
0x180: {  	v62 =	vmul.f32 v54, v52;
	[tilespmem:$0xA700] =	vst v61  }
0x181: {  	v63 =	vmul.f32 v58, v56;
	[tilespmem:$0xA680] =	vst v60  }
0x182: {  	p1 =	sne.s32 s20, $0x2700;
	[tilespmem:$0xA780] =	vst v62  }
.Ltmp0:
0x183: {  	[tilespmem:$0xA800] =	vst v63;
	(pc) =	sbr.rel @p1 .LBB2_2-.Ltmp0, $4  }
0x184: {  	[spmem:s1] =	stream.indirect.scatter.add.f32 [tilespmem:s15], [sflag:$0x2], $0x80, s19, s14, $0xb8;
	[tilespmem:$0x1E880] =	vst v63  }
0x185: {  	_ =	swait.ge [sflag:s12], $0x4000  }
0x186: {  	s20 =	sadd.s32 $0x80, s20;
	[sflag:s12] =	ssyncset.done $0x0  }
0x187: {  	s18 =	sadd.s32 $0x800, s18;
	s19 =	sadd.s32 $0x80, s19;
	[sflag:s12] =	ssyncadd.s32 $0xFFFFC000  }
0x188: {  	[bflag:$0x0] =	sbarrier.arrive $0xFFFF;
	s18 =	simm.s32 @!p0 $0x1C02;
	s17 =	sadd.s32 $0x1, s17  }
0x189: {  	[hbm:s8], [sflag:s18] =	dma.local @!p0 [spmem:s11], $0x28000  }
0x18a: {  	p1 =	sne.s32 s17, s9  }
.Ltmp1:
0x18b: {  	_ = 	snop;
	(pc) =	sbr.rel @p1 .LBB2_1-.Ltmp1, $4  }
0x18c: {  	s18 =	simm.s32 @!p0 $0x2  }
0x18d: {  	_ =	swait.ge @!p0 [sflag:s18], $0x28000  }
0x18e: {  	[sflag:s18] =	ssyncset.done @!p0 $0x0  }
0x18f: {  	[sflag:s18] =	ssyncadd.s32 @!p0 $0xFFFD8000  }
0x190: {  	_ =	sfence.sel $0x180000  }
0x191: {  	[bflag:$0x0] =	sbarrier.arrive $0xFFFF  }
0x192: {  	_ =	strace $0x9000004A  }
0x193: {  	s0 =	sadd.s32 @!p0 $0x100000, s0;
	[bflag:$0x2] =	sbarrier.arrive $0xFFFF  }
0x194: {  	[sflag:s0] =	ssyncadd.tile.s32 @!p0 $0x1;
	_ =	shalt  }
.Lfunc_end2:
_tile_overlayer_lowered:
.L_overlay_start_2:
0x195: {  	(tag) =	ssettag $0x2  }
0x196: {  	s0 =	rddreg [dreg:$0x0];
	s2 =	stileid.u32  }
0x197: {  	s1 =	rddreg [dreg:$0x1];
	p0 =	sne.s32 s2, $0x0  }
0x198: {  	s3 =	rddreg [dreg:$0x2];
	[bflag:$0x3] =	sbarrier.arrive $0xFFFF;
	s2 =	simm.s32 @!p0 $0x1C02  }
0x199: {  	[timem:s3], [sflag:s2] =	dma.local @!p0 [hbm:s0], s1  }
0x19a: {  	s0 =	simm.s32 @!p0 $0x2  }
0x19b: {  	_ =	swait.ge @!p0 [sflag:s0], s1  }
0x19c: {  	s1 =	ssub.s32 @!p0 $0x0, s1;
	[sflag:s0] =	ssyncset.done @!p0 $0x0  }
0x19d: {  	[sflag:s0] =	ssyncadd.s32 @!p0 s1  }
0x19e: {  	[bflag:$0x3] =	sbarrier.arrive $0xFFFF  }
0x19f: {  	_ =	shalt  }

// kernel: kernel.7.cloned.1.call-start
scs
__scs_entry_jumppad:
0x0: {  	(pc) =	sbr.rel $0x88, $3  }
0x1: {  	(tag) =	ssettag $0x0;
	lr =	simm.s32 $0x1  }
0x2: {  	[smem:$0x3F9A] =	sst lr;
	_ =	strace $0xD0000000  }
0x3: {  	_ = 	snop  }
0x4: {  	_ = 	snop  }
0x5: {  	_ = 	snop  }
0x6: {  	_ = 	snop  }
0x7: {  	_ = 	snop  }
__scs_overlays_trampoline_lowered:
0x8: {  	[smem:$0x3FA9] =	sst s0  }
0x9: {  	[smem:$0x3FAA] =	sst s1  }
0xa: {  	[smem:$0x3FAB] =	sst s2  }
0xb: {  	[smem:$0x3FAC] =	sst s3  }
0xc: {  	[smem:$0x3FAD] =	sst s4  }
0xd: {  	[smem:$0x3FAE] =	sst s5  }
0xe: {  	[smem:$0x3FAF] =	sst s6  }
0xf: {  	[smem:$0x3FB0] =	sst s7  }
0x10: {  	[smem:$0x3FB1] =	sst s8  }
0x11: {  	[smem:$0x3FB2] =	sst s9;
	s0 =	simm.s32 @!p0 $0x0  }
0x12: {  	s1 =	sld [smem:$0x3F98];
	s0 =	simm.s32 @p0 $0x1  }
0x13: {  	[smem:$0x3FB3] =	sst s0;
	s0 =	simm.s32 @!p1 $0x0  }
0x14: {  	s2 =	sld [smem:$0x3F97];
	s0 =	simm.s32 @p1 $0x1  }
0x15: {  	[smem:$0x3FB4] =	sst s0;
	s0 =	simm.s32 @!p2 $0x0  }
0x16: {  	s3 =	sld [smem:$0x3FDB];
	s0 =	simm.s32 @p2 $0x1  }
0x17: {  	s4 =	simm.s32 $0x1BF5;
	[smem:$0x3FB6] =	sst s0  }
0x18: {  	s0 =	sld [smem:$0x3F99];
	_ =	swait.ge [sflag:s4], $0x0  }
0x19: {  	s7 =	sld [smem:$0x3F9A]  }
0x1a: {  	s8 =	sadd.s32 $0xFFFFE003, lr  }
0x1b: {  	s9 =	sadd.s32 $0xFFFFFEF7, lr;
	s5 =	simm.s32 $0xFFFFFFFF;
	p2 =	slt.u32 s8, $0xFFFFF086  }
0x1c: {  	p1 =	slt.u32 s9, $0xF7A;
	s5 =	simm.s32 @!p2 $0x0  }
0x1d: {  	s5 =	simm.s32 @p1 $0x1;
	p0 =	seq.s32 s7, s2  }
0x1e: {  	s7 =	smul.u32 @!p0 $0xF7A, s2;
	p2 =	seq.s32 @!p0 s5, $0x0  }
0x1f: {  	s9 =	smul.u32 $0xF7A, s1;
	s8 =	simm.s32 @!p0 $0x1BF5;
	p2 =	por !p2, p0  }
0x20: {  	[sflag:s8] =	ssyncset.s32 @!p0 $0xFFFFF086;
	s6 =	sadd.s32 @!p0 s3, s7;
	s7 =	simm.s32 @!p0 $0x108  }
0x21: {  	s3 =	sadd.s32 s3, s9;
	s6 =	sadd.s32 @!p0 $0x88, s6;
	s7 =	simm.s32 @p2 $0x1082  }
0x22: {  	[simem:s7], [sflag:s8] =	dma.local @!p0 [hbm:s6], $0xF7A  }
0x23: {  	s9 =	sor.u32 $0xD0000000, s2;
	s6 =	simm.s32 $0x108;
	_ =	swait.ge @!p0 [sflag:s8], $0x0  }
0x24: {  	s3 =	sadd.s32 $0x88, s3;
	s6 =	simm.s32 @!p1 $0x1082;
	[sflag:s4] =	ssyncset.s32 $0xFFFFF086  }
0x25: {  	[simem:s6], [sflag:s4] =	dma.local [hbm:s3], $0xF7A  }
0x26: {  	[smem:$0x3F9A] =	sst s1;
	(tag) =	ssettag s2;
	_ =	strace s9  }
0x27: {  	s1 =	sld [smem:$0x3FAA]  }
0x28: {  	s2 =	sld [smem:$0x3FAB]  }
0x29: {  	s4 =	sld [smem:$0x3FAD]  }
0x2a: {  	p0 =	seq.s32 s5, $0x0;
	s5 =	sld [smem:$0x3FAE]  }
0x2b: {  	s6 =	sld [smem:$0x3FAF]  }
0x2c: {  	s7 =	sld [smem:$0x3FB0]  }
0x2d: {  	s3 =	simm.s32 $0x108;
	s8 =	sld [smem:$0x3FB1]  }
0x2e: {  	s3 =	simm.s32 @!p0 $0x1082;
	s9 =	sld [smem:$0x3FB2]  }
0x2f: {  	lr =	sadd.s32 s0, s3;
	s0 =	sld [smem:$0x3FA9]  }
0x30: {  	s3 =	sld [smem:$0x3FAC]  }
0x31: {  	[smem:$0x3FB5] =	sst s10  }
0x32: {  	s10 =	sld [smem:$0x3FB3];
	_ =	sdelay $0x3  }
0x33: {  	p0 =	seq.s32 s10, $0x1;
	s10 =	sld [smem:$0x3FB5];
	_ =	sdelay $0x3  }
0x34: {  	[smem:$0x3FB5] =	sst s10  }
0x35: {  	s10 =	sld [smem:$0x3FB4];
	_ =	sdelay $0x3  }
0x36: {  	p1 =	seq.s32 s10, $0x1;
	s10 =	sld [smem:$0x3FB5];
	_ =	sdelay $0x3  }
0x37: {  	[smem:$0x3FB5] =	sst s10  }
0x38: {  	s10 =	sld [smem:$0x3FB6]  }
0x39: {  	_ = 	snop;
	(pc) =	sbr.ind lr, $3  }
0x3a: {  	_ = 	snop  }
0x3b: {  	_ = 	snop  }
0x3c: {  	p2 =	seq.s32 s10, $0x1;
	s10 =	sld [smem:$0x3FB5]  }
0x3d: {  	_ =	shalt  }
0x3e: {  	_ =	shalt  }
0x3f: {  	_ =	shalt  }
0x40: {  	_ =	shalt  }
0x41: {  	_ =	shalt  }
0x42: {  	_ =	shalt  }
0x43: {  	_ =	shalt  }
0x44: {  	_ =	shalt  }
0x45: {  	_ =	shalt  }
0x46: {  	_ =	shalt  }
0x47: {  	_ =	shalt  }
0x48: {  	_ =	shalt  }
0x49: {  	_ =	shalt  }
0x4a: {  	_ =	shalt  }
0x4b: {  	_ =	shalt  }
0x4c: {  	_ =	shalt  }
0x4d: {  	_ =	shalt  }
0x4e: {  	_ =	shalt  }
0x4f: {  	_ =	shalt  }
0x50: {  	_ =	shalt  }
0x51: {  	_ =	shalt  }
0x52: {  	_ =	shalt  }
0x53: {  	_ =	shalt  }
0x54: {  	_ =	shalt  }
0x55: {  	_ =	shalt  }
0x56: {  	_ =	shalt  }
0x57: {  	_ =	shalt  }
0x58: {  	_ =	shalt  }
0x59: {  	_ =	shalt  }
0x5a: {  	_ =	shalt  }
0x5b: {  	_ =	shalt  }
0x5c: {  	_ =	shalt  }
0x5d: {  	_ =	shalt  }
0x5e: {  	_ =	shalt  }
0x5f: {  	_ =	shalt  }
0x60: {  	_ =	shalt  }
0x61: {  	_ =	shalt  }
0x62: {  	_ =	shalt  }
0x63: {  	_ =	shalt  }
0x64: {  	_ =	shalt  }
0x65: {  	_ =	shalt  }
0x66: {  	_ =	shalt  }
0x67: {  	_ =	shalt  }
0x68: {  	_ =	shalt  }
0x69: {  	_ =	shalt  }
0x6a: {  	_ =	shalt  }
0x6b: {  	_ =	shalt  }
0x6c: {  	_ =	shalt  }
0x6d: {  	_ =	shalt  }
0x6e: {  	_ =	shalt  }
0x6f: {  	_ =	shalt  }
0x70: {  	_ =	shalt  }
0x71: {  	_ =	shalt  }
0x72: {  	_ =	shalt  }
0x73: {  	_ =	shalt  }
0x74: {  	_ =	shalt  }
0x75: {  	_ =	shalt  }
0x76: {  	_ =	shalt  }
0x77: {  	_ =	shalt  }
0x78: {  	_ =	shalt  }
0x79: {  	_ =	shalt  }
0x7a: {  	_ =	shalt  }
0x7b: {  	_ =	shalt  }
0x7c: {  	_ =	shalt  }
0x7d: {  	_ =	shalt  }
0x7e: {  	_ =	shalt  }
0x7f: {  	_ =	shalt  }
0x80: {  	_ =	shalt  }
0x81: {  	_ =	shalt  }
0x82: {  	_ =	shalt  }
0x83: {  	_ =	shalt  }
0x84: {  	_ =	shalt  }
0x85: {  	_ =	shalt  }
0x86: {  	_ =	shalt  }
0x87: {  	_ =	shalt  }
.Lfunc_end0:
.L_simem_size_0:
called_computation_lowered:
.L_overlay_start_0:
0x88: {  	s2 =	sld [smem:$0x3FD9]  }
0x89: {  	s3 =	sld [smem:$0x3FFE];
	_ =	sdelay $0x1  }
0x8a: {  	s1 =	srdreg.scid  }
0x8b: {  	s0 =	sand.u32 $0x1, s1  }
0x8c: {  	s16 =	sshll.u32 s0, $0xA;
	s2 =	sadd.s32 s3, s2  }
0x8d: {  	s2 =	sadd.s32 s2, s16  }
0x8e: {  	[smem:$0x3FC1] =	sst s2  }
0x8f: {  	_ = 	snop  }
0x90: {  	(tm) =	ssettm $0x1  }
0x91: {  	s17 =	sld [smem:$0x3FFB];
	_ =	sdelay $0x3  }
0x92: {  	_ =	strace s17  }
0x93: {  	s2 =	sld [smem:$0x3FFC];
	_ =	sdelay $0x3  }
0x94: {  	_ =	strace s2  }
0x95: {  	s2 =	sld [smem:$0x3FFD];
	_ =	sdelay $0x3  }
0x96: {  	_ =	strace s2  }
0x97: {  	_ =	strace $0x8FFFFFFF  }
0x98: {  	s18 =	sld [smem:$0x3FDB];
	_ =	sdelay $0x1  }
0x99: {  	s19 =	simm.s32 $_scs_section_size  }
0x9a: {  	s4 =	simm.s32 $_size__tile_overlayer_lowered;
	s5 =	simm.s32 $_tile_overlayer_lowered  }
0x9b: {  	s22 =	simm.s32 $0x1BFF;
	s21 =	sshll.u32 s5, $0x1;
	s2 =	sadd.s32 s19, s18  }
0x9c: {  	s6 =	simm.s32 $0x0;
	s20 =	sshll.u32 s4, $0x1;
	s4 =	sadd.s32 s21, s2  }
0x9d: {  	[timem:s6], [sflag:s22] =	dma.local [hbm:s4], s20  }
0x9e: {  	_ =	swait.ge [sflag:s22], s20  }
0x9f: {  	s3 =	ssub.s32 $0x0, s20;
	[sflag:s22] =	ssyncset.done $0x0  }
0xa0: {  	[sflag:s22] =	ssyncadd.s32 s3;
	_ =	sdelay $0x1  }
0xa1: {  	s23 =	simm.s32 $0x1B8B  }
0xa2: {  	_ =	swait.ge [sflag:s23], $0x1  }
0xa3: {  	[sflag:s23] =	ssyncset.done $0x0  }
0xa4: {  	s25 =	simm.s32 $0x1B8E;
	s24 =	sld [smem:$0x3FFE];
	[sflag:s23] =	ssyncadd.s32 $0xFFFFFFFF  }
0xa5: {  	s26 =	simm.s32 $execute0_lowered;
	[smem:$0x3FD2] =	sst s25  }
0xa6: {  	s4 =	sshll.u32 s26, $0x1;
	_ =	strace $0x80000046;
	[dreg:$0x1] =	wrdreg $0xFFFFFFFF  }
0xa7: {  	s28 =	simm.s32 $_size_execute0_lowered;
	s2 =	sadd.s32 s2, s4;
	[dreg:$0x0] =	wrdreg $0x0  }
0xa8: {  	s4 =	sshll.u32 s28, $0x1;
	[dreg:$0x2] =	wrdreg s2  }
0xa9: {  	[dreg:$0x3] =	wrdreg s4  }
0xaa: {  	[dreg:$0x4] =	wrdreg $0xC0  }
0xab: {  	_ =	task [dreg:s6], $0x5FFFF  }
0xac: {  	[dreg:$0x1] =	wrdreg $0xFFFFFFFF  }
0xad: {  	[dreg:$0x0] =	wrdreg $0x60  }
0xae: {  	[dreg:$0x2] =	wrdreg s24  }
0xaf: {  	[dreg:$0x3] =	wrdreg $0xA8800  }
0xb0: {  	[dreg:$0x4] =	wrdreg $0x9  }
0xb1: {  	_ =	task.clear_ibuf [dreg:s6], $0x5FFFF;
	_ =	strace $0x90000046  }
0xb2: {  	s29 =	simm.s32 $0x9;
	_ =	strace $0x80000048  }
0xb3: {  	_ =	swait.ge [sflag:s29], $0x1  }
0xb4: {  	[sflag:s29] =	ssyncadd.s32 $0xFFFFFFFF  }
0xb5: {  	_ =	strace $0x90000048  }
0xb6: {  	_ =	sfence  }
0xb7: {  	s30 =	sld [smem:$0x0];
	_ =	sdelay $0x2  }
0xb8: {  	s31 =	sshll.u32 s1, $0xD;
	s1 =	sshrl.u32 s1, $0x2  }
0xb9: {  	s3 =	sand.u32 $0x4000, s31;
	s1 =	sadd.s32 s1, s30  }
0xba: {  	s0 =	sor.u32 s3, s0;
	s1 =	sshll.u32 s1, $0x11  }
0xbb: {  	s0 =	sor.u32 s1, s0  }
0xbc: {  	s0 =	sadd.s32 $0x8F2B, s0  }
0xbd: {  	[sflag:s0] =	ssyncadd.remote.s32 $0x1  }
0xbe: {  	_ =	sfence.sel $0xFFFF  }
0xbf: {  	[dreg:$0x0] =	wrdreg $0xFFFFFFFF;
	(pc) =	sbr.abs _section_cstart, $3  }
0xc0: {  	[dreg:$0x1] =	wrdreg $0xFFFFFFFF  }
0xc1: {  	_ =	task.clear_ibuf [dreg:s6], $0x2FFFF;
	_ =	strace $0x9FFFFFFF  }
0xc2: {  	(tm) =	ssettm $0x7FFFFFFF  }
0xc3: {  	_ =	shalt  }
tec
execute0_lowered:
.L_overlay_start_1:
0x0: {  	(tag) =	ssettag $0x1  }
0x1: {  	s0 =	srdreg.scid;
	s7 =	rddreg [dreg:$0x0]  }
0x2: {  	s9 =	stileid.u32;
	s1 =	rddreg [dreg:$0x1];
	s2 =	simm.s32 $0x0  }
0x3: {  	s16 =	simm.s32 $0x1;
	s8 =	sand.u32 $0x1, s0;
	s0 =	rddreg [dreg:$0x2]  }
0x4: {  	s17 =	simm.s32 $0x0;
	s29 =	sshll.u32 s9, $0x1;
	[smem:$0x7FF] =	sst s2  }
0x5: {  	s10 =	smul.u32 $0x4F000, s9;
	s4 =	sadd.s32 $0x15A00, s7;
	s5 =	sadd.s32 $0x1A00, s7  }
0x6: {  	p0 =	sne.s32 s9, $0x0;
	s3 =	sor.u32 s8, s29;
	s12 =	smul.u32 $0x28000, s8  }
0x7: {  	_ =	strace $0x80000047;
	s13 =	ssub.s32 $0x2, s8;
	s15 =	smul.u32 $0x27800, s8  }
0x8: {  	s3 =	smul.u32 $0x2800, s3;
	s10 =	sadd.s32 s10, s7;
	s14 =	sshrl.u32 s13, $0x1  }
0x9: {  	s30 =	sadd.s32 s12, s7;
	s31 =	ssub.s32 s13, s14;
	s10 =	sadd.s32 s15, s10  }
0xa: {  	s12 =	simm.s32 $0x2;
	s13 =	simm.s32 $0x2880;
	s14 =	simm.s32 $0x80  }
0xb: {  	s15 =	simm.s32 $0x6880;
	s6 =	sshrl.u32 s3, $0x3;
	s8 =	sadd.s32 $0x555A00, s30  }
0xc: {  	s9 =	smax.u32 s31, $0x1;
	s10 =	sadd.s32 $0x3DA00, s10;
	s11 =	sadd.s32 s6, s7  }
0xd: {  	s6 =	sadd.s32 $0x52DA00, s7;
	s7 =	sadd.s32 $0xBA00, s11;
	s11 =	sshrl.u32 @!p0 s1, $0x3  }
.LBB2_1:
0xe: {  	s18 =	simm.s32 @!p0 $0x1C02  }
0xf: {  	[spmem:s11], [sflag:s18] =	dma.local @!p0 [hbm:s6], $0x28000  }
0x10: {  	s18 =	simm.s32 @!p0 $0x2  }
0x11: {  	_ =	swait.ge @!p0 [sflag:s18], $0x28000  }
0x12: {  	[sflag:s18] =	ssyncset.done @!p0 $0x0  }
0x13: {  	[sflag:s18] =	ssyncadd.s32 @!p0 $0xFFFD8000  }
0x14: {  	[tilespmem:s14], [sflag:$0x2] =	stream.linear.gather [hbm4b:s7+s2], $0x2780, $0x38;
	[tilespmem:$0x1E880] =	vst v63  }
0x15: {  	_ =	swait.ge [sflag:s12], $0x2780  }
0x16: {  	[sflag:s12] =	ssyncset.done $0x0  }
0x17: {  	s19 =	simm.s32 $0x80;
	[sflag:s12] =	ssyncadd.s32 $0xFFFFD880  }
0x18: {  	s20 =	simm.s32 $0x0;
	s18 =	smov.u32 s10;
	[bflag:$0x0] =	sbarrier.arrive $0xFFFF  }
.LBB2_2:
0x19: {  	s21 =	sand.u32 $0x3C00, s20  }
0x1a: {  	s22 =	sand.u32 $0x380, s20;
	s21 =	sadd.s32 s3, s21  }
0x1b: {  	s21 =	sor.u32 s22, s21  }
0x1c: {  	s21 =	sshrl.u32 s21, $0x3  }
0x1d: {  	s21 =	sadd.s32 s5, s21  }
0x1e: {  	[tilespmem:s2], [sflag:$0x2] =	stream.linear.gather [hbm4b:s21+s2], $0x80, $0x38;
	[tilespmem:$0x1E880] =	vst v63  }
0x1f: {  	_ =	swait.ge [sflag:s12], $0x80  }
0x20: {  	[sflag:s12] =	ssyncset.done $0x0  }
0x21: {  	[sflag:s12] =	ssyncadd.s32 $0xFFFFFF80  }
0x22: {  	[tilespmem:s13], [sflag:$0x2] =	stream.linear.gather [hbm4b:s18+s2], $0x4000, $0x38;
	[tilespmem:$0x1E880] =	vst v63  }
0x23: {  	_ =	swait.ge [sflag:s12], $0x4000  }
0x24: {  	[sflag:s12] =	ssyncset.done $0x0  }
0x25: {  	[sflag:s12] =	ssyncadd.s32 $0xFFFFC000  }
0x26: {  	[tilespmem:s15], [sflag:$0x1] =	stream.indirect.gather [hbm4b:s4+s14], $0x80, s2, s14, $0xb8;
	[tilespmem:$0x1E880] =	vst v63  }
0x27: {  	_ =	swait.ge [sflag:s16], $0x4000  }
0x28: {  	[sflag:s16] =	ssyncset.done $0x0  }
0x29: {  	[sflag:s16] =	ssyncadd.s32 $0xFFFFC000  }
0x2a: {  	v3 =	vld [tilespmem:$0x6880]  }
0x2b: {  	v0 =	vld [tilespmem:$0x2880]  }
0x2c: {  	v4 =	vld [tilespmem:$0x6900]  }
0x2d: {  	v1 =	vld [tilespmem:$0x2900]  }
0x2e: {  	v6 =	vld [tilespmem:$0x6980]  }
0x2f: {  	v2 =	vld [tilespmem:$0x2980]  }
0x30: {  	v8 =	vld [tilespmem:$0x6A00]  }
0x31: {  	v5 =	vld [tilespmem:$0x2A00]  }
0x32: {  	v10 =	vld [tilespmem:$0x6A80]  }
0x33: {  	v7 =	vld [tilespmem:$0x2A80]  }
0x34: {  	v12 =	vld [tilespmem:$0x6B00]  }
0x35: {  	v9 =	vld [tilespmem:$0x2B00]  }
0x36: {  	v14 =	vld [tilespmem:$0x6B80]  }
0x37: {  	v11 =	vld [tilespmem:$0x2B80]  }
0x38: {  	v16 =	vld [tilespmem:$0x6C00]  }
0x39: {  	v13 =	vld [tilespmem:$0x2C00]  }
0x3a: {  	v18 =	vld [tilespmem:$0x6C80]  }
0x3b: {  	v15 =	vld [tilespmem:$0x2C80]  }
0x3c: {  	v20 =	vld [tilespmem:$0x6D00]  }
0x3d: {  	v17 =	vld [tilespmem:$0x2D00]  }
0x3e: {  	v22 =	vld [tilespmem:$0x6D80]  }
0x3f: {  	v19 =	vld [tilespmem:$0x2D80]  }
0x40: {  	v24 =	vld [tilespmem:$0x6E00]  }
0x41: {  	v21 =	vld [tilespmem:$0x2E00]  }
0x42: {  	v26 =	vld [tilespmem:$0x6E80]  }
0x43: {  	v23 =	vld [tilespmem:$0x2E80]  }
0x44: {  	v28 =	vld [tilespmem:$0x6F00]  }
0x45: {  	v25 =	vld [tilespmem:$0x2F00]  }
0x46: {  	v58 =	vld [tilespmem:$0x6F80]  }
0x47: {  	v27 =	vld [tilespmem:$0x2F80]  }
0x48: {  	v59 =	vld [tilespmem:$0x7000]  }
0x49: {  	v29 =	vld [tilespmem:$0x3000]  }
0x4a: {  	v50 =	vld [tilespmem:$0x7080]  }
0x4b: {  	v30 =	vld [tilespmem:$0x3080]  }
0x4c: {  	v47 =	vld [tilespmem:$0x7100]  }
0x4d: {  	v31 =	vld [tilespmem:$0x3100]  }
0x4e: {  	v38 =	vld [tilespmem:$0x7180]  }
0x4f: {  	v32 =	vld [tilespmem:$0x3180]  }
0x50: {  	v39 =	vld [tilespmem:$0x7200]  }
0x51: {  	v33 =	vld [tilespmem:$0x3200]  }
0x52: {  	v36 =	vld [tilespmem:$0x7280]  }
0x53: {  	v34 =	vld [tilespmem:$0x3280]  }
0x54: {  	v40 =	vld [tilespmem:$0x7300]  }
0x55: {  	v35 =	vld [tilespmem:$0x3300]  }
0x56: {  	v42 =	vld [tilespmem:$0x7380]  }
0x57: {  	v37 =	vld [tilespmem:$0x3380]  }
0x58: {  	v43 =	vld [tilespmem:$0x7400]  }
0x59: {  	v41 =	vld [tilespmem:$0x3400]  }
0x5a: {  	v46 =	vld [tilespmem:$0x7480]  }
0x5b: {  	v44 =	vld [tilespmem:$0x3480]  }
0x5c: {  	v49 =	vld [tilespmem:$0x7500]  }
0x5d: {  	v45 =	vld [tilespmem:$0x3500]  }
0x5e: {  	v52 =	vld [tilespmem:$0x7580]  }
0x5f: {  	v48 =	vld [tilespmem:$0x3580]  }
0x60: {  	v63 =	vld [tilespmem:$0x7880];
	_ =	sdelay $0x4  }
0x61: {  	[tilespmem:$0x1FAE0] =	vst v63;
	v63 =	vld [tilespmem:$0x3880];
	_ =	sdelay $0x4  }
0x62: {  	[tilespmem:$0x1FAF0] =	vst v63;
	v63 =	vld [tilespmem:$0x7900];
	_ =	sdelay $0x4  }
0x63: {  	[tilespmem:$0x1FB00] =	vst v63;
	v63 =	vld [tilespmem:$0x3900];
	_ =	sdelay $0x4  }
0x64: {  	[tilespmem:$0x1FB10] =	vst v63;
	v63 =	vld [tilespmem:$0x7980];
	_ =	sdelay $0x4  }
0x65: {  	[tilespmem:$0x1FB20] =	vst v63;
	v63 =	vld [tilespmem:$0x3980];
	_ =	sdelay $0x4  }
0x66: {  	[tilespmem:$0x1FB30] =	vst v63;
	v63 =	vld [tilespmem:$0x7A00];
	_ =	sdelay $0x4  }
0x67: {  	[tilespmem:$0x1FB40] =	vst v63;
	v63 =	vld [tilespmem:$0x3A00];
	_ =	sdelay $0x4  }
0x68: {  	[tilespmem:$0x1FB50] =	vst v63;
	v63 =	vld [tilespmem:$0x7A80];
	_ =	sdelay $0x4  }
0x69: {  	[tilespmem:$0x1FB60] =	vst v63;
	v63 =	vld [tilespmem:$0x3A80];
	_ =	sdelay $0x4  }
0x6a: {  	[tilespmem:$0x1FB70] =	vst v63;
	v63 =	vld [tilespmem:$0x7B00];
	_ =	sdelay $0x4  }
0x6b: {  	[tilespmem:$0x1FB80] =	vst v63;
	v63 =	vld [tilespmem:$0x3B00];
	_ =	sdelay $0x4  }
0x6c: {  	[tilespmem:$0x1FB90] =	vst v63;
	v63 =	vld [tilespmem:$0x7B80];
	_ =	sdelay $0x4  }
0x6d: {  	[tilespmem:$0x1FBA0] =	vst v63;
	v63 =	vld [tilespmem:$0x3B80];
	_ =	sdelay $0x4  }
0x6e: {  	[tilespmem:$0x1FBB0] =	vst v63;
	v63 =	vld [tilespmem:$0x7C00];
	_ =	sdelay $0x4  }
0x6f: {  	[tilespmem:$0x1FBC0] =	vst v63;
	v63 =	vld [tilespmem:$0x3C00];
	_ =	sdelay $0x4  }
0x70: {  	[tilespmem:$0x1FBD0] =	vst v63;
	v63 =	vld [tilespmem:$0x7C80];
	_ =	sdelay $0x4  }
0x71: {  	[tilespmem:$0x1FBE0] =	vst v63;
	v63 =	vld [tilespmem:$0x3C80];
	_ =	sdelay $0x4  }
0x72: {  	[tilespmem:$0x1FBF0] =	vst v63;
	v63 =	vld [tilespmem:$0x7D00];
	_ =	sdelay $0x4  }
0x73: {  	[tilespmem:$0x1FC00] =	vst v63;
	v63 =	vld [tilespmem:$0x3D00];
	_ =	sdelay $0x4  }
0x74: {  	[tilespmem:$0x1FC10] =	vst v63;
	v63 =	vld [tilespmem:$0x7D80];
	_ =	sdelay $0x4  }
0x75: {  	[tilespmem:$0x1FC20] =	vst v63;
	v63 =	vld [tilespmem:$0x3D80];
	_ =	sdelay $0x4  }
0x76: {  	[tilespmem:$0x1FC30] =	vst v63;
	v63 =	vld [tilespmem:$0x7E00];
	_ =	sdelay $0x4  }
0x77: {  	[tilespmem:$0x1FC40] =	vst v63;
	v63 =	vld [tilespmem:$0x3E00];
	_ =	sdelay $0x4  }
0x78: {  	[tilespmem:$0x1FC50] =	vst v63;
	v63 =	vld [tilespmem:$0x7E80];
	_ =	sdelay $0x4  }
0x79: {  	[tilespmem:$0x1FC60] =	vst v63;
	v63 =	vld [tilespmem:$0x3E80];
	_ =	sdelay $0x4  }
0x7a: {  	[tilespmem:$0x1FC70] =	vst v63;
	v63 =	vld [tilespmem:$0x7F00];
	_ =	sdelay $0x4  }
0x7b: {  	[tilespmem:$0x1FC80] =	vst v63;
	v63 =	vld [tilespmem:$0x3F00];
	_ =	sdelay $0x4  }
0x7c: {  	[tilespmem:$0x1FC90] =	vst v63;
	v63 =	vld [tilespmem:$0x7F80];
	_ =	sdelay $0x2  }
0x7d: {  	v54 =	vld [tilespmem:$0x7600]  }
0x7e: {  	v51 =	vld [tilespmem:$0x3600]  }
0x7f: {  	[tilespmem:$0x1FCA0] =	vst v63;
	v63 =	vld [tilespmem:$0x3F80]  }
0x80: {  	v56 =	vld [tilespmem:$0x7680]  }
0x81: {  	v53 =	vld [tilespmem:$0x3680]  }
0x82: {  	v57 =	vld [tilespmem:$0x7700]  }
0x83: {  	v61 =	vld [tilespmem:$0x7800]  }
0x84: {  	[tilespmem:$0x1FCB0] =	vst v63;
	v63 =	vld [tilespmem:$0x8000]  }
0x85: {  	v55 =	vld [tilespmem:$0x3700]  }
0x86: {  	v62 =	vld [tilespmem:$0x7780]  }
0x87: {  	v60 =	vld [tilespmem:$0x3780]  }
0x88: {  	[tilespmem:$0x1FAD0] =	vst v61;
	v61 =	vld [tilespmem:$0x3800]  }
0x89: {  	[tilespmem:$0x1FCC0] =	vst v63;
	v63 =	vld [tilespmem:$0x4000]  }
0x8a: {  	v1 =	vmul.f32 v1, v4;
	v4 =	vld [tilespmem:$0x4A00]  }
0x8b: {  	v5 =	vmul.f32 v5, v8;
	v8 =	vld [tilespmem:$0x4A80]  }
0x8c: {  	v7 =	vmul.f32 v7, v10;
	v10 =	vld [tilespmem:$0x8B00]  }
0x8d: {  	v9 =	vmul.f32 v9, v12;
	v12 =	vld [tilespmem:$0x4B00]  }
0x8e: {  	[tilespmem:$0x1FCD0] =	vst v63;
	v63 =	vld [tilespmem:$0x8080]  }
0x8f: {  	v11 =	vmul.f32 v11, v14;
	v14 =	vld [tilespmem:$0x8B80]  }
0x90: {  	v13 =	vmul.f32 v13, v16;
	v16 =	vld [tilespmem:$0x4B80]  }
0x91: {  	v15 =	vmul.f32 v15, v18;
	v18 =	vld [tilespmem:$0x8C00]  }
0x92: {  	v17 =	vmul.f32 v17, v20;
	v20 =	vld [tilespmem:$0x4C00]  }
0x93: {  	[tilespmem:$0x1FCE0] =	vst v63;
	v63 =	vld [tilespmem:$0x4080]  }
0x94: {  	v19 =	vmul.f32 v19, v22;
	v22 =	vld [tilespmem:$0x8C80]  }
0x95: {  	v21 =	vmul.f32 v21, v24;
	v24 =	vld [tilespmem:$0x4C80]  }
0x96: {  	v23 =	vmul.f32 v23, v26;
	v26 =	vld [tilespmem:$0x8D00]  }
0x97: {  	v25 =	vmul.f32 v25, v28;
	v28 =	vmul.f32 v27, v58;
	v58 =	vld [tilespmem:$0x4D00]  }
0x98: {  	[tilespmem:$0x1FCF0] =	vst v63;
	v63 =	vld [tilespmem:$0x8100]  }
0x99: {  	v29 =	vmul.f32 v29, v59;
	v59 =	vld [tilespmem:$0x8D80]  }
0x9a: {  	v30 =	vmul.f32 v30, v50;
	v50 =	vld [tilespmem:$0x4D80]  }
0x9b: {  	v31 =	vmul.f32 v31, v47;
	v47 =	vld [tilespmem:$0x8E00]  }
0x9c: {  	v32 =	vmul.f32 v32, v38;
	v38 =	vld [tilespmem:$0x4E00]  }
0x9d: {  	[tilespmem:$0x1FD00] =	vst v63;
	v63 =	vld [tilespmem:$0x4100]  }
0x9e: {  	v33 =	vmul.f32 v33, v39;
	v39 =	vld [tilespmem:$0x8E80]  }
0x9f: {  	v27 =	vld [tilespmem:$0x8F00]  }
0xa0: {  	v0 =	vmul.f32 v0, v3;
	v44 =	vmul.f32 v44, v46;
	v3 =	vld [tilespmem:$0x9100]  }
0xa1: {  	v46 =	vmul.f32 v45, v49;
	v49 =	vmul.f32 v51, v54;
	v54 =	vld [tilespmem:$0x1FAD0]  }
0xa2: {  	[tilespmem:$0x1FD10] =	vst v63;
	v63 =	vld [tilespmem:$0x8180]  }
0xa3: {  	v51 =	vmul.f32 v53, v56;
	v56 =	vld [tilespmem:$0x1FAE0]  }
0xa4: {  	[tilespmem:$0x6880] =	vst v0;
	v0 =	vmul.f32 v2, v6;
	v6 =	vld [tilespmem:$0x8A80]  }
0xa5: {  	[tilespmem:$0x7080] =	vst v30;
	v30 =	vld [tilespmem:$0x4E80]  }
0xa6: {  	[tilespmem:$0x6D80] =	vst v19;
	v19 =	vld [tilespmem:$0x8F80]  }
0xa7: {  	[tilespmem:$0x1FD20] =	vst v63;
	v63 =	vld [tilespmem:$0x4180]  }
0xa8: {  	[tilespmem:$0x6A80] =	vst v7;
	v7 =	vld [tilespmem:$0x9000]  }
0xa9: {  	[tilespmem:$0x6900] =	vst v1;
	v1 =	vld [tilespmem:$0x9080]  }
0xaa: {  	v2 =	vld [tilespmem:$0x5080]  }
0xab: {  	[tilespmem:$0x6A00] =	vst v5;
	v5 =	vld [tilespmem:$0x9180]  }
0xac: {  	[tilespmem:$0x1FD30] =	vst v63;
	v63 =	vld [tilespmem:$0x8200]  }
0xad: {  	[tilespmem:$0x6980] =	vst v0;
	v0 =	vld [tilespmem:$0x5000]  }
0xae: {  	[tilespmem:$0x1FFB0] =	vst v18;
	v18 =	vld [tilespmem:$0x4F00]  }
0xaf: {  	[tilespmem:$0x1FF70] =	vst v10;
	v10 =	vld [tilespmem:$0x4F80]  }
0xb0: {  	v48 =	vmul.f32 v48, v52;
	v52 =	vmul.f32 v55, v57;
	v57 =	vld [tilespmem:$0x1FAF0]  }
0xb1: {  	[tilespmem:$0x1FD40] =	vst v63;
	v63 =	vld [tilespmem:$0x4200]  }
0xb2: {  	[tilespmem:$0x1FF40] =	vst v4;
	v4 =	vld [tilespmem:$0x5100]  }
0xb3: {  	[tilespmem:$0x1FF60] =	vst v8;
	v8 =	vld [tilespmem:$0x9200]  }
0xb4: {  	[tilespmem:$0x1FF50] =	vst v6;
	v6 =	vld [tilespmem:$0x5180]  }
0xb5: {  	[tilespmem:$0x6B00] =	vst v9;
	v1 =	vmul.f32 v2, v1;
	v2 =	vld [tilespmem:$0x5D80];
	v9 =	vmul.f32 v57, v56  }
0xb6: {  	[tilespmem:$0x1FD50] =	vst v63;
	v63 =	vld [tilespmem:$0x8280]  }
0xb7: {  	[tilespmem:$0x7880] =	vst v9;
	v9 =	vld [tilespmem:$0x5200]  }
0xb8: {  	v0 =	vmul.f32 v0, v7;
	v7 =	vld [tilespmem:$0x9D80]  }
0xb9: {  	v53 =	vmul.f32 v60, v62;
	[tilespmem:$0x6B80] =	vst v11;
	v60 =	vld [tilespmem:$0x1FB00]  }
0xba: {  	[tilespmem:$0x6C00] =	vst v13;
	v55 =	vmul.f32 v61, v54;
	v10 =	vmul.f32 v10, v19;
	v61 =	vld [tilespmem:$0x1FB10]  }
0xbb: {  	[tilespmem:$0x1FD60] =	vst v63;
	v63 =	vld [tilespmem:$0x4280]  }
0xbc: {  	[tilespmem:$0x8F80] =	vst v10;
	v10 =	vmul.f32 v9, v8;
	v8 =	vld [tilespmem:$0x9F00]  }
0xbd: {  	[tilespmem:$0x6D00] =	vst v17;
	v9 =	vld [tilespmem:$0x5F00]  }
0xbe: {  	[tilespmem:$0x6E00] =	vst v21;
	v62 =	vld [tilespmem:$0x1FB20]  }
0xbf: {  	[tilespmem:$0x1FFA0] =	vst v16;
	v16 =	vld [tilespmem:$0x1FB30]  }
0xc0: {  	[tilespmem:$0x1FD70] =	vst v63;
	v63 =	vld [tilespmem:$0x8300]  }
0xc1: {  	[tilespmem:$0x1FF80] =	vst v12;
	v17 =	vld [tilespmem:$0x1FB40]  }
0xc2: {  	[tilespmem:$0x1FFC0] =	vst v20;
	v20 =	vld [tilespmem:$0x1FB50]  }
0xc3: {  	[tilespmem:$0x1FF90] =	vst v14;
	v21 =	vld [tilespmem:$0x1FB60]  }
0xc4: {  	[tilespmem:$0x1FFD0] =	vst v22;
	v22 =	vld [tilespmem:$0x1FB70]  }
0xc5: {  	v11 =	vmul.f32 v61, v60;
	[tilespmem:$0x1FD80] =	vst v63;
	v63 =	vld [tilespmem:$0x4300]  }
0xc6: {  	[tilespmem:$0x9200] =	vst v10;
	v10 =	vld [tilespmem:$0x9F80];
	v12 =	vmul.f32 v16, v62  }
0xc7: {  	[tilespmem:$0x7900] =	vst v11;
	v11 =	vld [tilespmem:$0x9280];
	v13 =	vmul.f32 v20, v17  }
0xc8: {  	[tilespmem:$0x7980] =	vst v12;
	v12 =	vld [tilespmem:$0x5280]  }
0xc9: {  	[tilespmem:$0x7A00] =	vst v13;
	v13 =	vld [tilespmem:$0x9300]  }
0xca: {  	v14 =	vmul.f32 v22, v21;
	[tilespmem:$0x1FD90] =	vst v63;
	v63 =	vld [tilespmem:$0x8380]  }
0xcb: {  	[tilespmem:$0x6E80] =	vst v23;
	v23 =	vld [tilespmem:$0x1FB80]  }
0xcc: {  	[tilespmem:$0x7A80] =	vst v14;
	v14 =	vld [tilespmem:$0x5300]  }
0xcd: {  	[tilespmem:$0x1FFE0] =	vst v24;
	v24 =	vld [tilespmem:$0x1FB90]  }
0xce: {  	[tilespmem:$0x6F00] =	vst v25;
	v25 =	vld [tilespmem:$0x1FBA0]  }
0xcf: {  	[tilespmem:$0x1FDA0] =	vst v63;
	v63 =	vld [tilespmem:$0x4380]  }
0xd0: {  	[tilespmem:$0x1FFF0] =	vst v26;
	v12 =	vmul.f32 v12, v11;
	v26 =	vld [tilespmem:$0x1FBB0]  }
0xd1: {  	v11 =	vld [tilespmem:$0x5F80]  }
0xd2: {  	[tilespmem:$0x9280] =	vst v12;
	v12 =	vld [tilespmem:$0xA000]  }
0xd3: {  	[tilespmem:$0x6C80] =	vst v15;
	v14 =	vmul.f32 v14, v13;
	v13 =	vld [tilespmem:$0x6000]  }
0xd4: {  	v15 =	vmul.f32 v24, v23;
	[tilespmem:$0x1FDB0] =	vst v63;
	v63 =	vld [tilespmem:$0x8400]  }
0xd5: {  	[tilespmem:$0x9300] =	vst v14;
	v14 =	vld [tilespmem:$0xA080];
	v16 =	vmul.f32 v26, v25  }
0xd6: {  	[tilespmem:$0x7B00] =	vst v15;
	v15 =	vld [tilespmem:$0x9380]  }
0xd7: {  	[tilespmem:$0x7B80] =	vst v16;
	v16 =	vld [tilespmem:$0x5380]  }
0xd8: {  	[tilespmem:$0x6F80] =	vst v28;
	v28 =	vld [tilespmem:$0x1FBC0]  }
0xd9: {  	[tilespmem:$0x1FDC0] =	vst v63;
	v63 =	vld [tilespmem:$0x4400]  }
0xda: {  	v18 =	vmul.f32 v18, v27;
	v26 =	vld [tilespmem:$0x5500]  }
0xdb: {  	[tilespmem:$0x7000] =	vst v29;
	v29 =	vld [tilespmem:$0x1FBD0]  }
0xdc: {  	[tilespmem:$0x8F00] =	vst v18;
	v18 =	vmul.f32 v16, v15;
	v15 =	vld [tilespmem:$0x6080]  }
0xdd: {  	v16 =	vld [tilespmem:$0xA100]  }
0xde: {  	[tilespmem:$0x1FDD0] =	vst v63;
	v63 =	vld [tilespmem:$0x8480]  }
0xdf: {  	[tilespmem:$0x7100] =	vst v31;
	v31 =	vld [tilespmem:$0x1FBE0]  }
0xe0: {  	[tilespmem:$0x7180] =	vst v32;
	v32 =	vld [tilespmem:$0x1FBF0]  }
0xe1: {  	[tilespmem:$0x9380] =	vst v18;
	v18 =	vld [tilespmem:$0xA180]  }
0xe2: {  	v17 =	vmul.f32 v29, v28;
	v28 =	vld [tilespmem:$0x9580]  }
0xe3: {  	[tilespmem:$0x1FDE0] =	vst v63;
	v63 =	vld [tilespmem:$0x4480]  }
0xe4: {  	[tilespmem:$0x7C00] =	vst v17;
	v17 =	vld [tilespmem:$0x9400]  }
0xe5: {  	v20 =	vmul.f32 v32, v31;
	v31 =	vld [tilespmem:$0x9600]  }
0xe6: {  	v32 =	vld [tilespmem:$0x5600]  }
0xe7: {  	[tilespmem:$0x7C80] =	vst v20;
	v20 =	vld [tilespmem:$0x5400]  }
0xe8: {  	[tilespmem:$0x1FDF0] =	vst v63;
	v63 =	vld [tilespmem:$0x8500]  }
0xe9: {  	v29 =	vld [tilespmem:$0x5580]  }
0xea: {  	[tilespmem:$0x7200] =	vst v33;
	v33 =	vld [tilespmem:$0x1FC00]  }
0xeb: {  	v36 =	vmul.f32 v34, v36;
	v34 =	vld [tilespmem:$0x1FC10]  }
0xec: {  	v32 =	vmul.f32 v32, v31;
	v20 =	vmul.f32 v20, v17;
	v17 =	vld [tilespmem:$0x6100]  }
0xed: {  	[tilespmem:$0x1FE00] =	vst v63;
	v63 =	vld [tilespmem:$0x4500]  }
0xee: {  	[tilespmem:$0x9600] =	vst v32;
	v32 =	vld [tilespmem:$0xA500]  }
0xef: {  	v40 =	vmul.f32 v35, v40;
	v35 =	vld [tilespmem:$0x1FC20]  }
0xf0: {  	v21 =	vmul.f32 v34, v33;
	v33 =	vld [tilespmem:$0x9680]  }
0xf1: {  	v34 =	vld [tilespmem:$0x5680]  }
0xf2: {  	[tilespmem:$0x1FE10] =	vst v63;
	v63 =	vld [tilespmem:$0x8580]  }
0xf3: {  	[tilespmem:$0x7280] =	vst v36;
	v36 =	vld [tilespmem:$0x1FC30]  }
0xf4: {  	[tilespmem:$0x7D00] =	vst v21;
	v21 =	vld [tilespmem:$0x9480]  }
0xf5: {  	v42 =	vmul.f32 v37, v42;
	v37 =	vld [tilespmem:$0x1FC40]  }
0xf6: {  	[tilespmem:$0x7300] =	vst v40;
	v34 =	vmul.f32 v34, v33;
	v40 =	vld [tilespmem:$0x1FC50]  }
0xf7: {  	[tilespmem:$0x1FE20] =	vst v63;
	v63 =	vld [tilespmem:$0x4580]  }
0xf8: {  	[tilespmem:$0x9680] =	vst v34;
	v34 =	vld [tilespmem:$0x6500];
	v22 =	vmul.f32 v36, v35  }
0xf9: {  	v35 =	vld [tilespmem:$0x9700]  }
0xfa: {  	[tilespmem:$0x7D80] =	vst v22;
	v22 =	vld [tilespmem:$0x5480]  }
0xfb: {  	v43 =	vmul.f32 v41, v43;
	v23 =	vmul.f32 v40, v37;
	v41 =	vld [tilespmem:$0x1FC60]  }
0xfc: {  	[tilespmem:$0x1FE30] =	vst v63;
	v63 =	vld [tilespmem:$0x8600]  }
0xfd: {  	[tilespmem:$0x7E00] =	vst v23;
	v23 =	vld [tilespmem:$0x9500]  }
0xfe: {  	[tilespmem:$0x7380] =	vst v42;
	v42 =	vld [tilespmem:$0x1FC70]  }
0xff: {  	[tilespmem:$0x7400] =	vst v43;
	v43 =	vld [tilespmem:$0x1FC80]  }
0x100: {  	[tilespmem:$0x7480] =	vst v44;
	v44 =	vld [tilespmem:$0x1FC90]  }
0x101: {  	[tilespmem:$0x1FE40] =	vst v63;
	v63 =	vld [tilespmem:$0x4600]  }
0x102: {  	v45 =	vld [tilespmem:$0x1FCA0]  }
0x103: {  	[tilespmem:$0x7500] =	vst v46;
	v46 =	vld [tilespmem:$0x1FCB0]  }
0x104: {  	[tilespmem:$0x7580] =	vst v48;
	v48 =	vld [tilespmem:$0x1FCC0]  }
0x105: {  	[tilespmem:$0x7600] =	vst v49;
	v49 =	vld [tilespmem:$0x1FCD0]  }
0x106: {  	[tilespmem:$0x1FE50] =	vst v63;
	v63 =	vld [tilespmem:$0x8680]  }
0x107: {  	[tilespmem:$0x7680] =	vst v51;
	v51 =	vld [tilespmem:$0x1FCE0]  }
0x108: {  	[tilespmem:$0x7700] =	vst v52;
	v52 =	vld [tilespmem:$0x1FCF0]  }
0x109: {  	[tilespmem:$0x7780] =	vst v53;
	v53 =	vld [tilespmem:$0x1FD00]  }
0x10a: {  	v54 =	vld [tilespmem:$0x1FD10]  }
0x10b: {  	v25 =	vmul.f32 v44, v43;
	[tilespmem:$0x1FE60] =	vst v63;
	v63 =	vld [tilespmem:$0x4680]  }
0x10c: {  	v57 =	vld [tilespmem:$0x1FD40]  }
0x10d: {  	[tilespmem:$0x7F00] =	vst v25;
	v25 =	vmul.f32 v49, v48;
	v60 =	vld [tilespmem:$0x1FD50]  }
0x10e: {  	v36 =	vld [tilespmem:$0x1FD80]  }
0x10f: {  	[tilespmem:$0x8000] =	vst v25;
	v37 =	vld [tilespmem:$0x1FD90]  }
0x110: {  	v25 =	vmul.f32 v54, v53;
	[tilespmem:$0x1FE70] =	vst v63;
	v63 =	vld [tilespmem:$0x8700]  }
0x111: {  	[tilespmem:$0x7800] =	vst v55;
	v55 =	vld [tilespmem:$0x1FD20]  }
0x112: {  	[tilespmem:$0x8100] =	vst v25;
	v56 =	vld [tilespmem:$0x1FD30];
	v25 =	vmul.f32 v60, v57  }
0x113: {  	v61 =	vld [tilespmem:$0x1FD60]  }
0x114: {  	[tilespmem:$0x8200] =	vst v25;
	v25 =	vmul.f32 v37, v36;
	v36 =	vld [tilespmem:$0x5700]  }
0x115: {  	v24 =	vmul.f32 v42, v41;
	[tilespmem:$0x1FE80] =	vst v63;
	v63 =	vld [tilespmem:$0x4700]  }
0x116: {  	v62 =	vld [tilespmem:$0x1FD70]  }
0x117: {  	[tilespmem:$0x7E80] =	vst v24;
	v24 =	vmul.f32 v46, v45;
	v40 =	vld [tilespmem:$0x1FDA0]  }
0x118: {  	v37 =	vld [tilespmem:$0x9780]  }
0x119: {  	[tilespmem:$0x7F80] =	vst v24;
	v41 =	vld [tilespmem:$0x1FDB0];
	v36 =	vmul.f32 v36, v35  }
0x11a: {  	v24 =	vmul.f32 v52, v51;
	[tilespmem:$0x1FE90] =	vst v63;
	v63 =	vld [tilespmem:$0x8780]  }
0x11b: {  	[tilespmem:$0x9700] =	vst v36;
	v36 =	vld [tilespmem:$0xA580]  }
0x11c: {  	[tilespmem:$0x8080] =	vst v24;
	v24 =	vmul.f32 v56, v55;
	v42 =	vld [tilespmem:$0x1FDC0]  }
0x11d: {  	v43 =	vld [tilespmem:$0x1FDD0]  }
0x11e: {  	[tilespmem:$0x8180] =	vst v24;
	v44 =	vld [tilespmem:$0x1FDE0]  }
0x11f: {  	v24 =	vmul.f32 v62, v61;
	[tilespmem:$0x1FEA0] =	vst v63;
	v63 =	vld [tilespmem:$0x4780]  }
0x120: {  	v45 =	vld [tilespmem:$0x1FDF0]  }
0x121: {  	[tilespmem:$0x8280] =	vst v24;
	v24 =	vmul.f32 v41, v40;
	v40 =	vld [tilespmem:$0x5780]  }
0x122: {  	v41 =	vld [tilespmem:$0x9800]  }
0x123: {  	[tilespmem:$0x8300] =	vst v25;
	v25 =	vmul.f32 v43, v42;
	v43 =	vld [tilespmem:$0x9880]  }
0x124: {  	[tilespmem:$0x1FEB0] =	vst v63;
	v63 =	vld [tilespmem:$0x8800]  }
0x125: {  	[tilespmem:$0x8380] =	vst v24;
	v24 =	vmul.f32 v45, v44;
	v44 =	vld [tilespmem:$0x5880]  }
0x126: {  	v42 =	vld [tilespmem:$0x5800]  }
0x127: {  	v46 =	vld [tilespmem:$0x1FE00]  }
0x128: {  	v45 =	vld [tilespmem:$0x9900]  }
0x129: {  	[tilespmem:$0x1FEC0] =	vst v63;
	v63 =	vld [tilespmem:$0x4800]  }
0x12a: {  	v37 =	vmul.f32 v40, v37;
	v48 =	vld [tilespmem:$0x1FE10];
	v40 =	vmul.f32 v44, v43  }
0x12b: {  	v44 =	vld [tilespmem:$0x6200]  }
0x12c: {  	[tilespmem:$0x9880] =	vst v40;
	v40 =	vld [tilespmem:$0xA600]  }
0x12d: {  	v49 =	vld [tilespmem:$0x1FE20]  }
0x12e: {  	[tilespmem:$0x1FED0] =	vst v63;
	v63 =	vld [tilespmem:$0x8880]  }
0x12f: {  	v51 =	vld [tilespmem:$0x1FE30]  }
0x130: {  	[tilespmem:$0x8400] =	vst v25;
	v25 =	vmul.f32 v48, v46;
	v46 =	vld [tilespmem:$0x5900]  }
0x131: {  	v48 =	vld [tilespmem:$0x9980]  }
0x132: {  	v52 =	vld [tilespmem:$0x1FE40]  }
0x133: {  	[tilespmem:$0x1FEE0] =	vst v63;
	v63 =	vld [tilespmem:$0x4880]  }
0x134: {  	[tilespmem:$0x8480] =	vst v24;
	v24 =	vmul.f32 v51, v49;
	v49 =	vld [tilespmem:$0x5980]  }
0x135: {  	v51 =	vld [tilespmem:$0x9A00]  }
0x136: {  	v53 =	vld [tilespmem:$0x1FE50]  }
0x137: {  	v54 =	vld [tilespmem:$0x1FE60]  }
0x138: {  	[tilespmem:$0x1FEF0] =	vst v63;
	v63 =	vld [tilespmem:$0x8900]  }
0x139: {  	v55 =	vld [tilespmem:$0x1FE70]  }
0x13a: {  	v56 =	vld [tilespmem:$0x1FE80]  }
0x13b: {  	v57 =	vld [tilespmem:$0x1FE90]  }
0x13c: {  	v60 =	vld [tilespmem:$0x1FEA0]  }
0x13d: {  	[tilespmem:$0x1FF00] =	vst v63;
	v63 =	vld [tilespmem:$0x4900]  }
0x13e: {  	v61 =	vld [tilespmem:$0x1FEB0]  }
0x13f: {  	[tilespmem:$0x8500] =	vst v25;
	v25 =	vmul.f32 v53, v52;
	v62 =	vld [tilespmem:$0x1FEC0]  }
0x140: {  	[tilespmem:$0x8580] =	vst v24;
	v52 =	vld [tilespmem:$0x1FED0]  }
0x141: {  	v43 =	vmul.f32 v49, v48;
	v48 =	vld [tilespmem:$0x6280];
	[tilespmem:$0x8600] =	vst v25;
	v24 =	vmul.f32 v55, v54  }
0x142: {  	[tilespmem:$0x1FF10] =	vst v63;
	v63 =	vld [tilespmem:$0x8980]  }
0x143: {  	[tilespmem:$0x8680] =	vst v24;
	v25 =	vmul.f32 v57, v56;
	v24 =	vmul.f32 v61, v60;
	v61 =	vld [tilespmem:$0x1FF40]  }
0x144: {  	v53 =	vld [tilespmem:$0x1FEE0]  }
0x145: {  	[tilespmem:$0x8700] =	vst v25;
	v25 =	vmul.f32 v52, v62;
	v52 =	vld [tilespmem:$0x5A00]  }
0x146: {  	v54 =	vld [tilespmem:$0x1FEF0]  }
0x147: {  	[tilespmem:$0x1FF20] =	vst v63;
	v63 =	vld [tilespmem:$0x4980]  }
0x148: {  	v62 =	vld [tilespmem:$0x1FF50]  }
0x149: {  	v55 =	vld [tilespmem:$0x1FF00]  }
0x14a: {  	v56 =	vld [tilespmem:$0x1FF10]  }
0x14b: {  	[tilespmem:$0x8780] =	vst v24;
	v24 =	vmul.f32 v54, v53;
	v53 =	vld [tilespmem:$0x9A80]  }
0x14c: {  	[tilespmem:$0x1FF30] =	vst v63;
	v63 =	vld [tilespmem:$0x8A00]  }
0x14d: {  	[tilespmem:$0x9080] =	vst v1;
	v57 =	vld [tilespmem:$0x1FF20]  }
0x14e: {  	[tilespmem:$0x9000] =	vst v0;
	v29 =	vmul.f32 v29, v28;
	v60 =	vld [tilespmem:$0x1FF30]  }
0x14f: {  	[tilespmem:$0x8800] =	vst v25;
	v54 =	vld [tilespmem:$0x5A80];
	v25 =	vmul.f32 v56, v55  }
0x150: {  	[tilespmem:$0x9580] =	vst v29;
	v31 =	vmul.f32 v9, v8;
	v55 =	vld [tilespmem:$0x9B00]  }
0x151: {  	[tilespmem:$0x8900] =	vst v25;
	v25 =	vmul.f32 v61, v63;
	v63 =	vld [tilespmem:$0x1FF60]  }
0x152: {  	[tilespmem:$0x9F00] =	vst v31;
	v56 =	vld [tilespmem:$0x5B00]  }
0x153: {  	v33 =	vmul.f32 v11, v10;
	[tilespmem:$0x8880] =	vst v24;
	v24 =	vmul.f32 v60, v57;
	v57 =	vld [tilespmem:$0x1FF70]  }
0x154: {  	[tilespmem:$0x9400] =	vst v20;
	v60 =	vld [tilespmem:$0x1FF80]  }
0x155: {  	[tilespmem:$0x9F80] =	vst v33;
	v27 =	vmul.f32 v26, v23;
	v61 =	vld [tilespmem:$0x1FF90]  }
0x156: {  	v35 =	vmul.f32 v13, v12;
	[tilespmem:$0x8980] =	vst v24;
	v24 =	vmul.f32 v63, v62;
	v62 =	vld [tilespmem:$0x1FFA0]  }
0x157: {  	[tilespmem:$0x9500] =	vst v27;
	v49 =	vmul.f32 v56, v55;
	v55 =	vld [tilespmem:$0xA380]  }
0x158: {  	[tilespmem:$0xA000] =	vst v35;
	v63 =	vld [tilespmem:$0x1FFB0]  }
0x159: {  	[tilespmem:$0x8A00] =	vst v25;
	v25 =	vmul.f32 v60, v57;
	v60 =	vld [tilespmem:$0x1FFC0]  }
0x15a: {  	[tilespmem:$0x9780] =	vst v37;
	v37 =	vmul.f32 v15, v14;
	v57 =	vld [tilespmem:$0x9B80]  }
0x15b: {  	[tilespmem:$0x8A80] =	vst v24;
	v24 =	vmul.f32 v62, v61;
	v61 =	vld [tilespmem:$0x1FFF0]  }
0x15c: {  	[tilespmem:$0xA080] =	vst v37;
	v62 =	vmul.f32 v50, v59;
	v50 =	vld [tilespmem:$0x5C00]  }
0x15d: {  	[tilespmem:$0x9980] =	vst v43;
	v59 =	vld [tilespmem:$0x5D00]  }
0x15e: {  	[tilespmem:$0x8B00] =	vst v25;
	v25 =	vmul.f32 v60, v63;
	v60 =	vld [tilespmem:$0x1FFE0]  }
0x15f: {  	[tilespmem:$0x9B00] =	vst v49;
	v63 =	vmul.f32 v38, v47;
	v38 =	vld [tilespmem:$0x9C80]  }
0x160: {  	v47 =	vmul.f32 v30, v39;
	v30 =	vld [tilespmem:$0x5C80];
	[tilespmem:$0x8B80] =	vst v24  }
0x161: {  	v39 =	vmul.f32 v42, v41;
	v41 =	vld [tilespmem:$0x6180];
	[tilespmem:$0x8D80] =	vst v62  }
0x162: {  	v42 =	vmul.f32 v46, v45;
	v46 =	vld [tilespmem:$0xA280];
	[tilespmem:$0x8C00] =	vst v25  }
0x163: {  	v45 =	vmul.f32 v52, v51;
	v51 =	vld [tilespmem:$0xA300];
	[tilespmem:$0x8E00] =	vst v63  }
0x164: {  	v24 =	vld [tilespmem:$0x1FFD0];
	[tilespmem:$0x8E80] =	vst v47  }
0x165: {  	v62 =	vmul.f32 v6, v5;
	v5 =	vld [tilespmem:$0x9E80];
	[tilespmem:$0x9800] =	vst v39  }
0x166: {  	v6 =	vld [tilespmem:$0x5E80];
	[tilespmem:$0x9900] =	vst v42  }
0x167: {  	v63 =	vld [tilespmem:$0x5E00];
	v47 =	vmul.f32 v54, v53;
	[tilespmem:$0x9A00] =	vst v45  }
0x168: {  	v53 =	vld [tilespmem:$0x6300];
	v39 =	vmul.f32 v17, v16;
	[tilespmem:$0x9180] =	vst v62  }
0x169: {  	v42 =	vld [tilespmem:$0x6600];
	v25 =	vmul.f32 v58, v61;
	[tilespmem:$0x9A80] =	vst v47  }
0x16a: {  	v58 =	vld [tilespmem:$0x9C00];
	v61 =	vmul.f32 v4, v3;
	[tilespmem:$0xA100] =	vst v39  }
0x16b: {  	v3 =	vld [tilespmem:$0x9E00];
	v56 =	vmul.f32 v30, v38;
	[tilespmem:$0x8D00] =	vst v25  }
0x16c: {  	v30 =	vld [tilespmem:$0x6480];
	v41 =	vmul.f32 v41, v18;
	[tilespmem:$0x9100] =	vst v61  }
0x16d: {  	v38 =	vld [tilespmem:$0x6580];
	v45 =	vmul.f32 v48, v46;
	[tilespmem:$0x9C80] =	vst v56  }
0x16e: {  	v24 =	vmul.f32 v60, v24;
	v60 =	vld [tilespmem:$0x5B80];
	[tilespmem:$0xA180] =	vst v41  }
0x16f: {  	v25 =	vld [tilespmem:$0x9D00];
	v47 =	vmul.f32 v53, v51;
	[tilespmem:$0xA280] =	vst v45  }
0x170: {  	v46 =	vld [tilespmem:$0x6680];
	[tilespmem:$0x8C80] =	vst v24;
	v24 =	vmul.f32 v22, v21  }
0x171: {  	v61 =	vld [tilespmem:$0x6400];
	v54 =	vmul.f32 v50, v58;
	[tilespmem:$0xA300] =	vst v47  }
0x172: {  	v21 =	vld [tilespmem:$0xA200];
	v62 =	vmul.f32 v63, v3;
	[tilespmem:$0x9480] =	vst v24  }
0x173: {  	v63 =	vld [tilespmem:$0xA480];
	v52 =	vmul.f32 v60, v57;
	[tilespmem:$0x9C00] =	vst v54  }
0x174: {  	v57 =	vld [tilespmem:$0x6380];
	v58 =	vmul.f32 v59, v25;
	[tilespmem:$0x9E00] =	vst v62  }
0x175: {  	v59 =	vld [tilespmem:$0xA400];
	v60 =	vmul.f32 v2, v7;
	[tilespmem:$0x9B80] =	vst v52  }
0x176: {  	v48 =	vld [tilespmem:$0xA700];
	v25 =	vmul.f32 v6, v5;
	[tilespmem:$0x9D00] =	vst v58  }
0x177: {  	v56 =	vld [tilespmem:$0xA800];
	[tilespmem:$0x9D80] =	vst v60;
	v43 =	vmul.f32 v44, v21  }
0x178: {  	v50 =	vld [tilespmem:$0x6700];
	[tilespmem:$0x9E80] =	vst v25;
	v53 =	vmul.f32 v30, v63  }
0x179: {  	v54 =	vld [tilespmem:$0x6780];
	[tilespmem:$0xA200] =	vst v43;
	v49 =	vmul.f32 v57, v55  }
0x17a: {  	v44 =	vld [tilespmem:$0xA680];
	v51 =	vmul.f32 v61, v59;
	[tilespmem:$0xA480] =	vst v53  }
0x17b: {  	v52 =	vld [tilespmem:$0xA780];
	v55 =	vmul.f32 v34, v32;
	[tilespmem:$0xA380] =	vst v49  }
0x17c: {  	v58 =	vld [tilespmem:$0x6800];
	v57 =	vmul.f32 v38, v36;
	[tilespmem:$0xA400] =	vst v51  }
0x17d: {  	v59 =	vmul.f32 v42, v40;
	[tilespmem:$0xA500] =	vst v55  }
0x17e: {  	v61 =	vmul.f32 v50, v48;
	[tilespmem:$0xA580] =	vst v57  }
0x17f: {  	v60 =	vmul.f32 v46, v44;
	[tilespmem:$0xA600] =	vst v59  }
0x180: {  	v62 =	vmul.f32 v54, v52;
	[tilespmem:$0xA700] =	vst v61  }
0x181: {  	v63 =	vmul.f32 v58, v56;
	[tilespmem:$0xA680] =	vst v60  }
0x182: {  	p1 =	sne.s32 s20, $0x2700;
	[tilespmem:$0xA780] =	vst v62  }
.Ltmp0:
0x183: {  	[tilespmem:$0xA800] =	vst v63;
	(pc) =	sbr.rel @p1 .LBB2_2-.Ltmp0, $4  }
0x184: {  	[spmem:s1] =	stream.indirect.scatter.add.f32 [tilespmem:s15], [sflag:$0x2], $0x80, s19, s14, $0xb8;
	[tilespmem:$0x1E880] =	vst v63  }
0x185: {  	_ =	swait.ge [sflag:s12], $0x4000  }
0x186: {  	s20 =	sadd.s32 $0x80, s20;
	[sflag:s12] =	ssyncset.done $0x0  }
0x187: {  	s18 =	sadd.s32 $0x800, s18;
	s19 =	sadd.s32 $0x80, s19;
	[sflag:s12] =	ssyncadd.s32 $0xFFFFC000  }
0x188: {  	[bflag:$0x0] =	sbarrier.arrive $0xFFFF;
	s18 =	simm.s32 @!p0 $0x1C02;
	s17 =	sadd.s32 $0x1, s17  }
0x189: {  	[hbm:s8], [sflag:s18] =	dma.local @!p0 [spmem:s11], $0x28000  }
0x18a: {  	p1 =	sne.s32 s17, s9  }
.Ltmp1:
0x18b: {  	_ = 	snop;
	(pc) =	sbr.rel @p1 .LBB2_1-.Ltmp1, $4  }
0x18c: {  	s18 =	simm.s32 @!p0 $0x2  }
0x18d: {  	_ =	swait.ge @!p0 [sflag:s18], $0x28000  }
0x18e: {  	[sflag:s18] =	ssyncset.done @!p0 $0x0  }
0x18f: {  	[sflag:s18] =	ssyncadd.s32 @!p0 $0xFFFD8000  }
0x190: {  	_ =	sfence.sel $0x180000  }
0x191: {  	[bflag:$0x0] =	sbarrier.arrive $0xFFFF  }
0x192: {  	_ =	strace $0x90000047  }
0x193: {  	s0 =	sadd.s32 @!p0 $0x100000, s0;
	[bflag:$0x2] =	sbarrier.arrive $0xFFFF  }
0x194: {  	[sflag:s0] =	ssyncadd.tile.s32 @!p0 $0x1;
	_ =	shalt  }
.Lfunc_end2:
_tile_overlayer_lowered:
.L_overlay_start_2:
0x195: {  	(tag) =	ssettag $0x2  }
0x196: {  	s0 =	rddreg [dreg:$0x0];
	s2 =	stileid.u32  }
0x197: {  	s1 =	rddreg [dreg:$0x1];
	p0 =	sne.s32 s2, $0x0  }
0x198: {  	s3 =	rddreg [dreg:$0x2];
	[bflag:$0x3] =	sbarrier.arrive $0xFFFF;
	s2 =	simm.s32 @!p0 $0x1C02  }
0x199: {  	[timem:s3], [sflag:s2] =	dma.local @!p0 [hbm:s0], s1  }
0x19a: {  	s0 =	simm.s32 @!p0 $0x2  }
0x19b: {  	_ =	swait.ge @!p0 [sflag:s0], s1  }
0x19c: {  	s1 =	ssub.s32 @!p0 $0x0, s1;
	[sflag:s0] =	ssyncset.done @!p0 $0x0  }
0x19d: {  	[sflag:s0] =	ssyncadd.s32 @!p0 s1  }
0x19e: {  	[bflag:$0x3] =	sbarrier.arrive $0xFFFF  }
0x19f: {  	_ =	shalt  }

</sc_bundles>
